<compile_context>
chip_gen: v7x
topology: tpu7x:2x2x1
jax: 0.10.2.dev20260603
libtpu: 0.0.44.dev20260713+nightly
codegen_flags: <defaults>
</compile_context>

<pallas_src>
import functools

import jax
import jax.numpy as jnp
from jax import lax
from jax.experimental import pallas as pl
from jax.experimental.pallas import tpu as pltpu
from jax.experimental.pallas import tpu_sc as plsc

BATCH = 16384
D = 128
NREL = 1000
RREP = 8
L = 16
NC, NS = 2, 16
NW = NC * NS
B_PER_W = BATCH // NW
C = 64
NCHUNK = B_PER_W // C
NBUF = 3
DCH = D // L


def _dist_mult_body(e1_hbm, r_hbm, e2_hbm, ent_hbm, rel_hbm, out_hbm,
                    i1_v, ir_v, i2_v,
                    b1a, bra, b2a, b1b, brb, b2b, b1c, brc, b2c,
                    tbuf, o_v, sem_a, sem_b, sem_c, sem_i):
    cid = lax.axis_index("c")
    sid = lax.axis_index("s")
    wid = sid * NC + cid
    base = wid * B_PER_W
    row_iota = lax.iota(jnp.int32, L)

    bufs = ((b1a, bra, b2a), (b1b, brb, b2b), (b1c, brc, b2c))
    sems = (sem_a, sem_b, sem_c)

    s_all = pl.ds(base, B_PER_W)
    ic1 = pltpu.async_copy(e1_hbm.at[s_all], i1_v, sem_i)
    ic2 = pltpu.async_copy(e2_hbm.at[s_all], i2_v, sem_i)
    icr = pltpu.async_copy(r_hbm.at[s_all], ir_v, sem_i)
    ic1.wait()
    ic2.wait()
    icr.wait()

    rep_off = (row_iota & (RREP - 1)) * NREL
    for t in range(B_PER_W // L):
        s = pl.ds(t * L, L)
        ir_v[s] = ir_v[s] + rep_off

    def fire(k):
        b1, br, b2 = bufs[k % NBUF]
        sem = sems[k % NBUF]
        s = pl.ds(k * C, C)
        return (pltpu.async_copy(ent_hbm.at[i1_v.at[s]], b1, sem),
                pltpu.async_copy(rel_hbm.at[ir_v.at[s]], br, sem),
                pltpu.async_copy(ent_hbm.at[i2_v.at[s]], b2, sem))

    def compute(k):
        b1, br, b2 = bufs[k % NBUF]

        @plsc.parallel_loop(0, C, step=1, unroll=4)
        def _rows(r):
            prods = []
            for j in range(DCH):
                s = pl.ds(j * L, L)
                prods.append(b1[r, s] * br[r, s] * b2[r, s])
            a0 = (prods[0] + prods[1]) + (prods[2] + prods[3])
            a1 = (prods[4] + prods[5]) + (prods[6] + prods[7])
            tbuf[pl.ds(r * (L + 1), L)] = a0 + a1

        @plsc.parallel_loop(0, C // L, step=1, unroll=2)
        def _groups(g):
            rows17 = (g * L + row_iota) * (L + 1)
            parts = [jnp.zeros((L,), jnp.float32) for _ in range(4)]
            for j in range(L):
                parts[j % 4] = parts[j % 4] + plsc.load_gather(
                    tbuf, [rows17 + j])
            acc = (parts[0] + parts[1]) + (parts[2] + parts[3])
            o_v[pl.ds(k * C + g * L, L)] = 1.0 / (1.0 + jnp.exp(-acc))

    inflight = {}
    for k in range(min(NBUF - 1, NCHUNK)):
        inflight[k] = fire(k)
    for k in range(NCHUNK):
        if k + NBUF - 1 < NCHUNK:
            inflight[k + NBUF - 1] = fire(k + NBUF - 1)
        for cp in inflight.pop(k):
            cp.wait()
        compute(k)
    pltpu.sync_copy(o_v, out_hbm.at[pl.ds(base, B_PER_W)])


@jax.jit
def _dist_mult(e1_idx, r_idx, e2_idx, entity_emb, relation_emb):
    rel_rep = jnp.tile(relation_emb, (RREP, 1))
    mesh = plsc.VectorSubcoreMesh(core_axis_name="c", subcore_axis_name="s")
    f = functools.partial(
        pl.kernel,
        mesh=mesh,
        compiler_params=pltpu.CompilerParams(needs_layout_passes=False),
        out_type=jax.ShapeDtypeStruct((BATCH,), jnp.float32),
        scratch_types=[
            pltpu.VMEM((B_PER_W,), jnp.int32),
            pltpu.VMEM((B_PER_W,), jnp.int32),
            pltpu.VMEM((B_PER_W,), jnp.int32),
            pltpu.VMEM((C, D), jnp.float32),
            pltpu.VMEM((C, D), jnp.float32),
            pltpu.VMEM((C, D), jnp.float32),
            pltpu.VMEM((C, D), jnp.float32),
            pltpu.VMEM((C, D), jnp.float32),
            pltpu.VMEM((C, D), jnp.float32),
            pltpu.VMEM((C, D), jnp.float32),
            pltpu.VMEM((C, D), jnp.float32),
            pltpu.VMEM((C, D), jnp.float32),
            pltpu.VMEM((C * (L + 1),), jnp.float32),
            pltpu.VMEM((B_PER_W,), jnp.float32),
            pltpu.SemaphoreType.DMA,
            pltpu.SemaphoreType.DMA,
            pltpu.SemaphoreType.DMA,
            pltpu.SemaphoreType.DMA,
        ],
    )(_dist_mult_body)
    return f(e1_idx, r_idx, e2_idx, entity_emb, rel_rep)


def kernel(e1_idx, r_idx, e2_idx, entity_emb, relation_emb):
    out = _dist_mult(e1_idx, r_idx, e2_idx, entity_emb, relation_emb)
    return (jnp.reshape(out, (-1,)), jnp.float32(0.0))

# --- scband reference (transcript-rebuilt; emitter-appended) ---
"""Pipeline reference for scband-dist-mult-48868137894398 (READ-ONLY COPY).

The authoritative reference and input builder live on the scoring server;
editing this copy changes nothing except your own understanding.
"""

import jax, jax.numpy as jnp
import numpy as np

NUM_ENTITIES = 100000
NUM_RELATIONS = 1000
EMB_DIM = 128
BATCH = 16384


def setup_inputs(seed: int = 0) -> dict:
    key = jax.random.key(seed)
    k1, k2, k3, k4, k5 = jax.random.split(key, 5)
    e1_idx = jax.random.randint(k1, (BATCH,), 0, NUM_ENTITIES, dtype=jnp.int64 if jax.config.read('jax_enable_x64') else jnp.int32)
    r_idx = jax.random.randint(k2, (BATCH,), 0, NUM_RELATIONS, dtype=jnp.int64 if jax.config.read('jax_enable_x64') else jnp.int32)
    e2_idx = jax.random.randint(k3, (BATCH,), 0, NUM_ENTITIES, dtype=jnp.int64 if jax.config.read('jax_enable_x64') else jnp.int32)
    entity_emb = jax.random.normal(k4, (NUM_ENTITIES, EMB_DIM), dtype=jnp.float32)
    relation_emb = jax.random.normal(k5, (NUM_RELATIONS, EMB_DIM), dtype=jnp.float32)
    return {"e1_idx": e1_idx, "r_idx": r_idx, "e2_idx": e2_idx, "entity_emb": entity_emb, "relation_emb": relation_emb}


def reference(e1_idx, r_idx, e2_idx, entity_emb, relation_emb):
    # DistMult forward: lit=False, batch_norm=False, dropout=0.0 (eval/identity), reg=False
    e1_emb = jnp.take(entity_emb, e1_idx, axis=0)
    r_emb = jnp.take(relation_emb, r_idx, axis=0)
    e2_emb = jnp.take(entity_emb, e2_idx, axis=0)
    out = jax.nn.sigmoid(jnp.sum(e1_emb * r_emb * e2_emb, axis=1))
    out = jnp.reshape(out, (-1,))
    reg = jnp.float32(0.0)
    return (out, reg)

if __name__ == "__main__":
    import jax
    _d = setup_inputs()
    print(jax.jit(kernel)(*tuple(_d.values())))

</pallas_src>

<mosaic_0001>
#map = affine_map<(d0, d1) -> (0)>
#map1 = affine_map<(d0, d1) -> (0, 0)>
module attributes {stable_mosaic.version = 14 : i64} {
  func.func @_dist_mult_body(%arg0: i32, %arg1: i32, %arg2: memref<16384xi32, #tpu.memory_space<hbm>>, %arg3: memref<16384xi32, #tpu.memory_space<hbm>>, %arg4: memref<16384xi32, #tpu.memory_space<hbm>>, %arg5: memref<100000x128xf32, #tpu.memory_space<hbm>>, %arg6: memref<8000x128xf32, #tpu.memory_space<hbm>>, %arg7: memref<16384xf32, #tpu.memory_space<hbm>>, %arg8: memref<512xi32, #tpu.memory_space<vmem>>, %arg9: memref<512xi32, #tpu.memory_space<vmem>>, %arg10: memref<512xi32, #tpu.memory_space<vmem>>, %arg11: memref<64x128xf32, #tpu.memory_space<vmem>>, %arg12: memref<64x128xf32, #tpu.memory_space<vmem>>, %arg13: memref<64x128xf32, #tpu.memory_space<vmem>>, %arg14: memref<64x128xf32, #tpu.memory_space<vmem>>, %arg15: memref<64x128xf32, #tpu.memory_space<vmem>>, %arg16: memref<64x128xf32, #tpu.memory_space<vmem>>, %arg17: memref<64x128xf32, #tpu.memory_space<vmem>>, %arg18: memref<64x128xf32, #tpu.memory_space<vmem>>, %arg19: memref<64x128xf32, #tpu.memory_space<vmem>>, %arg20: memref<1088xf32, #tpu.memory_space<vmem>>, %arg21: memref<512xf32, #tpu.memory_space<vmem>>, %arg22: memref<!tpu.dma_semaphore, #tpu.memory_space<semaphore_mem>>, %arg23: memref<!tpu.dma_semaphore, #tpu.memory_space<semaphore_mem>>, %arg24: memref<!tpu.dma_semaphore, #tpu.memory_space<semaphore_mem>>, %arg25: memref<!tpu.dma_semaphore, #tpu.memory_space<semaphore_mem>>) attributes {dimension_semantics = [#tpu.dimension_semantics<core_parallel>, #tpu.dimension_semantics<subcore_parallel>], iteration_bounds = array<i64: 2, 16>, scalar_prefetch = 0 : i64, scratch_operands = 18 : i64, tpu.core_type = #tpu.core_type<sc_vector_subcore>, window_params = [{transform_indices = #map}, {transform_indices = #map}, {transform_indices = #map}, {transform_indices = #map1}, {transform_indices = #map1}, {transform_indices = #map}]} {
    %mul3A = arith.constant 2 : i32
    %mul3A_0 = arith.muli %arg1, %mul3A : i32
    %add3A = arith.addi %mul3A_0, %arg0 : i32
    %mul3A_1 = arith.constant 512 : i32
    %mul3A_2 = arith.muli %add3A, %mul3A_1 : i32
    %iota3A = tpu.iota {dimensions = array<i32: 0>} : vector<16xi32>
    %dma_start3A = tpu.memref_slice %arg2[%mul3A_2] : memref<16384xi32, #tpu.memory_space<hbm>> -> memref<512xi32, #tpu.memory_space<hbm>>
    %dma_start3A_3 = tpu.memref_slice %arg2[%mul3A_2] : memref<16384xi32, #tpu.memory_space<hbm>> -> memref<512xi32, #tpu.memory_space<hbm>>
    tpu.enqueue_dma source(%dma_start3A_3 : memref<512xi32, #tpu.memory_space<hbm>>) target(%arg8 : memref<512xi32, #tpu.memory_space<vmem>>) target_semaphore(%arg25 : memref<!tpu.dma_semaphore, #tpu.memory_space<semaphore_mem>>)
    %dma_start3A_4 = tpu.memref_slice %arg4[%mul3A_2] : memref<16384xi32, #tpu.memory_space<hbm>> -> memref<512xi32, #tpu.memory_space<hbm>>
    %dma_start3A_5 = tpu.memref_slice %arg4[%mul3A_2] : memref<16384xi32, #tpu.memory_space<hbm>> -> memref<512xi32, #tpu.memory_space<hbm>>
    tpu.enqueue_dma source(%dma_start3A_5 : memref<512xi32, #tpu.memory_space<hbm>>) target(%arg10 : memref<512xi32, #tpu.memory_space<vmem>>) target_semaphore(%arg25 : memref<!tpu.dma_semaphore, #tpu.memory_space<semaphore_mem>>)
    %dma_start3A_6 = tpu.memref_slice %arg3[%mul3A_2] : memref<16384xi32, #tpu.memory_space<hbm>> -> memref<512xi32, #tpu.memory_space<hbm>>
    %dma_start3A_7 = tpu.memref_slice %arg3[%mul3A_2] : memref<16384xi32, #tpu.memory_space<hbm>> -> memref<512xi32, #tpu.memory_space<hbm>>
    tpu.enqueue_dma source(%dma_start3A_7 : memref<512xi32, #tpu.memory_space<hbm>>) target(%arg9 : memref<512xi32, #tpu.memory_space<vmem>>) target_semaphore(%arg25 : memref<!tpu.dma_semaphore, #tpu.memory_space<semaphore_mem>>)
    %dma_wait3A = tpu.memref_slice %arg2[%mul3A_2] : memref<16384xi32, #tpu.memory_space<hbm>> -> memref<512xi32, #tpu.memory_space<hbm>>
    %dma_wait3A_8 = tpu.memref_slice %arg2[%mul3A_2] : memref<16384xi32, #tpu.memory_space<hbm>> -> memref<512xi32, #tpu.memory_space<hbm>>
    tpu.wait_dma2 semaphore(%arg25 : memref<!tpu.dma_semaphore, #tpu.memory_space<semaphore_mem>>) src(%dma_wait3A_8 : memref<512xi32, #tpu.memory_space<hbm>>) dst(%arg8 : memref<512xi32, #tpu.memory_space<vmem>>)
    %dma_wait3A_9 = tpu.memref_slice %arg4[%mul3A_2] : memref<16384xi32, #tpu.memory_space<hbm>> -> memref<512xi32, #tpu.memory_space<hbm>>
    %dma_wait3A_10 = tpu.memref_slice %arg4[%mul3A_2] : memref<16384xi32, #tpu.memory_space<hbm>> -> memref<512xi32, #tpu.memory_space<hbm>>
    tpu.wait_dma2 semaphore(%arg25 : memref<!tpu.dma_semaphore, #tpu.memory_space<semaphore_mem>>) src(%dma_wait3A_10 : memref<512xi32, #tpu.memory_space<hbm>>) dst(%arg10 : memref<512xi32, #tpu.memory_space<vmem>>)
    %dma_wait3A_11 = tpu.memref_slice %arg3[%mul3A_2] : memref<16384xi32, #tpu.memory_space<hbm>> -> memref<512xi32, #tpu.memory_space<hbm>>
    %dma_wait3A_12 = tpu.memref_slice %arg3[%mul3A_2] : memref<16384xi32, #tpu.memory_space<hbm>> -> memref<512xi32, #tpu.memory_space<hbm>>
    tpu.wait_dma2 semaphore(%arg25 : memref<!tpu.dma_semaphore, #tpu.memory_space<semaphore_mem>>) src(%dma_wait3A_12 : memref<512xi32, #tpu.memory_space<hbm>>) dst(%arg9 : memref<512xi32, #tpu.memory_space<vmem>>)
    %and3A = arith.constant 7 : i32
    %and3A_13 = vector.broadcast %and3A : i32 to vector<16xi32>
    %and3A_14 = arith.andi %iota3A, %and3A_13 : vector<16xi32>
    %mul3A_15 = arith.constant 1000 : i32
    %mul3A_16 = vector.broadcast %mul3A_15 : i32 to vector<16xi32>
    %mul3A_17 = arith.muli %and3A_14, %mul3A_16 : vector<16xi32>
    %get3A = arith.constant 0 : index
    %get3A_18 = tpu.vector_load %arg9[%get3A] {strides = array<i32>} : memref<512xi32, #tpu.memory_space<vmem>>, vector<16xi32>,
    %add3A_19 = arith.addi %get3A_18, %mul3A_17 : vector<16xi32>
    %swap3A = arith.constant 0 : index
    %swap3A_20 = tpu.vector_load %arg9[%swap3A] {strides = array<i32>} : memref<512xi32, #tpu.memory_space<vmem>>, vector<16xi32>,
    tpu.vector_store %arg9[%swap3A], %add3A_19 {strides = array<i32>} : memref<512xi32, #tpu.memory_space<vmem>>, vector<16xi32>,
    %get3A_21 = arith.constant 16 : index
    %get3A_22 = tpu.vector_load %arg9[%get3A_21] {strides = array<i32>} : memref<512xi32, #tpu.memory_space<vmem>>, vector<16xi32>,
    %add3A_23 = arith.addi %get3A_22, %mul3A_17 : vector<16xi32>
    %swap3A_24 = arith.constant 16 : index
    %swap3A_25 = tpu.vector_load %arg9[%swap3A_24] {strides = array<i32>} : memref<512xi32, #tpu.memory_space<vmem>>, vector<16xi32>,
    tpu.vector_store %arg9[%swap3A_24], %add3A_23 {strides = array<i32>} : memref<512xi32, #tpu.memory_space<vmem>>, vector<16xi32>,
    %get3A_26 = arith.constant 32 : index
    %get3A_27 = tpu.vector_load %arg9[%get3A_26] {strides = array<i32>} : memref<512xi32, #tpu.memory_space<vmem>>, vector<16xi32>,
    %add3A_28 = arith.addi %get3A_27, %mul3A_17 : vector<16xi32>
    %swap3A_29 = arith.constant 32 : index
    %swap3A_30 = tpu.vector_load %arg9[%swap3A_29] {strides = array<i32>} : memref<512xi32, #tpu.memory_space<vmem>>, vector<16xi32>,
    tpu.vector_store %arg9[%swap3A_29], %add3A_28 {strides = array<i32>} : memref<512xi32, #tpu.memory_space<vmem>>, vector<16xi32>,
    %get3A_31 = arith.constant 48 : index
    %get3A_32 = tpu.vector_load %arg9[%get3A_31] {strides = array<i32>} : memref<512xi32, #tpu.memory_space<vmem>>, vector<16xi32>,
    %add3A_33 = arith.addi %get3A_32, %mul3A_17 : vector<16xi32>
    %swap3A_34 = arith.constant 48 : index
    %swap3A_35 = tpu.vector_load %arg9[%swap3A_34] {strides = array<i32>} : memref<512xi32, #tpu.memory_space<vmem>>, vector<16xi32>,
    tpu.vector_store %arg9[%swap3A_34], %add3A_33 {strides = array<i32>} : memref<512xi32, #tpu.memory_space<vmem>>, vector<16xi32>,
    %get3A_36 = arith.constant 64 : index
    %get3A_37 = tpu.vector_load %arg9[%get3A_36] {strides = array<i32>} : memref<512xi32, #tpu.memory_space<vmem>>, vector<16xi32>,
    %add3A_38 = arith.addi %get3A_37, %mul3A_17 : vector<16xi32>
    %swap3A_39 = arith.constant 64 : index
    %swap3A_40 = tpu.vector_load %arg9[%swap3A_39] {strides = array<i32>} : memref<512xi32, #tpu.memory_space<vmem>>, vector<16xi32>,
    tpu.vector_store %arg9[%swap3A_39], %add3A_38 {strides = array<i32>} : memref<512xi32, #tpu.memory_space<vmem>>, vector<16xi32>,
    %get3A_41 = arith.constant 80 : index
    %get3A_42 = tpu.vector_load %arg9[%get3A_41] {strides = array<i32>} : memref<512xi32, #tpu.memory_space<vmem>>, vector<16xi32>,
    %add3A_43 = arith.addi %get3A_42, %mul3A_17 : vector<16xi32>
    %swap3A_44 = arith.constant 80 : index
    %swap3A_45 = tpu.vector_load %arg9[%swap3A_44] {strides = array<i32>} : memref<512xi32, #tpu.memory_space<vmem>>, vector<16xi32>,
    tpu.vector_store %arg9[%swap3A_44], %add3A_43 {strides = array<i32>} : memref<512xi32, #tpu.memory_space<vmem>>, vector<16xi32>,
    %get3A_46 = arith.constant 96 : index
    %get3A_47 = tpu.vector_load %arg9[%get3A_46] {strides = array<i32>} : memref<512xi32, #tpu.memory_space<vmem>>, vector<16xi32>,
    %add3A_48 = arith.addi %get3A_47, %mul3A_17 : vector<16xi32>
    %swap3A_49 = arith.constant 96 : index
    %swap3A_50 = tpu.vector_load %arg9[%swap3A_49] {strides = array<i32>} : memref<512xi32, #tpu.memory_space<vmem>>, vector<16xi32>,
    tpu.vector_store %arg9[%swap3A_49], %add3A_48 {strides = array<i32>} : memref<512xi32, #tpu.memory_space<vmem>>, vector<16xi32>,
    %get3A_51 = arith.constant 112 : index
    %get3A_52 = tpu.vector_load %arg9[%get3A_51] {strides = array<i32>} : memref<512xi32, #tpu.memory_space<vmem>>, vector<16xi32>,
    %add3A_53 = arith.addi %get3A_52, %mul3A_17 : vector<16xi32>
    %swap3A_54 = arith.constant 112 : index
    %swap3A_55 = tpu.vector_load %arg9[%swap3A_54] {strides = array<i32>} : memref<512xi32, #tpu.memory_space<vmem>>, vector<16xi32>,
    tpu.vector_store %arg9[%swap3A_54], %add3A_53 {strides = array<i32>} : memref<512xi32, #tpu.memory_space<vmem>>, vector<16xi32>,
    %get3A_56 = arith.constant 128 : index
    %get3A_57 = tpu.vector_load %arg9[%get3A_56] {strides = array<i32>} : memref<512xi32, #tpu.memory_space<vmem>>, vector<16xi32>,
    %add3A_58 = arith.addi %get3A_57, %mul3A_17 : vector<16xi32>
    %swap3A_59 = arith.constant 128 : index
    %swap3A_60 = tpu.vector_load %arg9[%swap3A_59] {strides = array<i32>} : memref<512xi32, #tpu.memory_space<vmem>>, vector<16xi32>,
    tpu.vector_store %arg9[%swap3A_59], %add3A_58 {strides = array<i32>} : memref<512xi32, #tpu.memory_space<vmem>>, vector<16xi32>,
    %get3A_61 = arith.constant 144 : index
    %get3A_62 = tpu.vector_load %arg9[%get3A_61] {strides = array<i32>} : memref<512xi32, #tpu.memory_space<vmem>>, vector<16xi32>,
    %add3A_63 = arith.addi %get3A_62, %mul3A_17 : vector<16xi32>
    %swap3A_64 = arith.constant 144 : index
    %swap3A_65 = tpu.vector_load %arg9[%swap3A_64] {strides = array<i32>} : memref<512xi32, #tpu.memory_space<vmem>>, vector<16xi32>,
    tpu.vector_store %arg9[%swap3A_64], %add3A_63 {strides = array<i32>} : memref<512xi32, #tpu.memory_space<vmem>>, vector<16xi32>,
    %get3A_66 = arith.constant 160 : index
    %get3A_67 = tpu.vector_load %arg9[%get3A_66] {strides = array<i32>} : memref<512xi32, #tpu.memory_space<vmem>>, vector<16xi32>,
    %add3A_68 = arith.addi %get3A_67, %mul3A_17 : vector<16xi32>
    %swap3A_69 = arith.constant 160 : index
    %swap3A_70 = tpu.vector_load %arg9[%swap3A_69] {strides = array<i32>} : memref<512xi32, #tpu.memory_space<vmem>>, vector<16xi32>,
    tpu.vector_store %arg9[%swap3A_69], %add3A_68 {strides = array<i32>} : memref<512xi32, #tpu.memory_space<vmem>>, vector<16xi32>,
    %get3A_71 = arith.constant 176 : index
    %get3A_72 = tpu.vector_load %arg9[%get3A_71] {strides = array<i32>} : memref<512xi32, #tpu.memory_space<vmem>>, vector<16xi32>,
    %add3A_73 = arith.addi %get3A_72, %mul3A_17 : vector<16xi32>
    %swap3A_74 = arith.constant 176 : index
    %swap3A_75 = tpu.vector_load %arg9[%swap3A_74] {strides = array<i32>} : memref<512xi32, #tpu.memory_space<vmem>>, vector<16xi32>,
    tpu.vector_store %arg9[%swap3A_74], %add3A_73 {strides = array<i32>} : memref<512xi32, #tpu.memory_space<vmem>>, vector<16xi32>,
    %get3A_76 = arith.constant 192 : index
    %get3A_77 = tpu.vector_load %arg9[%get3A_76] {strides = array<i32>} : memref<512xi32, #tpu.memory_space<vmem>>, vector<16xi32>,
    %add3A_78 = arith.addi %get3A_77, %mul3A_17 : vector<16xi32>
    %swap3A_79 = arith.constant 192 : index
    %swap3A_80 = tpu.vector_load %arg9[%swap3A_79] {strides = array<i32>} : memref<512xi32, #tpu.memory_space<vmem>>, vector<16xi32>,
    tpu.vector_store %arg9[%swap3A_79], %add3A_78 {strides = array<i32>} : memref<512xi32, #tpu.memory_space<vmem>>, vector<16xi32>,
    %get3A_81 = arith.constant 208 : index
    %get3A_82 = tpu.vector_load %arg9[%get3A_81] {strides = array<i32>} : memref<512xi32, #tpu.memory_space<vmem>>, vector<16xi32>,
    %add3A_83 = arith.addi %get3A_82, %mul3A_17 : vector<16xi32>
    %swap3A_84 = arith.constant 208 : index
    %swap3A_85 = tpu.vector_load %arg9[%swap3A_84] {strides = array<i32>} : memref<512xi32, #tpu.memory_space<vmem>>, vector<16xi32>,
    tpu.vector_store %arg9[%swap3A_84], %add3A_83 {strides = array<i32>} : memref<512xi32, #tpu.memory_space<vmem>>, vector<16xi32>,
    %get3A_86 = arith.constant 224 : index
    %get3A_87 = tpu.vector_load %arg9[%get3A_86] {strides = array<i32>} : memref<512xi32, #tpu.memory_space<vmem>>, vector<16xi32>,
    %add3A_88 = arith.addi %get3A_87, %mul3A_17 : vector<16xi32>
    %swap3A_89 = arith.constant 224 : index
    %swap3A_90 = tpu.vector_load %arg9[%swap3A_89] {strides = array<i32>} : memref<512xi32, #tpu.memory_space<vmem>>, vector<16xi32>,
    tpu.vector_store %arg9[%swap3A_89], %add3A_88 {strides = array<i32>} : memref<512xi32, #tpu.memory_space<vmem>>, vector<16xi32>,
    %get3A_91 = arith.constant 240 : index
    %get3A_92 = tpu.vector_load %arg9[%get3A_91] {strides = array<i32>} : memref<512xi32, #tpu.memory_space<vmem>>, vector<16xi32>,
    %add3A_93 = arith.addi %get3A_92, %mul3A_17 : vector<16xi32>
    %swap3A_94 = arith.constant 240 : index
    %swap3A_95 = tpu.vector_load %arg9[%swap3A_94] {strides = array<i32>} : memref<512xi32, #tpu.memory_space<vmem>>, vector<16xi32>,
    tpu.vector_store %arg9[%swap3A_94], %add3A_93 {strides = array<i32>} : memref<512xi32, #tpu.memory_space<vmem>>, vector<16xi32>,
    %get3A_96 = arith.constant 256 : index
    %get3A_97 = tpu.vector_load %arg9[%get3A_96] {strides = array<i32>} : memref<512xi32, #tpu.memory_space<vmem>>, vector<16xi32>,
    %add3A_98 = arith.addi %get3A_97, %mul3A_17 : vector<16xi32>
    %swap3A_99 = arith.constant 256 : index
    %swap3A_100 = tpu.vector_load %arg9[%swap3A_99] {strides = array<i32>} : memref<512xi32, #tpu.memory_space<vmem>>, vector<16xi32>,
    tpu.vector_store %arg9[%swap3A_99], %add3A_98 {strides = array<i32>} : memref<512xi32, #tpu.memory_space<vmem>>, vector<16xi32>,
    %get3A_101 = arith.constant 272 : index
    %get3A_102 = tpu.vector_load %arg9[%get3A_101] {strides = array<i32>} : memref<512xi32, #tpu.memory_space<vmem>>, vector<16xi32>,
    %add3A_103 = arith.addi %get3A_102, %mul3A_17 : vector<16xi32>
    %swap3A_104 = arith.constant 272 : index
    %swap3A_105 = tpu.vector_load %arg9[%swap3A_104] {strides = array<i32>} : memref<512xi32, #tpu.memory_space<vmem>>, vector<16xi32>,
    tpu.vector_store %arg9[%swap3A_104], %add3A_103 {strides = array<i32>} : memref<512xi32, #tpu.memory_space<vmem>>, vector<16xi32>,
    %get3A_106 = arith.constant 288 : index
    %get3A_107 = tpu.vector_load %arg9[%get3A_106] {strides = array<i32>} : memref<512xi32, #tpu.memory_space<vmem>>, vector<16xi32>,
    %add3A_108 = arith.addi %get3A_107, %mul3A_17 : vector<16xi32>
    %swap3A_109 = arith.constant 288 : index
    %swap3A_110 = tpu.vector_load %arg9[%swap3A_109] {strides = array<i32>} : memref<512xi32, #tpu.memory_space<vmem>>, vector<16xi32>,
    tpu.vector_store %arg9[%swap3A_109], %add3A_108 {strides = array<i32>} : memref<512xi32, #tpu.memory_space<vmem>>, vector<16xi32>,
    %get3A_111 = arith.constant 304 : index
    %get3A_112 = tpu.vector_load %arg9[%get3A_111] {strides = array<i32>} : memref<512xi32, #tpu.memory_space<vmem>>, vector<16xi32>,
    %add3A_113 = arith.addi %get3A_112, %mul3A_17 : vector<16xi32>
    %swap3A_114 = arith.constant 304 : index
    %swap3A_115 = tpu.vector_load %arg9[%swap3A_114] {strides = array<i32>} : memref<512xi32, #tpu.memory_space<vmem>>, vector<16xi32>,
    tpu.vector_store %arg9[%swap3A_114], %add3A_113 {strides = array<i32>} : memref<512xi32, #tpu.memory_space<vmem>>, vector<16xi32>,
    %get3A_116 = arith.constant 320 : index
    %get3A_117 = tpu.vector_load %arg9[%get3A_116] {strides = array<i32>} : memref<512xi32, #tpu.memory_space<vmem>>, vector<16xi32>,
    %add3A_118 = arith.addi %get3A_117, %mul3A_17 : vector<16xi32>
    %swap3A_119 = arith.constant 320 : index
    %swap3A_120 = tpu.vector_load %arg9[%swap3A_119] {strides = array<i32>} : memref<512xi32, #tpu.memory_space<vmem>>, vector<16xi32>,
    tpu.vector_store %arg9[%swap3A_119], %add3A_118 {strides = array<i32>} : memref<512xi32, #tpu.memory_space<vmem>>, vector<16xi32>,
    %get3A_121 = arith.constant 336 : index
    %get3A_122 = tpu.vector_load %arg9[%get3A_121] {strides = array<i32>} : memref<512xi32, #tpu.memory_space<vmem>>, vector<16xi32>,
    %add3A_123 = arith.addi %get3A_122, %mul3A_17 : vector<16xi32>
    %swap3A_124 = arith.constant 336 : index
    %swap3A_125 = tpu.vector_load %arg9[%swap3A_124] {strides = array<i32>} : memref<512xi32, #tpu.memory_space<vmem>>, vector<16xi32>,
    tpu.vector_store %arg9[%swap3A_124], %add3A_123 {strides = array<i32>} : memref<512xi32, #tpu.memory_space<vmem>>, vector<16xi32>,
    %get3A_126 = arith.constant 352 : index
    %get3A_127 = tpu.vector_load %arg9[%get3A_126] {strides = array<i32>} : memref<512xi32, #tpu.memory_space<vmem>>, vector<16xi32>,
    %add3A_128 = arith.addi %get3A_127, %mul3A_17 : vector<16xi32>
    %swap3A_129 = arith.constant 352 : index
    %swap3A_130 = tpu.vector_load %arg9[%swap3A_129] {strides = array<i32>} : memref<512xi32, #tpu.memory_space<vmem>>, vector<16xi32>,
    tpu.vector_store %arg9[%swap3A_129], %add3A_128 {strides = array<i32>} : memref<512xi32, #tpu.memory_space<vmem>>, vector<16xi32>,
    %get3A_131 = arith.constant 368 : index
    %get3A_132 = tpu.vector_load %arg9[%get3A_131] {strides = array<i32>} : memref<512xi32, #tpu.memory_space<vmem>>, vector<16xi32>,
    %add3A_133 = arith.addi %get3A_132, %mul3A_17 : vector<16xi32>
    %swap3A_134 = arith.constant 368 : index
    %swap3A_135 = tpu.vector_load %arg9[%swap3A_134] {strides = array<i32>} : memref<512xi32, #tpu.memory_space<vmem>>, vector<16xi32>,
    tpu.vector_store %arg9[%swap3A_134], %add3A_133 {strides = array<i32>} : memref<512xi32, #tpu.memory_space<vmem>>, vector<16xi32>,
    %get3A_136 = arith.constant 384 : index
    %get3A_137 = tpu.vector_load %arg9[%get3A_136] {strides = array<i32>} : memref<512xi32, #tpu.memory_space<vmem>>, vector<16xi32>,
    %add3A_138 = arith.addi %get3A_137, %mul3A_17 : vector<16xi32>
    %swap3A_139 = arith.constant 384 : index
    %swap3A_140 = tpu.vector_load %arg9[%swap3A_139] {strides = array<i32>} : memref<512xi32, #tpu.memory_space<vmem>>, vector<16xi32>,
    tpu.vector_store %arg9[%swap3A_139], %add3A_138 {strides = array<i32>} : memref<512xi32, #tpu.memory_space<vmem>>, vector<16xi32>,
    %get3A_141 = arith.constant 400 : index
    %get3A_142 = tpu.vector_load %arg9[%get3A_141] {strides = array<i32>} : memref<512xi32, #tpu.memory_space<vmem>>, vector<16xi32>,
    %add3A_143 = arith.addi %get3A_142, %mul3A_17 : vector<16xi32>
    %swap3A_144 = arith.constant 400 : index
    %swap3A_145 = tpu.vector_load %arg9[%swap3A_144] {strides = array<i32>} : memref<512xi32, #tpu.memory_space<vmem>>, vector<16xi32>,
    tpu.vector_store %arg9[%swap3A_144], %add3A_143 {strides = array<i32>} : memref<512xi32, #tpu.memory_space<vmem>>, vector<16xi32>,
    %get3A_146 = arith.constant 416 : index
    %get3A_147 = tpu.vector_load %arg9[%get3A_146] {strides = array<i32>} : memref<512xi32, #tpu.memory_space<vmem>>, vector<16xi32>,
    %add3A_148 = arith.addi %get3A_147, %mul3A_17 : vector<16xi32>
    %swap3A_149 = arith.constant 416 : index
    %swap3A_150 = tpu.vector_load %arg9[%swap3A_149] {strides = array<i32>} : memref<512xi32, #tpu.memory_space<vmem>>, vector<16xi32>,
    tpu.vector_store %arg9[%swap3A_149], %add3A_148 {strides = array<i32>} : memref<512xi32, #tpu.memory_space<vmem>>, vector<16xi32>,
    %get3A_151 = arith.constant 432 : index
    %get3A_152 = tpu.vector_load %arg9[%get3A_151] {strides = array<i32>} : memref<512xi32, #tpu.memory_space<vmem>>, vector<16xi32>,
    %add3A_153 = arith.addi %get3A_152, %mul3A_17 : vector<16xi32>
    %swap3A_154 = arith.constant 432 : index
    %swap3A_155 = tpu.vector_load %arg9[%swap3A_154] {strides = array<i32>} : memref<512xi32, #tpu.memory_space<vmem>>, vector<16xi32>,
    tpu.vector_store %arg9[%swap3A_154], %add3A_153 {strides = array<i32>} : memref<512xi32, #tpu.memory_space<vmem>>, vector<16xi32>,
    %get3A_156 = arith.constant 448 : index
    %get3A_157 = tpu.vector_load %arg9[%get3A_156] {strides = array<i32>} : memref<512xi32, #tpu.memory_space<vmem>>, vector<16xi32>,
    %add3A_158 = arith.addi %get3A_157, %mul3A_17 : vector<16xi32>
    %swap3A_159 = arith.constant 448 : index
    %swap3A_160 = tpu.vector_load %arg9[%swap3A_159] {strides = array<i32>} : memref<512xi32, #tpu.memory_space<vmem>>, vector<16xi32>,
    tpu.vector_store %arg9[%swap3A_159], %add3A_158 {strides = array<i32>} : memref<512xi32, #tpu.memory_space<vmem>>, vector<16xi32>,
    %get3A_161 = arith.constant 464 : index
    %get3A_162 = tpu.vector_load %arg9[%get3A_161] {strides = array<i32>} : memref<512xi32, #tpu.memory_space<vmem>>, vector<16xi32>,
    %add3A_163 = arith.addi %get3A_162, %mul3A_17 : vector<16xi32>
    %swap3A_164 = arith.constant 464 : index
    %swap3A_165 = tpu.vector_load %arg9[%swap3A_164] {strides = array<i32>} : memref<512xi32, #tpu.memory_space<vmem>>, vector<16xi32>,
    tpu.vector_store %arg9[%swap3A_164], %add3A_163 {strides = array<i32>} : memref<512xi32, #tpu.memory_space<vmem>>, vector<16xi32>,
    %get3A_166 = arith.constant 480 : index
    %get3A_167 = tpu.vector_load %arg9[%get3A_166] {strides = array<i32>} : memref<512xi32, #tpu.memory_space<vmem>>, vector<16xi32>,
    %add3A_168 = arith.addi %get3A_167, %mul3A_17 : vector<16xi32>
    %swap3A_169 = arith.constant 480 : index
    %swap3A_170 = tpu.vector_load %arg9[%swap3A_169] {strides = array<i32>} : memref<512xi32, #tpu.memory_space<vmem>>, vector<16xi32>,
    tpu.vector_store %arg9[%swap3A_169], %add3A_168 {strides = array<i32>} : memref<512xi32, #tpu.memory_space<vmem>>, vector<16xi32>,
    %get3A_171 = arith.constant 496 : index
    %get3A_172 = tpu.vector_load %arg9[%get3A_171] {strides = array<i32>} : memref<512xi32, #tpu.memory_space<vmem>>, vector<16xi32>,
    %add3A_173 = arith.addi %get3A_172, %mul3A_17 : vector<16xi32>
    %swap3A_174 = arith.constant 496 : index
    %swap3A_175 = tpu.vector_load %arg9[%swap3A_174] {strides = array<i32>} : memref<512xi32, #tpu.memory_space<vmem>>, vector<16xi32>,
    tpu.vector_store %arg9[%swap3A_174], %add3A_173 {strides = array<i32>} : memref<512xi32, #tpu.memory_space<vmem>>, vector<16xi32>,
    %dma_start3A_176 = arith.constant 0 : i32
    %dma_start3A_177 = tpu.memref_slice %arg8[%dma_start3A_176] : memref<512xi32, #tpu.memory_space<vmem>> -> memref<64xi32, #tpu.memory_space<vmem>>
    %dma_start3A_178 = arith.constant 0 : i32
    %dma_start3A_179 = arith.constant 0 : i32
    %dma_start3A_180 = tpu.memref_slice %arg5[%dma_start3A_178, %dma_start3A_179] : memref<100000x128xf32, #tpu.memory_space<hbm>> -> memref<100000x128xf32, #tpu.memory_space<hbm>>
    tpu.enqueue_indirect_dma source(%dma_start3A_180 : memref<100000x128xf32, #tpu.memory_space<hbm>>) target(%arg11 : memref<64x128xf32, #tpu.memory_space<vmem>>) offsets(%dma_start3A_177 : memref<64xi32, #tpu.memory_space<vmem>>) semaphore(%arg22 : memref<!tpu.dma_semaphore, #tpu.memory_space<semaphore_mem>>)
    %dma_start3A_181 = arith.constant 0 : i32
    %dma_start3A_182 = tpu.memref_slice %arg9[%dma_start3A_181] : memref<512xi32, #tpu.memory_space<vmem>> -> memref<64xi32, #tpu.memory_space<vmem>>
    %dma_start3A_183 = arith.constant 0 : i32
    %dma_start3A_184 = arith.constant 0 : i32
    %dma_start3A_185 = tpu.memref_slice %arg6[%dma_start3A_183, %dma_start3A_184] : memref<8000x128xf32, #tpu.memory_space<hbm>> -> memref<8000x128xf32, #tpu.memory_space<hbm>>
    tpu.enqueue_indirect_dma source(%dma_start3A_185 : memref<8000x128xf32, #tpu.memory_space<hbm>>) target(%arg12 : memref<64x128xf32, #tpu.memory_space<vmem>>) offsets(%dma_start3A_182 : memref<64xi32, #tpu.memory_space<vmem>>) semaphore(%arg22 : memref<!tpu.dma_semaphore, #tpu.memory_space<semaphore_mem>>)
    %dma_start3A_186 = arith.constant 0 : i32
    %dma_start3A_187 = tpu.memref_slice %arg10[%dma_start3A_186] : memref<512xi32, #tpu.memory_space<vmem>> -> memref<64xi32, #tpu.memory_space<vmem>>
    %dma_start3A_188 = arith.constant 0 : i32
    %dma_start3A_189 = arith.constant 0 : i32
    %dma_start3A_190 = tpu.memref_slice %arg5[%dma_start3A_188, %dma_start3A_189] : memref<100000x128xf32, #tpu.memory_space<hbm>> -> memref<100000x128xf32, #tpu.memory_space<hbm>>
    tpu.enqueue_indirect_dma source(%dma_start3A_190 : memref<100000x128xf32, #tpu.memory_space<hbm>>) target(%arg13 : memref<64x128xf32, #tpu.memory_space<vmem>>) offsets(%dma_start3A_187 : memref<64xi32, #tpu.memory_space<vmem>>) semaphore(%arg22 : memref<!tpu.dma_semaphore, #tpu.memory_space<semaphore_mem>>)
    %dma_start3A_191 = arith.constant 64 : i32
    %dma_start3A_192 = tpu.memref_slice %arg8[%dma_start3A_191] : memref<512xi32, #tpu.memory_space<vmem>> -> memref<64xi32, #tpu.memory_space<vmem>>
    %dma_start3A_193 = arith.constant 0 : i32
    %dma_start3A_194 = arith.constant 0 : i32
    %dma_start3A_195 = tpu.memref_slice %arg5[%dma_start3A_193, %dma_start3A_194] : memref<100000x128xf32, #tpu.memory_space<hbm>> -> memref<100000x128xf32, #tpu.memory_space<hbm>>
    tpu.enqueue_indirect_dma source(%dma_start3A_195 : memref<100000x128xf32, #tpu.memory_space<hbm>>) target(%arg14 : memref<64x128xf32, #tpu.memory_space<vmem>>) offsets(%dma_start3A_192 : memref<64xi32, #tpu.memory_space<vmem>>) semaphore(%arg23 : memref<!tpu.dma_semaphore, #tpu.memory_space<semaphore_mem>>)
    %dma_start3A_196 = arith.constant 64 : i32
    %dma_start3A_197 = tpu.memref_slice %arg9[%dma_start3A_196] : memref<512xi32, #tpu.memory_space<vmem>> -> memref<64xi32, #tpu.memory_space<vmem>>
    %dma_start3A_198 = arith.constant 0 : i32
    %dma_start3A_199 = arith.constant 0 : i32
    %dma_start3A_200 = tpu.memref_slice %arg6[%dma_start3A_198, %dma_start3A_199] : memref<8000x128xf32, #tpu.memory_space<hbm>> -> memref<8000x128xf32, #tpu.memory_space<hbm>>
    tpu.enqueue_indirect_dma source(%dma_start3A_200 : memref<8000x128xf32, #tpu.memory_space<hbm>>) target(%arg15 : memref<64x128xf32, #tpu.memory_space<vmem>>) offsets(%dma_start3A_197 : memref<64xi32, #tpu.memory_space<vmem>>) semaphore(%arg23 : memref<!tpu.dma_semaphore, #tpu.memory_space<semaphore_mem>>)
    %dma_start3A_201 = arith.constant 64 : i32
    %dma_start3A_202 = tpu.memref_slice %arg10[%dma_start3A_201] : memref<512xi32, #tpu.memory_space<vmem>> -> memref<64xi32, #tpu.memory_space<vmem>>
    %dma_start3A_203 = arith.constant 0 : i32
    %dma_start3A_204 = arith.constant 0 : i32
    %dma_start3A_205 = tpu.memref_slice %arg5[%dma_start3A_203, %dma_start3A_204] : memref<100000x128xf32, #tpu.memory_space<hbm>> -> memref<100000x128xf32, #tpu.memory_space<hbm>>
    tpu.enqueue_indirect_dma source(%dma_start3A_205 : memref<100000x128xf32, #tpu.memory_space<hbm>>) target(%arg16 : memref<64x128xf32, #tpu.memory_space<vmem>>) offsets(%dma_start3A_202 : memref<64xi32, #tpu.memory_space<vmem>>) semaphore(%arg23 : memref<!tpu.dma_semaphore, #tpu.memory_space<semaphore_mem>>)
    %dma_start3A_206 = arith.constant 128 : i32
    %dma_start3A_207 = tpu.memref_slice %arg8[%dma_start3A_206] : memref<512xi32, #tpu.memory_space<vmem>> -> memref<64xi32, #tpu.memory_space<vmem>>
    %dma_start3A_208 = arith.constant 0 : i32
    %dma_start3A_209 = arith.constant 0 : i32
    %dma_start3A_210 = tpu.memref_slice %arg5[%dma_start3A_208, %dma_start3A_209] : memref<100000x128xf32, #tpu.memory_space<hbm>> -> memref<100000x128xf32, #tpu.memory_space<hbm>>
    tpu.enqueue_indirect_dma source(%dma_start3A_210 : memref<100000x128xf32, #tpu.memory_space<hbm>>) target(%arg17 : memref<64x128xf32, #tpu.memory_space<vmem>>) offsets(%dma_start3A_207 : memref<64xi32, #tpu.memory_space<vmem>>) semaphore(%arg24 : memref<!tpu.dma_semaphore, #tpu.memory_space<semaphore_mem>>)
    %dma_start3A_211 = arith.constant 128 : i32
    %dma_start3A_212 = tpu.memref_slice %arg9[%dma_start3A_211] : memref<512xi32, #tpu.memory_space<vmem>> -> memref<64xi32, #tpu.memory_space<vmem>>
    %dma_start3A_213 = arith.constant 0 : i32
    %dma_start3A_214 = arith.constant 0 : i32
    %dma_start3A_215 = tpu.memref_slice %arg6[%dma_start3A_213, %dma_start3A_214] : memref<8000x128xf32, #tpu.memory_space<hbm>> -> memref<8000x128xf32, #tpu.memory_space<hbm>>
    tpu.enqueue_indirect_dma source(%dma_start3A_215 : memref<8000x128xf32, #tpu.memory_space<hbm>>) target(%arg18 : memref<64x128xf32, #tpu.memory_space<vmem>>) offsets(%dma_start3A_212 : memref<64xi32, #tpu.memory_space<vmem>>) semaphore(%arg24 : memref<!tpu.dma_semaphore, #tpu.memory_space<semaphore_mem>>)
    %dma_start3A_216 = arith.constant 128 : i32
    %dma_start3A_217 = tpu.memref_slice %arg10[%dma_start3A_216] : memref<512xi32, #tpu.memory_space<vmem>> -> memref<64xi32, #tpu.memory_space<vmem>>
    %dma_start3A_218 = arith.constant 0 : i32
    %dma_start3A_219 = arith.constant 0 : i32
    %dma_start3A_220 = tpu.memref_slice %arg5[%dma_start3A_218, %dma_start3A_219] : memref<100000x128xf32, #tpu.memory_space<hbm>> -> memref<100000x128xf32, #tpu.memory_space<hbm>>
    tpu.enqueue_indirect_dma source(%dma_start3A_220 : memref<100000x128xf32, #tpu.memory_space<hbm>>) target(%arg19 : memref<64x128xf32, #tpu.memory_space<vmem>>) offsets(%dma_start3A_217 : memref<64xi32, #tpu.memory_space<vmem>>) semaphore(%arg24 : memref<!tpu.dma_semaphore, #tpu.memory_space<semaphore_mem>>)
    %dma_wait3A_221 = arith.constant 0 : i32
    %dma_wait3A_222 = tpu.memref_slice %arg8[%dma_wait3A_221] : memref<512xi32, #tpu.memory_space<vmem>> -> memref<64xi32, #tpu.memory_space<vmem>>
    %dma_wait3A_223 = arith.constant 0 : i32
    %dma_wait3A_224 = arith.constant 0 : i32
    %dma_wait3A_225 = tpu.memref_slice %arg5[%dma_wait3A_223, %dma_wait3A_224] : memref<100000x128xf32, #tpu.memory_space<hbm>> -> memref<100000x128xf32, #tpu.memory_space<hbm>>
    tpu.wait_indirect_dma semaphore(%arg22 : memref<!tpu.dma_semaphore, #tpu.memory_space<semaphore_mem>>) src(%dma_wait3A_225 : memref<100000x128xf32, #tpu.memory_space<hbm>>) dst(%arg11 : memref<64x128xf32, #tpu.memory_space<vmem>>)
    %dma_wait3A_226 = arith.constant 0 : i32
    %dma_wait3A_227 = tpu.memref_slice %arg9[%dma_wait3A_226] : memref<512xi32, #tpu.memory_space<vmem>> -> memref<64xi32, #tpu.memory_space<vmem>>
    %dma_wait3A_228 = arith.constant 0 : i32
    %dma_wait3A_229 = arith.constant 0 : i32
    %dma_wait3A_230 = tpu.memref_slice %arg6[%dma_wait3A_228, %dma_wait3A_229] : memref<8000x128xf32, #tpu.memory_space<hbm>> -> memref<8000x128xf32, #tpu.memory_space<hbm>>
    tpu.wait_indirect_dma semaphore(%arg22 : memref<!tpu.dma_semaphore, #tpu.memory_space<semaphore_mem>>) src(%dma_wait3A_230 : memref<8000x128xf32, #tpu.memory_space<hbm>>) dst(%arg12 : memref<64x128xf32, #tpu.memory_space<vmem>>)
    %dma_wait3A_231 = arith.constant 0 : i32
    %dma_wait3A_232 = tpu.memref_slice %arg10[%dma_wait3A_231] : memref<512xi32, #tpu.memory_space<vmem>> -> memref<64xi32, #tpu.memory_space<vmem>>
    %dma_wait3A_233 = arith.constant 0 : i32
    %dma_wait3A_234 = arith.constant 0 : i32
    %dma_wait3A_235 = tpu.memref_slice %arg5[%dma_wait3A_233, %dma_wait3A_234] : memref<100000x128xf32, #tpu.memory_space<hbm>> -> memref<100000x128xf32, #tpu.memory_space<hbm>>
    tpu.wait_indirect_dma semaphore(%arg22 : memref<!tpu.dma_semaphore, #tpu.memory_space<semaphore_mem>>) src(%dma_wait3A_235 : memref<100000x128xf32, #tpu.memory_space<hbm>>) dst(%arg13 : memref<64x128xf32, #tpu.memory_space<vmem>>)
    %parallel_loop3A = arith.constant 0 : i32
    %parallel_loop3A_236 = arith.constant 64 : i32
    %parallel_loop3A_237 = arith.constant 1 : i32
    scf.for %parallel_loop3A_463 = %parallel_loop3A to %parallel_loop3A_236 step %parallel_loop3A_237  : i32 {
      %parallel_loop3A_464 = arith.index_cast %parallel_loop3A_463 : i32 to index
      %parallel_loop3A_465 = arith.constant 0 : index
      %parallel_loop3A_466 = tpu.vector_load %arg11[%parallel_loop3A_464, %parallel_loop3A_465] {strides = array<i32>} : memref<64x128xf32, #tpu.memory_space<vmem>>, vector<16xf32>,
      %parallel_loop3A_467 = arith.index_cast %parallel_loop3A_463 : i32 to index
      %parallel_loop3A_468 = arith.constant 0 : index
      %parallel_loop3A_469 = tpu.vector_load %arg12[%parallel_loop3A_467, %parallel_loop3A_468] {strides = array<i32>} : memref<64x128xf32, #tpu.memory_space<vmem>>, vector<16xf32>,
      %parallel_loop3A_470 = arith.mulf %parallel_loop3A_466, %parallel_loop3A_469 : vector<16xf32>
      %parallel_loop3A_471 = arith.index_cast %parallel_loop3A_463 : i32 to index
      %parallel_loop3A_472 = arith.constant 0 : index
      %parallel_loop3A_473 = tpu.vector_load %arg13[%parallel_loop3A_471, %parallel_loop3A_472] {strides = array<i32>} : memref<64x128xf32, #tpu.memory_space<vmem>>, vector<16xf32>,
      %parallel_loop3A_474 = arith.mulf %parallel_loop3A_470, %parallel_loop3A_473 : vector<16xf32>
      %parallel_loop3A_475 = arith.index_cast %parallel_loop3A_463 : i32 to index
      %parallel_loop3A_476 = arith.constant 16 : index
      %parallel_loop3A_477 = tpu.vector_load %arg11[%parallel_loop3A_475, %parallel_loop3A_476] {strides = array<i32>} : memref<64x128xf32, #tpu.memory_space<vmem>>, vector<16xf32>,
      %parallel_loop3A_478 = arith.index_cast %parallel_loop3A_463 : i32 to index
      %parallel_loop3A_479 = arith.constant 16 : index
      %parallel_loop3A_480 = tpu.vector_load %arg12[%parallel_loop3A_478, %parallel_loop3A_479] {strides = array<i32>} : memref<64x128xf32, #tpu.memory_space<vmem>>, vector<16xf32>,
      %parallel_loop3A_481 = arith.mulf %parallel_loop3A_477, %parallel_loop3A_480 : vector<16xf32>
      %parallel_loop3A_482 = arith.index_cast %parallel_loop3A_463 : i32 to index
      %parallel_loop3A_483 = arith.constant 16 : index
      %parallel_loop3A_484 = tpu.vector_load %arg13[%parallel_loop3A_482, %parallel_loop3A_483] {strides = array<i32>} : memref<64x128xf32, #tpu.memory_space<vmem>>, vector<16xf32>,
      %parallel_loop3A_485 = arith.mulf %parallel_loop3A_481, %parallel_loop3A_484 : vector<16xf32>
      %parallel_loop3A_486 = arith.index_cast %parallel_loop3A_463 : i32 to index
      %parallel_loop3A_487 = arith.constant 32 : index
      %parallel_loop3A_488 = tpu.vector_load %arg11[%parallel_loop3A_486, %parallel_loop3A_487] {strides = array<i32>} : memref<64x128xf32, #tpu.memory_space<vmem>>, vector<16xf32>,
      %parallel_loop3A_489 = arith.index_cast %parallel_loop3A_463 : i32 to index
      %parallel_loop3A_490 = arith.constant 32 : index
      %parallel_loop3A_491 = tpu.vector_load %arg12[%parallel_loop3A_489, %parallel_loop3A_490] {strides = array<i32>} : memref<64x128xf32, #tpu.memory_space<vmem>>, vector<16xf32>,
      %parallel_loop3A_492 = arith.mulf %parallel_loop3A_488, %parallel_loop3A_491 : vector<16xf32>
      %parallel_loop3A_493 = arith.index_cast %parallel_loop3A_463 : i32 to index
      %parallel_loop3A_494 = arith.constant 32 : index
      %parallel_loop3A_495 = tpu.vector_load %arg13[%parallel_loop3A_493, %parallel_loop3A_494] {strides = array<i32>} : memref<64x128xf32, #tpu.memory_space<vmem>>, vector<16xf32>,
      %parallel_loop3A_496 = arith.mulf %parallel_loop3A_492, %parallel_loop3A_495 : vector<16xf32>
      %parallel_loop3A_497 = arith.index_cast %parallel_loop3A_463 : i32 to index
      %parallel_loop3A_498 = arith.constant 48 : index
      %parallel_loop3A_499 = tpu.vector_load %arg11[%parallel_loop3A_497, %parallel_loop3A_498] {strides = array<i32>} : memref<64x128xf32, #tpu.memory_space<vmem>>, vector<16xf32>,
      %parallel_loop3A_500 = arith.index_cast %parallel_loop3A_463 : i32 to index
      %parallel_loop3A_501 = arith.constant 48 : index
      %parallel_loop3A_502 = tpu.vector_load %arg12[%parallel_loop3A_500, %parallel_loop3A_501] {strides = array<i32>} : memref<64x128xf32, #tpu.memory_space<vmem>>, vector<16xf32>,
      %parallel_loop3A_503 = arith.mulf %parallel_loop3A_499, %parallel_loop3A_502 : vector<16xf32>
      %parallel_loop3A_504 = arith.index_cast %parallel_loop3A_463 : i32 to index
      %parallel_loop3A_505 = arith.constant 48 : index
      %parallel_loop3A_506 = tpu.vector_load %arg13[%parallel_loop3A_504, %parallel_loop3A_505] {strides = array<i32>} : memref<64x128xf32, #tpu.memory_space<vmem>>, vector<16xf32>,
      %parallel_loop3A_507 = arith.mulf %parallel_loop3A_503, %parallel_loop3A_506 : vector<16xf32>
      %parallel_loop3A_508 = arith.index_cast %parallel_loop3A_463 : i32 to index
      %parallel_loop3A_509 = arith.constant 64 : index
      %parallel_loop3A_510 = tpu.vector_load %arg11[%parallel_loop3A_508, %parallel_loop3A_509] {strides = array<i32>} : memref<64x128xf32, #tpu.memory_space<vmem>>, vector<16xf32>,
      %parallel_loop3A_511 = arith.index_cast %parallel_loop3A_463 : i32 to index
      %parallel_loop3A_512 = arith.constant 64 : index
      %parallel_loop3A_513 = tpu.vector_load %arg12[%parallel_loop3A_511, %parallel_loop3A_512] {strides = array<i32>} : memref<64x128xf32, #tpu.memory_space<vmem>>, vector<16xf32>,
      %parallel_loop3A_514 = arith.mulf %parallel_loop3A_510, %parallel_loop3A_513 : vector<16xf32>
      %parallel_loop3A_515 = arith.index_cast %parallel_loop3A_463 : i32 to index
      %parallel_loop3A_516 = arith.constant 64 : index
      %parallel_loop3A_517 = tpu.vector_load %arg13[%parallel_loop3A_515, %parallel_loop3A_516] {strides = array<i32>} : memref<64x128xf32, #tpu.memory_space<vmem>>, vector<16xf32>,
      %parallel_loop3A_518 = arith.mulf %parallel_loop3A_514, %parallel_loop3A_517 : vector<16xf32>
      %parallel_loop3A_519 = arith.index_cast %parallel_loop3A_463 : i32 to index
      %parallel_loop3A_520 = arith.constant 80 : index
      %parallel_loop3A_521 = tpu.vector_load %arg11[%parallel_loop3A_519, %parallel_loop3A_520] {strides = array<i32>} : memref<64x128xf32, #tpu.memory_space<vmem>>, vector<16xf32>,
      %parallel_loop3A_522 = arith.index_cast %parallel_loop3A_463 : i32 to index
      %parallel_loop3A_523 = arith.constant 80 : index
      %parallel_loop3A_524 = tpu.vector_load %arg12[%parallel_loop3A_522, %parallel_loop3A_523] {strides = array<i32>} : memref<64x128xf32, #tpu.memory_space<vmem>>, vector<16xf32>,
      %parallel_loop3A_525 = arith.mulf %parallel_loop3A_521, %parallel_loop3A_524 : vector<16xf32>
      %parallel_loop3A_526 = arith.index_cast %parallel_loop3A_463 : i32 to index
      %parallel_loop3A_527 = arith.constant 80 : index
      %parallel_loop3A_528 = tpu.vector_load %arg13[%parallel_loop3A_526, %parallel_loop3A_527] {strides = array<i32>} : memref<64x128xf32, #tpu.memory_space<vmem>>, vector<16xf32>,
      %parallel_loop3A_529 = arith.mulf %parallel_loop3A_525, %parallel_loop3A_528 : vector<16xf32>
      %parallel_loop3A_530 = arith.index_cast %parallel_loop3A_463 : i32 to index
      %parallel_loop3A_531 = arith.constant 96 : index
      %parallel_loop3A_532 = tpu.vector_load %arg11[%parallel_loop3A_530, %parallel_loop3A_531] {strides = array<i32>} : memref<64x128xf32, #tpu.memory_space<vmem>>, vector<16xf32>,
      %parallel_loop3A_533 = arith.index_cast %parallel_loop3A_463 : i32 to index
      %parallel_loop3A_534 = arith.constant 96 : index
      %parallel_loop3A_535 = tpu.vector_load %arg12[%parallel_loop3A_533, %parallel_loop3A_534] {strides = array<i32>} : memref<64x128xf32, #tpu.memory_space<vmem>>, vector<16xf32>,
      %parallel_loop3A_536 = arith.mulf %parallel_loop3A_532, %parallel_loop3A_535 : vector<16xf32>
      %parallel_loop3A_537 = arith.index_cast %parallel_loop3A_463 : i32 to index
      %parallel_loop3A_538 = arith.constant 96 : index
      %parallel_loop3A_539 = tpu.vector_load %arg13[%parallel_loop3A_537, %parallel_loop3A_538] {strides = array<i32>} : memref<64x128xf32, #tpu.memory_space<vmem>>, vector<16xf32>,
      %parallel_loop3A_540 = arith.mulf %parallel_loop3A_536, %parallel_loop3A_539 : vector<16xf32>
      %parallel_loop3A_541 = arith.index_cast %parallel_loop3A_463 : i32 to index
      %parallel_loop3A_542 = arith.constant 112 : index
      %parallel_loop3A_543 = tpu.vector_load %arg11[%parallel_loop3A_541, %parallel_loop3A_542] {strides = array<i32>} : memref<64x128xf32, #tpu.memory_space<vmem>>, vector<16xf32>,
      %parallel_loop3A_544 = arith.index_cast %parallel_loop3A_463 : i32 to index
      %parallel_loop3A_545 = arith.constant 112 : index
      %parallel_loop3A_546 = tpu.vector_load %arg12[%parallel_loop3A_544, %parallel_loop3A_545] {strides = array<i32>} : memref<64x128xf32, #tpu.memory_space<vmem>>, vector<16xf32>,
      %parallel_loop3A_547 = arith.mulf %parallel_loop3A_543, %parallel_loop3A_546 : vector<16xf32>
      %parallel_loop3A_548 = arith.index_cast %parallel_loop3A_463 : i32 to index
      %parallel_loop3A_549 = arith.constant 112 : index
      %parallel_loop3A_550 = tpu.vector_load %arg13[%parallel_loop3A_548, %parallel_loop3A_549] {strides = array<i32>} : memref<64x128xf32, #tpu.memory_space<vmem>>, vector<16xf32>,
      %parallel_loop3A_551 = arith.mulf %parallel_loop3A_547, %parallel_loop3A_550 : vector<16xf32>
      %parallel_loop3A_552 = arith.addf %parallel_loop3A_474, %parallel_loop3A_485 : vector<16xf32>
      %parallel_loop3A_553 = arith.addf %parallel_loop3A_496, %parallel_loop3A_507 : vector<16xf32>
      %parallel_loop3A_554 = arith.addf %parallel_loop3A_552, %parallel_loop3A_553 : vector<16xf32>
      %parallel_loop3A_555 = arith.addf %parallel_loop3A_518, %parallel_loop3A_529 : vector<16xf32>
      %parallel_loop3A_556 = arith.addf %parallel_loop3A_540, %parallel_loop3A_551 : vector<16xf32>
      %parallel_loop3A_557 = arith.addf %parallel_loop3A_555, %parallel_loop3A_556 : vector<16xf32>
      %parallel_loop3A_558 = arith.addf %parallel_loop3A_554, %parallel_loop3A_557 : vector<16xf32>
      %parallel_loop3A_559 = arith.constant 17 : i32
      %parallel_loop3A_560 = arith.muli %parallel_loop3A_463, %parallel_loop3A_559 : i32
      %parallel_loop3A_561 = arith.index_cast %parallel_loop3A_560 : i32 to index
      %parallel_loop3A_562 = tpu.vector_load %arg20[%parallel_loop3A_561] {strides = array<i32>} : memref<1088xf32, #tpu.memory_space<vmem>>, vector<16xf32>,
      tpu.vector_store %arg20[%parallel_loop3A_561], %parallel_loop3A_558 {strides = array<i32>} : memref<1088xf32, #tpu.memory_space<vmem>>, vector<16xf32>,
    } {sc.loop_unroll_factor = 4 : i64, sc.parallel_access}
    %parallel_loop3A_238 = arith.constant 0 : i32
    %parallel_loop3A_239 = arith.constant 4 : i32
    %parallel_loop3A_240 = arith.constant 1 : i32
    scf.for %parallel_loop3A_463 = %parallel_loop3A_238 to %parallel_loop3A_239 step %parallel_loop3A_240  : i32 {
      %parallel_loop3A_464 = arith.constant 16 : i32
      %parallel_loop3A_465 = arith.muli %parallel_loop3A_463, %parallel_loop3A_464 : i32
      %parallel_loop3A_466 = vector.broadcast %parallel_loop3A_465 : i32 to vector<16xi32>
      %parallel_loop3A_467 = arith.addi %parallel_loop3A_466, %iota3A : vector<16xi32>
      %parallel_loop3A_468 = arith.constant 17 : i32
      %parallel_loop3A_469 = vector.broadcast %parallel_loop3A_468 : i32 to vector<16xi32>
      %parallel_loop3A_470 = arith.muli %parallel_loop3A_467, %parallel_loop3A_469 : vector<16xi32>
      %parallel_loop3A_471 = arith.constant 0.000000e+00 : f32
      %parallel_loop3A_472 = vector.broadcast %parallel_loop3A_471 : f32 to vector<16xf32>
      %parallel_loop3A_473 = arith.constant 0.000000e+00 : f32
      %parallel_loop3A_474 = vector.broadcast %parallel_loop3A_473 : f32 to vector<16xf32>
      %parallel_loop3A_475 = arith.constant 0.000000e+00 : f32
      %parallel_loop3A_476 = vector.broadcast %parallel_loop3A_475 : f32 to vector<16xf32>
      %parallel_loop3A_477 = arith.constant 0.000000e+00 : f32
      %parallel_loop3A_478 = vector.broadcast %parallel_loop3A_477 : f32 to vector<16xf32>
      %parallel_loop3A_479 = arith.constant 0 : i32
      %parallel_loop3A_480 = vector.broadcast %parallel_loop3A_479 : i32 to vector<16xi32>
      %parallel_loop3A_481 = arith.addi %parallel_loop3A_470, %parallel_loop3A_480 : vector<16xi32>
      %parallel_loop3A_482 = tpu.vector_load_idx %arg20[%parallel_loop3A_481] : memref<1088xf32, #tpu.memory_space<vmem>>[vector<16xi32>], vector<16xf32>,
      %parallel_loop3A_483 = arith.addf %parallel_loop3A_472, %parallel_loop3A_482 : vector<16xf32>
      %parallel_loop3A_484 = arith.constant 1 : i32
      %parallel_loop3A_485 = vector.broadcast %parallel_loop3A_484 : i32 to vector<16xi32>
      %parallel_loop3A_486 = arith.addi %parallel_loop3A_470, %parallel_loop3A_485 : vector<16xi32>
      %parallel_loop3A_487 = tpu.vector_load_idx %arg20[%parallel_loop3A_486] : memref<1088xf32, #tpu.memory_space<vmem>>[vector<16xi32>], vector<16xf32>,
      %parallel_loop3A_488 = arith.addf %parallel_loop3A_474, %parallel_loop3A_487 : vector<16xf32>
      %parallel_loop3A_489 = arith.constant 2 : i32
      %parallel_loop3A_490 = vector.broadcast %parallel_loop3A_489 : i32 to vector<16xi32>
      %parallel_loop3A_491 = arith.addi %parallel_loop3A_470, %parallel_loop3A_490 : vector<16xi32>
      %parallel_loop3A_492 = tpu.vector_load_idx %arg20[%parallel_loop3A_491] : memref<1088xf32, #tpu.memory_space<vmem>>[vector<16xi32>], vector<16xf32>,
      %parallel_loop3A_493 = arith.addf %parallel_loop3A_476, %parallel_loop3A_492 : vector<16xf32>
      %parallel_loop3A_494 = arith.constant 3 : i32
      %parallel_loop3A_495 = vector.broadcast %parallel_loop3A_494 : i32 to vector<16xi32>
      %parallel_loop3A_496 = arith.addi %parallel_loop3A_470, %parallel_loop3A_495 : vector<16xi32>
      %parallel_loop3A_497 = tpu.vector_load_idx %arg20[%parallel_loop3A_496] : memref<1088xf32, #tpu.memory_space<vmem>>[vector<16xi32>], vector<16xf32>,
      %parallel_loop3A_498 = arith.addf %parallel_loop3A_478, %parallel_loop3A_497 : vector<16xf32>
      %parallel_loop3A_499 = arith.constant 4 : i32
      %parallel_loop3A_500 = vector.broadcast %parallel_loop3A_499 : i32 to vector<16xi32>
      %parallel_loop3A_501 = arith.addi %parallel_loop3A_470, %parallel_loop3A_500 : vector<16xi32>
      %parallel_loop3A_502 = tpu.vector_load_idx %arg20[%parallel_loop3A_501] : memref<1088xf32, #tpu.memory_space<vmem>>[vector<16xi32>], vector<16xf32>,
      %parallel_loop3A_503 = arith.addf %parallel_loop3A_483, %parallel_loop3A_502 : vector<16xf32>
      %parallel_loop3A_504 = arith.constant 5 : i32
      %parallel_loop3A_505 = vector.broadcast %parallel_loop3A_504 : i32 to vector<16xi32>
      %parallel_loop3A_506 = arith.addi %parallel_loop3A_470, %parallel_loop3A_505 : vector<16xi32>
      %parallel_loop3A_507 = tpu.vector_load_idx %arg20[%parallel_loop3A_506] : memref<1088xf32, #tpu.memory_space<vmem>>[vector<16xi32>], vector<16xf32>,
      %parallel_loop3A_508 = arith.addf %parallel_loop3A_488, %parallel_loop3A_507 : vector<16xf32>
      %parallel_loop3A_509 = arith.constant 6 : i32
      %parallel_loop3A_510 = vector.broadcast %parallel_loop3A_509 : i32 to vector<16xi32>
      %parallel_loop3A_511 = arith.addi %parallel_loop3A_470, %parallel_loop3A_510 : vector<16xi32>
      %parallel_loop3A_512 = tpu.vector_load_idx %arg20[%parallel_loop3A_511] : memref<1088xf32, #tpu.memory_space<vmem>>[vector<16xi32>], vector<16xf32>,
      %parallel_loop3A_513 = arith.addf %parallel_loop3A_493, %parallel_loop3A_512 : vector<16xf32>
      %parallel_loop3A_514 = arith.constant 7 : i32
      %parallel_loop3A_515 = vector.broadcast %parallel_loop3A_514 : i32 to vector<16xi32>
      %parallel_loop3A_516 = arith.addi %parallel_loop3A_470, %parallel_loop3A_515 : vector<16xi32>
      %parallel_loop3A_517 = tpu.vector_load_idx %arg20[%parallel_loop3A_516] : memref<1088xf32, #tpu.memory_space<vmem>>[vector<16xi32>], vector<16xf32>,
      %parallel_loop3A_518 = arith.addf %parallel_loop3A_498, %parallel_loop3A_517 : vector<16xf32>
      %parallel_loop3A_519 = arith.constant 8 : i32
      %parallel_loop3A_520 = vector.broadcast %parallel_loop3A_519 : i32 to vector<16xi32>
      %parallel_loop3A_521 = arith.addi %parallel_loop3A_470, %parallel_loop3A_520 : vector<16xi32>
      %parallel_loop3A_522 = tpu.vector_load_idx %arg20[%parallel_loop3A_521] : memref<1088xf32, #tpu.memory_space<vmem>>[vector<16xi32>], vector<16xf32>,
      %parallel_loop3A_523 = arith.addf %parallel_loop3A_503, %parallel_loop3A_522 : vector<16xf32>
      %parallel_loop3A_524 = arith.constant 9 : i32
      %parallel_loop3A_525 = vector.broadcast %parallel_loop3A_524 : i32 to vector<16xi32>
      %parallel_loop3A_526 = arith.addi %parallel_loop3A_470, %parallel_loop3A_525 : vector<16xi32>
      %parallel_loop3A_527 = tpu.vector_load_idx %arg20[%parallel_loop3A_526] : memref<1088xf32, #tpu.memory_space<vmem>>[vector<16xi32>], vector<16xf32>,
      %parallel_loop3A_528 = arith.addf %parallel_loop3A_508, %parallel_loop3A_527 : vector<16xf32>
      %parallel_loop3A_529 = arith.constant 10 : i32
      %parallel_loop3A_530 = vector.broadcast %parallel_loop3A_529 : i32 to vector<16xi32>
      %parallel_loop3A_531 = arith.addi %parallel_loop3A_470, %parallel_loop3A_530 : vector<16xi32>
      %parallel_loop3A_532 = tpu.vector_load_idx %arg20[%parallel_loop3A_531] : memref<1088xf32, #tpu.memory_space<vmem>>[vector<16xi32>], vector<16xf32>,
      %parallel_loop3A_533 = arith.addf %parallel_loop3A_513, %parallel_loop3A_532 : vector<16xf32>
      %parallel_loop3A_534 = arith.constant 11 : i32
      %parallel_loop3A_535 = vector.broadcast %parallel_loop3A_534 : i32 to vector<16xi32>
      %parallel_loop3A_536 = arith.addi %parallel_loop3A_470, %parallel_loop3A_535 : vector<16xi32>
      %parallel_loop3A_537 = tpu.vector_load_idx %arg20[%parallel_loop3A_536] : memref<1088xf32, #tpu.memory_space<vmem>>[vector<16xi32>], vector<16xf32>,
      %parallel_loop3A_538 = arith.addf %parallel_loop3A_518, %parallel_loop3A_537 : vector<16xf32>
      %parallel_loop3A_539 = arith.constant 12 : i32
      %parallel_loop3A_540 = vector.broadcast %parallel_loop3A_539 : i32 to vector<16xi32>
      %parallel_loop3A_541 = arith.addi %parallel_loop3A_470, %parallel_loop3A_540 : vector<16xi32>
      %parallel_loop3A_542 = tpu.vector_load_idx %arg20[%parallel_loop3A_541] : memref<1088xf32, #tpu.memory_space<vmem>>[vector<16xi32>], vector<16xf32>,
      %parallel_loop3A_543 = arith.addf %parallel_loop3A_523, %parallel_loop3A_542 : vector<16xf32>
      %parallel_loop3A_544 = arith.constant 13 : i32
      %parallel_loop3A_545 = vector.broadcast %parallel_loop3A_544 : i32 to vector<16xi32>
      %parallel_loop3A_546 = arith.addi %parallel_loop3A_470, %parallel_loop3A_545 : vector<16xi32>
      %parallel_loop3A_547 = tpu.vector_load_idx %arg20[%parallel_loop3A_546] : memref<1088xf32, #tpu.memory_space<vmem>>[vector<16xi32>], vector<16xf32>,
      %parallel_loop3A_548 = arith.addf %parallel_loop3A_528, %parallel_loop3A_547 : vector<16xf32>
      %parallel_loop3A_549 = arith.constant 14 : i32
      %parallel_loop3A_550 = vector.broadcast %parallel_loop3A_549 : i32 to vector<16xi32>
      %parallel_loop3A_551 = arith.addi %parallel_loop3A_470, %parallel_loop3A_550 : vector<16xi32>
      %parallel_loop3A_552 = tpu.vector_load_idx %arg20[%parallel_loop3A_551] : memref<1088xf32, #tpu.memory_space<vmem>>[vector<16xi32>], vector<16xf32>,
      %parallel_loop3A_553 = arith.addf %parallel_loop3A_533, %parallel_loop3A_552 : vector<16xf32>
      %parallel_loop3A_554 = arith.constant 15 : i32
      %parallel_loop3A_555 = vector.broadcast %parallel_loop3A_554 : i32 to vector<16xi32>
      %parallel_loop3A_556 = arith.addi %parallel_loop3A_470, %parallel_loop3A_555 : vector<16xi32>
      %parallel_loop3A_557 = tpu.vector_load_idx %arg20[%parallel_loop3A_556] : memref<1088xf32, #tpu.memory_space<vmem>>[vector<16xi32>], vector<16xf32>,
      %parallel_loop3A_558 = arith.addf %parallel_loop3A_538, %parallel_loop3A_557 : vector<16xf32>
      %parallel_loop3A_559 = arith.addf %parallel_loop3A_543, %parallel_loop3A_548 : vector<16xf32>
      %parallel_loop3A_560 = arith.addf %parallel_loop3A_553, %parallel_loop3A_558 : vector<16xf32>
      %parallel_loop3A_561 = arith.addf %parallel_loop3A_559, %parallel_loop3A_560 : vector<16xf32>
      %parallel_loop3A_562 = arith.constant 0.000000e+00 : f32
      %parallel_loop3A_563 = vector.broadcast %parallel_loop3A_562 : f32 to vector<16xf32>
      %parallel_loop3A_564 = arith.subf %parallel_loop3A_563, %parallel_loop3A_561 : vector<16xf32>
      %parallel_loop3A_565 = math.exp %parallel_loop3A_564 : vector<16xf32>
      %parallel_loop3A_566 = arith.constant 1.000000e+00 : f32
      %parallel_loop3A_567 = vector.broadcast %parallel_loop3A_566 : f32 to vector<16xf32>
      %parallel_loop3A_568 = arith.addf %parallel_loop3A_567, %parallel_loop3A_565 : vector<16xf32>
      %parallel_loop3A_569 = arith.constant 1.000000e+00 : f32
      %parallel_loop3A_570 = vector.broadcast %parallel_loop3A_569 : f32 to vector<16xf32>
      %parallel_loop3A_571 = arith.divf %parallel_loop3A_570, %parallel_loop3A_568 : vector<16xf32>
      %parallel_loop3A_572 = arith.constant 16 : i32
      %parallel_loop3A_573 = arith.muli %parallel_loop3A_463, %parallel_loop3A_572 : i32
      %parallel_loop3A_574 = arith.constant 0 : i32
      %parallel_loop3A_575 = arith.addi %parallel_loop3A_574, %parallel_loop3A_573 : i32
      %parallel_loop3A_576 = arith.index_cast %parallel_loop3A_575 : i32 to index
      %parallel_loop3A_577 = tpu.vector_load %arg21[%parallel_loop3A_576] {strides = array<i32>} : memref<512xf32, #tpu.memory_space<vmem>>, vector<16xf32>,
      tpu.vector_store %arg21[%parallel_loop3A_576], %parallel_loop3A_571 {strides = array<i32>} : memref<512xf32, #tpu.memory_space<vmem>>, vector<16xf32>,
    } {sc.loop_unroll_factor = 2 : i64, sc.parallel_access}
    %dma_start3A_241 = arith.constant 192 : i32
    %dma_start3A_242 = tpu.memref_slice %arg8[%dma_start3A_241] : memref<512xi32, #tpu.memory_space<vmem>> -> memref<64xi32, #tpu.memory_space<vmem>>
    %dma_start3A_243 = arith.constant 0 : i32
    %dma_start3A_244 = arith.constant 0 : i32
    %dma_start3A_245 = tpu.memref_slice %arg5[%dma_start3A_243, %dma_start3A_244] : memref<100000x128xf32, #tpu.memory_space<hbm>> -> memref<100000x128xf32, #tpu.memory_space<hbm>>
    tpu.enqueue_indirect_dma source(%dma_start3A_245 : memref<100000x128xf32, #tpu.memory_space<hbm>>) target(%arg11 : memref<64x128xf32, #tpu.memory_space<vmem>>) offsets(%dma_start3A_242 : memref<64xi32, #tpu.memory_space<vmem>>) semaphore(%arg22 : memref<!tpu.dma_semaphore, #tpu.memory_space<semaphore_mem>>)
    %dma_start3A_246 = arith.constant 192 : i32
    %dma_start3A_247 = tpu.memref_slice %arg9[%dma_start3A_246] : memref<512xi32, #tpu.memory_space<vmem>> -> memref<64xi32, #tpu.memory_space<vmem>>
    %dma_start3A_248 = arith.constant 0 : i32
    %dma_start3A_249 = arith.constant 0 : i32
    %dma_start3A_250 = tpu.memref_slice %arg6[%dma_start3A_248, %dma_start3A_249] : memref<8000x128xf32, #tpu.memory_space<hbm>> -> memref<8000x128xf32, #tpu.memory_space<hbm>>
    tpu.enqueue_indirect_dma source(%dma_start3A_250 : memref<8000x128xf32, #tpu.memory_space<hbm>>) target(%arg12 : memref<64x128xf32, #tpu.memory_space<vmem>>) offsets(%dma_start3A_247 : memref<64xi32, #tpu.memory_space<vmem>>) semaphore(%arg22 : memref<!tpu.dma_semaphore, #tpu.memory_space<semaphore_mem>>)
    %dma_start3A_251 = arith.constant 192 : i32
    %dma_start3A_252 = tpu.memref_slice %arg10[%dma_start3A_251] : memref<512xi32, #tpu.memory_space<vmem>> -> memref<64xi32, #tpu.memory_space<vmem>>
    %dma_start3A_253 = arith.constant 0 : i32
    %dma_start3A_254 = arith.constant 0 : i32
    %dma_start3A_255 = tpu.memref_slice %arg5[%dma_start3A_253, %dma_start3A_254] : memref<100000x128xf32, #tpu.memory_space<hbm>> -> memref<100000x128xf32, #tpu.memory_space<hbm>>
    tpu.enqueue_indirect_dma source(%dma_start3A_255 : memref<100000x128xf32, #tpu.memory_space<hbm>>) target(%arg13 : memref<64x128xf32, #tpu.memory_space<vmem>>) offsets(%dma_start3A_252 : memref<64xi32, #tpu.memory_space<vmem>>) semaphore(%arg22 : memref<!tpu.dma_semaphore, #tpu.memory_space<semaphore_mem>>)
    %dma_wait3A_256 = arith.constant 64 : i32
    %dma_wait3A_257 = tpu.memref_slice %arg8[%dma_wait3A_256] : memref<512xi32, #tpu.memory_space<vmem>> -> memref<64xi32, #tpu.memory_space<vmem>>
    %dma_wait3A_258 = arith.constant 0 : i32
    %dma_wait3A_259 = arith.constant 0 : i32
    %dma_wait3A_260 = tpu.memref_slice %arg5[%dma_wait3A_258, %dma_wait3A_259] : memref<100000x128xf32, #tpu.memory_space<hbm>> -> memref<100000x128xf32, #tpu.memory_space<hbm>>
    tpu.wait_indirect_dma semaphore(%arg23 : memref<!tpu.dma_semaphore, #tpu.memory_space<semaphore_mem>>) src(%dma_wait3A_260 : memref<100000x128xf32, #tpu.memory_space<hbm>>) dst(%arg14 : memref<64x128xf32, #tpu.memory_space<vmem>>)
    %dma_wait3A_261 = arith.constant 64 : i32
    %dma_wait3A_262 = tpu.memref_slice %arg9[%dma_wait3A_261] : memref<512xi32, #tpu.memory_space<vmem>> -> memref<64xi32, #tpu.memory_space<vmem>>
    %dma_wait3A_263 = arith.constant 0 : i32
    %dma_wait3A_264 = arith.constant 0 : i32
    %dma_wait3A_265 = tpu.memref_slice %arg6[%dma_wait3A_263, %dma_wait3A_264] : memref<8000x128xf32, #tpu.memory_space<hbm>> -> memref<8000x128xf32, #tpu.memory_space<hbm>>
    tpu.wait_indirect_dma semaphore(%arg23 : memref<!tpu.dma_semaphore, #tpu.memory_space<semaphore_mem>>) src(%dma_wait3A_265 : memref<8000x128xf32, #tpu.memory_space<hbm>>) dst(%arg15 : memref<64x128xf32, #tpu.memory_space<vmem>>)
    %dma_wait3A_266 = arith.constant 64 : i32
    %dma_wait3A_267 = tpu.memref_slice %arg10[%dma_wait3A_266] : memref<512xi32, #tpu.memory_space<vmem>> -> memref<64xi32, #tpu.memory_space<vmem>>
    %dma_wait3A_268 = arith.constant 0 : i32
    %dma_wait3A_269 = arith.constant 0 : i32
    %dma_wait3A_270 = tpu.memref_slice %arg5[%dma_wait3A_268, %dma_wait3A_269] : memref<100000x128xf32, #tpu.memory_space<hbm>> -> memref<100000x128xf32, #tpu.memory_space<hbm>>
    tpu.wait_indirect_dma semaphore(%arg23 : memref<!tpu.dma_semaphore, #tpu.memory_space<semaphore_mem>>) src(%dma_wait3A_270 : memref<100000x128xf32, #tpu.memory_space<hbm>>) dst(%arg16 : memref<64x128xf32, #tpu.memory_space<vmem>>)
    %parallel_loop3A_271 = arith.constant 0 : i32
    %parallel_loop3A_272 = arith.constant 64 : i32
    %parallel_loop3A_273 = arith.constant 1 : i32
    scf.for %parallel_loop3A_463 = %parallel_loop3A_271 to %parallel_loop3A_272 step %parallel_loop3A_273  : i32 {
      %parallel_loop3A_464 = arith.index_cast %parallel_loop3A_463 : i32 to index
      %parallel_loop3A_465 = arith.constant 0 : index
      %parallel_loop3A_466 = tpu.vector_load %arg14[%parallel_loop3A_464, %parallel_loop3A_465] {strides = array<i32>} : memref<64x128xf32, #tpu.memory_space<vmem>>, vector<16xf32>,
      %parallel_loop3A_467 = arith.index_cast %parallel_loop3A_463 : i32 to index
      %parallel_loop3A_468 = arith.constant 0 : index
      %parallel_loop3A_469 = tpu.vector_load %arg15[%parallel_loop3A_467, %parallel_loop3A_468] {strides = array<i32>} : memref<64x128xf32, #tpu.memory_space<vmem>>, vector<16xf32>,
      %parallel_loop3A_470 = arith.mulf %parallel_loop3A_466, %parallel_loop3A_469 : vector<16xf32>
      %parallel_loop3A_471 = arith.index_cast %parallel_loop3A_463 : i32 to index
      %parallel_loop3A_472 = arith.constant 0 : index
      %parallel_loop3A_473 = tpu.vector_load %arg16[%parallel_loop3A_471, %parallel_loop3A_472] {strides = array<i32>} : memref<64x128xf32, #tpu.memory_space<vmem>>, vector<16xf32>,
      %parallel_loop3A_474 = arith.mulf %parallel_loop3A_470, %parallel_loop3A_473 : vector<16xf32>
      %parallel_loop3A_475 = arith.index_cast %parallel_loop3A_463 : i32 to index
      %parallel_loop3A_476 = arith.constant 16 : index
      %parallel_loop3A_477 = tpu.vector_load %arg14[%parallel_loop3A_475, %parallel_loop3A_476] {strides = array<i32>} : memref<64x128xf32, #tpu.memory_space<vmem>>, vector<16xf32>,
      %parallel_loop3A_478 = arith.index_cast %parallel_loop3A_463 : i32 to index
      %parallel_loop3A_479 = arith.constant 16 : index
      %parallel_loop3A_480 = tpu.vector_load %arg15[%parallel_loop3A_478, %parallel_loop3A_479] {strides = array<i32>} : memref<64x128xf32, #tpu.memory_space<vmem>>, vector<16xf32>,
      %parallel_loop3A_481 = arith.mulf %parallel_loop3A_477, %parallel_loop3A_480 : vector<16xf32>
      %parallel_loop3A_482 = arith.index_cast %parallel_loop3A_463 : i32 to index
      %parallel_loop3A_483 = arith.constant 16 : index
      %parallel_loop3A_484 = tpu.vector_load %arg16[%parallel_loop3A_482, %parallel_loop3A_483] {strides = array<i32>} : memref<64x128xf32, #tpu.memory_space<vmem>>, vector<16xf32>,
      %parallel_loop3A_485 = arith.mulf %parallel_loop3A_481, %parallel_loop3A_484 : vector<16xf32>
      %parallel_loop3A_486 = arith.index_cast %parallel_loop3A_463 : i32 to index
      %parallel_loop3A_487 = arith.constant 32 : index
      %parallel_loop3A_488 = tpu.vector_load %arg14[%parallel_loop3A_486, %parallel_loop3A_487] {strides = array<i32>} : memref<64x128xf32, #tpu.memory_space<vmem>>, vector<16xf32>,
      %parallel_loop3A_489 = arith.index_cast %parallel_loop3A_463 : i32 to index
      %parallel_loop3A_490 = arith.constant 32 : index
      %parallel_loop3A_491 = tpu.vector_load %arg15[%parallel_loop3A_489, %parallel_loop3A_490] {strides = array<i32>} : memref<64x128xf32, #tpu.memory_space<vmem>>, vector<16xf32>,
      %parallel_loop3A_492 = arith.mulf %parallel_loop3A_488, %parallel_loop3A_491 : vector<16xf32>
      %parallel_loop3A_493 = arith.index_cast %parallel_loop3A_463 : i32 to index
      %parallel_loop3A_494 = arith.constant 32 : index
      %parallel_loop3A_495 = tpu.vector_load %arg16[%parallel_loop3A_493, %parallel_loop3A_494] {strides = array<i32>} : memref<64x128xf32, #tpu.memory_space<vmem>>, vector<16xf32>,
      %parallel_loop3A_496 = arith.mulf %parallel_loop3A_492, %parallel_loop3A_495 : vector<16xf32>
      %parallel_loop3A_497 = arith.index_cast %parallel_loop3A_463 : i32 to index
      %parallel_loop3A_498 = arith.constant 48 : index
      %parallel_loop3A_499 = tpu.vector_load %arg14[%parallel_loop3A_497, %parallel_loop3A_498] {strides = array<i32>} : memref<64x128xf32, #tpu.memory_space<vmem>>, vector<16xf32>,
      %parallel_loop3A_500 = arith.index_cast %parallel_loop3A_463 : i32 to index
      %parallel_loop3A_501 = arith.constant 48 : index
      %parallel_loop3A_502 = tpu.vector_load %arg15[%parallel_loop3A_500, %parallel_loop3A_501] {strides = array<i32>} : memref<64x128xf32, #tpu.memory_space<vmem>>, vector<16xf32>,
      %parallel_loop3A_503 = arith.mulf %parallel_loop3A_499, %parallel_loop3A_502 : vector<16xf32>
      %parallel_loop3A_504 = arith.index_cast %parallel_loop3A_463 : i32 to index
      %parallel_loop3A_505 = arith.constant 48 : index
      %parallel_loop3A_506 = tpu.vector_load %arg16[%parallel_loop3A_504, %parallel_loop3A_505] {strides = array<i32>} : memref<64x128xf32, #tpu.memory_space<vmem>>, vector<16xf32>,
      %parallel_loop3A_507 = arith.mulf %parallel_loop3A_503, %parallel_loop3A_506 : vector<16xf32>
      %parallel_loop3A_508 = arith.index_cast %parallel_loop3A_463 : i32 to index
      %parallel_loop3A_509 = arith.constant 64 : index
      %parallel_loop3A_510 = tpu.vector_load %arg14[%parallel_loop3A_508, %parallel_loop3A_509] {strides = array<i32>} : memref<64x128xf32, #tpu.memory_space<vmem>>, vector<16xf32>,
      %parallel_loop3A_511 = arith.index_cast %parallel_loop3A_463 : i32 to index
      %parallel_loop3A_512 = arith.constant 64 : index
      %parallel_loop3A_513 = tpu.vector_load %arg15[%parallel_loop3A_511, %parallel_loop3A_512] {strides = array<i32>} : memref<64x128xf32, #tpu.memory_space<vmem>>, vector<16xf32>,
      %parallel_loop3A_514 = arith.mulf %parallel_loop3A_510, %parallel_loop3A_513 : vector<16xf32>
      %parallel_loop3A_515 = arith.index_cast %parallel_loop3A_463 : i32 to index
      %parallel_loop3A_516 = arith.constant 64 : index
      %parallel_loop3A_517 = tpu.vector_load %arg16[%parallel_loop3A_515, %parallel_loop3A_516] {strides = array<i32>} : memref<64x128xf32, #tpu.memory_space<vmem>>, vector<16xf32>,
      %parallel_loop3A_518 = arith.mulf %parallel_loop3A_514, %parallel_loop3A_517 : vector<16xf32>
      %parallel_loop3A_519 = arith.index_cast %parallel_loop3A_463 : i32 to index
      %parallel_loop3A_520 = arith.constant 80 : index
      %parallel_loop3A_521 = tpu.vector_load %arg14[%parallel_loop3A_519, %parallel_loop3A_520] {strides = array<i32>} : memref<64x128xf32, #tpu.memory_space<vmem>>, vector<16xf32>,
      %parallel_loop3A_522 = arith.index_cast %parallel_loop3A_463 : i32 to index
      %parallel_loop3A_523 = arith.constant 80 : index
      %parallel_loop3A_524 = tpu.vector_load %arg15[%parallel_loop3A_522, %parallel_loop3A_523] {strides = array<i32>} : memref<64x128xf32, #tpu.memory_space<vmem>>, vector<16xf32>,
      %parallel_loop3A_525 = arith.mulf %parallel_loop3A_521, %parallel_loop3A_524 : vector<16xf32>
      %parallel_loop3A_526 = arith.index_cast %parallel_loop3A_463 : i32 to index
      %parallel_loop3A_527 = arith.constant 80 : index
      %parallel_loop3A_528 = tpu.vector_load %arg16[%parallel_loop3A_526, %parallel_loop3A_527] {strides = array<i32>} : memref<64x128xf32, #tpu.memory_space<vmem>>, vector<16xf32>,
      %parallel_loop3A_529 = arith.mulf %parallel_loop3A_525, %parallel_loop3A_528 : vector<16xf32>
      %parallel_loop3A_530 = arith.index_cast %parallel_loop3A_463 : i32 to index
      %parallel_loop3A_531 = arith.constant 96 : index
      %parallel_loop3A_532 = tpu.vector_load %arg14[%parallel_loop3A_530, %parallel_loop3A_531] {strides = array<i32>} : memref<64x128xf32, #tpu.memory_space<vmem>>, vector<16xf32>,
      %parallel_loop3A_533 = arith.index_cast %parallel_loop3A_463 : i32 to index
      %parallel_loop3A_534 = arith.constant 96 : index
      %parallel_loop3A_535 = tpu.vector_load %arg15[%parallel_loop3A_533, %parallel_loop3A_534] {strides = array<i32>} : memref<64x128xf32, #tpu.memory_space<vmem>>, vector<16xf32>,
      %parallel_loop3A_536 = arith.mulf %parallel_loop3A_532, %parallel_loop3A_535 : vector<16xf32>
      %parallel_loop3A_537 = arith.index_cast %parallel_loop3A_463 : i32 to index
      %parallel_loop3A_538 = arith.constant 96 : index
      %parallel_loop3A_539 = tpu.vector_load %arg16[%parallel_loop3A_537, %parallel_loop3A_538] {strides = array<i32>} : memref<64x128xf32, #tpu.memory_space<vmem>>, vector<16xf32>,
      %parallel_loop3A_540 = arith.mulf %parallel_loop3A_536, %parallel_loop3A_539 : vector<16xf32>
      %parallel_loop3A_541 = arith.index_cast %parallel_loop3A_463 : i32 to index
      %parallel_loop3A_542 = arith.constant 112 : index
      %parallel_loop3A_543 = tpu.vector_load %arg14[%parallel_loop3A_541, %parallel_loop3A_542] {strides = array<i32>} : memref<64x128xf32, #tpu.memory_space<vmem>>, vector<16xf32>,
      %parallel_loop3A_544 = arith.index_cast %parallel_loop3A_463 : i32 to index
      %parallel_loop3A_545 = arith.constant 112 : index
      %parallel_loop3A_546 = tpu.vector_load %arg15[%parallel_loop3A_544, %parallel_loop3A_545] {strides = array<i32>} : memref<64x128xf32, #tpu.memory_space<vmem>>, vector<16xf32>,
      %parallel_loop3A_547 = arith.mulf %parallel_loop3A_543, %parallel_loop3A_546 : vector<16xf32>
      %parallel_loop3A_548 = arith.index_cast %parallel_loop3A_463 : i32 to index
      %parallel_loop3A_549 = arith.constant 112 : index
      %parallel_loop3A_550 = tpu.vector_load %arg16[%parallel_loop3A_548, %parallel_loop3A_549] {strides = array<i32>} : memref<64x128xf32, #tpu.memory_space<vmem>>, vector<16xf32>,
      %parallel_loop3A_551 = arith.mulf %parallel_loop3A_547, %parallel_loop3A_550 : vector<16xf32>
      %parallel_loop3A_552 = arith.addf %parallel_loop3A_474, %parallel_loop3A_485 : vector<16xf32>
      %parallel_loop3A_553 = arith.addf %parallel_loop3A_496, %parallel_loop3A_507 : vector<16xf32>
      %parallel_loop3A_554 = arith.addf %parallel_loop3A_552, %parallel_loop3A_553 : vector<16xf32>
      %parallel_loop3A_555 = arith.addf %parallel_loop3A_518, %parallel_loop3A_529 : vector<16xf32>
      %parallel_loop3A_556 = arith.addf %parallel_loop3A_540, %parallel_loop3A_551 : vector<16xf32>
      %parallel_loop3A_557 = arith.addf %parallel_loop3A_555, %parallel_loop3A_556 : vector<16xf32>
      %parallel_loop3A_558 = arith.addf %parallel_loop3A_554, %parallel_loop3A_557 : vector<16xf32>
      %parallel_loop3A_559 = arith.constant 17 : i32
      %parallel_loop3A_560 = arith.muli %parallel_loop3A_463, %parallel_loop3A_559 : i32
      %parallel_loop3A_561 = arith.index_cast %parallel_loop3A_560 : i32 to index
      %parallel_loop3A_562 = tpu.vector_load %arg20[%parallel_loop3A_561] {strides = array<i32>} : memref<1088xf32, #tpu.memory_space<vmem>>, vector<16xf32>,
      tpu.vector_store %arg20[%parallel_loop3A_561], %parallel_loop3A_558 {strides = array<i32>} : memref<1088xf32, #tpu.memory_space<vmem>>, vector<16xf32>,
    } {sc.loop_unroll_factor = 4 : i64, sc.parallel_access}
    %parallel_loop3A_274 = arith.constant 0 : i32
    %parallel_loop3A_275 = arith.constant 4 : i32
    %parallel_loop3A_276 = arith.constant 1 : i32
    scf.for %parallel_loop3A_463 = %parallel_loop3A_274 to %parallel_loop3A_275 step %parallel_loop3A_276  : i32 {
      %parallel_loop3A_464 = arith.constant 16 : i32
      %parallel_loop3A_465 = arith.muli %parallel_loop3A_463, %parallel_loop3A_464 : i32
      %parallel_loop3A_466 = vector.broadcast %parallel_loop3A_465 : i32 to vector<16xi32>
      %parallel_loop3A_467 = arith.addi %parallel_loop3A_466, %iota3A : vector<16xi32>
      %parallel_loop3A_468 = arith.constant 17 : i32
      %parallel_loop3A_469 = vector.broadcast %parallel_loop3A_468 : i32 to vector<16xi32>
      %parallel_loop3A_470 = arith.muli %parallel_loop3A_467, %parallel_loop3A_469 : vector<16xi32>
      %parallel_loop3A_471 = arith.constant 0.000000e+00 : f32
      %parallel_loop3A_472 = vector.broadcast %parallel_loop3A_471 : f32 to vector<16xf32>
      %parallel_loop3A_473 = arith.constant 0.000000e+00 : f32
      %parallel_loop3A_474 = vector.broadcast %parallel_loop3A_473 : f32 to vector<16xf32>
      %parallel_loop3A_475 = arith.constant 0.000000e+00 : f32
      %parallel_loop3A_476 = vector.broadcast %parallel_loop3A_475 : f32 to vector<16xf32>
      %parallel_loop3A_477 = arith.constant 0.000000e+00 : f32
      %parallel_loop3A_478 = vector.broadcast %parallel_loop3A_477 : f32 to vector<16xf32>
      %parallel_loop3A_479 = arith.constant 0 : i32
      %parallel_loop3A_480 = vector.broadcast %parallel_loop3A_479 : i32 to vector<16xi32>
      %parallel_loop3A_481 = arith.addi %parallel_loop3A_470, %parallel_loop3A_480 : vector<16xi32>
      %parallel_loop3A_482 = tpu.vector_load_idx %arg20[%parallel_loop3A_481] : memref<1088xf32, #tpu.memory_space<vmem>>[vector<16xi32>], vector<16xf32>,
      %parallel_loop3A_483 = arith.addf %parallel_loop3A_472, %parallel_loop3A_482 : vector<16xf32>
      %parallel_loop3A_484 = arith.constant 1 : i32
      %parallel_loop3A_485 = vector.broadcast %parallel_loop3A_484 : i32 to vector<16xi32>
      %parallel_loop3A_486 = arith.addi %parallel_loop3A_470, %parallel_loop3A_485 : vector<16xi32>
      %parallel_loop3A_487 = tpu.vector_load_idx %arg20[%parallel_loop3A_486] : memref<1088xf32, #tpu.memory_space<vmem>>[vector<16xi32>], vector<16xf32>,
      %parallel_loop3A_488 = arith.addf %parallel_loop3A_474, %parallel_loop3A_487 : vector<16xf32>
      %parallel_loop3A_489 = arith.constant 2 : i32
      %parallel_loop3A_490 = vector.broadcast %parallel_loop3A_489 : i32 to vector<16xi32>
      %parallel_loop3A_491 = arith.addi %parallel_loop3A_470, %parallel_loop3A_490 : vector<16xi32>
      %parallel_loop3A_492 = tpu.vector_load_idx %arg20[%parallel_loop3A_491] : memref<1088xf32, #tpu.memory_space<vmem>>[vector<16xi32>], vector<16xf32>,
      %parallel_loop3A_493 = arith.addf %parallel_loop3A_476, %parallel_loop3A_492 : vector<16xf32>
      %parallel_loop3A_494 = arith.constant 3 : i32
      %parallel_loop3A_495 = vector.broadcast %parallel_loop3A_494 : i32 to vector<16xi32>
      %parallel_loop3A_496 = arith.addi %parallel_loop3A_470, %parallel_loop3A_495 : vector<16xi32>
      %parallel_loop3A_497 = tpu.vector_load_idx %arg20[%parallel_loop3A_496] : memref<1088xf32, #tpu.memory_space<vmem>>[vector<16xi32>], vector<16xf32>,
      %parallel_loop3A_498 = arith.addf %parallel_loop3A_478, %parallel_loop3A_497 : vector<16xf32>
      %parallel_loop3A_499 = arith.constant 4 : i32
      %parallel_loop3A_500 = vector.broadcast %parallel_loop3A_499 : i32 to vector<16xi32>
      %parallel_loop3A_501 = arith.addi %parallel_loop3A_470, %parallel_loop3A_500 : vector<16xi32>
      %parallel_loop3A_502 = tpu.vector_load_idx %arg20[%parallel_loop3A_501] : memref<1088xf32, #tpu.memory_space<vmem>>[vector<16xi32>], vector<16xf32>,
      %parallel_loop3A_503 = arith.addf %parallel_loop3A_483, %parallel_loop3A_502 : vector<16xf32>
      %parallel_loop3A_504 = arith.constant 5 : i32
      %parallel_loop3A_505 = vector.broadcast %parallel_loop3A_504 : i32 to vector<16xi32>
      %parallel_loop3A_506 = arith.addi %parallel_loop3A_470, %parallel_loop3A_505 : vector<16xi32>
      %parallel_loop3A_507 = tpu.vector_load_idx %arg20[%parallel_loop3A_506] : memref<1088xf32, #tpu.memory_space<vmem>>[vector<16xi32>], vector<16xf32>,
      %parallel_loop3A_508 = arith.addf %parallel_loop3A_488, %parallel_loop3A_507 : vector<16xf32>
      %parallel_loop3A_509 = arith.constant 6 : i32
      %parallel_loop3A_510 = vector.broadcast %parallel_loop3A_509 : i32 to vector<16xi32>
      %parallel_loop3A_511 = arith.addi %parallel_loop3A_470, %parallel_loop3A_510 : vector<16xi32>
      %parallel_loop3A_512 = tpu.vector_load_idx %arg20[%parallel_loop3A_511] : memref<1088xf32, #tpu.memory_space<vmem>>[vector<16xi32>], vector<16xf32>,
      %parallel_loop3A_513 = arith.addf %parallel_loop3A_493, %parallel_loop3A_512 : vector<16xf32>
      %parallel_loop3A_514 = arith.constant 7 : i32
      %parallel_loop3A_515 = vector.broadcast %parallel_loop3A_514 : i32 to vector<16xi32>
      %parallel_loop3A_516 = arith.addi %parallel_loop3A_470, %parallel_loop3A_515 : vector<16xi32>
      %parallel_loop3A_517 = tpu.vector_load_idx %arg20[%parallel_loop3A_516] : memref<1088xf32, #tpu.memory_space<vmem>>[vector<16xi32>], vector<16xf32>,
      %parallel_loop3A_518 = arith.addf %parallel_loop3A_498, %parallel_loop3A_517 : vector<16xf32>
      %parallel_loop3A_519 = arith.constant 8 : i32
      %parallel_loop3A_520 = vector.broadcast %parallel_loop3A_519 : i32 to vector<16xi32>
      %parallel_loop3A_521 = arith.addi %parallel_loop3A_470, %parallel_loop3A_520 : vector<16xi32>
      %parallel_loop3A_522 = tpu.vector_load_idx %arg20[%parallel_loop3A_521] : memref<1088xf32, #tpu.memory_space<vmem>>[vector<16xi32>], vector<16xf32>,
      %parallel_loop3A_523 = arith.addf %parallel_loop3A_503, %parallel_loop3A_522 : vector<16xf32>
      %parallel_loop3A_524 = arith.constant 9 : i32
      %parallel_loop3A_525 = vector.broadcast %parallel_loop3A_524 : i32 to vector<16xi32>
      %parallel_loop3A_526 = arith.addi %parallel_loop3A_470, %parallel_loop3A_525 : vector<16xi32>
      %parallel_loop3A_527 = tpu.vector_load_idx %arg20[%parallel_loop3A_526] : memref<1088xf32, #tpu.memory_space<vmem>>[vector<16xi32>], vector<16xf32>,
      %parallel_loop3A_528 = arith.addf %parallel_loop3A_508, %parallel_loop3A_527 : vector<16xf32>
      %parallel_loop3A_529 = arith.constant 10 : i32
      %parallel_loop3A_530 = vector.broadcast %parallel_loop3A_529 : i32 to vector<16xi32>
      %parallel_loop3A_531 = arith.addi %parallel_loop3A_470, %parallel_loop3A_530 : vector<16xi32>
      %parallel_loop3A_532 = tpu.vector_load_idx %arg20[%parallel_loop3A_531] : memref<1088xf32, #tpu.memory_space<vmem>>[vector<16xi32>], vector<16xf32>,
      %parallel_loop3A_533 = arith.addf %parallel_loop3A_513, %parallel_loop3A_532 : vector<16xf32>
      %parallel_loop3A_534 = arith.constant 11 : i32
      %parallel_loop3A_535 = vector.broadcast %parallel_loop3A_534 : i32 to vector<16xi32>
      %parallel_loop3A_536 = arith.addi %parallel_loop3A_470, %parallel_loop3A_535 : vector<16xi32>
      %parallel_loop3A_537 = tpu.vector_load_idx %arg20[%parallel_loop3A_536] : memref<1088xf32, #tpu.memory_space<vmem>>[vector<16xi32>], vector<16xf32>,
      %parallel_loop3A_538 = arith.addf %parallel_loop3A_518, %parallel_loop3A_537 : vector<16xf32>
      %parallel_loop3A_539 = arith.constant 12 : i32
      %parallel_loop3A_540 = vector.broadcast %parallel_loop3A_539 : i32 to vector<16xi32>
      %parallel_loop3A_541 = arith.addi %parallel_loop3A_470, %parallel_loop3A_540 : vector<16xi32>
      %parallel_loop3A_542 = tpu.vector_load_idx %arg20[%parallel_loop3A_541] : memref<1088xf32, #tpu.memory_space<vmem>>[vector<16xi32>], vector<16xf32>,
      %parallel_loop3A_543 = arith.addf %parallel_loop3A_523, %parallel_loop3A_542 : vector<16xf32>
      %parallel_loop3A_544 = arith.constant 13 : i32
      %parallel_loop3A_545 = vector.broadcast %parallel_loop3A_544 : i32 to vector<16xi32>
      %parallel_loop3A_546 = arith.addi %parallel_loop3A_470, %parallel_loop3A_545 : vector<16xi32>
      %parallel_loop3A_547 = tpu.vector_load_idx %arg20[%parallel_loop3A_546] : memref<1088xf32, #tpu.memory_space<vmem>>[vector<16xi32>], vector<16xf32>,
      %parallel_loop3A_548 = arith.addf %parallel_loop3A_528, %parallel_loop3A_547 : vector<16xf32>
      %parallel_loop3A_549 = arith.constant 14 : i32
      %parallel_loop3A_550 = vector.broadcast %parallel_loop3A_549 : i32 to vector<16xi32>
      %parallel_loop3A_551 = arith.addi %parallel_loop3A_470, %parallel_loop3A_550 : vector<16xi32>
      %parallel_loop3A_552 = tpu.vector_load_idx %arg20[%parallel_loop3A_551] : memref<1088xf32, #tpu.memory_space<vmem>>[vector<16xi32>], vector<16xf32>,
      %parallel_loop3A_553 = arith.addf %parallel_loop3A_533, %parallel_loop3A_552 : vector<16xf32>
      %parallel_loop3A_554 = arith.constant 15 : i32
      %parallel_loop3A_555 = vector.broadcast %parallel_loop3A_554 : i32 to vector<16xi32>
      %parallel_loop3A_556 = arith.addi %parallel_loop3A_470, %parallel_loop3A_555 : vector<16xi32>
      %parallel_loop3A_557 = tpu.vector_load_idx %arg20[%parallel_loop3A_556] : memref<1088xf32, #tpu.memory_space<vmem>>[vector<16xi32>], vector<16xf32>,
      %parallel_loop3A_558 = arith.addf %parallel_loop3A_538, %parallel_loop3A_557 : vector<16xf32>
      %parallel_loop3A_559 = arith.addf %parallel_loop3A_543, %parallel_loop3A_548 : vector<16xf32>
      %parallel_loop3A_560 = arith.addf %parallel_loop3A_553, %parallel_loop3A_558 : vector<16xf32>
      %parallel_loop3A_561 = arith.addf %parallel_loop3A_559, %parallel_loop3A_560 : vector<16xf32>
      %parallel_loop3A_562 = arith.constant 0.000000e+00 : f32
      %parallel_loop3A_563 = vector.broadcast %parallel_loop3A_562 : f32 to vector<16xf32>
      %parallel_loop3A_564 = arith.subf %parallel_loop3A_563, %parallel_loop3A_561 : vector<16xf32>
      %parallel_loop3A_565 = math.exp %parallel_loop3A_564 : vector<16xf32>
      %parallel_loop3A_566 = arith.constant 1.000000e+00 : f32
      %parallel_loop3A_567 = vector.broadcast %parallel_loop3A_566 : f32 to vector<16xf32>
      %parallel_loop3A_568 = arith.addf %parallel_loop3A_567, %parallel_loop3A_565 : vector<16xf32>
      %parallel_loop3A_569 = arith.constant 1.000000e+00 : f32
      %parallel_loop3A_570 = vector.broadcast %parallel_loop3A_569 : f32 to vector<16xf32>
      %parallel_loop3A_571 = arith.divf %parallel_loop3A_570, %parallel_loop3A_568 : vector<16xf32>
      %parallel_loop3A_572 = arith.constant 16 : i32
      %parallel_loop3A_573 = arith.muli %parallel_loop3A_463, %parallel_loop3A_572 : i32
      %parallel_loop3A_574 = arith.constant 64 : i32
      %parallel_loop3A_575 = arith.addi %parallel_loop3A_574, %parallel_loop3A_573 : i32
      %parallel_loop3A_576 = arith.index_cast %parallel_loop3A_575 : i32 to index
      %parallel_loop3A_577 = tpu.vector_load %arg21[%parallel_loop3A_576] {strides = array<i32>} : memref<512xf32, #tpu.memory_space<vmem>>, vector<16xf32>,
      tpu.vector_store %arg21[%parallel_loop3A_576], %parallel_loop3A_571 {strides = array<i32>} : memref<512xf32, #tpu.memory_space<vmem>>, vector<16xf32>,
    } {sc.loop_unroll_factor = 2 : i64, sc.parallel_access}
    %dma_start3A_277 = arith.constant 256 : i32
    %dma_start3A_278 = tpu.memref_slice %arg8[%dma_start3A_277] : memref<512xi32, #tpu.memory_space<vmem>> -> memref<64xi32, #tpu.memory_space<vmem>>
    %dma_start3A_279 = arith.constant 0 : i32
    %dma_start3A_280 = arith.constant 0 : i32
    %dma_start3A_281 = tpu.memref_slice %arg5[%dma_start3A_279, %dma_start3A_280] : memref<100000x128xf32, #tpu.memory_space<hbm>> -> memref<100000x128xf32, #tpu.memory_space<hbm>>
    tpu.enqueue_indirect_dma source(%dma_start3A_281 : memref<100000x128xf32, #tpu.memory_space<hbm>>) target(%arg14 : memref<64x128xf32, #tpu.memory_space<vmem>>) offsets(%dma_start3A_278 : memref<64xi32, #tpu.memory_space<vmem>>) semaphore(%arg23 : memref<!tpu.dma_semaphore, #tpu.memory_space<semaphore_mem>>)
    %dma_start3A_282 = arith.constant 256 : i32
    %dma_start3A_283 = tpu.memref_slice %arg9[%dma_start3A_282] : memref<512xi32, #tpu.memory_space<vmem>> -> memref<64xi32, #tpu.memory_space<vmem>>
    %dma_start3A_284 = arith.constant 0 : i32
    %dma_start3A_285 = arith.constant 0 : i32
    %dma_start3A_286 = tpu.memref_slice %arg6[%dma_start3A_284, %dma_start3A_285] : memref<8000x128xf32, #tpu.memory_space<hbm>> -> memref<8000x128xf32, #tpu.memory_space<hbm>>
    tpu.enqueue_indirect_dma source(%dma_start3A_286 : memref<8000x128xf32, #tpu.memory_space<hbm>>) target(%arg15 : memref<64x128xf32, #tpu.memory_space<vmem>>) offsets(%dma_start3A_283 : memref<64xi32, #tpu.memory_space<vmem>>) semaphore(%arg23 : memref<!tpu.dma_semaphore, #tpu.memory_space<semaphore_mem>>)
    %dma_start3A_287 = arith.constant 256 : i32
    %dma_start3A_288 = tpu.memref_slice %arg10[%dma_start3A_287] : memref<512xi32, #tpu.memory_space<vmem>> -> memref<64xi32, #tpu.memory_space<vmem>>
    %dma_start3A_289 = arith.constant 0 : i32
    %dma_start3A_290 = arith.constant 0 : i32
    %dma_start3A_291 = tpu.memref_slice %arg5[%dma_start3A_289, %dma_start3A_290] : memref<100000x128xf32, #tpu.memory_space<hbm>> -> memref<100000x128xf32, #tpu.memory_space<hbm>>
    tpu.enqueue_indirect_dma source(%dma_start3A_291 : memref<100000x128xf32, #tpu.memory_space<hbm>>) target(%arg16 : memref<64x128xf32, #tpu.memory_space<vmem>>) offsets(%dma_start3A_288 : memref<64xi32, #tpu.memory_space<vmem>>) semaphore(%arg23 : memref<!tpu.dma_semaphore, #tpu.memory_space<semaphore_mem>>)
    %dma_wait3A_292 = arith.constant 128 : i32
    %dma_wait3A_293 = tpu.memref_slice %arg8[%dma_wait3A_292] : memref<512xi32, #tpu.memory_space<vmem>> -> memref<64xi32, #tpu.memory_space<vmem>>
    %dma_wait3A_294 = arith.constant 0 : i32
    %dma_wait3A_295 = arith.constant 0 : i32
    %dma_wait3A_296 = tpu.memref_slice %arg5[%dma_wait3A_294, %dma_wait3A_295] : memref<100000x128xf32, #tpu.memory_space<hbm>> -> memref<100000x128xf32, #tpu.memory_space<hbm>>
    tpu.wait_indirect_dma semaphore(%arg24 : memref<!tpu.dma_semaphore, #tpu.memory_space<semaphore_mem>>) src(%dma_wait3A_296 : memref<100000x128xf32, #tpu.memory_space<hbm>>) dst(%arg17 : memref<64x128xf32, #tpu.memory_space<vmem>>)
    %dma_wait3A_297 = arith.constant 128 : i32
    %dma_wait3A_298 = tpu.memref_slice %arg9[%dma_wait3A_297] : memref<512xi32, #tpu.memory_space<vmem>> -> memref<64xi32, #tpu.memory_space<vmem>>
    %dma_wait3A_299 = arith.constant 0 : i32
    %dma_wait3A_300 = arith.constant 0 : i32
    %dma_wait3A_301 = tpu.memref_slice %arg6[%dma_wait3A_299, %dma_wait3A_300] : memref<8000x128xf32, #tpu.memory_space<hbm>> -> memref<8000x128xf32, #tpu.memory_space<hbm>>
    tpu.wait_indirect_dma semaphore(%arg24 : memref<!tpu.dma_semaphore, #tpu.memory_space<semaphore_mem>>) src(%dma_wait3A_301 : memref<8000x128xf32, #tpu.memory_space<hbm>>) dst(%arg18 : memref<64x128xf32, #tpu.memory_space<vmem>>)
    %dma_wait3A_302 = arith.constant 128 : i32
    %dma_wait3A_303 = tpu.memref_slice %arg10[%dma_wait3A_302] : memref<512xi32, #tpu.memory_space<vmem>> -> memref<64xi32, #tpu.memory_space<vmem>>
    %dma_wait3A_304 = arith.constant 0 : i32
    %dma_wait3A_305 = arith.constant 0 : i32
    %dma_wait3A_306 = tpu.memref_slice %arg5[%dma_wait3A_304, %dma_wait3A_305] : memref<100000x128xf32, #tpu.memory_space<hbm>> -> memref<100000x128xf32, #tpu.memory_space<hbm>>
    tpu.wait_indirect_dma semaphore(%arg24 : memref<!tpu.dma_semaphore, #tpu.memory_space<semaphore_mem>>) src(%dma_wait3A_306 : memref<100000x128xf32, #tpu.memory_space<hbm>>) dst(%arg19 : memref<64x128xf32, #tpu.memory_space<vmem>>)
    %parallel_loop3A_307 = arith.constant 0 : i32
    %parallel_loop3A_308 = arith.constant 64 : i32
    %parallel_loop3A_309 = arith.constant 1 : i32
    scf.for %parallel_loop3A_463 = %parallel_loop3A_307 to %parallel_loop3A_308 step %parallel_loop3A_309  : i32 {
      %parallel_loop3A_464 = arith.index_cast %parallel_loop3A_463 : i32 to index
      %parallel_loop3A_465 = arith.constant 0 : index
      %parallel_loop3A_466 = tpu.vector_load %arg17[%parallel_loop3A_464, %parallel_loop3A_465] {strides = array<i32>} : memref<64x128xf32, #tpu.memory_space<vmem>>, vector<16xf32>,
      %parallel_loop3A_467 = arith.index_cast %parallel_loop3A_463 : i32 to index
      %parallel_loop3A_468 = arith.constant 0 : index
      %parallel_loop3A_469 = tpu.vector_load %arg18[%parallel_loop3A_467, %parallel_loop3A_468] {strides = array<i32>} : memref<64x128xf32, #tpu.memory_space<vmem>>, vector<16xf32>,
      %parallel_loop3A_470 = arith.mulf %parallel_loop3A_466, %parallel_loop3A_469 : vector<16xf32>
      %parallel_loop3A_471 = arith.index_cast %parallel_loop3A_463 : i32 to index
      %parallel_loop3A_472 = arith.constant 0 : index
      %parallel_loop3A_473 = tpu.vector_load %arg19[%parallel_loop3A_471, %parallel_loop3A_472] {strides = array<i32>} : memref<64x128xf32, #tpu.memory_space<vmem>>, vector<16xf32>,
      %parallel_loop3A_474 = arith.mulf %parallel_loop3A_470, %parallel_loop3A_473 : vector<16xf32>
      %parallel_loop3A_475 = arith.index_cast %parallel_loop3A_463 : i32 to index
      %parallel_loop3A_476 = arith.constant 16 : index
      %parallel_loop3A_477 = tpu.vector_load %arg17[%parallel_loop3A_475, %parallel_loop3A_476] {strides = array<i32>} : memref<64x128xf32, #tpu.memory_space<vmem>>, vector<16xf32>,
      %parallel_loop3A_478 = arith.index_cast %parallel_loop3A_463 : i32 to index
      %parallel_loop3A_479 = arith.constant 16 : index
      %parallel_loop3A_480 = tpu.vector_load %arg18[%parallel_loop3A_478, %parallel_loop3A_479] {strides = array<i32>} : memref<64x128xf32, #tpu.memory_space<vmem>>, vector<16xf32>,
      %parallel_loop3A_481 = arith.mulf %parallel_loop3A_477, %parallel_loop3A_480 : vector<16xf32>
      %parallel_loop3A_482 = arith.index_cast %parallel_loop3A_463 : i32 to index
      %parallel_loop3A_483 = arith.constant 16 : index
      %parallel_loop3A_484 = tpu.vector_load %arg19[%parallel_loop3A_482, %parallel_loop3A_483] {strides = array<i32>} : memref<64x128xf32, #tpu.memory_space<vmem>>, vector<16xf32>,
      %parallel_loop3A_485 = arith.mulf %parallel_loop3A_481, %parallel_loop3A_484 : vector<16xf32>
      %parallel_loop3A_486 = arith.index_cast %parallel_loop3A_463 : i32 to index
      %parallel_loop3A_487 = arith.constant 32 : index
      %parallel_loop3A_488 = tpu.vector_load %arg17[%parallel_loop3A_486, %parallel_loop3A_487] {strides = array<i32>} : memref<64x128xf32, #tpu.memory_space<vmem>>, vector<16xf32>,
      %parallel_loop3A_489 = arith.index_cast %parallel_loop3A_463 : i32 to index
      %parallel_loop3A_490 = arith.constant 32 : index
      %parallel_loop3A_491 = tpu.vector_load %arg18[%parallel_loop3A_489, %parallel_loop3A_490] {strides = array<i32>} : memref<64x128xf32, #tpu.memory_space<vmem>>, vector<16xf32>,
      %parallel_loop3A_492 = arith.mulf %parallel_loop3A_488, %parallel_loop3A_491 : vector<16xf32>
      %parallel_loop3A_493 = arith.index_cast %parallel_loop3A_463 : i32 to index
      %parallel_loop3A_494 = arith.constant 32 : index
      %parallel_loop3A_495 = tpu.vector_load %arg19[%parallel_loop3A_493, %parallel_loop3A_494] {strides = array<i32>} : memref<64x128xf32, #tpu.memory_space<vmem>>, vector<16xf32>,
      %parallel_loop3A_496 = arith.mulf %parallel_loop3A_492, %parallel_loop3A_495 : vector<16xf32>
      %parallel_loop3A_497 = arith.index_cast %parallel_loop3A_463 : i32 to index
      %parallel_loop3A_498 = arith.constant 48 : index
      %parallel_loop3A_499 = tpu.vector_load %arg17[%parallel_loop3A_497, %parallel_loop3A_498] {strides = array<i32>} : memref<64x128xf32, #tpu.memory_space<vmem>>, vector<16xf32>,
      %parallel_loop3A_500 = arith.index_cast %parallel_loop3A_463 : i32 to index
      %parallel_loop3A_501 = arith.constant 48 : index
      %parallel_loop3A_502 = tpu.vector_load %arg18[%parallel_loop3A_500, %parallel_loop3A_501] {strides = array<i32>} : memref<64x128xf32, #tpu.memory_space<vmem>>, vector<16xf32>,
      %parallel_loop3A_503 = arith.mulf %parallel_loop3A_499, %parallel_loop3A_502 : vector<16xf32>
      %parallel_loop3A_504 = arith.index_cast %parallel_loop3A_463 : i32 to index
      %parallel_loop3A_505 = arith.constant 48 : index
      %parallel_loop3A_506 = tpu.vector_load %arg19[%parallel_loop3A_504, %parallel_loop3A_505] {strides = array<i32>} : memref<64x128xf32, #tpu.memory_space<vmem>>, vector<16xf32>,
      %parallel_loop3A_507 = arith.mulf %parallel_loop3A_503, %parallel_loop3A_506 : vector<16xf32>
      %parallel_loop3A_508 = arith.index_cast %parallel_loop3A_463 : i32 to index
      %parallel_loop3A_509 = arith.constant 64 : index
      %parallel_loop3A_510 = tpu.vector_load %arg17[%parallel_loop3A_508, %parallel_loop3A_509] {strides = array<i32>} : memref<64x128xf32, #tpu.memory_space<vmem>>, vector<16xf32>,
      %parallel_loop3A_511 = arith.index_cast %parallel_loop3A_463 : i32 to index
      %parallel_loop3A_512 = arith.constant 64 : index
      %parallel_loop3A_513 = tpu.vector_load %arg18[%parallel_loop3A_511, %parallel_loop3A_512] {strides = array<i32>} : memref<64x128xf32, #tpu.memory_space<vmem>>, vector<16xf32>,
      %parallel_loop3A_514 = arith.mulf %parallel_loop3A_510, %parallel_loop3A_513 : vector<16xf32>
      %parallel_loop3A_515 = arith.index_cast %parallel_loop3A_463 : i32 to index
      %parallel_loop3A_516 = arith.constant 64 : index
      %parallel_loop3A_517 = tpu.vector_load %arg19[%parallel_loop3A_515, %parallel_loop3A_516] {strides = array<i32>} : memref<64x128xf32, #tpu.memory_space<vmem>>, vector<16xf32>,
      %parallel_loop3A_518 = arith.mulf %parallel_loop3A_514, %parallel_loop3A_517 : vector<16xf32>
      %parallel_loop3A_519 = arith.index_cast %parallel_loop3A_463 : i32 to index
      %parallel_loop3A_520 = arith.constant 80 : index
      %parallel_loop3A_521 = tpu.vector_load %arg17[%parallel_loop3A_519, %parallel_loop3A_520] {strides = array<i32>} : memref<64x128xf32, #tpu.memory_space<vmem>>, vector<16xf32>,
      %parallel_loop3A_522 = arith.index_cast %parallel_loop3A_463 : i32 to index
      %parallel_loop3A_523 = arith.constant 80 : index
      %parallel_loop3A_524 = tpu.vector_load %arg18[%parallel_loop3A_522, %parallel_loop3A_523] {strides = array<i32>} : memref<64x128xf32, #tpu.memory_space<vmem>>, vector<16xf32>,
      %parallel_loop3A_525 = arith.mulf %parallel_loop3A_521, %parallel_loop3A_524 : vector<16xf32>
      %parallel_loop3A_526 = arith.index_cast %parallel_loop3A_463 : i32 to index
      %parallel_loop3A_527 = arith.constant 80 : index
      %parallel_loop3A_528 = tpu.vector_load %arg19[%parallel_loop3A_526, %parallel_loop3A_527] {strides = array<i32>} : memref<64x128xf32, #tpu.memory_space<vmem>>, vector<16xf32>,
      %parallel_loop3A_529 = arith.mulf %parallel_loop3A_525, %parallel_loop3A_528 : vector<16xf32>
      %parallel_loop3A_530 = arith.index_cast %parallel_loop3A_463 : i32 to index
      %parallel_loop3A_531 = arith.constant 96 : index
      %parallel_loop3A_532 = tpu.vector_load %arg17[%parallel_loop3A_530, %parallel_loop3A_531] {strides = array<i32>} : memref<64x128xf32, #tpu.memory_space<vmem>>, vector<16xf32>,
      %parallel_loop3A_533 = arith.index_cast %parallel_loop3A_463 : i32 to index
      %parallel_loop3A_534 = arith.constant 96 : index
      %parallel_loop3A_535 = tpu.vector_load %arg18[%parallel_loop3A_533, %parallel_loop3A_534] {strides = array<i32>} : memref<64x128xf32, #tpu.memory_space<vmem>>, vector<16xf32>,
      %parallel_loop3A_536 = arith.mulf %parallel_loop3A_532, %parallel_loop3A_535 : vector<16xf32>
      %parallel_loop3A_537 = arith.index_cast %parallel_loop3A_463 : i32 to index
      %parallel_loop3A_538 = arith.constant 96 : index
      %parallel_loop3A_539 = tpu.vector_load %arg19[%parallel_loop3A_537, %parallel_loop3A_538] {strides = array<i32>} : memref<64x128xf32, #tpu.memory_space<vmem>>, vector<16xf32>,
      %parallel_loop3A_540 = arith.mulf %parallel_loop3A_536, %parallel_loop3A_539 : vector<16xf32>
      %parallel_loop3A_541 = arith.index_cast %parallel_loop3A_463 : i32 to index
      %parallel_loop3A_542 = arith.constant 112 : index
      %parallel_loop3A_543 = tpu.vector_load %arg17[%parallel_loop3A_541, %parallel_loop3A_542] {strides = array<i32>} : memref<64x128xf32, #tpu.memory_space<vmem>>, vector<16xf32>,
      %parallel_loop3A_544 = arith.index_cast %parallel_loop3A_463 : i32 to index
      %parallel_loop3A_545 = arith.constant 112 : index
      %parallel_loop3A_546 = tpu.vector_load %arg18[%parallel_loop3A_544, %parallel_loop3A_545] {strides = array<i32>} : memref<64x128xf32, #tpu.memory_space<vmem>>, vector<16xf32>,
      %parallel_loop3A_547 = arith.mulf %parallel_loop3A_543, %parallel_loop3A_546 : vector<16xf32>
      %parallel_loop3A_548 = arith.index_cast %parallel_loop3A_463 : i32 to index
      %parallel_loop3A_549 = arith.constant 112 : index
      %parallel_loop3A_550 = tpu.vector_load %arg19[%parallel_loop3A_548, %parallel_loop3A_549] {strides = array<i32>} : memref<64x128xf32, #tpu.memory_space<vmem>>, vector<16xf32>,
      %parallel_loop3A_551 = arith.mulf %parallel_loop3A_547, %parallel_loop3A_550 : vector<16xf32>
      %parallel_loop3A_552 = arith.addf %parallel_loop3A_474, %parallel_loop3A_485 : vector<16xf32>
      %parallel_loop3A_553 = arith.addf %parallel_loop3A_496, %parallel_loop3A_507 : vector<16xf32>
      %parallel_loop3A_554 = arith.addf %parallel_loop3A_552, %parallel_loop3A_553 : vector<16xf32>
      %parallel_loop3A_555 = arith.addf %parallel_loop3A_518, %parallel_loop3A_529 : vector<16xf32>
      %parallel_loop3A_556 = arith.addf %parallel_loop3A_540, %parallel_loop3A_551 : vector<16xf32>
      %parallel_loop3A_557 = arith.addf %parallel_loop3A_555, %parallel_loop3A_556 : vector<16xf32>
      %parallel_loop3A_558 = arith.addf %parallel_loop3A_554, %parallel_loop3A_557 : vector<16xf32>
      %parallel_loop3A_559 = arith.constant 17 : i32
      %parallel_loop3A_560 = arith.muli %parallel_loop3A_463, %parallel_loop3A_559 : i32
      %parallel_loop3A_561 = arith.index_cast %parallel_loop3A_560 : i32 to index
      %parallel_loop3A_562 = tpu.vector_load %arg20[%parallel_loop3A_561] {strides = array<i32>} : memref<1088xf32, #tpu.memory_space<vmem>>, vector<16xf32>,
      tpu.vector_store %arg20[%parallel_loop3A_561], %parallel_loop3A_558 {strides = array<i32>} : memref<1088xf32, #tpu.memory_space<vmem>>, vector<16xf32>,
    } {sc.loop_unroll_factor = 4 : i64, sc.parallel_access}
    %parallel_loop3A_310 = arith.constant 0 : i32
    %parallel_loop3A_311 = arith.constant 4 : i32
    %parallel_loop3A_312 = arith.constant 1 : i32
    scf.for %parallel_loop3A_463 = %parallel_loop3A_310 to %parallel_loop3A_311 step %parallel_loop3A_312  : i32 {
      %parallel_loop3A_464 = arith.constant 16 : i32
      %parallel_loop3A_465 = arith.muli %parallel_loop3A_463, %parallel_loop3A_464 : i32
      %parallel_loop3A_466 = vector.broadcast %parallel_loop3A_465 : i32 to vector<16xi32>
      %parallel_loop3A_467 = arith.addi %parallel_loop3A_466, %iota3A : vector<16xi32>
      %parallel_loop3A_468 = arith.constant 17 : i32
      %parallel_loop3A_469 = vector.broadcast %parallel_loop3A_468 : i32 to vector<16xi32>
      %parallel_loop3A_470 = arith.muli %parallel_loop3A_467, %parallel_loop3A_469 : vector<16xi32>
      %parallel_loop3A_471 = arith.constant 0.000000e+00 : f32
      %parallel_loop3A_472 = vector.broadcast %parallel_loop3A_471 : f32 to vector<16xf32>
      %parallel_loop3A_473 = arith.constant 0.000000e+00 : f32
      %parallel_loop3A_474 = vector.broadcast %parallel_loop3A_473 : f32 to vector<16xf32>
      %parallel_loop3A_475 = arith.constant 0.000000e+00 : f32
      %parallel_loop3A_476 = vector.broadcast %parallel_loop3A_475 : f32 to vector<16xf32>
      %parallel_loop3A_477 = arith.constant 0.000000e+00 : f32
      %parallel_loop3A_478 = vector.broadcast %parallel_loop3A_477 : f32 to vector<16xf32>
      %parallel_loop3A_479 = arith.constant 0 : i32
      %parallel_loop3A_480 = vector.broadcast %parallel_loop3A_479 : i32 to vector<16xi32>
      %parallel_loop3A_481 = arith.addi %parallel_loop3A_470, %parallel_loop3A_480 : vector<16xi32>
      %parallel_loop3A_482 = tpu.vector_load_idx %arg20[%parallel_loop3A_481] : memref<1088xf32, #tpu.memory_space<vmem>>[vector<16xi32>], vector<16xf32>,
      %parallel_loop3A_483 = arith.addf %parallel_loop3A_472, %parallel_loop3A_482 : vector<16xf32>
      %parallel_loop3A_484 = arith.constant 1 : i32
      %parallel_loop3A_485 = vector.broadcast %parallel_loop3A_484 : i32 to vector<16xi32>
      %parallel_loop3A_486 = arith.addi %parallel_loop3A_470, %parallel_loop3A_485 : vector<16xi32>
      %parallel_loop3A_487 = tpu.vector_load_idx %arg20[%parallel_loop3A_486] : memref<1088xf32, #tpu.memory_space<vmem>>[vector<16xi32>], vector<16xf32>,
      %parallel_loop3A_488 = arith.addf %parallel_loop3A_474, %parallel_loop3A_487 : vector<16xf32>
      %parallel_loop3A_489 = arith.constant 2 : i32
      %parallel_loop3A_490 = vector.broadcast %parallel_loop3A_489 : i32 to vector<16xi32>
      %parallel_loop3A_491 = arith.addi %parallel_loop3A_470, %parallel_loop3A_490 : vector<16xi32>
      %parallel_loop3A_492 = tpu.vector_load_idx %arg20[%parallel_loop3A_491] : memref<1088xf32, #tpu.memory_space<vmem>>[vector<16xi32>], vector<16xf32>,
      %parallel_loop3A_493 = arith.addf %parallel_loop3A_476, %parallel_loop3A_492 : vector<16xf32>
      %parallel_loop3A_494 = arith.constant 3 : i32
      %parallel_loop3A_495 = vector.broadcast %parallel_loop3A_494 : i32 to vector<16xi32>
      %parallel_loop3A_496 = arith.addi %parallel_loop3A_470, %parallel_loop3A_495 : vector<16xi32>
      %parallel_loop3A_497 = tpu.vector_load_idx %arg20[%parallel_loop3A_496] : memref<1088xf32, #tpu.memory_space<vmem>>[vector<16xi32>], vector<16xf32>,
      %parallel_loop3A_498 = arith.addf %parallel_loop3A_478, %parallel_loop3A_497 : vector<16xf32>
      %parallel_loop3A_499 = arith.constant 4 : i32
      %parallel_loop3A_500 = vector.broadcast %parallel_loop3A_499 : i32 to vector<16xi32>
      %parallel_loop3A_501 = arith.addi %parallel_loop3A_470, %parallel_loop3A_500 : vector<16xi32>
      %parallel_loop3A_502 = tpu.vector_load_idx %arg20[%parallel_loop3A_501] : memref<1088xf32, #tpu.memory_space<vmem>>[vector<16xi32>], vector<16xf32>,
      %parallel_loop3A_503 = arith.addf %parallel_loop3A_483, %parallel_loop3A_502 : vector<16xf32>
      %parallel_loop3A_504 = arith.constant 5 : i32
      %parallel_loop3A_505 = vector.broadcast %parallel_loop3A_504 : i32 to vector<16xi32>
      %parallel_loop3A_506 = arith.addi %parallel_loop3A_470, %parallel_loop3A_505 : vector<16xi32>
      %parallel_loop3A_507 = tpu.vector_load_idx %arg20[%parallel_loop3A_506] : memref<1088xf32, #tpu.memory_space<vmem>>[vector<16xi32>], vector<16xf32>,
      %parallel_loop3A_508 = arith.addf %parallel_loop3A_488, %parallel_loop3A_507 : vector<16xf32>
      %parallel_loop3A_509 = arith.constant 6 : i32
      %parallel_loop3A_510 = vector.broadcast %parallel_loop3A_509 : i32 to vector<16xi32>
      %parallel_loop3A_511 = arith.addi %parallel_loop3A_470, %parallel_loop3A_510 : vector<16xi32>
      %parallel_loop3A_512 = tpu.vector_load_idx %arg20[%parallel_loop3A_511] : memref<1088xf32, #tpu.memory_space<vmem>>[vector<16xi32>], vector<16xf32>,
      %parallel_loop3A_513 = arith.addf %parallel_loop3A_493, %parallel_loop3A_512 : vector<16xf32>
      %parallel_loop3A_514 = arith.constant 7 : i32
      %parallel_loop3A_515 = vector.broadcast %parallel_loop3A_514 : i32 to vector<16xi32>
      %parallel_loop3A_516 = arith.addi %parallel_loop3A_470, %parallel_loop3A_515 : vector<16xi32>
      %parallel_loop3A_517 = tpu.vector_load_idx %arg20[%parallel_loop3A_516] : memref<1088xf32, #tpu.memory_space<vmem>>[vector<16xi32>], vector<16xf32>,
      %parallel_loop3A_518 = arith.addf %parallel_loop3A_498, %parallel_loop3A_517 : vector<16xf32>
      %parallel_loop3A_519 = arith.constant 8 : i32
      %parallel_loop3A_520 = vector.broadcast %parallel_loop3A_519 : i32 to vector<16xi32>
      %parallel_loop3A_521 = arith.addi %parallel_loop3A_470, %parallel_loop3A_520 : vector<16xi32>
      %parallel_loop3A_522 = tpu.vector_load_idx %arg20[%parallel_loop3A_521] : memref<1088xf32, #tpu.memory_space<vmem>>[vector<16xi32>], vector<16xf32>,
      %parallel_loop3A_523 = arith.addf %parallel_loop3A_503, %parallel_loop3A_522 : vector<16xf32>
      %parallel_loop3A_524 = arith.constant 9 : i32
      %parallel_loop3A_525 = vector.broadcast %parallel_loop3A_524 : i32 to vector<16xi32>
      %parallel_loop3A_526 = arith.addi %parallel_loop3A_470, %parallel_loop3A_525 : vector<16xi32>
      %parallel_loop3A_527 = tpu.vector_load_idx %arg20[%parallel_loop3A_526] : memref<1088xf32, #tpu.memory_space<vmem>>[vector<16xi32>], vector<16xf32>,
      %parallel_loop3A_528 = arith.addf %parallel_loop3A_508, %parallel_loop3A_527 : vector<16xf32>
      %parallel_loop3A_529 = arith.constant 10 : i32
      %parallel_loop3A_530 = vector.broadcast %parallel_loop3A_529 : i32 to vector<16xi32>
      %parallel_loop3A_531 = arith.addi %parallel_loop3A_470, %parallel_loop3A_530 : vector<16xi32>
      %parallel_loop3A_532 = tpu.vector_load_idx %arg20[%parallel_loop3A_531] : memref<1088xf32, #tpu.memory_space<vmem>>[vector<16xi32>], vector<16xf32>,
      %parallel_loop3A_533 = arith.addf %parallel_loop3A_513, %parallel_loop3A_532 : vector<16xf32>
      %parallel_loop3A_534 = arith.constant 11 : i32
      %parallel_loop3A_535 = vector.broadcast %parallel_loop3A_534 : i32 to vector<16xi32>
      %parallel_loop3A_536 = arith.addi %parallel_loop3A_470, %parallel_loop3A_535 : vector<16xi32>
      %parallel_loop3A_537 = tpu.vector_load_idx %arg20[%parallel_loop3A_536] : memref<1088xf32, #tpu.memory_space<vmem>>[vector<16xi32>], vector<16xf32>,
      %parallel_loop3A_538 = arith.addf %parallel_loop3A_518, %parallel_loop3A_537 : vector<16xf32>
      %parallel_loop3A_539 = arith.constant 12 : i32
      %parallel_loop3A_540 = vector.broadcast %parallel_loop3A_539 : i32 to vector<16xi32>
      %parallel_loop3A_541 = arith.addi %parallel_loop3A_470, %parallel_loop3A_540 : vector<16xi32>
      %parallel_loop3A_542 = tpu.vector_load_idx %arg20[%parallel_loop3A_541] : memref<1088xf32, #tpu.memory_space<vmem>>[vector<16xi32>], vector<16xf32>,
      %parallel_loop3A_543 = arith.addf %parallel_loop3A_523, %parallel_loop3A_542 : vector<16xf32>
      %parallel_loop3A_544 = arith.constant 13 : i32
      %parallel_loop3A_545 = vector.broadcast %parallel_loop3A_544 : i32 to vector<16xi32>
      %parallel_loop3A_546 = arith.addi %parallel_loop3A_470, %parallel_loop3A_545 : vector<16xi32>
      %parallel_loop3A_547 = tpu.vector_load_idx %arg20[%parallel_loop3A_546] : memref<1088xf32, #tpu.memory_space<vmem>>[vector<16xi32>], vector<16xf32>,
      %parallel_loop3A_548 = arith.addf %parallel_loop3A_528, %parallel_loop3A_547 : vector<16xf32>
      %parallel_loop3A_549 = arith.constant 14 : i32
      %parallel_loop3A_550 = vector.broadcast %parallel_loop3A_549 : i32 to vector<16xi32>
      %parallel_loop3A_551 = arith.addi %parallel_loop3A_470, %parallel_loop3A_550 : vector<16xi32>
      %parallel_loop3A_552 = tpu.vector_load_idx %arg20[%parallel_loop3A_551] : memref<1088xf32, #tpu.memory_space<vmem>>[vector<16xi32>], vector<16xf32>,
      %parallel_loop3A_553 = arith.addf %parallel_loop3A_533, %parallel_loop3A_552 : vector<16xf32>
      %parallel_loop3A_554 = arith.constant 15 : i32
      %parallel_loop3A_555 = vector.broadcast %parallel_loop3A_554 : i32 to vector<16xi32>
      %parallel_loop3A_556 = arith.addi %parallel_loop3A_470, %parallel_loop3A_555 : vector<16xi32>
      %parallel_loop3A_557 = tpu.vector_load_idx %arg20[%parallel_loop3A_556] : memref<1088xf32, #tpu.memory_space<vmem>>[vector<16xi32>], vector<16xf32>,
      %parallel_loop3A_558 = arith.addf %parallel_loop3A_538, %parallel_loop3A_557 : vector<16xf32>
      %parallel_loop3A_559 = arith.addf %parallel_loop3A_543, %parallel_loop3A_548 : vector<16xf32>
      %parallel_loop3A_560 = arith.addf %parallel_loop3A_553, %parallel_loop3A_558 : vector<16xf32>
      %parallel_loop3A_561 = arith.addf %parallel_loop3A_559, %parallel_loop3A_560 : vector<16xf32>
      %parallel_loop3A_562 = arith.constant 0.000000e+00 : f32
      %parallel_loop3A_563 = vector.broadcast %parallel_loop3A_562 : f32 to vector<16xf32>
      %parallel_loop3A_564 = arith.subf %parallel_loop3A_563, %parallel_loop3A_561 : vector<16xf32>
      %parallel_loop3A_565 = math.exp %parallel_loop3A_564 : vector<16xf32>
      %parallel_loop3A_566 = arith.constant 1.000000e+00 : f32
      %parallel_loop3A_567 = vector.broadcast %parallel_loop3A_566 : f32 to vector<16xf32>
      %parallel_loop3A_568 = arith.addf %parallel_loop3A_567, %parallel_loop3A_565 : vector<16xf32>
      %parallel_loop3A_569 = arith.constant 1.000000e+00 : f32
      %parallel_loop3A_570 = vector.broadcast %parallel_loop3A_569 : f32 to vector<16xf32>
      %parallel_loop3A_571 = arith.divf %parallel_loop3A_570, %parallel_loop3A_568 : vector<16xf32>
      %parallel_loop3A_572 = arith.constant 16 : i32
      %parallel_loop3A_573 = arith.muli %parallel_loop3A_463, %parallel_loop3A_572 : i32
      %parallel_loop3A_574 = arith.constant 128 : i32
      %parallel_loop3A_575 = arith.addi %parallel_loop3A_574, %parallel_loop3A_573 : i32
      %parallel_loop3A_576 = arith.index_cast %parallel_loop3A_575 : i32 to index
      %parallel_loop3A_577 = tpu.vector_load %arg21[%parallel_loop3A_576] {strides = array<i32>} : memref<512xf32, #tpu.memory_space<vmem>>, vector<16xf32>,
      tpu.vector_store %arg21[%parallel_loop3A_576], %parallel_loop3A_571 {strides = array<i32>} : memref<512xf32, #tpu.memory_space<vmem>>, vector<16xf32>,
    } {sc.loop_unroll_factor = 2 : i64, sc.parallel_access}
    %dma_start3A_313 = arith.constant 320 : i32
    %dma_start3A_314 = tpu.memref_slice %arg8[%dma_start3A_313] : memref<512xi32, #tpu.memory_space<vmem>> -> memref<64xi32, #tpu.memory_space<vmem>>
    %dma_start3A_315 = arith.constant 0 : i32
    %dma_start3A_316 = arith.constant 0 : i32
    %dma_start3A_317 = tpu.memref_slice %arg5[%dma_start3A_315, %dma_start3A_316] : memref<100000x128xf32, #tpu.memory_space<hbm>> -> memref<100000x128xf32, #tpu.memory_space<hbm>>
    tpu.enqueue_indirect_dma source(%dma_start3A_317 : memref<100000x128xf32, #tpu.memory_space<hbm>>) target(%arg17 : memref<64x128xf32, #tpu.memory_space<vmem>>) offsets(%dma_start3A_314 : memref<64xi32, #tpu.memory_space<vmem>>) semaphore(%arg24 : memref<!tpu.dma_semaphore, #tpu.memory_space<semaphore_mem>>)
    %dma_start3A_318 = arith.constant 320 : i32
    %dma_start3A_319 = tpu.memref_slice %arg9[%dma_start3A_318] : memref<512xi32, #tpu.memory_space<vmem>> -> memref<64xi32, #tpu.memory_space<vmem>>
    %dma_start3A_320 = arith.constant 0 : i32
    %dma_start3A_321 = arith.constant 0 : i32
    %dma_start3A_322 = tpu.memref_slice %arg6[%dma_start3A_320, %dma_start3A_321] : memref<8000x128xf32, #tpu.memory_space<hbm>> -> memref<8000x128xf32, #tpu.memory_space<hbm>>
    tpu.enqueue_indirect_dma source(%dma_start3A_322 : memref<8000x128xf32, #tpu.memory_space<hbm>>) target(%arg18 : memref<64x128xf32, #tpu.memory_space<vmem>>) offsets(%dma_start3A_319 : memref<64xi32, #tpu.memory_space<vmem>>) semaphore(%arg24 : memref<!tpu.dma_semaphore, #tpu.memory_space<semaphore_mem>>)
    %dma_start3A_323 = arith.constant 320 : i32
    %dma_start3A_324 = tpu.memref_slice %arg10[%dma_start3A_323] : memref<512xi32, #tpu.memory_space<vmem>> -> memref<64xi32, #tpu.memory_space<vmem>>
    %dma_start3A_325 = arith.constant 0 : i32
    %dma_start3A_326 = arith.constant 0 : i32
    %dma_start3A_327 = tpu.memref_slice %arg5[%dma_start3A_325, %dma_start3A_326] : memref<100000x128xf32, #tpu.memory_space<hbm>> -> memref<100000x128xf32, #tpu.memory_space<hbm>>
    tpu.enqueue_indirect_dma source(%dma_start3A_327 : memref<100000x128xf32, #tpu.memory_space<hbm>>) target(%arg19 : memref<64x128xf32, #tpu.memory_space<vmem>>) offsets(%dma_start3A_324 : memref<64xi32, #tpu.memory_space<vmem>>) semaphore(%arg24 : memref<!tpu.dma_semaphore, #tpu.memory_space<semaphore_mem>>)
    %dma_wait3A_328 = arith.constant 192 : i32
    %dma_wait3A_329 = tpu.memref_slice %arg8[%dma_wait3A_328] : memref<512xi32, #tpu.memory_space<vmem>> -> memref<64xi32, #tpu.memory_space<vmem>>
    %dma_wait3A_330 = arith.constant 0 : i32
    %dma_wait3A_331 = arith.constant 0 : i32
    %dma_wait3A_332 = tpu.memref_slice %arg5[%dma_wait3A_330, %dma_wait3A_331] : memref<100000x128xf32, #tpu.memory_space<hbm>> -> memref<100000x128xf32, #tpu.memory_space<hbm>>
    tpu.wait_indirect_dma semaphore(%arg22 : memref<!tpu.dma_semaphore, #tpu.memory_space<semaphore_mem>>) src(%dma_wait3A_332 : memref<100000x128xf32, #tpu.memory_space<hbm>>) dst(%arg11 : memref<64x128xf32, #tpu.memory_space<vmem>>)
    %dma_wait3A_333 = arith.constant 192 : i32
    %dma_wait3A_334 = tpu.memref_slice %arg9[%dma_wait3A_333] : memref<512xi32, #tpu.memory_space<vmem>> -> memref<64xi32, #tpu.memory_space<vmem>>
    %dma_wait3A_335 = arith.constant 0 : i32
    %dma_wait3A_336 = arith.constant 0 : i32
    %dma_wait3A_337 = tpu.memref_slice %arg6[%dma_wait3A_335, %dma_wait3A_336] : memref<8000x128xf32, #tpu.memory_space<hbm>> -> memref<8000x128xf32, #tpu.memory_space<hbm>>
    tpu.wait_indirect_dma semaphore(%arg22 : memref<!tpu.dma_semaphore, #tpu.memory_space<semaphore_mem>>) src(%dma_wait3A_337 : memref<8000x128xf32, #tpu.memory_space<hbm>>) dst(%arg12 : memref<64x128xf32, #tpu.memory_space<vmem>>)
    %dma_wait3A_338 = arith.constant 192 : i32
    %dma_wait3A_339 = tpu.memref_slice %arg10[%dma_wait3A_338] : memref<512xi32, #tpu.memory_space<vmem>> -> memref<64xi32, #tpu.memory_space<vmem>>
    %dma_wait3A_340 = arith.constant 0 : i32
    %dma_wait3A_341 = arith.constant 0 : i32
    %dma_wait3A_342 = tpu.memref_slice %arg5[%dma_wait3A_340, %dma_wait3A_341] : memref<100000x128xf32, #tpu.memory_space<hbm>> -> memref<100000x128xf32, #tpu.memory_space<hbm>>
    tpu.wait_indirect_dma semaphore(%arg22 : memref<!tpu.dma_semaphore, #tpu.memory_space<semaphore_mem>>) src(%dma_wait3A_342 : memref<100000x128xf32, #tpu.memory_space<hbm>>) dst(%arg13 : memref<64x128xf32, #tpu.memory_space<vmem>>)
    %parallel_loop3A_343 = arith.constant 0 : i32
    %parallel_loop3A_344 = arith.constant 64 : i32
    %parallel_loop3A_345 = arith.constant 1 : i32
    scf.for %parallel_loop3A_463 = %parallel_loop3A_343 to %parallel_loop3A_344 step %parallel_loop3A_345  : i32 {
      %parallel_loop3A_464 = arith.index_cast %parallel_loop3A_463 : i32 to index
      %parallel_loop3A_465 = arith.constant 0 : index
      %parallel_loop3A_466 = tpu.vector_load %arg11[%parallel_loop3A_464, %parallel_loop3A_465] {strides = array<i32>} : memref<64x128xf32, #tpu.memory_space<vmem>>, vector<16xf32>,
      %parallel_loop3A_467 = arith.index_cast %parallel_loop3A_463 : i32 to index
      %parallel_loop3A_468 = arith.constant 0 : index
      %parallel_loop3A_469 = tpu.vector_load %arg12[%parallel_loop3A_467, %parallel_loop3A_468] {strides = array<i32>} : memref<64x128xf32, #tpu.memory_space<vmem>>, vector<16xf32>,
      %parallel_loop3A_470 = arith.mulf %parallel_loop3A_466, %parallel_loop3A_469 : vector<16xf32>
      %parallel_loop3A_471 = arith.index_cast %parallel_loop3A_463 : i32 to index
      %parallel_loop3A_472 = arith.constant 0 : index
      %parallel_loop3A_473 = tpu.vector_load %arg13[%parallel_loop3A_471, %parallel_loop3A_472] {strides = array<i32>} : memref<64x128xf32, #tpu.memory_space<vmem>>, vector<16xf32>,
      %parallel_loop3A_474 = arith.mulf %parallel_loop3A_470, %parallel_loop3A_473 : vector<16xf32>
      %parallel_loop3A_475 = arith.index_cast %parallel_loop3A_463 : i32 to index
      %parallel_loop3A_476 = arith.constant 16 : index
      %parallel_loop3A_477 = tpu.vector_load %arg11[%parallel_loop3A_475, %parallel_loop3A_476] {strides = array<i32>} : memref<64x128xf32, #tpu.memory_space<vmem>>, vector<16xf32>,
      %parallel_loop3A_478 = arith.index_cast %parallel_loop3A_463 : i32 to index
      %parallel_loop3A_479 = arith.constant 16 : index
      %parallel_loop3A_480 = tpu.vector_load %arg12[%parallel_loop3A_478, %parallel_loop3A_479] {strides = array<i32>} : memref<64x128xf32, #tpu.memory_space<vmem>>, vector<16xf32>,
      %parallel_loop3A_481 = arith.mulf %parallel_loop3A_477, %parallel_loop3A_480 : vector<16xf32>
      %parallel_loop3A_482 = arith.index_cast %parallel_loop3A_463 : i32 to index
      %parallel_loop3A_483 = arith.constant 16 : index
      %parallel_loop3A_484 = tpu.vector_load %arg13[%parallel_loop3A_482, %parallel_loop3A_483] {strides = array<i32>} : memref<64x128xf32, #tpu.memory_space<vmem>>, vector<16xf32>,
      %parallel_loop3A_485 = arith.mulf %parallel_loop3A_481, %parallel_loop3A_484 : vector<16xf32>
      %parallel_loop3A_486 = arith.index_cast %parallel_loop3A_463 : i32 to index
      %parallel_loop3A_487 = arith.constant 32 : index
      %parallel_loop3A_488 = tpu.vector_load %arg11[%parallel_loop3A_486, %parallel_loop3A_487] {strides = array<i32>} : memref<64x128xf32, #tpu.memory_space<vmem>>, vector<16xf32>,
      %parallel_loop3A_489 = arith.index_cast %parallel_loop3A_463 : i32 to index
      %parallel_loop3A_490 = arith.constant 32 : index
      %parallel_loop3A_491 = tpu.vector_load %arg12[%parallel_loop3A_489, %parallel_loop3A_490] {strides = array<i32>} : memref<64x128xf32, #tpu.memory_space<vmem>>, vector<16xf32>,
      %parallel_loop3A_492 = arith.mulf %parallel_loop3A_488, %parallel_loop3A_491 : vector<16xf32>
      %parallel_loop3A_493 = arith.index_cast %parallel_loop3A_463 : i32 to index
      %parallel_loop3A_494 = arith.constant 32 : index
      %parallel_loop3A_495 = tpu.vector_load %arg13[%parallel_loop3A_493, %parallel_loop3A_494] {strides = array<i32>} : memref<64x128xf32, #tpu.memory_space<vmem>>, vector<16xf32>,
      %parallel_loop3A_496 = arith.mulf %parallel_loop3A_492, %parallel_loop3A_495 : vector<16xf32>
      %parallel_loop3A_497 = arith.index_cast %parallel_loop3A_463 : i32 to index
      %parallel_loop3A_498 = arith.constant 48 : index
      %parallel_loop3A_499 = tpu.vector_load %arg11[%parallel_loop3A_497, %parallel_loop3A_498] {strides = array<i32>} : memref<64x128xf32, #tpu.memory_space<vmem>>, vector<16xf32>,
      %parallel_loop3A_500 = arith.index_cast %parallel_loop3A_463 : i32 to index
      %parallel_loop3A_501 = arith.constant 48 : index
      %parallel_loop3A_502 = tpu.vector_load %arg12[%parallel_loop3A_500, %parallel_loop3A_501] {strides = array<i32>} : memref<64x128xf32, #tpu.memory_space<vmem>>, vector<16xf32>,
      %parallel_loop3A_503 = arith.mulf %parallel_loop3A_499, %parallel_loop3A_502 : vector<16xf32>
      %parallel_loop3A_504 = arith.index_cast %parallel_loop3A_463 : i32 to index
      %parallel_loop3A_505 = arith.constant 48 : index
      %parallel_loop3A_506 = tpu.vector_load %arg13[%parallel_loop3A_504, %parallel_loop3A_505] {strides = array<i32>} : memref<64x128xf32, #tpu.memory_space<vmem>>, vector<16xf32>,
      %parallel_loop3A_507 = arith.mulf %parallel_loop3A_503, %parallel_loop3A_506 : vector<16xf32>
      %parallel_loop3A_508 = arith.index_cast %parallel_loop3A_463 : i32 to index
      %parallel_loop3A_509 = arith.constant 64 : index
      %parallel_loop3A_510 = tpu.vector_load %arg11[%parallel_loop3A_508, %parallel_loop3A_509] {strides = array<i32>} : memref<64x128xf32, #tpu.memory_space<vmem>>, vector<16xf32>,
      %parallel_loop3A_511 = arith.index_cast %parallel_loop3A_463 : i32 to index
      %parallel_loop3A_512 = arith.constant 64 : index
      %parallel_loop3A_513 = tpu.vector_load %arg12[%parallel_loop3A_511, %parallel_loop3A_512] {strides = array<i32>} : memref<64x128xf32, #tpu.memory_space<vmem>>, vector<16xf32>,
      %parallel_loop3A_514 = arith.mulf %parallel_loop3A_510, %parallel_loop3A_513 : vector<16xf32>
      %parallel_loop3A_515 = arith.index_cast %parallel_loop3A_463 : i32 to index
      %parallel_loop3A_516 = arith.constant 64 : index
      %parallel_loop3A_517 = tpu.vector_load %arg13[%parallel_loop3A_515, %parallel_loop3A_516] {strides = array<i32>} : memref<64x128xf32, #tpu.memory_space<vmem>>, vector<16xf32>,
      %parallel_loop3A_518 = arith.mulf %parallel_loop3A_514, %parallel_loop3A_517 : vector<16xf32>
      %parallel_loop3A_519 = arith.index_cast %parallel_loop3A_463 : i32 to index
      %parallel_loop3A_520 = arith.constant 80 : index
      %parallel_loop3A_521 = tpu.vector_load %arg11[%parallel_loop3A_519, %parallel_loop3A_520] {strides = array<i32>} : memref<64x128xf32, #tpu.memory_space<vmem>>, vector<16xf32>,
      %parallel_loop3A_522 = arith.index_cast %parallel_loop3A_463 : i32 to index
      %parallel_loop3A_523 = arith.constant 80 : index
      %parallel_loop3A_524 = tpu.vector_load %arg12[%parallel_loop3A_522, %parallel_loop3A_523] {strides = array<i32>} : memref<64x128xf32, #tpu.memory_space<vmem>>, vector<16xf32>,
      %parallel_loop3A_525 = arith.mulf %parallel_loop3A_521, %parallel_loop3A_524 : vector<16xf32>
      %parallel_loop3A_526 = arith.index_cast %parallel_loop3A_463 : i32 to index
      %parallel_loop3A_527 = arith.constant 80 : index
      %parallel_loop3A_528 = tpu.vector_load %arg13[%parallel_loop3A_526, %parallel_loop3A_527] {strides = array<i32>} : memref<64x128xf32, #tpu.memory_space<vmem>>, vector<16xf32>,
      %parallel_loop3A_529 = arith.mulf %parallel_loop3A_525, %parallel_loop3A_528 : vector<16xf32>
      %parallel_loop3A_530 = arith.index_cast %parallel_loop3A_463 : i32 to index
      %parallel_loop3A_531 = arith.constant 96 : index
      %parallel_loop3A_532 = tpu.vector_load %arg11[%parallel_loop3A_530, %parallel_loop3A_531] {strides = array<i32>} : memref<64x128xf32, #tpu.memory_space<vmem>>, vector<16xf32>,
      %parallel_loop3A_533 = arith.index_cast %parallel_loop3A_463 : i32 to index
      %parallel_loop3A_534 = arith.constant 96 : index
      %parallel_loop3A_535 = tpu.vector_load %arg12[%parallel_loop3A_533, %parallel_loop3A_534] {strides = array<i32>} : memref<64x128xf32, #tpu.memory_space<vmem>>, vector<16xf32>,
      %parallel_loop3A_536 = arith.mulf %parallel_loop3A_532, %parallel_loop3A_535 : vector<16xf32>
      %parallel_loop3A_537 = arith.index_cast %parallel_loop3A_463 : i32 to index
      %parallel_loop3A_538 = arith.constant 96 : index
      %parallel_loop3A_539 = tpu.vector_load %arg13[%parallel_loop3A_537, %parallel_loop3A_538] {strides = array<i32>} : memref<64x128xf32, #tpu.memory_space<vmem>>, vector<16xf32>,
      %parallel_loop3A_540 = arith.mulf %parallel_loop3A_536, %parallel_loop3A_539 : vector<16xf32>
      %parallel_loop3A_541 = arith.index_cast %parallel_loop3A_463 : i32 to index
      %parallel_loop3A_542 = arith.constant 112 : index
      %parallel_loop3A_543 = tpu.vector_load %arg11[%parallel_loop3A_541, %parallel_loop3A_542] {strides = array<i32>} : memref<64x128xf32, #tpu.memory_space<vmem>>, vector<16xf32>,
      %parallel_loop3A_544 = arith.index_cast %parallel_loop3A_463 : i32 to index
      %parallel_loop3A_545 = arith.constant 112 : index
      %parallel_loop3A_546 = tpu.vector_load %arg12[%parallel_loop3A_544, %parallel_loop3A_545] {strides = array<i32>} : memref<64x128xf32, #tpu.memory_space<vmem>>, vector<16xf32>,
      %parallel_loop3A_547 = arith.mulf %parallel_loop3A_543, %parallel_loop3A_546 : vector<16xf32>
      %parallel_loop3A_548 = arith.index_cast %parallel_loop3A_463 : i32 to index
      %parallel_loop3A_549 = arith.constant 112 : index
      %parallel_loop3A_550 = tpu.vector_load %arg13[%parallel_loop3A_548, %parallel_loop3A_549] {strides = array<i32>} : memref<64x128xf32, #tpu.memory_space<vmem>>, vector<16xf32>,
      %parallel_loop3A_551 = arith.mulf %parallel_loop3A_547, %parallel_loop3A_550 : vector<16xf32>
      %parallel_loop3A_552 = arith.addf %parallel_loop3A_474, %parallel_loop3A_485 : vector<16xf32>
      %parallel_loop3A_553 = arith.addf %parallel_loop3A_496, %parallel_loop3A_507 : vector<16xf32>
      %parallel_loop3A_554 = arith.addf %parallel_loop3A_552, %parallel_loop3A_553 : vector<16xf32>
      %parallel_loop3A_555 = arith.addf %parallel_loop3A_518, %parallel_loop3A_529 : vector<16xf32>
      %parallel_loop3A_556 = arith.addf %parallel_loop3A_540, %parallel_loop3A_551 : vector<16xf32>
      %parallel_loop3A_557 = arith.addf %parallel_loop3A_555, %parallel_loop3A_556 : vector<16xf32>
      %parallel_loop3A_558 = arith.addf %parallel_loop3A_554, %parallel_loop3A_557 : vector<16xf32>
      %parallel_loop3A_559 = arith.constant 17 : i32
      %parallel_loop3A_560 = arith.muli %parallel_loop3A_463, %parallel_loop3A_559 : i32
      %parallel_loop3A_561 = arith.index_cast %parallel_loop3A_560 : i32 to index
      %parallel_loop3A_562 = tpu.vector_load %arg20[%parallel_loop3A_561] {strides = array<i32>} : memref<1088xf32, #tpu.memory_space<vmem>>, vector<16xf32>,
      tpu.vector_store %arg20[%parallel_loop3A_561], %parallel_loop3A_558 {strides = array<i32>} : memref<1088xf32, #tpu.memory_space<vmem>>, vector<16xf32>,
    } {sc.loop_unroll_factor = 4 : i64, sc.parallel_access}
    %parallel_loop3A_346 = arith.constant 0 : i32
    %parallel_loop3A_347 = arith.constant 4 : i32
    %parallel_loop3A_348 = arith.constant 1 : i32
    scf.for %parallel_loop3A_463 = %parallel_loop3A_346 to %parallel_loop3A_347 step %parallel_loop3A_348  : i32 {
      %parallel_loop3A_464 = arith.constant 16 : i32
      %parallel_loop3A_465 = arith.muli %parallel_loop3A_463, %parallel_loop3A_464 : i32
      %parallel_loop3A_466 = vector.broadcast %parallel_loop3A_465 : i32 to vector<16xi32>
      %parallel_loop3A_467 = arith.addi %parallel_loop3A_466, %iota3A : vector<16xi32>
      %parallel_loop3A_468 = arith.constant 17 : i32
      %parallel_loop3A_469 = vector.broadcast %parallel_loop3A_468 : i32 to vector<16xi32>
      %parallel_loop3A_470 = arith.muli %parallel_loop3A_467, %parallel_loop3A_469 : vector<16xi32>
      %parallel_loop3A_471 = arith.constant 0.000000e+00 : f32
      %parallel_loop3A_472 = vector.broadcast %parallel_loop3A_471 : f32 to vector<16xf32>
      %parallel_loop3A_473 = arith.constant 0.000000e+00 : f32
      %parallel_loop3A_474 = vector.broadcast %parallel_loop3A_473 : f32 to vector<16xf32>
      %parallel_loop3A_475 = arith.constant 0.000000e+00 : f32
      %parallel_loop3A_476 = vector.broadcast %parallel_loop3A_475 : f32 to vector<16xf32>
      %parallel_loop3A_477 = arith.constant 0.000000e+00 : f32
      %parallel_loop3A_478 = vector.broadcast %parallel_loop3A_477 : f32 to vector<16xf32>
      %parallel_loop3A_479 = arith.constant 0 : i32
      %parallel_loop3A_480 = vector.broadcast %parallel_loop3A_479 : i32 to vector<16xi32>
      %parallel_loop3A_481 = arith.addi %parallel_loop3A_470, %parallel_loop3A_480 : vector<16xi32>
      %parallel_loop3A_482 = tpu.vector_load_idx %arg20[%parallel_loop3A_481] : memref<1088xf32, #tpu.memory_space<vmem>>[vector<16xi32>], vector<16xf32>,
      %parallel_loop3A_483 = arith.addf %parallel_loop3A_472, %parallel_loop3A_482 : vector<16xf32>
      %parallel_loop3A_484 = arith.constant 1 : i32
      %parallel_loop3A_485 = vector.broadcast %parallel_loop3A_484 : i32 to vector<16xi32>
      %parallel_loop3A_486 = arith.addi %parallel_loop3A_470, %parallel_loop3A_485 : vector<16xi32>
      %parallel_loop3A_487 = tpu.vector_load_idx %arg20[%parallel_loop3A_486] : memref<1088xf32, #tpu.memory_space<vmem>>[vector<16xi32>], vector<16xf32>,
      %parallel_loop3A_488 = arith.addf %parallel_loop3A_474, %parallel_loop3A_487 : vector<16xf32>
      %parallel_loop3A_489 = arith.constant 2 : i32
      %parallel_loop3A_490 = vector.broadcast %parallel_loop3A_489 : i32 to vector<16xi32>
      %parallel_loop3A_491 = arith.addi %parallel_loop3A_470, %parallel_loop3A_490 : vector<16xi32>
      %parallel_loop3A_492 = tpu.vector_load_idx %arg20[%parallel_loop3A_491] : memref<1088xf32, #tpu.memory_space<vmem>>[vector<16xi32>], vector<16xf32>,
      %parallel_loop3A_493 = arith.addf %parallel_loop3A_476, %parallel_loop3A_492 : vector<16xf32>
      %parallel_loop3A_494 = arith.constant 3 : i32
      %parallel_loop3A_495 = vector.broadcast %parallel_loop3A_494 : i32 to vector<16xi32>
      %parallel_loop3A_496 = arith.addi %parallel_loop3A_470, %parallel_loop3A_495 : vector<16xi32>
      %parallel_loop3A_497 = tpu.vector_load_idx %arg20[%parallel_loop3A_496] : memref<1088xf32, #tpu.memory_space<vmem>>[vector<16xi32>], vector<16xf32>,
      %parallel_loop3A_498 = arith.addf %parallel_loop3A_478, %parallel_loop3A_497 : vector<16xf32>
      %parallel_loop3A_499 = arith.constant 4 : i32
      %parallel_loop3A_500 = vector.broadcast %parallel_loop3A_499 : i32 to vector<16xi32>
      %parallel_loop3A_501 = arith.addi %parallel_loop3A_470, %parallel_loop3A_500 : vector<16xi32>
      %parallel_loop3A_502 = tpu.vector_load_idx %arg20[%parallel_loop3A_501] : memref<1088xf32, #tpu.memory_space<vmem>>[vector<16xi32>], vector<16xf32>,
      %parallel_loop3A_503 = arith.addf %parallel_loop3A_483, %parallel_loop3A_502 : vector<16xf32>
      %parallel_loop3A_504 = arith.constant 5 : i32
      %parallel_loop3A_505 = vector.broadcast %parallel_loop3A_504 : i32 to vector<16xi32>
      %parallel_loop3A_506 = arith.addi %parallel_loop3A_470, %parallel_loop3A_505 : vector<16xi32>
      %parallel_loop3A_507 = tpu.vector_load_idx %arg20[%parallel_loop3A_506] : memref<1088xf32, #tpu.memory_space<vmem>>[vector<16xi32>], vector<16xf32>,
      %parallel_loop3A_508 = arith.addf %parallel_loop3A_488, %parallel_loop3A_507 : vector<16xf32>
      %parallel_loop3A_509 = arith.constant 6 : i32
      %parallel_loop3A_510 = vector.broadcast %parallel_loop3A_509 : i32 to vector<16xi32>
      %parallel_loop3A_511 = arith.addi %parallel_loop3A_470, %parallel_loop3A_510 : vector<16xi32>
      %parallel_loop3A_512 = tpu.vector_load_idx %arg20[%parallel_loop3A_511] : memref<1088xf32, #tpu.memory_space<vmem>>[vector<16xi32>], vector<16xf32>,
      %parallel_loop3A_513 = arith.addf %parallel_loop3A_493, %parallel_loop3A_512 : vector<16xf32>
      %parallel_loop3A_514 = arith.constant 7 : i32
      %parallel_loop3A_515 = vector.broadcast %parallel_loop3A_514 : i32 to vector<16xi32>
      %parallel_loop3A_516 = arith.addi %parallel_loop3A_470, %parallel_loop3A_515 : vector<16xi32>
      %parallel_loop3A_517 = tpu.vector_load_idx %arg20[%parallel_loop3A_516] : memref<1088xf32, #tpu.memory_space<vmem>>[vector<16xi32>], vector<16xf32>,
      %parallel_loop3A_518 = arith.addf %parallel_loop3A_498, %parallel_loop3A_517 : vector<16xf32>
      %parallel_loop3A_519 = arith.constant 8 : i32
      %parallel_loop3A_520 = vector.broadcast %parallel_loop3A_519 : i32 to vector<16xi32>
      %parallel_loop3A_521 = arith.addi %parallel_loop3A_470, %parallel_loop3A_520 : vector<16xi32>
      %parallel_loop3A_522 = tpu.vector_load_idx %arg20[%parallel_loop3A_521] : memref<1088xf32, #tpu.memory_space<vmem>>[vector<16xi32>], vector<16xf32>,
      %parallel_loop3A_523 = arith.addf %parallel_loop3A_503, %parallel_loop3A_522 : vector<16xf32>
      %parallel_loop3A_524 = arith.constant 9 : i32
      %parallel_loop3A_525 = vector.broadcast %parallel_loop3A_524 : i32 to vector<16xi32>
      %parallel_loop3A_526 = arith.addi %parallel_loop3A_470, %parallel_loop3A_525 : vector<16xi32>
      %parallel_loop3A_527 = tpu.vector_load_idx %arg20[%parallel_loop3A_526] : memref<1088xf32, #tpu.memory_space<vmem>>[vector<16xi32>], vector<16xf32>,
      %parallel_loop3A_528 = arith.addf %parallel_loop3A_508, %parallel_loop3A_527 : vector<16xf32>
      %parallel_loop3A_529 = arith.constant 10 : i32
      %parallel_loop3A_530 = vector.broadcast %parallel_loop3A_529 : i32 to vector<16xi32>
      %parallel_loop3A_531 = arith.addi %parallel_loop3A_470, %parallel_loop3A_530 : vector<16xi32>
      %parallel_loop3A_532 = tpu.vector_load_idx %arg20[%parallel_loop3A_531] : memref<1088xf32, #tpu.memory_space<vmem>>[vector<16xi32>], vector<16xf32>,
      %parallel_loop3A_533 = arith.addf %parallel_loop3A_513, %parallel_loop3A_532 : vector<16xf32>
      %parallel_loop3A_534 = arith.constant 11 : i32
      %parallel_loop3A_535 = vector.broadcast %parallel_loop3A_534 : i32 to vector<16xi32>
      %parallel_loop3A_536 = arith.addi %parallel_loop3A_470, %parallel_loop3A_535 : vector<16xi32>
      %parallel_loop3A_537 = tpu.vector_load_idx %arg20[%parallel_loop3A_536] : memref<1088xf32, #tpu.memory_space<vmem>>[vector<16xi32>], vector<16xf32>,
      %parallel_loop3A_538 = arith.addf %parallel_loop3A_518, %parallel_loop3A_537 : vector<16xf32>
      %parallel_loop3A_539 = arith.constant 12 : i32
      %parallel_loop3A_540 = vector.broadcast %parallel_loop3A_539 : i32 to vector<16xi32>
      %parallel_loop3A_541 = arith.addi %parallel_loop3A_470, %parallel_loop3A_540 : vector<16xi32>
      %parallel_loop3A_542 = tpu.vector_load_idx %arg20[%parallel_loop3A_541] : memref<1088xf32, #tpu.memory_space<vmem>>[vector<16xi32>], vector<16xf32>,
      %parallel_loop3A_543 = arith.addf %parallel_loop3A_523, %parallel_loop3A_542 : vector<16xf32>
      %parallel_loop3A_544 = arith.constant 13 : i32
      %parallel_loop3A_545 = vector.broadcast %parallel_loop3A_544 : i32 to vector<16xi32>
      %parallel_loop3A_546 = arith.addi %parallel_loop3A_470, %parallel_loop3A_545 : vector<16xi32>
      %parallel_loop3A_547 = tpu.vector_load_idx %arg20[%parallel_loop3A_546] : memref<1088xf32, #tpu.memory_space<vmem>>[vector<16xi32>], vector<16xf32>,
      %parallel_loop3A_548 = arith.addf %parallel_loop3A_528, %parallel_loop3A_547 : vector<16xf32>
      %parallel_loop3A_549 = arith.constant 14 : i32
      %parallel_loop3A_550 = vector.broadcast %parallel_loop3A_549 : i32 to vector<16xi32>
      %parallel_loop3A_551 = arith.addi %parallel_loop3A_470, %parallel_loop3A_550 : vector<16xi32>
      %parallel_loop3A_552 = tpu.vector_load_idx %arg20[%parallel_loop3A_551] : memref<1088xf32, #tpu.memory_space<vmem>>[vector<16xi32>], vector<16xf32>,
      %parallel_loop3A_553 = arith.addf %parallel_loop3A_533, %parallel_loop3A_552 : vector<16xf32>
      %parallel_loop3A_554 = arith.constant 15 : i32
      %parallel_loop3A_555 = vector.broadcast %parallel_loop3A_554 : i32 to vector<16xi32>
      %parallel_loop3A_556 = arith.addi %parallel_loop3A_470, %parallel_loop3A_555 : vector<16xi32>
      %parallel_loop3A_557 = tpu.vector_load_idx %arg20[%parallel_loop3A_556] : memref<1088xf32, #tpu.memory_space<vmem>>[vector<16xi32>], vector<16xf32>,
      %parallel_loop3A_558 = arith.addf %parallel_loop3A_538, %parallel_loop3A_557 : vector<16xf32>
      %parallel_loop3A_559 = arith.addf %parallel_loop3A_543, %parallel_loop3A_548 : vector<16xf32>
      %parallel_loop3A_560 = arith.addf %parallel_loop3A_553, %parallel_loop3A_558 : vector<16xf32>
      %parallel_loop3A_561 = arith.addf %parallel_loop3A_559, %parallel_loop3A_560 : vector<16xf32>
      %parallel_loop3A_562 = arith.constant 0.000000e+00 : f32
      %parallel_loop3A_563 = vector.broadcast %parallel_loop3A_562 : f32 to vector<16xf32>
      %parallel_loop3A_564 = arith.subf %parallel_loop3A_563, %parallel_loop3A_561 : vector<16xf32>
      %parallel_loop3A_565 = math.exp %parallel_loop3A_564 : vector<16xf32>
      %parallel_loop3A_566 = arith.constant 1.000000e+00 : f32
      %parallel_loop3A_567 = vector.broadcast %parallel_loop3A_566 : f32 to vector<16xf32>
      %parallel_loop3A_568 = arith.addf %parallel_loop3A_567, %parallel_loop3A_565 : vector<16xf32>
      %parallel_loop3A_569 = arith.constant 1.000000e+00 : f32
      %parallel_loop3A_570 = vector.broadcast %parallel_loop3A_569 : f32 to vector<16xf32>
      %parallel_loop3A_571 = arith.divf %parallel_loop3A_570, %parallel_loop3A_568 : vector<16xf32>
      %parallel_loop3A_572 = arith.constant 16 : i32
      %parallel_loop3A_573 = arith.muli %parallel_loop3A_463, %parallel_loop3A_572 : i32
      %parallel_loop3A_574 = arith.constant 192 : i32
      %parallel_loop3A_575 = arith.addi %parallel_loop3A_574, %parallel_loop3A_573 : i32
      %parallel_loop3A_576 = arith.index_cast %parallel_loop3A_575 : i32 to index
      %parallel_loop3A_577 = tpu.vector_load %arg21[%parallel_loop3A_576] {strides = array<i32>} : memref<512xf32, #tpu.memory_space<vmem>>, vector<16xf32>,
      tpu.vector_store %arg21[%parallel_loop3A_576], %parallel_loop3A_571 {strides = array<i32>} : memref<512xf32, #tpu.memory_space<vmem>>, vector<16xf32>,
    } {sc.loop_unroll_factor = 2 : i64, sc.parallel_access}
    %dma_start3A_349 = arith.constant 384 : i32
    %dma_start3A_350 = tpu.memref_slice %arg8[%dma_start3A_349] : memref<512xi32, #tpu.memory_space<vmem>> -> memref<64xi32, #tpu.memory_space<vmem>>
    %dma_start3A_351 = arith.constant 0 : i32
    %dma_start3A_352 = arith.constant 0 : i32
    %dma_start3A_353 = tpu.memref_slice %arg5[%dma_start3A_351, %dma_start3A_352] : memref<100000x128xf32, #tpu.memory_space<hbm>> -> memref<100000x128xf32, #tpu.memory_space<hbm>>
    tpu.enqueue_indirect_dma source(%dma_start3A_353 : memref<100000x128xf32, #tpu.memory_space<hbm>>) target(%arg11 : memref<64x128xf32, #tpu.memory_space<vmem>>) offsets(%dma_start3A_350 : memref<64xi32, #tpu.memory_space<vmem>>) semaphore(%arg22 : memref<!tpu.dma_semaphore, #tpu.memory_space<semaphore_mem>>)
    %dma_start3A_354 = arith.constant 384 : i32
    %dma_start3A_355 = tpu.memref_slice %arg9[%dma_start3A_354] : memref<512xi32, #tpu.memory_space<vmem>> -> memref<64xi32, #tpu.memory_space<vmem>>
    %dma_start3A_356 = arith.constant 0 : i32
    %dma_start3A_357 = arith.constant 0 : i32
    %dma_start3A_358 = tpu.memref_slice %arg6[%dma_start3A_356, %dma_start3A_357] : memref<8000x128xf32, #tpu.memory_space<hbm>> -> memref<8000x128xf32, #tpu.memory_space<hbm>>
    tpu.enqueue_indirect_dma source(%dma_start3A_358 : memref<8000x128xf32, #tpu.memory_space<hbm>>) target(%arg12 : memref<64x128xf32, #tpu.memory_space<vmem>>) offsets(%dma_start3A_355 : memref<64xi32, #tpu.memory_space<vmem>>) semaphore(%arg22 : memref<!tpu.dma_semaphore, #tpu.memory_space<semaphore_mem>>)
    %dma_start3A_359 = arith.constant 384 : i32
    %dma_start3A_360 = tpu.memref_slice %arg10[%dma_start3A_359] : memref<512xi32, #tpu.memory_space<vmem>> -> memref<64xi32, #tpu.memory_space<vmem>>
    %dma_start3A_361 = arith.constant 0 : i32
    %dma_start3A_362 = arith.constant 0 : i32
    %dma_start3A_363 = tpu.memref_slice %arg5[%dma_start3A_361, %dma_start3A_362] : memref<100000x128xf32, #tpu.memory_space<hbm>> -> memref<100000x128xf32, #tpu.memory_space<hbm>>
    tpu.enqueue_indirect_dma source(%dma_start3A_363 : memref<100000x128xf32, #tpu.memory_space<hbm>>) target(%arg13 : memref<64x128xf32, #tpu.memory_space<vmem>>) offsets(%dma_start3A_360 : memref<64xi32, #tpu.memory_space<vmem>>) semaphore(%arg22 : memref<!tpu.dma_semaphore, #tpu.memory_space<semaphore_mem>>)
    %dma_wait3A_364 = arith.constant 256 : i32
    %dma_wait3A_365 = tpu.memref_slice %arg8[%dma_wait3A_364] : memref<512xi32, #tpu.memory_space<vmem>> -> memref<64xi32, #tpu.memory_space<vmem>>
    %dma_wait3A_366 = arith.constant 0 : i32
    %dma_wait3A_367 = arith.constant 0 : i32
    %dma_wait3A_368 = tpu.memref_slice %arg5[%dma_wait3A_366, %dma_wait3A_367] : memref<100000x128xf32, #tpu.memory_space<hbm>> -> memref<100000x128xf32, #tpu.memory_space<hbm>>
    tpu.wait_indirect_dma semaphore(%arg23 : memref<!tpu.dma_semaphore, #tpu.memory_space<semaphore_mem>>) src(%dma_wait3A_368 : memref<100000x128xf32, #tpu.memory_space<hbm>>) dst(%arg14 : memref<64x128xf32, #tpu.memory_space<vmem>>)
    %dma_wait3A_369 = arith.constant 256 : i32
    %dma_wait3A_370 = tpu.memref_slice %arg9[%dma_wait3A_369] : memref<512xi32, #tpu.memory_space<vmem>> -> memref<64xi32, #tpu.memory_space<vmem>>
    %dma_wait3A_371 = arith.constant 0 : i32
    %dma_wait3A_372 = arith.constant 0 : i32
    %dma_wait3A_373 = tpu.memref_slice %arg6[%dma_wait3A_371, %dma_wait3A_372] : memref<8000x128xf32, #tpu.memory_space<hbm>> -> memref<8000x128xf32, #tpu.memory_space<hbm>>
    tpu.wait_indirect_dma semaphore(%arg23 : memref<!tpu.dma_semaphore, #tpu.memory_space<semaphore_mem>>) src(%dma_wait3A_373 : memref<8000x128xf32, #tpu.memory_space<hbm>>) dst(%arg15 : memref<64x128xf32, #tpu.memory_space<vmem>>)
    %dma_wait3A_374 = arith.constant 256 : i32
    %dma_wait3A_375 = tpu.memref_slice %arg10[%dma_wait3A_374] : memref<512xi32, #tpu.memory_space<vmem>> -> memref<64xi32, #tpu.memory_space<vmem>>
    %dma_wait3A_376 = arith.constant 0 : i32
    %dma_wait3A_377 = arith.constant 0 : i32
    %dma_wait3A_378 = tpu.memref_slice %arg5[%dma_wait3A_376, %dma_wait3A_377] : memref<100000x128xf32, #tpu.memory_space<hbm>> -> memref<100000x128xf32, #tpu.memory_space<hbm>>
    tpu.wait_indirect_dma semaphore(%arg23 : memref<!tpu.dma_semaphore, #tpu.memory_space<semaphore_mem>>) src(%dma_wait3A_378 : memref<100000x128xf32, #tpu.memory_space<hbm>>) dst(%arg16 : memref<64x128xf32, #tpu.memory_space<vmem>>)
    %parallel_loop3A_379 = arith.constant 0 : i32
    %parallel_loop3A_380 = arith.constant 64 : i32
    %parallel_loop3A_381 = arith.constant 1 : i32
    scf.for %parallel_loop3A_463 = %parallel_loop3A_379 to %parallel_loop3A_380 step %parallel_loop3A_381  : i32 {
      %parallel_loop3A_464 = arith.index_cast %parallel_loop3A_463 : i32 to index
      %parallel_loop3A_465 = arith.constant 0 : index
      %parallel_loop3A_466 = tpu.vector_load %arg14[%parallel_loop3A_464, %parallel_loop3A_465] {strides = array<i32>} : memref<64x128xf32, #tpu.memory_space<vmem>>, vector<16xf32>,
      %parallel_loop3A_467 = arith.index_cast %parallel_loop3A_463 : i32 to index
      %parallel_loop3A_468 = arith.constant 0 : index
      %parallel_loop3A_469 = tpu.vector_load %arg15[%parallel_loop3A_467, %parallel_loop3A_468] {strides = array<i32>} : memref<64x128xf32, #tpu.memory_space<vmem>>, vector<16xf32>,
      %parallel_loop3A_470 = arith.mulf %parallel_loop3A_466, %parallel_loop3A_469 : vector<16xf32>
      %parallel_loop3A_471 = arith.index_cast %parallel_loop3A_463 : i32 to index
      %parallel_loop3A_472 = arith.constant 0 : index
      %parallel_loop3A_473 = tpu.vector_load %arg16[%parallel_loop3A_471, %parallel_loop3A_472] {strides = array<i32>} : memref<64x128xf32, #tpu.memory_space<vmem>>, vector<16xf32>,
      %parallel_loop3A_474 = arith.mulf %parallel_loop3A_470, %parallel_loop3A_473 : vector<16xf32>
      %parallel_loop3A_475 = arith.index_cast %parallel_loop3A_463 : i32 to index
      %parallel_loop3A_476 = arith.constant 16 : index
      %parallel_loop3A_477 = tpu.vector_load %arg14[%parallel_loop3A_475, %parallel_loop3A_476] {strides = array<i32>} : memref<64x128xf32, #tpu.memory_space<vmem>>, vector<16xf32>,
      %parallel_loop3A_478 = arith.index_cast %parallel_loop3A_463 : i32 to index
      %parallel_loop3A_479 = arith.constant 16 : index
      %parallel_loop3A_480 = tpu.vector_load %arg15[%parallel_loop3A_478, %parallel_loop3A_479] {strides = array<i32>} : memref<64x128xf32, #tpu.memory_space<vmem>>, vector<16xf32>,
      %parallel_loop3A_481 = arith.mulf %parallel_loop3A_477, %parallel_loop3A_480 : vector<16xf32>
      %parallel_loop3A_482 = arith.index_cast %parallel_loop3A_463 : i32 to index
      %parallel_loop3A_483 = arith.constant 16 : index
      %parallel_loop3A_484 = tpu.vector_load %arg16[%parallel_loop3A_482, %parallel_loop3A_483] {strides = array<i32>} : memref<64x128xf32, #tpu.memory_space<vmem>>, vector<16xf32>,
      %parallel_loop3A_485 = arith.mulf %parallel_loop3A_481, %parallel_loop3A_484 : vector<16xf32>
      %parallel_loop3A_486 = arith.index_cast %parallel_loop3A_463 : i32 to index
      %parallel_loop3A_487 = arith.constant 32 : index
      %parallel_loop3A_488 = tpu.vector_load %arg14[%parallel_loop3A_486, %parallel_loop3A_487] {strides = array<i32>} : memref<64x128xf32, #tpu.memory_space<vmem>>, vector<16xf32>,
      %parallel_loop3A_489 = arith.index_cast %parallel_loop3A_463 : i32 to index
      %parallel_loop3A_490 = arith.constant 32 : index
      %parallel_loop3A_491 = tpu.vector_load %arg15[%parallel_loop3A_489, %parallel_loop3A_490] {strides = array<i32>} : memref<64x128xf32, #tpu.memory_space<vmem>>, vector<16xf32>,
      %parallel_loop3A_492 = arith.mulf %parallel_loop3A_488, %parallel_loop3A_491 : vector<16xf32>
      %parallel_loop3A_493 = arith.index_cast %parallel_loop3A_463 : i32 to index
      %parallel_loop3A_494 = arith.constant 32 : index
      %parallel_loop3A_495 = tpu.vector_load %arg16[%parallel_loop3A_493, %parallel_loop3A_494] {strides = array<i32>} : memref<64x128xf32, #tpu.memory_space<vmem>>, vector<16xf32>,
      %parallel_loop3A_496 = arith.mulf %parallel_loop3A_492, %parallel_loop3A_495 : vector<16xf32>
      %parallel_loop3A_497 = arith.index_cast %parallel_loop3A_463 : i32 to index
      %parallel_loop3A_498 = arith.constant 48 : index
      %parallel_loop3A_499 = tpu.vector_load %arg14[%parallel_loop3A_497, %parallel_loop3A_498] {strides = array<i32>} : memref<64x128xf32, #tpu.memory_space<vmem>>, vector<16xf32>,
      %parallel_loop3A_500 = arith.index_cast %parallel_loop3A_463 : i32 to index
      %parallel_loop3A_501 = arith.constant 48 : index
      %parallel_loop3A_502 = tpu.vector_load %arg15[%parallel_loop3A_500, %parallel_loop3A_501] {strides = array<i32>} : memref<64x128xf32, #tpu.memory_space<vmem>>, vector<16xf32>,
      %parallel_loop3A_503 = arith.mulf %parallel_loop3A_499, %parallel_loop3A_502 : vector<16xf32>
      %parallel_loop3A_504 = arith.index_cast %parallel_loop3A_463 : i32 to index
      %parallel_loop3A_505 = arith.constant 48 : index
      %parallel_loop3A_506 = tpu.vector_load %arg16[%parallel_loop3A_504, %parallel_loop3A_505] {strides = array<i32>} : memref<64x128xf32, #tpu.memory_space<vmem>>, vector<16xf32>,
      %parallel_loop3A_507 = arith.mulf %parallel_loop3A_503, %parallel_loop3A_506 : vector<16xf32>
      %parallel_loop3A_508 = arith.index_cast %parallel_loop3A_463 : i32 to index
      %parallel_loop3A_509 = arith.constant 64 : index
      %parallel_loop3A_510 = tpu.vector_load %arg14[%parallel_loop3A_508, %parallel_loop3A_509] {strides = array<i32>} : memref<64x128xf32, #tpu.memory_space<vmem>>, vector<16xf32>,
      %parallel_loop3A_511 = arith.index_cast %parallel_loop3A_463 : i32 to index
      %parallel_loop3A_512 = arith.constant 64 : index
      %parallel_loop3A_513 = tpu.vector_load %arg15[%parallel_loop3A_511, %parallel_loop3A_512] {strides = array<i32>} : memref<64x128xf32, #tpu.memory_space<vmem>>, vector<16xf32>,
      %parallel_loop3A_514 = arith.mulf %parallel_loop3A_510, %parallel_loop3A_513 : vector<16xf32>
      %parallel_loop3A_515 = arith.index_cast %parallel_loop3A_463 : i32 to index
      %parallel_loop3A_516 = arith.constant 64 : index
      %parallel_loop3A_517 = tpu.vector_load %arg16[%parallel_loop3A_515, %parallel_loop3A_516] {strides = array<i32>} : memref<64x128xf32, #tpu.memory_space<vmem>>, vector<16xf32>,
      %parallel_loop3A_518 = arith.mulf %parallel_loop3A_514, %parallel_loop3A_517 : vector<16xf32>
      %parallel_loop3A_519 = arith.index_cast %parallel_loop3A_463 : i32 to index
      %parallel_loop3A_520 = arith.constant 80 : index
      %parallel_loop3A_521 = tpu.vector_load %arg14[%parallel_loop3A_519, %parallel_loop3A_520] {strides = array<i32>} : memref<64x128xf32, #tpu.memory_space<vmem>>, vector<16xf32>,
      %parallel_loop3A_522 = arith.index_cast %parallel_loop3A_463 : i32 to index
      %parallel_loop3A_523 = arith.constant 80 : index
      %parallel_loop3A_524 = tpu.vector_load %arg15[%parallel_loop3A_522, %parallel_loop3A_523] {strides = array<i32>} : memref<64x128xf32, #tpu.memory_space<vmem>>, vector<16xf32>,
      %parallel_loop3A_525 = arith.mulf %parallel_loop3A_521, %parallel_loop3A_524 : vector<16xf32>
      %parallel_loop3A_526 = arith.index_cast %parallel_loop3A_463 : i32 to index
      %parallel_loop3A_527 = arith.constant 80 : index
      %parallel_loop3A_528 = tpu.vector_load %arg16[%parallel_loop3A_526, %parallel_loop3A_527] {strides = array<i32>} : memref<64x128xf32, #tpu.memory_space<vmem>>, vector<16xf32>,
      %parallel_loop3A_529 = arith.mulf %parallel_loop3A_525, %parallel_loop3A_528 : vector<16xf32>
      %parallel_loop3A_530 = arith.index_cast %parallel_loop3A_463 : i32 to index
      %parallel_loop3A_531 = arith.constant 96 : index
      %parallel_loop3A_532 = tpu.vector_load %arg14[%parallel_loop3A_530, %parallel_loop3A_531] {strides = array<i32>} : memref<64x128xf32, #tpu.memory_space<vmem>>, vector<16xf32>,
      %parallel_loop3A_533 = arith.index_cast %parallel_loop3A_463 : i32 to index
      %parallel_loop3A_534 = arith.constant 96 : index
      %parallel_loop3A_535 = tpu.vector_load %arg15[%parallel_loop3A_533, %parallel_loop3A_534] {strides = array<i32>} : memref<64x128xf32, #tpu.memory_space<vmem>>, vector<16xf32>,
      %parallel_loop3A_536 = arith.mulf %parallel_loop3A_532, %parallel_loop3A_535 : vector<16xf32>
      %parallel_loop3A_537 = arith.index_cast %parallel_loop3A_463 : i32 to index
      %parallel_loop3A_538 = arith.constant 96 : index
      %parallel_loop3A_539 = tpu.vector_load %arg16[%parallel_loop3A_537, %parallel_loop3A_538] {strides = array<i32>} : memref<64x128xf32, #tpu.memory_space<vmem>>, vector<16xf32>,
      %parallel_loop3A_540 = arith.mulf %parallel_loop3A_536, %parallel_loop3A_539 : vector<16xf32>
      %parallel_loop3A_541 = arith.index_cast %parallel_loop3A_463 : i32 to index
      %parallel_loop3A_542 = arith.constant 112 : index
      %parallel_loop3A_543 = tpu.vector_load %arg14[%parallel_loop3A_541, %parallel_loop3A_542] {strides = array<i32>} : memref<64x128xf32, #tpu.memory_space<vmem>>, vector<16xf32>,
      %parallel_loop3A_544 = arith.index_cast %parallel_loop3A_463 : i32 to index
      %parallel_loop3A_545 = arith.constant 112 : index
      %parallel_loop3A_546 = tpu.vector_load %arg15[%parallel_loop3A_544, %parallel_loop3A_545] {strides = array<i32>} : memref<64x128xf32, #tpu.memory_space<vmem>>, vector<16xf32>,
      %parallel_loop3A_547 = arith.mulf %parallel_loop3A_543, %parallel_loop3A_546 : vector<16xf32>
      %parallel_loop3A_548 = arith.index_cast %parallel_loop3A_463 : i32 to index
      %parallel_loop3A_549 = arith.constant 112 : index
      %parallel_loop3A_550 = tpu.vector_load %arg16[%parallel_loop3A_548, %parallel_loop3A_549] {strides = array<i32>} : memref<64x128xf32, #tpu.memory_space<vmem>>, vector<16xf32>,
      %parallel_loop3A_551 = arith.mulf %parallel_loop3A_547, %parallel_loop3A_550 : vector<16xf32>
      %parallel_loop3A_552 = arith.addf %parallel_loop3A_474, %parallel_loop3A_485 : vector<16xf32>
      %parallel_loop3A_553 = arith.addf %parallel_loop3A_496, %parallel_loop3A_507 : vector<16xf32>
      %parallel_loop3A_554 = arith.addf %parallel_loop3A_552, %parallel_loop3A_553 : vector<16xf32>
      %parallel_loop3A_555 = arith.addf %parallel_loop3A_518, %parallel_loop3A_529 : vector<16xf32>
      %parallel_loop3A_556 = arith.addf %parallel_loop3A_540, %parallel_loop3A_551 : vector<16xf32>
      %parallel_loop3A_557 = arith.addf %parallel_loop3A_555, %parallel_loop3A_556 : vector<16xf32>
      %parallel_loop3A_558 = arith.addf %parallel_loop3A_554, %parallel_loop3A_557 : vector<16xf32>
      %parallel_loop3A_559 = arith.constant 17 : i32
      %parallel_loop3A_560 = arith.muli %parallel_loop3A_463, %parallel_loop3A_559 : i32
      %parallel_loop3A_561 = arith.index_cast %parallel_loop3A_560 : i32 to index
      %parallel_loop3A_562 = tpu.vector_load %arg20[%parallel_loop3A_561] {strides = array<i32>} : memref<1088xf32, #tpu.memory_space<vmem>>, vector<16xf32>,
      tpu.vector_store %arg20[%parallel_loop3A_561], %parallel_loop3A_558 {strides = array<i32>} : memref<1088xf32, #tpu.memory_space<vmem>>, vector<16xf32>,
    } {sc.loop_unroll_factor = 4 : i64, sc.parallel_access}
    %parallel_loop3A_382 = arith.constant 0 : i32
    %parallel_loop3A_383 = arith.constant 4 : i32
    %parallel_loop3A_384 = arith.constant 1 : i32
    scf.for %parallel_loop3A_463 = %parallel_loop3A_382 to %parallel_loop3A_383 step %parallel_loop3A_384  : i32 {
      %parallel_loop3A_464 = arith.constant 16 : i32
      %parallel_loop3A_465 = arith.muli %parallel_loop3A_463, %parallel_loop3A_464 : i32
      %parallel_loop3A_466 = vector.broadcast %parallel_loop3A_465 : i32 to vector<16xi32>
      %parallel_loop3A_467 = arith.addi %parallel_loop3A_466, %iota3A : vector<16xi32>
      %parallel_loop3A_468 = arith.constant 17 : i32
      %parallel_loop3A_469 = vector.broadcast %parallel_loop3A_468 : i32 to vector<16xi32>
      %parallel_loop3A_470 = arith.muli %parallel_loop3A_467, %parallel_loop3A_469 : vector<16xi32>
      %parallel_loop3A_471 = arith.constant 0.000000e+00 : f32
      %parallel_loop3A_472 = vector.broadcast %parallel_loop3A_471 : f32 to vector<16xf32>
      %parallel_loop3A_473 = arith.constant 0.000000e+00 : f32
      %parallel_loop3A_474 = vector.broadcast %parallel_loop3A_473 : f32 to vector<16xf32>
      %parallel_loop3A_475 = arith.constant 0.000000e+00 : f32
      %parallel_loop3A_476 = vector.broadcast %parallel_loop3A_475 : f32 to vector<16xf32>
      %parallel_loop3A_477 = arith.constant 0.000000e+00 : f32
      %parallel_loop3A_478 = vector.broadcast %parallel_loop3A_477 : f32 to vector<16xf32>
      %parallel_loop3A_479 = arith.constant 0 : i32
      %parallel_loop3A_480 = vector.broadcast %parallel_loop3A_479 : i32 to vector<16xi32>
      %parallel_loop3A_481 = arith.addi %parallel_loop3A_470, %parallel_loop3A_480 : vector<16xi32>
      %parallel_loop3A_482 = tpu.vector_load_idx %arg20[%parallel_loop3A_481] : memref<1088xf32, #tpu.memory_space<vmem>>[vector<16xi32>], vector<16xf32>,
      %parallel_loop3A_483 = arith.addf %parallel_loop3A_472, %parallel_loop3A_482 : vector<16xf32>
      %parallel_loop3A_484 = arith.constant 1 : i32
      %parallel_loop3A_485 = vector.broadcast %parallel_loop3A_484 : i32 to vector<16xi32>
      %parallel_loop3A_486 = arith.addi %parallel_loop3A_470, %parallel_loop3A_485 : vector<16xi32>
      %parallel_loop3A_487 = tpu.vector_load_idx %arg20[%parallel_loop3A_486] : memref<1088xf32, #tpu.memory_space<vmem>>[vector<16xi32>], vector<16xf32>,
      %parallel_loop3A_488 = arith.addf %parallel_loop3A_474, %parallel_loop3A_487 : vector<16xf32>
      %parallel_loop3A_489 = arith.constant 2 : i32
      %parallel_loop3A_490 = vector.broadcast %parallel_loop3A_489 : i32 to vector<16xi32>
      %parallel_loop3A_491 = arith.addi %parallel_loop3A_470, %parallel_loop3A_490 : vector<16xi32>
      %parallel_loop3A_492 = tpu.vector_load_idx %arg20[%parallel_loop3A_491] : memref<1088xf32, #tpu.memory_space<vmem>>[vector<16xi32>], vector<16xf32>,
      %parallel_loop3A_493 = arith.addf %parallel_loop3A_476, %parallel_loop3A_492 : vector<16xf32>
      %parallel_loop3A_494 = arith.constant 3 : i32
      %parallel_loop3A_495 = vector.broadcast %parallel_loop3A_494 : i32 to vector<16xi32>
      %parallel_loop3A_496 = arith.addi %parallel_loop3A_470, %parallel_loop3A_495 : vector<16xi32>
      %parallel_loop3A_497 = tpu.vector_load_idx %arg20[%parallel_loop3A_496] : memref<1088xf32, #tpu.memory_space<vmem>>[vector<16xi32>], vector<16xf32>,
      %parallel_loop3A_498 = arith.addf %parallel_loop3A_478, %parallel_loop3A_497 : vector<16xf32>
      %parallel_loop3A_499 = arith.constant 4 : i32
      %parallel_loop3A_500 = vector.broadcast %parallel_loop3A_499 : i32 to vector<16xi32>
      %parallel_loop3A_501 = arith.addi %parallel_loop3A_470, %parallel_loop3A_500 : vector<16xi32>
      %parallel_loop3A_502 = tpu.vector_load_idx %arg20[%parallel_loop3A_501] : memref<1088xf32, #tpu.memory_space<vmem>>[vector<16xi32>], vector<16xf32>,
      %parallel_loop3A_503 = arith.addf %parallel_loop3A_483, %parallel_loop3A_502 : vector<16xf32>
      %parallel_loop3A_504 = arith.constant 5 : i32
      %parallel_loop3A_505 = vector.broadcast %parallel_loop3A_504 : i32 to vector<16xi32>
      %parallel_loop3A_506 = arith.addi %parallel_loop3A_470, %parallel_loop3A_505 : vector<16xi32>
      %parallel_loop3A_507 = tpu.vector_load_idx %arg20[%parallel_loop3A_506] : memref<1088xf32, #tpu.memory_space<vmem>>[vector<16xi32>], vector<16xf32>,
      %parallel_loop3A_508 = arith.addf %parallel_loop3A_488, %parallel_loop3A_507 : vector<16xf32>
      %parallel_loop3A_509 = arith.constant 6 : i32
      %parallel_loop3A_510 = vector.broadcast %parallel_loop3A_509 : i32 to vector<16xi32>
      %parallel_loop3A_511 = arith.addi %parallel_loop3A_470, %parallel_loop3A_510 : vector<16xi32>
      %parallel_loop3A_512 = tpu.vector_load_idx %arg20[%parallel_loop3A_511] : memref<1088xf32, #tpu.memory_space<vmem>>[vector<16xi32>], vector<16xf32>,
      %parallel_loop3A_513 = arith.addf %parallel_loop3A_493, %parallel_loop3A_512 : vector<16xf32>
      %parallel_loop3A_514 = arith.constant 7 : i32
      %parallel_loop3A_515 = vector.broadcast %parallel_loop3A_514 : i32 to vector<16xi32>
      %parallel_loop3A_516 = arith.addi %parallel_loop3A_470, %parallel_loop3A_515 : vector<16xi32>
      %parallel_loop3A_517 = tpu.vector_load_idx %arg20[%parallel_loop3A_516] : memref<1088xf32, #tpu.memory_space<vmem>>[vector<16xi32>], vector<16xf32>,
      %parallel_loop3A_518 = arith.addf %parallel_loop3A_498, %parallel_loop3A_517 : vector<16xf32>
      %parallel_loop3A_519 = arith.constant 8 : i32
      %parallel_loop3A_520 = vector.broadcast %parallel_loop3A_519 : i32 to vector<16xi32>
      %parallel_loop3A_521 = arith.addi %parallel_loop3A_470, %parallel_loop3A_520 : vector<16xi32>
      %parallel_loop3A_522 = tpu.vector_load_idx %arg20[%parallel_loop3A_521] : memref<1088xf32, #tpu.memory_space<vmem>>[vector<16xi32>], vector<16xf32>,
      %parallel_loop3A_523 = arith.addf %parallel_loop3A_503, %parallel_loop3A_522 : vector<16xf32>
      %parallel_loop3A_524 = arith.constant 9 : i32
      %parallel_loop3A_525 = vector.broadcast %parallel_loop3A_524 : i32 to vector<16xi32>
      %parallel_loop3A_526 = arith.addi %parallel_loop3A_470, %parallel_loop3A_525 : vector<16xi32>
      %parallel_loop3A_527 = tpu.vector_load_idx %arg20[%parallel_loop3A_526] : memref<1088xf32, #tpu.memory_space<vmem>>[vector<16xi32>], vector<16xf32>,
      %parallel_loop3A_528 = arith.addf %parallel_loop3A_508, %parallel_loop3A_527 : vector<16xf32>
      %parallel_loop3A_529 = arith.constant 10 : i32
      %parallel_loop3A_530 = vector.broadcast %parallel_loop3A_529 : i32 to vector<16xi32>
      %parallel_loop3A_531 = arith.addi %parallel_loop3A_470, %parallel_loop3A_530 : vector<16xi32>
      %parallel_loop3A_532 = tpu.vector_load_idx %arg20[%parallel_loop3A_531] : memref<1088xf32, #tpu.memory_space<vmem>>[vector<16xi32>], vector<16xf32>,
      %parallel_loop3A_533 = arith.addf %parallel_loop3A_513, %parallel_loop3A_532 : vector<16xf32>
      %parallel_loop3A_534 = arith.constant 11 : i32
      %parallel_loop3A_535 = vector.broadcast %parallel_loop3A_534 : i32 to vector<16xi32>
      %parallel_loop3A_536 = arith.addi %parallel_loop3A_470, %parallel_loop3A_535 : vector<16xi32>
      %parallel_loop3A_537 = tpu.vector_load_idx %arg20[%parallel_loop3A_536] : memref<1088xf32, #tpu.memory_space<vmem>>[vector<16xi32>], vector<16xf32>,
      %parallel_loop3A_538 = arith.addf %parallel_loop3A_518, %parallel_loop3A_537 : vector<16xf32>
      %parallel_loop3A_539 = arith.constant 12 : i32
      %parallel_loop3A_540 = vector.broadcast %parallel_loop3A_539 : i32 to vector<16xi32>
      %parallel_loop3A_541 = arith.addi %parallel_loop3A_470, %parallel_loop3A_540 : vector<16xi32>
      %parallel_loop3A_542 = tpu.vector_load_idx %arg20[%parallel_loop3A_541] : memref<1088xf32, #tpu.memory_space<vmem>>[vector<16xi32>], vector<16xf32>,
      %parallel_loop3A_543 = arith.addf %parallel_loop3A_523, %parallel_loop3A_542 : vector<16xf32>
      %parallel_loop3A_544 = arith.constant 13 : i32
      %parallel_loop3A_545 = vector.broadcast %parallel_loop3A_544 : i32 to vector<16xi32>
      %parallel_loop3A_546 = arith.addi %parallel_loop3A_470, %parallel_loop3A_545 : vector<16xi32>
      %parallel_loop3A_547 = tpu.vector_load_idx %arg20[%parallel_loop3A_546] : memref<1088xf32, #tpu.memory_space<vmem>>[vector<16xi32>], vector<16xf32>,
      %parallel_loop3A_548 = arith.addf %parallel_loop3A_528, %parallel_loop3A_547 : vector<16xf32>
      %parallel_loop3A_549 = arith.constant 14 : i32
      %parallel_loop3A_550 = vector.broadcast %parallel_loop3A_549 : i32 to vector<16xi32>
      %parallel_loop3A_551 = arith.addi %parallel_loop3A_470, %parallel_loop3A_550 : vector<16xi32>
      %parallel_loop3A_552 = tpu.vector_load_idx %arg20[%parallel_loop3A_551] : memref<1088xf32, #tpu.memory_space<vmem>>[vector<16xi32>], vector<16xf32>,
      %parallel_loop3A_553 = arith.addf %parallel_loop3A_533, %parallel_loop3A_552 : vector<16xf32>
      %parallel_loop3A_554 = arith.constant 15 : i32
      %parallel_loop3A_555 = vector.broadcast %parallel_loop3A_554 : i32 to vector<16xi32>
      %parallel_loop3A_556 = arith.addi %parallel_loop3A_470, %parallel_loop3A_555 : vector<16xi32>
      %parallel_loop3A_557 = tpu.vector_load_idx %arg20[%parallel_loop3A_556] : memref<1088xf32, #tpu.memory_space<vmem>>[vector<16xi32>], vector<16xf32>,
      %parallel_loop3A_558 = arith.addf %parallel_loop3A_538, %parallel_loop3A_557 : vector<16xf32>
      %parallel_loop3A_559 = arith.addf %parallel_loop3A_543, %parallel_loop3A_548 : vector<16xf32>
      %parallel_loop3A_560 = arith.addf %parallel_loop3A_553, %parallel_loop3A_558 : vector<16xf32>
      %parallel_loop3A_561 = arith.addf %parallel_loop3A_559, %parallel_loop3A_560 : vector<16xf32>
      %parallel_loop3A_562 = arith.constant 0.000000e+00 : f32
      %parallel_loop3A_563 = vector.broadcast %parallel_loop3A_562 : f32 to vector<16xf32>
      %parallel_loop3A_564 = arith.subf %parallel_loop3A_563, %parallel_loop3A_561 : vector<16xf32>
      %parallel_loop3A_565 = math.exp %parallel_loop3A_564 : vector<16xf32>
      %parallel_loop3A_566 = arith.constant 1.000000e+00 : f32
      %parallel_loop3A_567 = vector.broadcast %parallel_loop3A_566 : f32 to vector<16xf32>
      %parallel_loop3A_568 = arith.addf %parallel_loop3A_567, %parallel_loop3A_565 : vector<16xf32>
      %parallel_loop3A_569 = arith.constant 1.000000e+00 : f32
      %parallel_loop3A_570 = vector.broadcast %parallel_loop3A_569 : f32 to vector<16xf32>
      %parallel_loop3A_571 = arith.divf %parallel_loop3A_570, %parallel_loop3A_568 : vector<16xf32>
      %parallel_loop3A_572 = arith.constant 16 : i32
      %parallel_loop3A_573 = arith.muli %parallel_loop3A_463, %parallel_loop3A_572 : i32
      %parallel_loop3A_574 = arith.constant 256 : i32
      %parallel_loop3A_575 = arith.addi %parallel_loop3A_574, %parallel_loop3A_573 : i32
      %parallel_loop3A_576 = arith.index_cast %parallel_loop3A_575 : i32 to index
      %parallel_loop3A_577 = tpu.vector_load %arg21[%parallel_loop3A_576] {strides = array<i32>} : memref<512xf32, #tpu.memory_space<vmem>>, vector<16xf32>,
      tpu.vector_store %arg21[%parallel_loop3A_576], %parallel_loop3A_571 {strides = array<i32>} : memref<512xf32, #tpu.memory_space<vmem>>, vector<16xf32>,
    } {sc.loop_unroll_factor = 2 : i64, sc.parallel_access}
    %dma_start3A_385 = arith.constant 448 : i32
    %dma_start3A_386 = tpu.memref_slice %arg8[%dma_start3A_385] : memref<512xi32, #tpu.memory_space<vmem>> -> memref<64xi32, #tpu.memory_space<vmem>>
    %dma_start3A_387 = arith.constant 0 : i32
    %dma_start3A_388 = arith.constant 0 : i32
    %dma_start3A_389 = tpu.memref_slice %arg5[%dma_start3A_387, %dma_start3A_388] : memref<100000x128xf32, #tpu.memory_space<hbm>> -> memref<100000x128xf32, #tpu.memory_space<hbm>>
    tpu.enqueue_indirect_dma source(%dma_start3A_389 : memref<100000x128xf32, #tpu.memory_space<hbm>>) target(%arg14 : memref<64x128xf32, #tpu.memory_space<vmem>>) offsets(%dma_start3A_386 : memref<64xi32, #tpu.memory_space<vmem>>) semaphore(%arg23 : memref<!tpu.dma_semaphore, #tpu.memory_space<semaphore_mem>>)
    %dma_start3A_390 = arith.constant 448 : i32
    %dma_start3A_391 = tpu.memref_slice %arg9[%dma_start3A_390] : memref<512xi32, #tpu.memory_space<vmem>> -> memref<64xi32, #tpu.memory_space<vmem>>
    %dma_start3A_392 = arith.constant 0 : i32
    %dma_start3A_393 = arith.constant 0 : i32
    %dma_start3A_394 = tpu.memref_slice %arg6[%dma_start3A_392, %dma_start3A_393] : memref<8000x128xf32, #tpu.memory_space<hbm>> -> memref<8000x128xf32, #tpu.memory_space<hbm>>
    tpu.enqueue_indirect_dma source(%dma_start3A_394 : memref<8000x128xf32, #tpu.memory_space<hbm>>) target(%arg15 : memref<64x128xf32, #tpu.memory_space<vmem>>) offsets(%dma_start3A_391 : memref<64xi32, #tpu.memory_space<vmem>>) semaphore(%arg23 : memref<!tpu.dma_semaphore, #tpu.memory_space<semaphore_mem>>)
    %dma_start3A_395 = arith.constant 448 : i32
    %dma_start3A_396 = tpu.memref_slice %arg10[%dma_start3A_395] : memref<512xi32, #tpu.memory_space<vmem>> -> memref<64xi32, #tpu.memory_space<vmem>>
    %dma_start3A_397 = arith.constant 0 : i32
    %dma_start3A_398 = arith.constant 0 : i32
    %dma_start3A_399 = tpu.memref_slice %arg5[%dma_start3A_397, %dma_start3A_398] : memref<100000x128xf32, #tpu.memory_space<hbm>> -> memref<100000x128xf32, #tpu.memory_space<hbm>>
    tpu.enqueue_indirect_dma source(%dma_start3A_399 : memref<100000x128xf32, #tpu.memory_space<hbm>>) target(%arg16 : memref<64x128xf32, #tpu.memory_space<vmem>>) offsets(%dma_start3A_396 : memref<64xi32, #tpu.memory_space<vmem>>) semaphore(%arg23 : memref<!tpu.dma_semaphore, #tpu.memory_space<semaphore_mem>>)
    %dma_wait3A_400 = arith.constant 320 : i32
    %dma_wait3A_401 = tpu.memref_slice %arg8[%dma_wait3A_400] : memref<512xi32, #tpu.memory_space<vmem>> -> memref<64xi32, #tpu.memory_space<vmem>>
    %dma_wait3A_402 = arith.constant 0 : i32
    %dma_wait3A_403 = arith.constant 0 : i32
    %dma_wait3A_404 = tpu.memref_slice %arg5[%dma_wait3A_402, %dma_wait3A_403] : memref<100000x128xf32, #tpu.memory_space<hbm>> -> memref<100000x128xf32, #tpu.memory_space<hbm>>
    tpu.wait_indirect_dma semaphore(%arg24 : memref<!tpu.dma_semaphore, #tpu.memory_space<semaphore_mem>>) src(%dma_wait3A_404 : memref<100000x128xf32, #tpu.memory_space<hbm>>) dst(%arg17 : memref<64x128xf32, #tpu.memory_space<vmem>>)
    %dma_wait3A_405 = arith.constant 320 : i32
    %dma_wait3A_406 = tpu.memref_slice %arg9[%dma_wait3A_405] : memref<512xi32, #tpu.memory_space<vmem>> -> memref<64xi32, #tpu.memory_space<vmem>>
    %dma_wait3A_407 = arith.constant 0 : i32
    %dma_wait3A_408 = arith.constant 0 : i32
    %dma_wait3A_409 = tpu.memref_slice %arg6[%dma_wait3A_407, %dma_wait3A_408] : memref<8000x128xf32, #tpu.memory_space<hbm>> -> memref<8000x128xf32, #tpu.memory_space<hbm>>
    tpu.wait_indirect_dma semaphore(%arg24 : memref<!tpu.dma_semaphore, #tpu.memory_space<semaphore_mem>>) src(%dma_wait3A_409 : memref<8000x128xf32, #tpu.memory_space<hbm>>) dst(%arg18 : memref<64x128xf32, #tpu.memory_space<vmem>>)
    %dma_wait3A_410 = arith.constant 320 : i32
    %dma_wait3A_411 = tpu.memref_slice %arg10[%dma_wait3A_410] : memref<512xi32, #tpu.memory_space<vmem>> -> memref<64xi32, #tpu.memory_space<vmem>>
    %dma_wait3A_412 = arith.constant 0 : i32
    %dma_wait3A_413 = arith.constant 0 : i32
    %dma_wait3A_414 = tpu.memref_slice %arg5[%dma_wait3A_412, %dma_wait3A_413] : memref<100000x128xf32, #tpu.memory_space<hbm>> -> memref<100000x128xf32, #tpu.memory_space<hbm>>
    tpu.wait_indirect_dma semaphore(%arg24 : memref<!tpu.dma_semaphore, #tpu.memory_space<semaphore_mem>>) src(%dma_wait3A_414 : memref<100000x128xf32, #tpu.memory_space<hbm>>) dst(%arg19 : memref<64x128xf32, #tpu.memory_space<vmem>>)
    %parallel_loop3A_415 = arith.constant 0 : i32
    %parallel_loop3A_416 = arith.constant 64 : i32
    %parallel_loop3A_417 = arith.constant 1 : i32
    scf.for %parallel_loop3A_463 = %parallel_loop3A_415 to %parallel_loop3A_416 step %parallel_loop3A_417  : i32 {
      %parallel_loop3A_464 = arith.index_cast %parallel_loop3A_463 : i32 to index
      %parallel_loop3A_465 = arith.constant 0 : index
      %parallel_loop3A_466 = tpu.vector_load %arg17[%parallel_loop3A_464, %parallel_loop3A_465] {strides = array<i32>} : memref<64x128xf32, #tpu.memory_space<vmem>>, vector<16xf32>,
      %parallel_loop3A_467 = arith.index_cast %parallel_loop3A_463 : i32 to index
      %parallel_loop3A_468 = arith.constant 0 : index
      %parallel_loop3A_469 = tpu.vector_load %arg18[%parallel_loop3A_467, %parallel_loop3A_468] {strides = array<i32>} : memref<64x128xf32, #tpu.memory_space<vmem>>, vector<16xf32>,
      %parallel_loop3A_470 = arith.mulf %parallel_loop3A_466, %parallel_loop3A_469 : vector<16xf32>
      %parallel_loop3A_471 = arith.index_cast %parallel_loop3A_463 : i32 to index
      %parallel_loop3A_472 = arith.constant 0 : index
      %parallel_loop3A_473 = tpu.vector_load %arg19[%parallel_loop3A_471, %parallel_loop3A_472] {strides = array<i32>} : memref<64x128xf32, #tpu.memory_space<vmem>>, vector<16xf32>,
      %parallel_loop3A_474 = arith.mulf %parallel_loop3A_470, %parallel_loop3A_473 : vector<16xf32>
      %parallel_loop3A_475 = arith.index_cast %parallel_loop3A_463 : i32 to index
      %parallel_loop3A_476 = arith.constant 16 : index
      %parallel_loop3A_477 = tpu.vector_load %arg17[%parallel_loop3A_475, %parallel_loop3A_476] {strides = array<i32>} : memref<64x128xf32, #tpu.memory_space<vmem>>, vector<16xf32>,
      %parallel_loop3A_478 = arith.index_cast %parallel_loop3A_463 : i32 to index
      %parallel_loop3A_479 = arith.constant 16 : index
      %parallel_loop3A_480 = tpu.vector_load %arg18[%parallel_loop3A_478, %parallel_loop3A_479] {strides = array<i32>} : memref<64x128xf32, #tpu.memory_space<vmem>>, vector<16xf32>,
      %parallel_loop3A_481 = arith.mulf %parallel_loop3A_477, %parallel_loop3A_480 : vector<16xf32>
      %parallel_loop3A_482 = arith.index_cast %parallel_loop3A_463 : i32 to index
      %parallel_loop3A_483 = arith.constant 16 : index
      %parallel_loop3A_484 = tpu.vector_load %arg19[%parallel_loop3A_482, %parallel_loop3A_483] {strides = array<i32>} : memref<64x128xf32, #tpu.memory_space<vmem>>, vector<16xf32>,
      %parallel_loop3A_485 = arith.mulf %parallel_loop3A_481, %parallel_loop3A_484 : vector<16xf32>
      %parallel_loop3A_486 = arith.index_cast %parallel_loop3A_463 : i32 to index
      %parallel_loop3A_487 = arith.constant 32 : index
      %parallel_loop3A_488 = tpu.vector_load %arg17[%parallel_loop3A_486, %parallel_loop3A_487] {strides = array<i32>} : memref<64x128xf32, #tpu.memory_space<vmem>>, vector<16xf32>,
      %parallel_loop3A_489 = arith.index_cast %parallel_loop3A_463 : i32 to index
      %parallel_loop3A_490 = arith.constant 32 : index
      %parallel_loop3A_491 = tpu.vector_load %arg18[%parallel_loop3A_489, %parallel_loop3A_490] {strides = array<i32>} : memref<64x128xf32, #tpu.memory_space<vmem>>, vector<16xf32>,
      %parallel_loop3A_492 = arith.mulf %parallel_loop3A_488, %parallel_loop3A_491 : vector<16xf32>
      %parallel_loop3A_493 = arith.index_cast %parallel_loop3A_463 : i32 to index
      %parallel_loop3A_494 = arith.constant 32 : index
      %parallel_loop3A_495 = tpu.vector_load %arg19[%parallel_loop3A_493, %parallel_loop3A_494] {strides = array<i32>} : memref<64x128xf32, #tpu.memory_space<vmem>>, vector<16xf32>,
      %parallel_loop3A_496 = arith.mulf %parallel_loop3A_492, %parallel_loop3A_495 : vector<16xf32>
      %parallel_loop3A_497 = arith.index_cast %parallel_loop3A_463 : i32 to index
      %parallel_loop3A_498 = arith.constant 48 : index
      %parallel_loop3A_499 = tpu.vector_load %arg17[%parallel_loop3A_497, %parallel_loop3A_498] {strides = array<i32>} : memref<64x128xf32, #tpu.memory_space<vmem>>, vector<16xf32>,
      %parallel_loop3A_500 = arith.index_cast %parallel_loop3A_463 : i32 to index
      %parallel_loop3A_501 = arith.constant 48 : index
      %parallel_loop3A_502 = tpu.vector_load %arg18[%parallel_loop3A_500, %parallel_loop3A_501] {strides = array<i32>} : memref<64x128xf32, #tpu.memory_space<vmem>>, vector<16xf32>,
      %parallel_loop3A_503 = arith.mulf %parallel_loop3A_499, %parallel_loop3A_502 : vector<16xf32>
      %parallel_loop3A_504 = arith.index_cast %parallel_loop3A_463 : i32 to index
      %parallel_loop3A_505 = arith.constant 48 : index
      %parallel_loop3A_506 = tpu.vector_load %arg19[%parallel_loop3A_504, %parallel_loop3A_505] {strides = array<i32>} : memref<64x128xf32, #tpu.memory_space<vmem>>, vector<16xf32>,
      %parallel_loop3A_507 = arith.mulf %parallel_loop3A_503, %parallel_loop3A_506 : vector<16xf32>
      %parallel_loop3A_508 = arith.index_cast %parallel_loop3A_463 : i32 to index
      %parallel_loop3A_509 = arith.constant 64 : index
      %parallel_loop3A_510 = tpu.vector_load %arg17[%parallel_loop3A_508, %parallel_loop3A_509] {strides = array<i32>} : memref<64x128xf32, #tpu.memory_space<vmem>>, vector<16xf32>,
      %parallel_loop3A_511 = arith.index_cast %parallel_loop3A_463 : i32 to index
      %parallel_loop3A_512 = arith.constant 64 : index
      %parallel_loop3A_513 = tpu.vector_load %arg18[%parallel_loop3A_511, %parallel_loop3A_512] {strides = array<i32>} : memref<64x128xf32, #tpu.memory_space<vmem>>, vector<16xf32>,
      %parallel_loop3A_514 = arith.mulf %parallel_loop3A_510, %parallel_loop3A_513 : vector<16xf32>
      %parallel_loop3A_515 = arith.index_cast %parallel_loop3A_463 : i32 to index
      %parallel_loop3A_516 = arith.constant 64 : index
      %parallel_loop3A_517 = tpu.vector_load %arg19[%parallel_loop3A_515, %parallel_loop3A_516] {strides = array<i32>} : memref<64x128xf32, #tpu.memory_space<vmem>>, vector<16xf32>,
      %parallel_loop3A_518 = arith.mulf %parallel_loop3A_514, %parallel_loop3A_517 : vector<16xf32>
      %parallel_loop3A_519 = arith.index_cast %parallel_loop3A_463 : i32 to index
      %parallel_loop3A_520 = arith.constant 80 : index
      %parallel_loop3A_521 = tpu.vector_load %arg17[%parallel_loop3A_519, %parallel_loop3A_520] {strides = array<i32>} : memref<64x128xf32, #tpu.memory_space<vmem>>, vector<16xf32>,
      %parallel_loop3A_522 = arith.index_cast %parallel_loop3A_463 : i32 to index
      %parallel_loop3A_523 = arith.constant 80 : index
      %parallel_loop3A_524 = tpu.vector_load %arg18[%parallel_loop3A_522, %parallel_loop3A_523] {strides = array<i32>} : memref<64x128xf32, #tpu.memory_space<vmem>>, vector<16xf32>,
      %parallel_loop3A_525 = arith.mulf %parallel_loop3A_521, %parallel_loop3A_524 : vector<16xf32>
      %parallel_loop3A_526 = arith.index_cast %parallel_loop3A_463 : i32 to index
      %parallel_loop3A_527 = arith.constant 80 : index
      %parallel_loop3A_528 = tpu.vector_load %arg19[%parallel_loop3A_526, %parallel_loop3A_527] {strides = array<i32>} : memref<64x128xf32, #tpu.memory_space<vmem>>, vector<16xf32>,
      %parallel_loop3A_529 = arith.mulf %parallel_loop3A_525, %parallel_loop3A_528 : vector<16xf32>
      %parallel_loop3A_530 = arith.index_cast %parallel_loop3A_463 : i32 to index
      %parallel_loop3A_531 = arith.constant 96 : index
      %parallel_loop3A_532 = tpu.vector_load %arg17[%parallel_loop3A_530, %parallel_loop3A_531] {strides = array<i32>} : memref<64x128xf32, #tpu.memory_space<vmem>>, vector<16xf32>,
      %parallel_loop3A_533 = arith.index_cast %parallel_loop3A_463 : i32 to index
      %parallel_loop3A_534 = arith.constant 96 : index
      %parallel_loop3A_535 = tpu.vector_load %arg18[%parallel_loop3A_533, %parallel_loop3A_534] {strides = array<i32>} : memref<64x128xf32, #tpu.memory_space<vmem>>, vector<16xf32>,
      %parallel_loop3A_536 = arith.mulf %parallel_loop3A_532, %parallel_loop3A_535 : vector<16xf32>
      %parallel_loop3A_537 = arith.index_cast %parallel_loop3A_463 : i32 to index
      %parallel_loop3A_538 = arith.constant 96 : index
      %parallel_loop3A_539 = tpu.vector_load %arg19[%parallel_loop3A_537, %parallel_loop3A_538] {strides = array<i32>} : memref<64x128xf32, #tpu.memory_space<vmem>>, vector<16xf32>,
      %parallel_loop3A_540 = arith.mulf %parallel_loop3A_536, %parallel_loop3A_539 : vector<16xf32>
      %parallel_loop3A_541 = arith.index_cast %parallel_loop3A_463 : i32 to index
      %parallel_loop3A_542 = arith.constant 112 : index
      %parallel_loop3A_543 = tpu.vector_load %arg17[%parallel_loop3A_541, %parallel_loop3A_542] {strides = array<i32>} : memref<64x128xf32, #tpu.memory_space<vmem>>, vector<16xf32>,
      %parallel_loop3A_544 = arith.index_cast %parallel_loop3A_463 : i32 to index
      %parallel_loop3A_545 = arith.constant 112 : index
      %parallel_loop3A_546 = tpu.vector_load %arg18[%parallel_loop3A_544, %parallel_loop3A_545] {strides = array<i32>} : memref<64x128xf32, #tpu.memory_space<vmem>>, vector<16xf32>,
      %parallel_loop3A_547 = arith.mulf %parallel_loop3A_543, %parallel_loop3A_546 : vector<16xf32>
      %parallel_loop3A_548 = arith.index_cast %parallel_loop3A_463 : i32 to index
      %parallel_loop3A_549 = arith.constant 112 : index
      %parallel_loop3A_550 = tpu.vector_load %arg19[%parallel_loop3A_548, %parallel_loop3A_549] {strides = array<i32>} : memref<64x128xf32, #tpu.memory_space<vmem>>, vector<16xf32>,
      %parallel_loop3A_551 = arith.mulf %parallel_loop3A_547, %parallel_loop3A_550 : vector<16xf32>
      %parallel_loop3A_552 = arith.addf %parallel_loop3A_474, %parallel_loop3A_485 : vector<16xf32>
      %parallel_loop3A_553 = arith.addf %parallel_loop3A_496, %parallel_loop3A_507 : vector<16xf32>
      %parallel_loop3A_554 = arith.addf %parallel_loop3A_552, %parallel_loop3A_553 : vector<16xf32>
      %parallel_loop3A_555 = arith.addf %parallel_loop3A_518, %parallel_loop3A_529 : vector<16xf32>
      %parallel_loop3A_556 = arith.addf %parallel_loop3A_540, %parallel_loop3A_551 : vector<16xf32>
      %parallel_loop3A_557 = arith.addf %parallel_loop3A_555, %parallel_loop3A_556 : vector<16xf32>
      %parallel_loop3A_558 = arith.addf %parallel_loop3A_554, %parallel_loop3A_557 : vector<16xf32>
      %parallel_loop3A_559 = arith.constant 17 : i32
      %parallel_loop3A_560 = arith.muli %parallel_loop3A_463, %parallel_loop3A_559 : i32
      %parallel_loop3A_561 = arith.index_cast %parallel_loop3A_560 : i32 to index
      %parallel_loop3A_562 = tpu.vector_load %arg20[%parallel_loop3A_561] {strides = array<i32>} : memref<1088xf32, #tpu.memory_space<vmem>>, vector<16xf32>,
      tpu.vector_store %arg20[%parallel_loop3A_561], %parallel_loop3A_558 {strides = array<i32>} : memref<1088xf32, #tpu.memory_space<vmem>>, vector<16xf32>,
    } {sc.loop_unroll_factor = 4 : i64, sc.parallel_access}
    %parallel_loop3A_418 = arith.constant 0 : i32
    %parallel_loop3A_419 = arith.constant 4 : i32
    %parallel_loop3A_420 = arith.constant 1 : i32
    scf.for %parallel_loop3A_463 = %parallel_loop3A_418 to %parallel_loop3A_419 step %parallel_loop3A_420  : i32 {
      %parallel_loop3A_464 = arith.constant 16 : i32
      %parallel_loop3A_465 = arith.muli %parallel_loop3A_463, %parallel_loop3A_464 : i32
      %parallel_loop3A_466 = vector.broadcast %parallel_loop3A_465 : i32 to vector<16xi32>
      %parallel_loop3A_467 = arith.addi %parallel_loop3A_466, %iota3A : vector<16xi32>
      %parallel_loop3A_468 = arith.constant 17 : i32
      %parallel_loop3A_469 = vector.broadcast %parallel_loop3A_468 : i32 to vector<16xi32>
      %parallel_loop3A_470 = arith.muli %parallel_loop3A_467, %parallel_loop3A_469 : vector<16xi32>
      %parallel_loop3A_471 = arith.constant 0.000000e+00 : f32
      %parallel_loop3A_472 = vector.broadcast %parallel_loop3A_471 : f32 to vector<16xf32>
      %parallel_loop3A_473 = arith.constant 0.000000e+00 : f32
      %parallel_loop3A_474 = vector.broadcast %parallel_loop3A_473 : f32 to vector<16xf32>
      %parallel_loop3A_475 = arith.constant 0.000000e+00 : f32
      %parallel_loop3A_476 = vector.broadcast %parallel_loop3A_475 : f32 to vector<16xf32>
      %parallel_loop3A_477 = arith.constant 0.000000e+00 : f32
      %parallel_loop3A_478 = vector.broadcast %parallel_loop3A_477 : f32 to vector<16xf32>
      %parallel_loop3A_479 = arith.constant 0 : i32
      %parallel_loop3A_480 = vector.broadcast %parallel_loop3A_479 : i32 to vector<16xi32>
      %parallel_loop3A_481 = arith.addi %parallel_loop3A_470, %parallel_loop3A_480 : vector<16xi32>
      %parallel_loop3A_482 = tpu.vector_load_idx %arg20[%parallel_loop3A_481] : memref<1088xf32, #tpu.memory_space<vmem>>[vector<16xi32>], vector<16xf32>,
      %parallel_loop3A_483 = arith.addf %parallel_loop3A_472, %parallel_loop3A_482 : vector<16xf32>
      %parallel_loop3A_484 = arith.constant 1 : i32
      %parallel_loop3A_485 = vector.broadcast %parallel_loop3A_484 : i32 to vector<16xi32>
      %parallel_loop3A_486 = arith.addi %parallel_loop3A_470, %parallel_loop3A_485 : vector<16xi32>
      %parallel_loop3A_487 = tpu.vector_load_idx %arg20[%parallel_loop3A_486] : memref<1088xf32, #tpu.memory_space<vmem>>[vector<16xi32>], vector<16xf32>,
      %parallel_loop3A_488 = arith.addf %parallel_loop3A_474, %parallel_loop3A_487 : vector<16xf32>
      %parallel_loop3A_489 = arith.constant 2 : i32
      %parallel_loop3A_490 = vector.broadcast %parallel_loop3A_489 : i32 to vector<16xi32>
      %parallel_loop3A_491 = arith.addi %parallel_loop3A_470, %parallel_loop3A_490 : vector<16xi32>
      %parallel_loop3A_492 = tpu.vector_load_idx %arg20[%parallel_loop3A_491] : memref<1088xf32, #tpu.memory_space<vmem>>[vector<16xi32>], vector<16xf32>,
      %parallel_loop3A_493 = arith.addf %parallel_loop3A_476, %parallel_loop3A_492 : vector<16xf32>
      %parallel_loop3A_494 = arith.constant 3 : i32
      %parallel_loop3A_495 = vector.broadcast %parallel_loop3A_494 : i32 to vector<16xi32>
      %parallel_loop3A_496 = arith.addi %parallel_loop3A_470, %parallel_loop3A_495 : vector<16xi32>
      %parallel_loop3A_497 = tpu.vector_load_idx %arg20[%parallel_loop3A_496] : memref<1088xf32, #tpu.memory_space<vmem>>[vector<16xi32>], vector<16xf32>,
      %parallel_loop3A_498 = arith.addf %parallel_loop3A_478, %parallel_loop3A_497 : vector<16xf32>
      %parallel_loop3A_499 = arith.constant 4 : i32
      %parallel_loop3A_500 = vector.broadcast %parallel_loop3A_499 : i32 to vector<16xi32>
      %parallel_loop3A_501 = arith.addi %parallel_loop3A_470, %parallel_loop3A_500 : vector<16xi32>
      %parallel_loop3A_502 = tpu.vector_load_idx %arg20[%parallel_loop3A_501] : memref<1088xf32, #tpu.memory_space<vmem>>[vector<16xi32>], vector<16xf32>,
      %parallel_loop3A_503 = arith.addf %parallel_loop3A_483, %parallel_loop3A_502 : vector<16xf32>
      %parallel_loop3A_504 = arith.constant 5 : i32
      %parallel_loop3A_505 = vector.broadcast %parallel_loop3A_504 : i32 to vector<16xi32>
      %parallel_loop3A_506 = arith.addi %parallel_loop3A_470, %parallel_loop3A_505 : vector<16xi32>
      %parallel_loop3A_507 = tpu.vector_load_idx %arg20[%parallel_loop3A_506] : memref<1088xf32, #tpu.memory_space<vmem>>[vector<16xi32>], vector<16xf32>,
      %parallel_loop3A_508 = arith.addf %parallel_loop3A_488, %parallel_loop3A_507 : vector<16xf32>
      %parallel_loop3A_509 = arith.constant 6 : i32
      %parallel_loop3A_510 = vector.broadcast %parallel_loop3A_509 : i32 to vector<16xi32>
      %parallel_loop3A_511 = arith.addi %parallel_loop3A_470, %parallel_loop3A_510 : vector<16xi32>
      %parallel_loop3A_512 = tpu.vector_load_idx %arg20[%parallel_loop3A_511] : memref<1088xf32, #tpu.memory_space<vmem>>[vector<16xi32>], vector<16xf32>,
      %parallel_loop3A_513 = arith.addf %parallel_loop3A_493, %parallel_loop3A_512 : vector<16xf32>
      %parallel_loop3A_514 = arith.constant 7 : i32
      %parallel_loop3A_515 = vector.broadcast %parallel_loop3A_514 : i32 to vector<16xi32>
      %parallel_loop3A_516 = arith.addi %parallel_loop3A_470, %parallel_loop3A_515 : vector<16xi32>
      %parallel_loop3A_517 = tpu.vector_load_idx %arg20[%parallel_loop3A_516] : memref<1088xf32, #tpu.memory_space<vmem>>[vector<16xi32>], vector<16xf32>,
      %parallel_loop3A_518 = arith.addf %parallel_loop3A_498, %parallel_loop3A_517 : vector<16xf32>
      %parallel_loop3A_519 = arith.constant 8 : i32
      %parallel_loop3A_520 = vector.broadcast %parallel_loop3A_519 : i32 to vector<16xi32>
      %parallel_loop3A_521 = arith.addi %parallel_loop3A_470, %parallel_loop3A_520 : vector<16xi32>
      %parallel_loop3A_522 = tpu.vector_load_idx %arg20[%parallel_loop3A_521] : memref<1088xf32, #tpu.memory_space<vmem>>[vector<16xi32>], vector<16xf32>,
      %parallel_loop3A_523 = arith.addf %parallel_loop3A_503, %parallel_loop3A_522 : vector<16xf32>
      %parallel_loop3A_524 = arith.constant 9 : i32
      %parallel_loop3A_525 = vector.broadcast %parallel_loop3A_524 : i32 to vector<16xi32>
      %parallel_loop3A_526 = arith.addi %parallel_loop3A_470, %parallel_loop3A_525 : vector<16xi32>
      %parallel_loop3A_527 = tpu.vector_load_idx %arg20[%parallel_loop3A_526] : memref<1088xf32, #tpu.memory_space<vmem>>[vector<16xi32>], vector<16xf32>,
      %parallel_loop3A_528 = arith.addf %parallel_loop3A_508, %parallel_loop3A_527 : vector<16xf32>
      %parallel_loop3A_529 = arith.constant 10 : i32
      %parallel_loop3A_530 = vector.broadcast %parallel_loop3A_529 : i32 to vector<16xi32>
      %parallel_loop3A_531 = arith.addi %parallel_loop3A_470, %parallel_loop3A_530 : vector<16xi32>
      %parallel_loop3A_532 = tpu.vector_load_idx %arg20[%parallel_loop3A_531] : memref<1088xf32, #tpu.memory_space<vmem>>[vector<16xi32>], vector<16xf32>,
      %parallel_loop3A_533 = arith.addf %parallel_loop3A_513, %parallel_loop3A_532 : vector<16xf32>
      %parallel_loop3A_534 = arith.constant 11 : i32
      %parallel_loop3A_535 = vector.broadcast %parallel_loop3A_534 : i32 to vector<16xi32>
      %parallel_loop3A_536 = arith.addi %parallel_loop3A_470, %parallel_loop3A_535 : vector<16xi32>
      %parallel_loop3A_537 = tpu.vector_load_idx %arg20[%parallel_loop3A_536] : memref<1088xf32, #tpu.memory_space<vmem>>[vector<16xi32>], vector<16xf32>,
      %parallel_loop3A_538 = arith.addf %parallel_loop3A_518, %parallel_loop3A_537 : vector<16xf32>
      %parallel_loop3A_539 = arith.constant 12 : i32
      %parallel_loop3A_540 = vector.broadcast %parallel_loop3A_539 : i32 to vector<16xi32>
      %parallel_loop3A_541 = arith.addi %parallel_loop3A_470, %parallel_loop3A_540 : vector<16xi32>
      %parallel_loop3A_542 = tpu.vector_load_idx %arg20[%parallel_loop3A_541] : memref<1088xf32, #tpu.memory_space<vmem>>[vector<16xi32>], vector<16xf32>,
      %parallel_loop3A_543 = arith.addf %parallel_loop3A_523, %parallel_loop3A_542 : vector<16xf32>
      %parallel_loop3A_544 = arith.constant 13 : i32
      %parallel_loop3A_545 = vector.broadcast %parallel_loop3A_544 : i32 to vector<16xi32>
      %parallel_loop3A_546 = arith.addi %parallel_loop3A_470, %parallel_loop3A_545 : vector<16xi32>
      %parallel_loop3A_547 = tpu.vector_load_idx %arg20[%parallel_loop3A_546] : memref<1088xf32, #tpu.memory_space<vmem>>[vector<16xi32>], vector<16xf32>,
      %parallel_loop3A_548 = arith.addf %parallel_loop3A_528, %parallel_loop3A_547 : vector<16xf32>
      %parallel_loop3A_549 = arith.constant 14 : i32
      %parallel_loop3A_550 = vector.broadcast %parallel_loop3A_549 : i32 to vector<16xi32>
      %parallel_loop3A_551 = arith.addi %parallel_loop3A_470, %parallel_loop3A_550 : vector<16xi32>
      %parallel_loop3A_552 = tpu.vector_load_idx %arg20[%parallel_loop3A_551] : memref<1088xf32, #tpu.memory_space<vmem>>[vector<16xi32>], vector<16xf32>,
      %parallel_loop3A_553 = arith.addf %parallel_loop3A_533, %parallel_loop3A_552 : vector<16xf32>
      %parallel_loop3A_554 = arith.constant 15 : i32
      %parallel_loop3A_555 = vector.broadcast %parallel_loop3A_554 : i32 to vector<16xi32>
      %parallel_loop3A_556 = arith.addi %parallel_loop3A_470, %parallel_loop3A_555 : vector<16xi32>
      %parallel_loop3A_557 = tpu.vector_load_idx %arg20[%parallel_loop3A_556] : memref<1088xf32, #tpu.memory_space<vmem>>[vector<16xi32>], vector<16xf32>,
      %parallel_loop3A_558 = arith.addf %parallel_loop3A_538, %parallel_loop3A_557 : vector<16xf32>
      %parallel_loop3A_559 = arith.addf %parallel_loop3A_543, %parallel_loop3A_548 : vector<16xf32>
      %parallel_loop3A_560 = arith.addf %parallel_loop3A_553, %parallel_loop3A_558 : vector<16xf32>
      %parallel_loop3A_561 = arith.addf %parallel_loop3A_559, %parallel_loop3A_560 : vector<16xf32>
      %parallel_loop3A_562 = arith.constant 0.000000e+00 : f32
      %parallel_loop3A_563 = vector.broadcast %parallel_loop3A_562 : f32 to vector<16xf32>
      %parallel_loop3A_564 = arith.subf %parallel_loop3A_563, %parallel_loop3A_561 : vector<16xf32>
      %parallel_loop3A_565 = math.exp %parallel_loop3A_564 : vector<16xf32>
      %parallel_loop3A_566 = arith.constant 1.000000e+00 : f32
      %parallel_loop3A_567 = vector.broadcast %parallel_loop3A_566 : f32 to vector<16xf32>
      %parallel_loop3A_568 = arith.addf %parallel_loop3A_567, %parallel_loop3A_565 : vector<16xf32>
      %parallel_loop3A_569 = arith.constant 1.000000e+00 : f32
      %parallel_loop3A_570 = vector.broadcast %parallel_loop3A_569 : f32 to vector<16xf32>
      %parallel_loop3A_571 = arith.divf %parallel_loop3A_570, %parallel_loop3A_568 : vector<16xf32>
      %parallel_loop3A_572 = arith.constant 16 : i32
      %parallel_loop3A_573 = arith.muli %parallel_loop3A_463, %parallel_loop3A_572 : i32
      %parallel_loop3A_574 = arith.constant 320 : i32
      %parallel_loop3A_575 = arith.addi %parallel_loop3A_574, %parallel_loop3A_573 : i32
      %parallel_loop3A_576 = arith.index_cast %parallel_loop3A_575 : i32 to index
      %parallel_loop3A_577 = tpu.vector_load %arg21[%parallel_loop3A_576] {strides = array<i32>} : memref<512xf32, #tpu.memory_space<vmem>>, vector<16xf32>,
      tpu.vector_store %arg21[%parallel_loop3A_576], %parallel_loop3A_571 {strides = array<i32>} : memref<512xf32, #tpu.memory_space<vmem>>, vector<16xf32>,
    } {sc.loop_unroll_factor = 2 : i64, sc.parallel_access}
    %dma_wait3A_421 = arith.constant 384 : i32
    %dma_wait3A_422 = tpu.memref_slice %arg8[%dma_wait3A_421] : memref<512xi32, #tpu.memory_space<vmem>> -> memref<64xi32, #tpu.memory_space<vmem>>
    %dma_wait3A_423 = arith.constant 0 : i32
    %dma_wait3A_424 = arith.constant 0 : i32
    %dma_wait3A_425 = tpu.memref_slice %arg5[%dma_wait3A_423, %dma_wait3A_424] : memref<100000x128xf32, #tpu.memory_space<hbm>> -> memref<100000x128xf32, #tpu.memory_space<hbm>>
    tpu.wait_indirect_dma semaphore(%arg22 : memref<!tpu.dma_semaphore, #tpu.memory_space<semaphore_mem>>) src(%dma_wait3A_425 : memref<100000x128xf32, #tpu.memory_space<hbm>>) dst(%arg11 : memref<64x128xf32, #tpu.memory_space<vmem>>)
    %dma_wait3A_426 = arith.constant 384 : i32
    %dma_wait3A_427 = tpu.memref_slice %arg9[%dma_wait3A_426] : memref<512xi32, #tpu.memory_space<vmem>> -> memref<64xi32, #tpu.memory_space<vmem>>
    %dma_wait3A_428 = arith.constant 0 : i32
    %dma_wait3A_429 = arith.constant 0 : i32
    %dma_wait3A_430 = tpu.memref_slice %arg6[%dma_wait3A_428, %dma_wait3A_429] : memref<8000x128xf32, #tpu.memory_space<hbm>> -> memref<8000x128xf32, #tpu.memory_space<hbm>>
    tpu.wait_indirect_dma semaphore(%arg22 : memref<!tpu.dma_semaphore, #tpu.memory_space<semaphore_mem>>) src(%dma_wait3A_430 : memref<8000x128xf32, #tpu.memory_space<hbm>>) dst(%arg12 : memref<64x128xf32, #tpu.memory_space<vmem>>)
    %dma_wait3A_431 = arith.constant 384 : i32
    %dma_wait3A_432 = tpu.memref_slice %arg10[%dma_wait3A_431] : memref<512xi32, #tpu.memory_space<vmem>> -> memref<64xi32, #tpu.memory_space<vmem>>
    %dma_wait3A_433 = arith.constant 0 : i32
    %dma_wait3A_434 = arith.constant 0 : i32
    %dma_wait3A_435 = tpu.memref_slice %arg5[%dma_wait3A_433, %dma_wait3A_434] : memref<100000x128xf32, #tpu.memory_space<hbm>> -> memref<100000x128xf32, #tpu.memory_space<hbm>>
    tpu.wait_indirect_dma semaphore(%arg22 : memref<!tpu.dma_semaphore, #tpu.memory_space<semaphore_mem>>) src(%dma_wait3A_435 : memref<100000x128xf32, #tpu.memory_space<hbm>>) dst(%arg13 : memref<64x128xf32, #tpu.memory_space<vmem>>)
    %parallel_loop3A_436 = arith.constant 0 : i32
    %parallel_loop3A_437 = arith.constant 64 : i32
    %parallel_loop3A_438 = arith.constant 1 : i32
    scf.for %parallel_loop3A_463 = %parallel_loop3A_436 to %parallel_loop3A_437 step %parallel_loop3A_438  : i32 {
      %parallel_loop3A_464 = arith.index_cast %parallel_loop3A_463 : i32 to index
      %parallel_loop3A_465 = arith.constant 0 : index
      %parallel_loop3A_466 = tpu.vector_load %arg11[%parallel_loop3A_464, %parallel_loop3A_465] {strides = array<i32>} : memref<64x128xf32, #tpu.memory_space<vmem>>, vector<16xf32>,
      %parallel_loop3A_467 = arith.index_cast %parallel_loop3A_463 : i32 to index
      %parallel_loop3A_468 = arith.constant 0 : index
      %parallel_loop3A_469 = tpu.vector_load %arg12[%parallel_loop3A_467, %parallel_loop3A_468] {strides = array<i32>} : memref<64x128xf32, #tpu.memory_space<vmem>>, vector<16xf32>,
      %parallel_loop3A_470 = arith.mulf %parallel_loop3A_466, %parallel_loop3A_469 : vector<16xf32>
      %parallel_loop3A_471 = arith.index_cast %parallel_loop3A_463 : i32 to index
      %parallel_loop3A_472 = arith.constant 0 : index
      %parallel_loop3A_473 = tpu.vector_load %arg13[%parallel_loop3A_471, %parallel_loop3A_472] {strides = array<i32>} : memref<64x128xf32, #tpu.memory_space<vmem>>, vector<16xf32>,
      %parallel_loop3A_474 = arith.mulf %parallel_loop3A_470, %parallel_loop3A_473 : vector<16xf32>
      %parallel_loop3A_475 = arith.index_cast %parallel_loop3A_463 : i32 to index
      %parallel_loop3A_476 = arith.constant 16 : index
      %parallel_loop3A_477 = tpu.vector_load %arg11[%parallel_loop3A_475, %parallel_loop3A_476] {strides = array<i32>} : memref<64x128xf32, #tpu.memory_space<vmem>>, vector<16xf32>,
      %parallel_loop3A_478 = arith.index_cast %parallel_loop3A_463 : i32 to index
      %parallel_loop3A_479 = arith.constant 16 : index
      %parallel_loop3A_480 = tpu.vector_load %arg12[%parallel_loop3A_478, %parallel_loop3A_479] {strides = array<i32>} : memref<64x128xf32, #tpu.memory_space<vmem>>, vector<16xf32>,
      %parallel_loop3A_481 = arith.mulf %parallel_loop3A_477, %parallel_loop3A_480 : vector<16xf32>
      %parallel_loop3A_482 = arith.index_cast %parallel_loop3A_463 : i32 to index
      %parallel_loop3A_483 = arith.constant 16 : index
      %parallel_loop3A_484 = tpu.vector_load %arg13[%parallel_loop3A_482, %parallel_loop3A_483] {strides = array<i32>} : memref<64x128xf32, #tpu.memory_space<vmem>>, vector<16xf32>,
      %parallel_loop3A_485 = arith.mulf %parallel_loop3A_481, %parallel_loop3A_484 : vector<16xf32>
      %parallel_loop3A_486 = arith.index_cast %parallel_loop3A_463 : i32 to index
      %parallel_loop3A_487 = arith.constant 32 : index
      %parallel_loop3A_488 = tpu.vector_load %arg11[%parallel_loop3A_486, %parallel_loop3A_487] {strides = array<i32>} : memref<64x128xf32, #tpu.memory_space<vmem>>, vector<16xf32>,
      %parallel_loop3A_489 = arith.index_cast %parallel_loop3A_463 : i32 to index
      %parallel_loop3A_490 = arith.constant 32 : index
      %parallel_loop3A_491 = tpu.vector_load %arg12[%parallel_loop3A_489, %parallel_loop3A_490] {strides = array<i32>} : memref<64x128xf32, #tpu.memory_space<vmem>>, vector<16xf32>,
      %parallel_loop3A_492 = arith.mulf %parallel_loop3A_488, %parallel_loop3A_491 : vector<16xf32>
      %parallel_loop3A_493 = arith.index_cast %parallel_loop3A_463 : i32 to index
      %parallel_loop3A_494 = arith.constant 32 : index
      %parallel_loop3A_495 = tpu.vector_load %arg13[%parallel_loop3A_493, %parallel_loop3A_494] {strides = array<i32>} : memref<64x128xf32, #tpu.memory_space<vmem>>, vector<16xf32>,
      %parallel_loop3A_496 = arith.mulf %parallel_loop3A_492, %parallel_loop3A_495 : vector<16xf32>
      %parallel_loop3A_497 = arith.index_cast %parallel_loop3A_463 : i32 to index
      %parallel_loop3A_498 = arith.constant 48 : index
      %parallel_loop3A_499 = tpu.vector_load %arg11[%parallel_loop3A_497, %parallel_loop3A_498] {strides = array<i32>} : memref<64x128xf32, #tpu.memory_space<vmem>>, vector<16xf32>,
      %parallel_loop3A_500 = arith.index_cast %parallel_loop3A_463 : i32 to index
      %parallel_loop3A_501 = arith.constant 48 : index
      %parallel_loop3A_502 = tpu.vector_load %arg12[%parallel_loop3A_500, %parallel_loop3A_501] {strides = array<i32>} : memref<64x128xf32, #tpu.memory_space<vmem>>, vector<16xf32>,
      %parallel_loop3A_503 = arith.mulf %parallel_loop3A_499, %parallel_loop3A_502 : vector<16xf32>
      %parallel_loop3A_504 = arith.index_cast %parallel_loop3A_463 : i32 to index
      %parallel_loop3A_505 = arith.constant 48 : index
      %parallel_loop3A_506 = tpu.vector_load %arg13[%parallel_loop3A_504, %parallel_loop3A_505] {strides = array<i32>} : memref<64x128xf32, #tpu.memory_space<vmem>>, vector<16xf32>,
      %parallel_loop3A_507 = arith.mulf %parallel_loop3A_503, %parallel_loop3A_506 : vector<16xf32>
      %parallel_loop3A_508 = arith.index_cast %parallel_loop3A_463 : i32 to index
      %parallel_loop3A_509 = arith.constant 64 : index
      %parallel_loop3A_510 = tpu.vector_load %arg11[%parallel_loop3A_508, %parallel_loop3A_509] {strides = array<i32>} : memref<64x128xf32, #tpu.memory_space<vmem>>, vector<16xf32>,
      %parallel_loop3A_511 = arith.index_cast %parallel_loop3A_463 : i32 to index
      %parallel_loop3A_512 = arith.constant 64 : index
      %parallel_loop3A_513 = tpu.vector_load %arg12[%parallel_loop3A_511, %parallel_loop3A_512] {strides = array<i32>} : memref<64x128xf32, #tpu.memory_space<vmem>>, vector<16xf32>,
      %parallel_loop3A_514 = arith.mulf %parallel_loop3A_510, %parallel_loop3A_513 : vector<16xf32>
      %parallel_loop3A_515 = arith.index_cast %parallel_loop3A_463 : i32 to index
      %parallel_loop3A_516 = arith.constant 64 : index
      %parallel_loop3A_517 = tpu.vector_load %arg13[%parallel_loop3A_515, %parallel_loop3A_516] {strides = array<i32>} : memref<64x128xf32, #tpu.memory_space<vmem>>, vector<16xf32>,
      %parallel_loop3A_518 = arith.mulf %parallel_loop3A_514, %parallel_loop3A_517 : vector<16xf32>
      %parallel_loop3A_519 = arith.index_cast %parallel_loop3A_463 : i32 to index
      %parallel_loop3A_520 = arith.constant 80 : index
      %parallel_loop3A_521 = tpu.vector_load %arg11[%parallel_loop3A_519, %parallel_loop3A_520] {strides = array<i32>} : memref<64x128xf32, #tpu.memory_space<vmem>>, vector<16xf32>,
      %parallel_loop3A_522 = arith.index_cast %parallel_loop3A_463 : i32 to index
      %parallel_loop3A_523 = arith.constant 80 : index
      %parallel_loop3A_524 = tpu.vector_load %arg12[%parallel_loop3A_522, %parallel_loop3A_523] {strides = array<i32>} : memref<64x128xf32, #tpu.memory_space<vmem>>, vector<16xf32>,
      %parallel_loop3A_525 = arith.mulf %parallel_loop3A_521, %parallel_loop3A_524 : vector<16xf32>
      %parallel_loop3A_526 = arith.index_cast %parallel_loop3A_463 : i32 to index
      %parallel_loop3A_527 = arith.constant 80 : index
      %parallel_loop3A_528 = tpu.vector_load %arg13[%parallel_loop3A_526, %parallel_loop3A_527] {strides = array<i32>} : memref<64x128xf32, #tpu.memory_space<vmem>>, vector<16xf32>,
      %parallel_loop3A_529 = arith.mulf %parallel_loop3A_525, %parallel_loop3A_528 : vector<16xf32>
      %parallel_loop3A_530 = arith.index_cast %parallel_loop3A_463 : i32 to index
      %parallel_loop3A_531 = arith.constant 96 : index
      %parallel_loop3A_532 = tpu.vector_load %arg11[%parallel_loop3A_530, %parallel_loop3A_531] {strides = array<i32>} : memref<64x128xf32, #tpu.memory_space<vmem>>, vector<16xf32>,
      %parallel_loop3A_533 = arith.index_cast %parallel_loop3A_463 : i32 to index
      %parallel_loop3A_534 = arith.constant 96 : index
      %parallel_loop3A_535 = tpu.vector_load %arg12[%parallel_loop3A_533, %parallel_loop3A_534] {strides = array<i32>} : memref<64x128xf32, #tpu.memory_space<vmem>>, vector<16xf32>,
      %parallel_loop3A_536 = arith.mulf %parallel_loop3A_532, %parallel_loop3A_535 : vector<16xf32>
      %parallel_loop3A_537 = arith.index_cast %parallel_loop3A_463 : i32 to index
      %parallel_loop3A_538 = arith.constant 96 : index
      %parallel_loop3A_539 = tpu.vector_load %arg13[%parallel_loop3A_537, %parallel_loop3A_538] {strides = array<i32>} : memref<64x128xf32, #tpu.memory_space<vmem>>, vector<16xf32>,
      %parallel_loop3A_540 = arith.mulf %parallel_loop3A_536, %parallel_loop3A_539 : vector<16xf32>
      %parallel_loop3A_541 = arith.index_cast %parallel_loop3A_463 : i32 to index
      %parallel_loop3A_542 = arith.constant 112 : index
      %parallel_loop3A_543 = tpu.vector_load %arg11[%parallel_loop3A_541, %parallel_loop3A_542] {strides = array<i32>} : memref<64x128xf32, #tpu.memory_space<vmem>>, vector<16xf32>,
      %parallel_loop3A_544 = arith.index_cast %parallel_loop3A_463 : i32 to index
      %parallel_loop3A_545 = arith.constant 112 : index
      %parallel_loop3A_546 = tpu.vector_load %arg12[%parallel_loop3A_544, %parallel_loop3A_545] {strides = array<i32>} : memref<64x128xf32, #tpu.memory_space<vmem>>, vector<16xf32>,
      %parallel_loop3A_547 = arith.mulf %parallel_loop3A_543, %parallel_loop3A_546 : vector<16xf32>
      %parallel_loop3A_548 = arith.index_cast %parallel_loop3A_463 : i32 to index
      %parallel_loop3A_549 = arith.constant 112 : index
      %parallel_loop3A_550 = tpu.vector_load %arg13[%parallel_loop3A_548, %parallel_loop3A_549] {strides = array<i32>} : memref<64x128xf32, #tpu.memory_space<vmem>>, vector<16xf32>,
      %parallel_loop3A_551 = arith.mulf %parallel_loop3A_547, %parallel_loop3A_550 : vector<16xf32>
      %parallel_loop3A_552 = arith.addf %parallel_loop3A_474, %parallel_loop3A_485 : vector<16xf32>
      %parallel_loop3A_553 = arith.addf %parallel_loop3A_496, %parallel_loop3A_507 : vector<16xf32>
      %parallel_loop3A_554 = arith.addf %parallel_loop3A_552, %parallel_loop3A_553 : vector<16xf32>
      %parallel_loop3A_555 = arith.addf %parallel_loop3A_518, %parallel_loop3A_529 : vector<16xf32>
      %parallel_loop3A_556 = arith.addf %parallel_loop3A_540, %parallel_loop3A_551 : vector<16xf32>
      %parallel_loop3A_557 = arith.addf %parallel_loop3A_555, %parallel_loop3A_556 : vector<16xf32>
      %parallel_loop3A_558 = arith.addf %parallel_loop3A_554, %parallel_loop3A_557 : vector<16xf32>
      %parallel_loop3A_559 = arith.constant 17 : i32
      %parallel_loop3A_560 = arith.muli %parallel_loop3A_463, %parallel_loop3A_559 : i32
      %parallel_loop3A_561 = arith.index_cast %parallel_loop3A_560 : i32 to index
      %parallel_loop3A_562 = tpu.vector_load %arg20[%parallel_loop3A_561] {strides = array<i32>} : memref<1088xf32, #tpu.memory_space<vmem>>, vector<16xf32>,
      tpu.vector_store %arg20[%parallel_loop3A_561], %parallel_loop3A_558 {strides = array<i32>} : memref<1088xf32, #tpu.memory_space<vmem>>, vector<16xf32>,
    } {sc.loop_unroll_factor = 4 : i64, sc.parallel_access}
    %parallel_loop3A_439 = arith.constant 0 : i32
    %parallel_loop3A_440 = arith.constant 4 : i32
    %parallel_loop3A_441 = arith.constant 1 : i32
    scf.for %parallel_loop3A_463 = %parallel_loop3A_439 to %parallel_loop3A_440 step %parallel_loop3A_441  : i32 {
      %parallel_loop3A_464 = arith.constant 16 : i32
      %parallel_loop3A_465 = arith.muli %parallel_loop3A_463, %parallel_loop3A_464 : i32
      %parallel_loop3A_466 = vector.broadcast %parallel_loop3A_465 : i32 to vector<16xi32>
      %parallel_loop3A_467 = arith.addi %parallel_loop3A_466, %iota3A : vector<16xi32>
      %parallel_loop3A_468 = arith.constant 17 : i32
      %parallel_loop3A_469 = vector.broadcast %parallel_loop3A_468 : i32 to vector<16xi32>
      %parallel_loop3A_470 = arith.muli %parallel_loop3A_467, %parallel_loop3A_469 : vector<16xi32>
      %parallel_loop3A_471 = arith.constant 0.000000e+00 : f32
      %parallel_loop3A_472 = vector.broadcast %parallel_loop3A_471 : f32 to vector<16xf32>
      %parallel_loop3A_473 = arith.constant 0.000000e+00 : f32
      %parallel_loop3A_474 = vector.broadcast %parallel_loop3A_473 : f32 to vector<16xf32>
      %parallel_loop3A_475 = arith.constant 0.000000e+00 : f32
      %parallel_loop3A_476 = vector.broadcast %parallel_loop3A_475 : f32 to vector<16xf32>
      %parallel_loop3A_477 = arith.constant 0.000000e+00 : f32
      %parallel_loop3A_478 = vector.broadcast %parallel_loop3A_477 : f32 to vector<16xf32>
      %parallel_loop3A_479 = arith.constant 0 : i32
      %parallel_loop3A_480 = vector.broadcast %parallel_loop3A_479 : i32 to vector<16xi32>
      %parallel_loop3A_481 = arith.addi %parallel_loop3A_470, %parallel_loop3A_480 : vector<16xi32>
      %parallel_loop3A_482 = tpu.vector_load_idx %arg20[%parallel_loop3A_481] : memref<1088xf32, #tpu.memory_space<vmem>>[vector<16xi32>], vector<16xf32>,
      %parallel_loop3A_483 = arith.addf %parallel_loop3A_472, %parallel_loop3A_482 : vector<16xf32>
      %parallel_loop3A_484 = arith.constant 1 : i32
      %parallel_loop3A_485 = vector.broadcast %parallel_loop3A_484 : i32 to vector<16xi32>
      %parallel_loop3A_486 = arith.addi %parallel_loop3A_470, %parallel_loop3A_485 : vector<16xi32>
      %parallel_loop3A_487 = tpu.vector_load_idx %arg20[%parallel_loop3A_486] : memref<1088xf32, #tpu.memory_space<vmem>>[vector<16xi32>], vector<16xf32>,
      %parallel_loop3A_488 = arith.addf %parallel_loop3A_474, %parallel_loop3A_487 : vector<16xf32>
      %parallel_loop3A_489 = arith.constant 2 : i32
      %parallel_loop3A_490 = vector.broadcast %parallel_loop3A_489 : i32 to vector<16xi32>
      %parallel_loop3A_491 = arith.addi %parallel_loop3A_470, %parallel_loop3A_490 : vector<16xi32>
      %parallel_loop3A_492 = tpu.vector_load_idx %arg20[%parallel_loop3A_491] : memref<1088xf32, #tpu.memory_space<vmem>>[vector<16xi32>], vector<16xf32>,
      %parallel_loop3A_493 = arith.addf %parallel_loop3A_476, %parallel_loop3A_492 : vector<16xf32>
      %parallel_loop3A_494 = arith.constant 3 : i32
      %parallel_loop3A_495 = vector.broadcast %parallel_loop3A_494 : i32 to vector<16xi32>
      %parallel_loop3A_496 = arith.addi %parallel_loop3A_470, %parallel_loop3A_495 : vector<16xi32>
      %parallel_loop3A_497 = tpu.vector_load_idx %arg20[%parallel_loop3A_496] : memref<1088xf32, #tpu.memory_space<vmem>>[vector<16xi32>], vector<16xf32>,
      %parallel_loop3A_498 = arith.addf %parallel_loop3A_478, %parallel_loop3A_497 : vector<16xf32>
      %parallel_loop3A_499 = arith.constant 4 : i32
      %parallel_loop3A_500 = vector.broadcast %parallel_loop3A_499 : i32 to vector<16xi32>
      %parallel_loop3A_501 = arith.addi %parallel_loop3A_470, %parallel_loop3A_500 : vector<16xi32>
      %parallel_loop3A_502 = tpu.vector_load_idx %arg20[%parallel_loop3A_501] : memref<1088xf32, #tpu.memory_space<vmem>>[vector<16xi32>], vector<16xf32>,
      %parallel_loop3A_503 = arith.addf %parallel_loop3A_483, %parallel_loop3A_502 : vector<16xf32>
      %parallel_loop3A_504 = arith.constant 5 : i32
      %parallel_loop3A_505 = vector.broadcast %parallel_loop3A_504 : i32 to vector<16xi32>
      %parallel_loop3A_506 = arith.addi %parallel_loop3A_470, %parallel_loop3A_505 : vector<16xi32>
      %parallel_loop3A_507 = tpu.vector_load_idx %arg20[%parallel_loop3A_506] : memref<1088xf32, #tpu.memory_space<vmem>>[vector<16xi32>], vector<16xf32>,
      %parallel_loop3A_508 = arith.addf %parallel_loop3A_488, %parallel_loop3A_507 : vector<16xf32>
      %parallel_loop3A_509 = arith.constant 6 : i32
      %parallel_loop3A_510 = vector.broadcast %parallel_loop3A_509 : i32 to vector<16xi32>
      %parallel_loop3A_511 = arith.addi %parallel_loop3A_470, %parallel_loop3A_510 : vector<16xi32>
      %parallel_loop3A_512 = tpu.vector_load_idx %arg20[%parallel_loop3A_511] : memref<1088xf32, #tpu.memory_space<vmem>>[vector<16xi32>], vector<16xf32>,
      %parallel_loop3A_513 = arith.addf %parallel_loop3A_493, %parallel_loop3A_512 : vector<16xf32>
      %parallel_loop3A_514 = arith.constant 7 : i32
      %parallel_loop3A_515 = vector.broadcast %parallel_loop3A_514 : i32 to vector<16xi32>
      %parallel_loop3A_516 = arith.addi %parallel_loop3A_470, %parallel_loop3A_515 : vector<16xi32>
      %parallel_loop3A_517 = tpu.vector_load_idx %arg20[%parallel_loop3A_516] : memref<1088xf32, #tpu.memory_space<vmem>>[vector<16xi32>], vector<16xf32>,
      %parallel_loop3A_518 = arith.addf %parallel_loop3A_498, %parallel_loop3A_517 : vector<16xf32>
      %parallel_loop3A_519 = arith.constant 8 : i32
      %parallel_loop3A_520 = vector.broadcast %parallel_loop3A_519 : i32 to vector<16xi32>
      %parallel_loop3A_521 = arith.addi %parallel_loop3A_470, %parallel_loop3A_520 : vector<16xi32>
      %parallel_loop3A_522 = tpu.vector_load_idx %arg20[%parallel_loop3A_521] : memref<1088xf32, #tpu.memory_space<vmem>>[vector<16xi32>], vector<16xf32>,
      %parallel_loop3A_523 = arith.addf %parallel_loop3A_503, %parallel_loop3A_522 : vector<16xf32>
      %parallel_loop3A_524 = arith.constant 9 : i32
      %parallel_loop3A_525 = vector.broadcast %parallel_loop3A_524 : i32 to vector<16xi32>
      %parallel_loop3A_526 = arith.addi %parallel_loop3A_470, %parallel_loop3A_525 : vector<16xi32>
      %parallel_loop3A_527 = tpu.vector_load_idx %arg20[%parallel_loop3A_526] : memref<1088xf32, #tpu.memory_space<vmem>>[vector<16xi32>], vector<16xf32>,
      %parallel_loop3A_528 = arith.addf %parallel_loop3A_508, %parallel_loop3A_527 : vector<16xf32>
      %parallel_loop3A_529 = arith.constant 10 : i32
      %parallel_loop3A_530 = vector.broadcast %parallel_loop3A_529 : i32 to vector<16xi32>
      %parallel_loop3A_531 = arith.addi %parallel_loop3A_470, %parallel_loop3A_530 : vector<16xi32>
      %parallel_loop3A_532 = tpu.vector_load_idx %arg20[%parallel_loop3A_531] : memref<1088xf32, #tpu.memory_space<vmem>>[vector<16xi32>], vector<16xf32>,
      %parallel_loop3A_533 = arith.addf %parallel_loop3A_513, %parallel_loop3A_532 : vector<16xf32>
      %parallel_loop3A_534 = arith.constant 11 : i32
      %parallel_loop3A_535 = vector.broadcast %parallel_loop3A_534 : i32 to vector<16xi32>
      %parallel_loop3A_536 = arith.addi %parallel_loop3A_470, %parallel_loop3A_535 : vector<16xi32>
      %parallel_loop3A_537 = tpu.vector_load_idx %arg20[%parallel_loop3A_536] : memref<1088xf32, #tpu.memory_space<vmem>>[vector<16xi32>], vector<16xf32>,
      %parallel_loop3A_538 = arith.addf %parallel_loop3A_518, %parallel_loop3A_537 : vector<16xf32>
      %parallel_loop3A_539 = arith.constant 12 : i32
      %parallel_loop3A_540 = vector.broadcast %parallel_loop3A_539 : i32 to vector<16xi32>
      %parallel_loop3A_541 = arith.addi %parallel_loop3A_470, %parallel_loop3A_540 : vector<16xi32>
      %parallel_loop3A_542 = tpu.vector_load_idx %arg20[%parallel_loop3A_541] : memref<1088xf32, #tpu.memory_space<vmem>>[vector<16xi32>], vector<16xf32>,
      %parallel_loop3A_543 = arith.addf %parallel_loop3A_523, %parallel_loop3A_542 : vector<16xf32>
      %parallel_loop3A_544 = arith.constant 13 : i32
      %parallel_loop3A_545 = vector.broadcast %parallel_loop3A_544 : i32 to vector<16xi32>
      %parallel_loop3A_546 = arith.addi %parallel_loop3A_470, %parallel_loop3A_545 : vector<16xi32>
      %parallel_loop3A_547 = tpu.vector_load_idx %arg20[%parallel_loop3A_546] : memref<1088xf32, #tpu.memory_space<vmem>>[vector<16xi32>], vector<16xf32>,
      %parallel_loop3A_548 = arith.addf %parallel_loop3A_528, %parallel_loop3A_547 : vector<16xf32>
      %parallel_loop3A_549 = arith.constant 14 : i32
      %parallel_loop3A_550 = vector.broadcast %parallel_loop3A_549 : i32 to vector<16xi32>
      %parallel_loop3A_551 = arith.addi %parallel_loop3A_470, %parallel_loop3A_550 : vector<16xi32>
      %parallel_loop3A_552 = tpu.vector_load_idx %arg20[%parallel_loop3A_551] : memref<1088xf32, #tpu.memory_space<vmem>>[vector<16xi32>], vector<16xf32>,
      %parallel_loop3A_553 = arith.addf %parallel_loop3A_533, %parallel_loop3A_552 : vector<16xf32>
      %parallel_loop3A_554 = arith.constant 15 : i32
      %parallel_loop3A_555 = vector.broadcast %parallel_loop3A_554 : i32 to vector<16xi32>
      %parallel_loop3A_556 = arith.addi %parallel_loop3A_470, %parallel_loop3A_555 : vector<16xi32>
      %parallel_loop3A_557 = tpu.vector_load_idx %arg20[%parallel_loop3A_556] : memref<1088xf32, #tpu.memory_space<vmem>>[vector<16xi32>], vector<16xf32>,
      %parallel_loop3A_558 = arith.addf %parallel_loop3A_538, %parallel_loop3A_557 : vector<16xf32>
      %parallel_loop3A_559 = arith.addf %parallel_loop3A_543, %parallel_loop3A_548 : vector<16xf32>
      %parallel_loop3A_560 = arith.addf %parallel_loop3A_553, %parallel_loop3A_558 : vector<16xf32>
      %parallel_loop3A_561 = arith.addf %parallel_loop3A_559, %parallel_loop3A_560 : vector<16xf32>
      %parallel_loop3A_562 = arith.constant 0.000000e+00 : f32
      %parallel_loop3A_563 = vector.broadcast %parallel_loop3A_562 : f32 to vector<16xf32>
      %parallel_loop3A_564 = arith.subf %parallel_loop3A_563, %parallel_loop3A_561 : vector<16xf32>
      %parallel_loop3A_565 = math.exp %parallel_loop3A_564 : vector<16xf32>
      %parallel_loop3A_566 = arith.constant 1.000000e+00 : f32
      %parallel_loop3A_567 = vector.broadcast %parallel_loop3A_566 : f32 to vector<16xf32>
      %parallel_loop3A_568 = arith.addf %parallel_loop3A_567, %parallel_loop3A_565 : vector<16xf32>
      %parallel_loop3A_569 = arith.constant 1.000000e+00 : f32
      %parallel_loop3A_570 = vector.broadcast %parallel_loop3A_569 : f32 to vector<16xf32>
      %parallel_loop3A_571 = arith.divf %parallel_loop3A_570, %parallel_loop3A_568 : vector<16xf32>
      %parallel_loop3A_572 = arith.constant 16 : i32
      %parallel_loop3A_573 = arith.muli %parallel_loop3A_463, %parallel_loop3A_572 : i32
      %parallel_loop3A_574 = arith.constant 384 : i32
      %parallel_loop3A_575 = arith.addi %parallel_loop3A_574, %parallel_loop3A_573 : i32
      %parallel_loop3A_576 = arith.index_cast %parallel_loop3A_575 : i32 to index
      %parallel_loop3A_577 = tpu.vector_load %arg21[%parallel_loop3A_576] {strides = array<i32>} : memref<512xf32, #tpu.memory_space<vmem>>, vector<16xf32>,
      tpu.vector_store %arg21[%parallel_loop3A_576], %parallel_loop3A_571 {strides = array<i32>} : memref<512xf32, #tpu.memory_space<vmem>>, vector<16xf32>,
    } {sc.loop_unroll_factor = 2 : i64, sc.parallel_access}
    %dma_wait3A_442 = arith.constant 448 : i32
    %dma_wait3A_443 = tpu.memref_slice %arg8[%dma_wait3A_442] : memref<512xi32, #tpu.memory_space<vmem>> -> memref<64xi32, #tpu.memory_space<vmem>>
    %dma_wait3A_444 = arith.constant 0 : i32
    %dma_wait3A_445 = arith.constant 0 : i32
    %dma_wait3A_446 = tpu.memref_slice %arg5[%dma_wait3A_444, %dma_wait3A_445] : memref<100000x128xf32, #tpu.memory_space<hbm>> -> memref<100000x128xf32, #tpu.memory_space<hbm>>
    tpu.wait_indirect_dma semaphore(%arg23 : memref<!tpu.dma_semaphore, #tpu.memory_space<semaphore_mem>>) src(%dma_wait3A_446 : memref<100000x128xf32, #tpu.memory_space<hbm>>) dst(%arg14 : memref<64x128xf32, #tpu.memory_space<vmem>>)
    %dma_wait3A_447 = arith.constant 448 : i32
    %dma_wait3A_448 = tpu.memref_slice %arg9[%dma_wait3A_447] : memref<512xi32, #tpu.memory_space<vmem>> -> memref<64xi32, #tpu.memory_space<vmem>>
    %dma_wait3A_449 = arith.constant 0 : i32
    %dma_wait3A_450 = arith.constant 0 : i32
    %dma_wait3A_451 = tpu.memref_slice %arg6[%dma_wait3A_449, %dma_wait3A_450] : memref<8000x128xf32, #tpu.memory_space<hbm>> -> memref<8000x128xf32, #tpu.memory_space<hbm>>
    tpu.wait_indirect_dma semaphore(%arg23 : memref<!tpu.dma_semaphore, #tpu.memory_space<semaphore_mem>>) src(%dma_wait3A_451 : memref<8000x128xf32, #tpu.memory_space<hbm>>) dst(%arg15 : memref<64x128xf32, #tpu.memory_space<vmem>>)
    %dma_wait3A_452 = arith.constant 448 : i32
    %dma_wait3A_453 = tpu.memref_slice %arg10[%dma_wait3A_452] : memref<512xi32, #tpu.memory_space<vmem>> -> memref<64xi32, #tpu.memory_space<vmem>>
    %dma_wait3A_454 = arith.constant 0 : i32
    %dma_wait3A_455 = arith.constant 0 : i32
    %dma_wait3A_456 = tpu.memref_slice %arg5[%dma_wait3A_454, %dma_wait3A_455] : memref<100000x128xf32, #tpu.memory_space<hbm>> -> memref<100000x128xf32, #tpu.memory_space<hbm>>
    tpu.wait_indirect_dma semaphore(%arg23 : memref<!tpu.dma_semaphore, #tpu.memory_space<semaphore_mem>>) src(%dma_wait3A_456 : memref<100000x128xf32, #tpu.memory_space<hbm>>) dst(%arg16 : memref<64x128xf32, #tpu.memory_space<vmem>>)
    %parallel_loop3A_457 = arith.constant 0 : i32
    %parallel_loop3A_458 = arith.constant 64 : i32
    %parallel_loop3A_459 = arith.constant 1 : i32
    scf.for %parallel_loop3A_463 = %parallel_loop3A_457 to %parallel_loop3A_458 step %parallel_loop3A_459  : i32 {
      %parallel_loop3A_464 = arith.index_cast %parallel_loop3A_463 : i32 to index
      %parallel_loop3A_465 = arith.constant 0 : index
      %parallel_loop3A_466 = tpu.vector_load %arg14[%parallel_loop3A_464, %parallel_loop3A_465] {strides = array<i32>} : memref<64x128xf32, #tpu.memory_space<vmem>>, vector<16xf32>,
      %parallel_loop3A_467 = arith.index_cast %parallel_loop3A_463 : i32 to index
      %parallel_loop3A_468 = arith.constant 0 : index
      %parallel_loop3A_469 = tpu.vector_load %arg15[%parallel_loop3A_467, %parallel_loop3A_468] {strides = array<i32>} : memref<64x128xf32, #tpu.memory_space<vmem>>, vector<16xf32>,
      %parallel_loop3A_470 = arith.mulf %parallel_loop3A_466, %parallel_loop3A_469 : vector<16xf32>
      %parallel_loop3A_471 = arith.index_cast %parallel_loop3A_463 : i32 to index
      %parallel_loop3A_472 = arith.constant 0 : index
      %parallel_loop3A_473 = tpu.vector_load %arg16[%parallel_loop3A_471, %parallel_loop3A_472] {strides = array<i32>} : memref<64x128xf32, #tpu.memory_space<vmem>>, vector<16xf32>,
      %parallel_loop3A_474 = arith.mulf %parallel_loop3A_470, %parallel_loop3A_473 : vector<16xf32>
      %parallel_loop3A_475 = arith.index_cast %parallel_loop3A_463 : i32 to index
      %parallel_loop3A_476 = arith.constant 16 : index
      %parallel_loop3A_477 = tpu.vector_load %arg14[%parallel_loop3A_475, %parallel_loop3A_476] {strides = array<i32>} : memref<64x128xf32, #tpu.memory_space<vmem>>, vector<16xf32>,
      %parallel_loop3A_478 = arith.index_cast %parallel_loop3A_463 : i32 to index
      %parallel_loop3A_479 = arith.constant 16 : index
      %parallel_loop3A_480 = tpu.vector_load %arg15[%parallel_loop3A_478, %parallel_loop3A_479] {strides = array<i32>} : memref<64x128xf32, #tpu.memory_space<vmem>>, vector<16xf32>,
      %parallel_loop3A_481 = arith.mulf %parallel_loop3A_477, %parallel_loop3A_480 : vector<16xf32>
      %parallel_loop3A_482 = arith.index_cast %parallel_loop3A_463 : i32 to index
      %parallel_loop3A_483 = arith.constant 16 : index
      %parallel_loop3A_484 = tpu.vector_load %arg16[%parallel_loop3A_482, %parallel_loop3A_483] {strides = array<i32>} : memref<64x128xf32, #tpu.memory_space<vmem>>, vector<16xf32>,
      %parallel_loop3A_485 = arith.mulf %parallel_loop3A_481, %parallel_loop3A_484 : vector<16xf32>
      %parallel_loop3A_486 = arith.index_cast %parallel_loop3A_463 : i32 to index
      %parallel_loop3A_487 = arith.constant 32 : index
      %parallel_loop3A_488 = tpu.vector_load %arg14[%parallel_loop3A_486, %parallel_loop3A_487] {strides = array<i32>} : memref<64x128xf32, #tpu.memory_space<vmem>>, vector<16xf32>,
      %parallel_loop3A_489 = arith.index_cast %parallel_loop3A_463 : i32 to index
      %parallel_loop3A_490 = arith.constant 32 : index
      %parallel_loop3A_491 = tpu.vector_load %arg15[%parallel_loop3A_489, %parallel_loop3A_490] {strides = array<i32>} : memref<64x128xf32, #tpu.memory_space<vmem>>, vector<16xf32>,
      %parallel_loop3A_492 = arith.mulf %parallel_loop3A_488, %parallel_loop3A_491 : vector<16xf32>
      %parallel_loop3A_493 = arith.index_cast %parallel_loop3A_463 : i32 to index
      %parallel_loop3A_494 = arith.constant 32 : index
      %parallel_loop3A_495 = tpu.vector_load %arg16[%parallel_loop3A_493, %parallel_loop3A_494] {strides = array<i32>} : memref<64x128xf32, #tpu.memory_space<vmem>>, vector<16xf32>,
      %parallel_loop3A_496 = arith.mulf %parallel_loop3A_492, %parallel_loop3A_495 : vector<16xf32>
      %parallel_loop3A_497 = arith.index_cast %parallel_loop3A_463 : i32 to index
      %parallel_loop3A_498 = arith.constant 48 : index
      %parallel_loop3A_499 = tpu.vector_load %arg14[%parallel_loop3A_497, %parallel_loop3A_498] {strides = array<i32>} : memref<64x128xf32, #tpu.memory_space<vmem>>, vector<16xf32>,
      %parallel_loop3A_500 = arith.index_cast %parallel_loop3A_463 : i32 to index
      %parallel_loop3A_501 = arith.constant 48 : index
      %parallel_loop3A_502 = tpu.vector_load %arg15[%parallel_loop3A_500, %parallel_loop3A_501] {strides = array<i32>} : memref<64x128xf32, #tpu.memory_space<vmem>>, vector<16xf32>,
      %parallel_loop3A_503 = arith.mulf %parallel_loop3A_499, %parallel_loop3A_502 : vector<16xf32>
      %parallel_loop3A_504 = arith.index_cast %parallel_loop3A_463 : i32 to index
      %parallel_loop3A_505 = arith.constant 48 : index
      %parallel_loop3A_506 = tpu.vector_load %arg16[%parallel_loop3A_504, %parallel_loop3A_505] {strides = array<i32>} : memref<64x128xf32, #tpu.memory_space<vmem>>, vector<16xf32>,
      %parallel_loop3A_507 = arith.mulf %parallel_loop3A_503, %parallel_loop3A_506 : vector<16xf32>
      %parallel_loop3A_508 = arith.index_cast %parallel_loop3A_463 : i32 to index
      %parallel_loop3A_509 = arith.constant 64 : index
      %parallel_loop3A_510 = tpu.vector_load %arg14[%parallel_loop3A_508, %parallel_loop3A_509] {strides = array<i32>} : memref<64x128xf32, #tpu.memory_space<vmem>>, vector<16xf32>,
      %parallel_loop3A_511 = arith.index_cast %parallel_loop3A_463 : i32 to index
      %parallel_loop3A_512 = arith.constant 64 : index
      %parallel_loop3A_513 = tpu.vector_load %arg15[%parallel_loop3A_511, %parallel_loop3A_512] {strides = array<i32>} : memref<64x128xf32, #tpu.memory_space<vmem>>, vector<16xf32>,
      %parallel_loop3A_514 = arith.mulf %parallel_loop3A_510, %parallel_loop3A_513 : vector<16xf32>
      %parallel_loop3A_515 = arith.index_cast %parallel_loop3A_463 : i32 to index
      %parallel_loop3A_516 = arith.constant 64 : index
      %parallel_loop3A_517 = tpu.vector_load %arg16[%parallel_loop3A_515, %parallel_loop3A_516] {strides = array<i32>} : memref<64x128xf32, #tpu.memory_space<vmem>>, vector<16xf32>,
      %parallel_loop3A_518 = arith.mulf %parallel_loop3A_514, %parallel_loop3A_517 : vector<16xf32>
      %parallel_loop3A_519 = arith.index_cast %parallel_loop3A_463 : i32 to index
      %parallel_loop3A_520 = arith.constant 80 : index
      %parallel_loop3A_521 = tpu.vector_load %arg14[%parallel_loop3A_519, %parallel_loop3A_520] {strides = array<i32>} : memref<64x128xf32, #tpu.memory_space<vmem>>, vector<16xf32>,
      %parallel_loop3A_522 = arith.index_cast %parallel_loop3A_463 : i32 to index
      %parallel_loop3A_523 = arith.constant 80 : index
      %parallel_loop3A_524 = tpu.vector_load %arg15[%parallel_loop3A_522, %parallel_loop3A_523] {strides = array<i32>} : memref<64x128xf32, #tpu.memory_space<vmem>>, vector<16xf32>,
      %parallel_loop3A_525 = arith.mulf %parallel_loop3A_521, %parallel_loop3A_524 : vector<16xf32>
      %parallel_loop3A_526 = arith.index_cast %parallel_loop3A_463 : i32 to index
      %parallel_loop3A_527 = arith.constant 80 : index
      %parallel_loop3A_528 = tpu.vector_load %arg16[%parallel_loop3A_526, %parallel_loop3A_527] {strides = array<i32>} : memref<64x128xf32, #tpu.memory_space<vmem>>, vector<16xf32>,
      %parallel_loop3A_529 = arith.mulf %parallel_loop3A_525, %parallel_loop3A_528 : vector<16xf32>
      %parallel_loop3A_530 = arith.index_cast %parallel_loop3A_463 : i32 to index
      %parallel_loop3A_531 = arith.constant 96 : index
      %parallel_loop3A_532 = tpu.vector_load %arg14[%parallel_loop3A_530, %parallel_loop3A_531] {strides = array<i32>} : memref<64x128xf32, #tpu.memory_space<vmem>>, vector<16xf32>,
      %parallel_loop3A_533 = arith.index_cast %parallel_loop3A_463 : i32 to index
      %parallel_loop3A_534 = arith.constant 96 : index
      %parallel_loop3A_535 = tpu.vector_load %arg15[%parallel_loop3A_533, %parallel_loop3A_534] {strides = array<i32>} : memref<64x128xf32, #tpu.memory_space<vmem>>, vector<16xf32>,
      %parallel_loop3A_536 = arith.mulf %parallel_loop3A_532, %parallel_loop3A_535 : vector<16xf32>
      %parallel_loop3A_537 = arith.index_cast %parallel_loop3A_463 : i32 to index
      %parallel_loop3A_538 = arith.constant 96 : index
      %parallel_loop3A_539 = tpu.vector_load %arg16[%parallel_loop3A_537, %parallel_loop3A_538] {strides = array<i32>} : memref<64x128xf32, #tpu.memory_space<vmem>>, vector<16xf32>,
      %parallel_loop3A_540 = arith.mulf %parallel_loop3A_536, %parallel_loop3A_539 : vector<16xf32>
      %parallel_loop3A_541 = arith.index_cast %parallel_loop3A_463 : i32 to index
      %parallel_loop3A_542 = arith.constant 112 : index
      %parallel_loop3A_543 = tpu.vector_load %arg14[%parallel_loop3A_541, %parallel_loop3A_542] {strides = array<i32>} : memref<64x128xf32, #tpu.memory_space<vmem>>, vector<16xf32>,
      %parallel_loop3A_544 = arith.index_cast %parallel_loop3A_463 : i32 to index
      %parallel_loop3A_545 = arith.constant 112 : index
      %parallel_loop3A_546 = tpu.vector_load %arg15[%parallel_loop3A_544, %parallel_loop3A_545] {strides = array<i32>} : memref<64x128xf32, #tpu.memory_space<vmem>>, vector<16xf32>,
      %parallel_loop3A_547 = arith.mulf %parallel_loop3A_543, %parallel_loop3A_546 : vector<16xf32>
      %parallel_loop3A_548 = arith.index_cast %parallel_loop3A_463 : i32 to index
      %parallel_loop3A_549 = arith.constant 112 : index
      %parallel_loop3A_550 = tpu.vector_load %arg16[%parallel_loop3A_548, %parallel_loop3A_549] {strides = array<i32>} : memref<64x128xf32, #tpu.memory_space<vmem>>, vector<16xf32>,
      %parallel_loop3A_551 = arith.mulf %parallel_loop3A_547, %parallel_loop3A_550 : vector<16xf32>
      %parallel_loop3A_552 = arith.addf %parallel_loop3A_474, %parallel_loop3A_485 : vector<16xf32>
      %parallel_loop3A_553 = arith.addf %parallel_loop3A_496, %parallel_loop3A_507 : vector<16xf32>
      %parallel_loop3A_554 = arith.addf %parallel_loop3A_552, %parallel_loop3A_553 : vector<16xf32>
      %parallel_loop3A_555 = arith.addf %parallel_loop3A_518, %parallel_loop3A_529 : vector<16xf32>
      %parallel_loop3A_556 = arith.addf %parallel_loop3A_540, %parallel_loop3A_551 : vector<16xf32>
      %parallel_loop3A_557 = arith.addf %parallel_loop3A_555, %parallel_loop3A_556 : vector<16xf32>
      %parallel_loop3A_558 = arith.addf %parallel_loop3A_554, %parallel_loop3A_557 : vector<16xf32>
      %parallel_loop3A_559 = arith.constant 17 : i32
      %parallel_loop3A_560 = arith.muli %parallel_loop3A_463, %parallel_loop3A_559 : i32
      %parallel_loop3A_561 = arith.index_cast %parallel_loop3A_560 : i32 to index
      %parallel_loop3A_562 = tpu.vector_load %arg20[%parallel_loop3A_561] {strides = array<i32>} : memref<1088xf32, #tpu.memory_space<vmem>>, vector<16xf32>,
      tpu.vector_store %arg20[%parallel_loop3A_561], %parallel_loop3A_558 {strides = array<i32>} : memref<1088xf32, #tpu.memory_space<vmem>>, vector<16xf32>,
    } {sc.loop_unroll_factor = 4 : i64, sc.parallel_access}
    %parallel_loop3A_460 = arith.constant 0 : i32
    %parallel_loop3A_461 = arith.constant 4 : i32
    %parallel_loop3A_462 = arith.constant 1 : i32
    scf.for %parallel_loop3A_463 = %parallel_loop3A_460 to %parallel_loop3A_461 step %parallel_loop3A_462  : i32 {
      %parallel_loop3A_464 = arith.constant 16 : i32
      %parallel_loop3A_465 = arith.muli %parallel_loop3A_463, %parallel_loop3A_464 : i32
      %parallel_loop3A_466 = vector.broadcast %parallel_loop3A_465 : i32 to vector<16xi32>
      %parallel_loop3A_467 = arith.addi %parallel_loop3A_466, %iota3A : vector<16xi32>
      %parallel_loop3A_468 = arith.constant 17 : i32
      %parallel_loop3A_469 = vector.broadcast %parallel_loop3A_468 : i32 to vector<16xi32>
      %parallel_loop3A_470 = arith.muli %parallel_loop3A_467, %parallel_loop3A_469 : vector<16xi32>
      %parallel_loop3A_471 = arith.constant 0.000000e+00 : f32
      %parallel_loop3A_472 = vector.broadcast %parallel_loop3A_471 : f32 to vector<16xf32>
      %parallel_loop3A_473 = arith.constant 0.000000e+00 : f32
      %parallel_loop3A_474 = vector.broadcast %parallel_loop3A_473 : f32 to vector<16xf32>
      %parallel_loop3A_475 = arith.constant 0.000000e+00 : f32
      %parallel_loop3A_476 = vector.broadcast %parallel_loop3A_475 : f32 to vector<16xf32>
      %parallel_loop3A_477 = arith.constant 0.000000e+00 : f32
      %parallel_loop3A_478 = vector.broadcast %parallel_loop3A_477 : f32 to vector<16xf32>
      %parallel_loop3A_479 = arith.constant 0 : i32
      %parallel_loop3A_480 = vector.broadcast %parallel_loop3A_479 : i32 to vector<16xi32>
      %parallel_loop3A_481 = arith.addi %parallel_loop3A_470, %parallel_loop3A_480 : vector<16xi32>
      %parallel_loop3A_482 = tpu.vector_load_idx %arg20[%parallel_loop3A_481] : memref<1088xf32, #tpu.memory_space<vmem>>[vector<16xi32>], vector<16xf32>,
      %parallel_loop3A_483 = arith.addf %parallel_loop3A_472, %parallel_loop3A_482 : vector<16xf32>
      %parallel_loop3A_484 = arith.constant 1 : i32
      %parallel_loop3A_485 = vector.broadcast %parallel_loop3A_484 : i32 to vector<16xi32>
      %parallel_loop3A_486 = arith.addi %parallel_loop3A_470, %parallel_loop3A_485 : vector<16xi32>
      %parallel_loop3A_487 = tpu.vector_load_idx %arg20[%parallel_loop3A_486] : memref<1088xf32, #tpu.memory_space<vmem>>[vector<16xi32>], vector<16xf32>,
      %parallel_loop3A_488 = arith.addf %parallel_loop3A_474, %parallel_loop3A_487 : vector<16xf32>
      %parallel_loop3A_489 = arith.constant 2 : i32
      %parallel_loop3A_490 = vector.broadcast %parallel_loop3A_489 : i32 to vector<16xi32>
      %parallel_loop3A_491 = arith.addi %parallel_loop3A_470, %parallel_loop3A_490 : vector<16xi32>
      %parallel_loop3A_492 = tpu.vector_load_idx %arg20[%parallel_loop3A_491] : memref<1088xf32, #tpu.memory_space<vmem>>[vector<16xi32>], vector<16xf32>,
      %parallel_loop3A_493 = arith.addf %parallel_loop3A_476, %parallel_loop3A_492 : vector<16xf32>
      %parallel_loop3A_494 = arith.constant 3 : i32
      %parallel_loop3A_495 = vector.broadcast %parallel_loop3A_494 : i32 to vector<16xi32>
      %parallel_loop3A_496 = arith.addi %parallel_loop3A_470, %parallel_loop3A_495 : vector<16xi32>
      %parallel_loop3A_497 = tpu.vector_load_idx %arg20[%parallel_loop3A_496] : memref<1088xf32, #tpu.memory_space<vmem>>[vector<16xi32>], vector<16xf32>,
      %parallel_loop3A_498 = arith.addf %parallel_loop3A_478, %parallel_loop3A_497 : vector<16xf32>
      %parallel_loop3A_499 = arith.constant 4 : i32
      %parallel_loop3A_500 = vector.broadcast %parallel_loop3A_499 : i32 to vector<16xi32>
      %parallel_loop3A_501 = arith.addi %parallel_loop3A_470, %parallel_loop3A_500 : vector<16xi32>
      %parallel_loop3A_502 = tpu.vector_load_idx %arg20[%parallel_loop3A_501] : memref<1088xf32, #tpu.memory_space<vmem>>[vector<16xi32>], vector<16xf32>,
      %parallel_loop3A_503 = arith.addf %parallel_loop3A_483, %parallel_loop3A_502 : vector<16xf32>
      %parallel_loop3A_504 = arith.constant 5 : i32
      %parallel_loop3A_505 = vector.broadcast %parallel_loop3A_504 : i32 to vector<16xi32>
      %parallel_loop3A_506 = arith.addi %parallel_loop3A_470, %parallel_loop3A_505 : vector<16xi32>
      %parallel_loop3A_507 = tpu.vector_load_idx %arg20[%parallel_loop3A_506] : memref<1088xf32, #tpu.memory_space<vmem>>[vector<16xi32>], vector<16xf32>,
      %parallel_loop3A_508 = arith.addf %parallel_loop3A_488, %parallel_loop3A_507 : vector<16xf32>
      %parallel_loop3A_509 = arith.constant 6 : i32
      %parallel_loop3A_510 = vector.broadcast %parallel_loop3A_509 : i32 to vector<16xi32>
      %parallel_loop3A_511 = arith.addi %parallel_loop3A_470, %parallel_loop3A_510 : vector<16xi32>
      %parallel_loop3A_512 = tpu.vector_load_idx %arg20[%parallel_loop3A_511] : memref<1088xf32, #tpu.memory_space<vmem>>[vector<16xi32>], vector<16xf32>,
      %parallel_loop3A_513 = arith.addf %parallel_loop3A_493, %parallel_loop3A_512 : vector<16xf32>
      %parallel_loop3A_514 = arith.constant 7 : i32
      %parallel_loop3A_515 = vector.broadcast %parallel_loop3A_514 : i32 to vector<16xi32>
      %parallel_loop3A_516 = arith.addi %parallel_loop3A_470, %parallel_loop3A_515 : vector<16xi32>
      %parallel_loop3A_517 = tpu.vector_load_idx %arg20[%parallel_loop3A_516] : memref<1088xf32, #tpu.memory_space<vmem>>[vector<16xi32>], vector<16xf32>,
      %parallel_loop3A_518 = arith.addf %parallel_loop3A_498, %parallel_loop3A_517 : vector<16xf32>
      %parallel_loop3A_519 = arith.constant 8 : i32
      %parallel_loop3A_520 = vector.broadcast %parallel_loop3A_519 : i32 to vector<16xi32>
      %parallel_loop3A_521 = arith.addi %parallel_loop3A_470, %parallel_loop3A_520 : vector<16xi32>
      %parallel_loop3A_522 = tpu.vector_load_idx %arg20[%parallel_loop3A_521] : memref<1088xf32, #tpu.memory_space<vmem>>[vector<16xi32>], vector<16xf32>,
      %parallel_loop3A_523 = arith.addf %parallel_loop3A_503, %parallel_loop3A_522 : vector<16xf32>
      %parallel_loop3A_524 = arith.constant 9 : i32
      %parallel_loop3A_525 = vector.broadcast %parallel_loop3A_524 : i32 to vector<16xi32>
      %parallel_loop3A_526 = arith.addi %parallel_loop3A_470, %parallel_loop3A_525 : vector<16xi32>
      %parallel_loop3A_527 = tpu.vector_load_idx %arg20[%parallel_loop3A_526] : memref<1088xf32, #tpu.memory_space<vmem>>[vector<16xi32>], vector<16xf32>,
      %parallel_loop3A_528 = arith.addf %parallel_loop3A_508, %parallel_loop3A_527 : vector<16xf32>
      %parallel_loop3A_529 = arith.constant 10 : i32
      %parallel_loop3A_530 = vector.broadcast %parallel_loop3A_529 : i32 to vector<16xi32>
      %parallel_loop3A_531 = arith.addi %parallel_loop3A_470, %parallel_loop3A_530 : vector<16xi32>
      %parallel_loop3A_532 = tpu.vector_load_idx %arg20[%parallel_loop3A_531] : memref<1088xf32, #tpu.memory_space<vmem>>[vector<16xi32>], vector<16xf32>,
      %parallel_loop3A_533 = arith.addf %parallel_loop3A_513, %parallel_loop3A_532 : vector<16xf32>
      %parallel_loop3A_534 = arith.constant 11 : i32
      %parallel_loop3A_535 = vector.broadcast %parallel_loop3A_534 : i32 to vector<16xi32>
      %parallel_loop3A_536 = arith.addi %parallel_loop3A_470, %parallel_loop3A_535 : vector<16xi32>
      %parallel_loop3A_537 = tpu.vector_load_idx %arg20[%parallel_loop3A_536] : memref<1088xf32, #tpu.memory_space<vmem>>[vector<16xi32>], vector<16xf32>,
      %parallel_loop3A_538 = arith.addf %parallel_loop3A_518, %parallel_loop3A_537 : vector<16xf32>
      %parallel_loop3A_539 = arith.constant 12 : i32
      %parallel_loop3A_540 = vector.broadcast %parallel_loop3A_539 : i32 to vector<16xi32>
      %parallel_loop3A_541 = arith.addi %parallel_loop3A_470, %parallel_loop3A_540 : vector<16xi32>
      %parallel_loop3A_542 = tpu.vector_load_idx %arg20[%parallel_loop3A_541] : memref<1088xf32, #tpu.memory_space<vmem>>[vector<16xi32>], vector<16xf32>,
      %parallel_loop3A_543 = arith.addf %parallel_loop3A_523, %parallel_loop3A_542 : vector<16xf32>
      %parallel_loop3A_544 = arith.constant 13 : i32
      %parallel_loop3A_545 = vector.broadcast %parallel_loop3A_544 : i32 to vector<16xi32>
      %parallel_loop3A_546 = arith.addi %parallel_loop3A_470, %parallel_loop3A_545 : vector<16xi32>
      %parallel_loop3A_547 = tpu.vector_load_idx %arg20[%parallel_loop3A_546] : memref<1088xf32, #tpu.memory_space<vmem>>[vector<16xi32>], vector<16xf32>,
      %parallel_loop3A_548 = arith.addf %parallel_loop3A_528, %parallel_loop3A_547 : vector<16xf32>
      %parallel_loop3A_549 = arith.constant 14 : i32
      %parallel_loop3A_550 = vector.broadcast %parallel_loop3A_549 : i32 to vector<16xi32>
      %parallel_loop3A_551 = arith.addi %parallel_loop3A_470, %parallel_loop3A_550 : vector<16xi32>
      %parallel_loop3A_552 = tpu.vector_load_idx %arg20[%parallel_loop3A_551] : memref<1088xf32, #tpu.memory_space<vmem>>[vector<16xi32>], vector<16xf32>,
      %parallel_loop3A_553 = arith.addf %parallel_loop3A_533, %parallel_loop3A_552 : vector<16xf32>
      %parallel_loop3A_554 = arith.constant 15 : i32
      %parallel_loop3A_555 = vector.broadcast %parallel_loop3A_554 : i32 to vector<16xi32>
      %parallel_loop3A_556 = arith.addi %parallel_loop3A_470, %parallel_loop3A_555 : vector<16xi32>
      %parallel_loop3A_557 = tpu.vector_load_idx %arg20[%parallel_loop3A_556] : memref<1088xf32, #tpu.memory_space<vmem>>[vector<16xi32>], vector<16xf32>,
      %parallel_loop3A_558 = arith.addf %parallel_loop3A_538, %parallel_loop3A_557 : vector<16xf32>
      %parallel_loop3A_559 = arith.addf %parallel_loop3A_543, %parallel_loop3A_548 : vector<16xf32>
      %parallel_loop3A_560 = arith.addf %parallel_loop3A_553, %parallel_loop3A_558 : vector<16xf32>
      %parallel_loop3A_561 = arith.addf %parallel_loop3A_559, %parallel_loop3A_560 : vector<16xf32>
      %parallel_loop3A_562 = arith.constant 0.000000e+00 : f32
      %parallel_loop3A_563 = vector.broadcast %parallel_loop3A_562 : f32 to vector<16xf32>
      %parallel_loop3A_564 = arith.subf %parallel_loop3A_563, %parallel_loop3A_561 : vector<16xf32>
      %parallel_loop3A_565 = math.exp %parallel_loop3A_564 : vector<16xf32>
      %parallel_loop3A_566 = arith.constant 1.000000e+00 : f32
      %parallel_loop3A_567 = vector.broadcast %parallel_loop3A_566 : f32 to vector<16xf32>
      %parallel_loop3A_568 = arith.addf %parallel_loop3A_567, %parallel_loop3A_565 : vector<16xf32>
      %parallel_loop3A_569 = arith.constant 1.000000e+00 : f32
      %parallel_loop3A_570 = vector.broadcast %parallel_loop3A_569 : f32 to vector<16xf32>
      %parallel_loop3A_571 = arith.divf %parallel_loop3A_570, %parallel_loop3A_568 : vector<16xf32>
      %parallel_loop3A_572 = arith.constant 16 : i32
      %parallel_loop3A_573 = arith.muli %parallel_loop3A_463, %parallel_loop3A_572 : i32
      %parallel_loop3A_574 = arith.constant 448 : i32
      %parallel_loop3A_575 = arith.addi %parallel_loop3A_574, %parallel_loop3A_573 : i32
      %parallel_loop3A_576 = arith.index_cast %parallel_loop3A_575 : i32 to index
      %parallel_loop3A_577 = tpu.vector_load %arg21[%parallel_loop3A_576] {strides = array<i32>} : memref<512xf32, #tpu.memory_space<vmem>>, vector<16xf32>,
      tpu.vector_store %arg21[%parallel_loop3A_576], %parallel_loop3A_571 {strides = array<i32>} : memref<512xf32, #tpu.memory_space<vmem>>, vector<16xf32>,
    } {sc.loop_unroll_factor = 2 : i64, sc.parallel_access}
    "tpu.region"() ({
      %run_scoped3A = tpu.sem_alloc : memref<!tpu.dma_semaphore, #tpu.memory_space<semaphore_mem>>
      %dma_start3A_463 = tpu.memref_slice %arg7[%mul3A_2] : memref<16384xf32, #tpu.memory_space<hbm>> -> memref<512xf32, #tpu.memory_space<hbm>>
      %dma_start3A_464 = tpu.memref_slice %arg7[%mul3A_2] : memref<16384xf32, #tpu.memory_space<hbm>> -> memref<512xf32, #tpu.memory_space<hbm>>
      tpu.enqueue_dma source(%arg21 : memref<512xf32, #tpu.memory_space<vmem>>) target(%dma_start3A_464 : memref<512xf32, #tpu.memory_space<hbm>>) target_semaphore(%run_scoped3A : memref<!tpu.dma_semaphore, #tpu.memory_space<semaphore_mem>>)
      %dma_wait3A_465 = tpu.memref_slice %arg7[%mul3A_2] : memref<16384xf32, #tpu.memory_space<hbm>> -> memref<512xf32, #tpu.memory_space<hbm>>
      %dma_wait3A_466 = tpu.memref_slice %arg7[%mul3A_2] : memref<16384xf32, #tpu.memory_space<hbm>> -> memref<512xf32, #tpu.memory_space<hbm>>
      tpu.wait_dma2 semaphore(%run_scoped3A : memref<!tpu.dma_semaphore, #tpu.memory_space<semaphore_mem>>) src(%arg21 : memref<512xf32, #tpu.memory_space<vmem>>) dst(%dma_wait3A_466 : memref<512xf32, #tpu.memory_space<hbm>>)
      tpu.yield
    }) : () -> ()
    return
  }
}

</mosaic_0001>

<sc_bundles>
// kernel: _dist_mult.3.cloned.1.call-start
scs
__scs_entry_jumppad:
0x0: {  	(pc) =	sbr.rel $0x88, $3  }
0x1: {  	(tag) =	ssettag $0x0;
	lr =	simm.s32 $0x1  }
0x2: {  	[smem:$0x3F9C] =	sst lr;
	_ =	strace $0xD0000000  }
0x3: {  	_ = 	snop  }
0x4: {  	_ = 	snop  }
0x5: {  	_ = 	snop  }
0x6: {  	_ = 	snop  }
0x7: {  	_ = 	snop  }
__scs_overlays_trampoline_lowered:
0x8: {  	[smem:$0x3FAB] =	sst s0  }
0x9: {  	[smem:$0x3FAC] =	sst s1  }
0xa: {  	[smem:$0x3FAD] =	sst s2  }
0xb: {  	[smem:$0x3FAE] =	sst s3  }
0xc: {  	[smem:$0x3FAF] =	sst s4  }
0xd: {  	[smem:$0x3FB0] =	sst s5  }
0xe: {  	[smem:$0x3FB1] =	sst s6  }
0xf: {  	[smem:$0x3FB2] =	sst s7  }
0x10: {  	[smem:$0x3FB3] =	sst s8  }
0x11: {  	[smem:$0x3FB4] =	sst s9;
	s0 =	simm.s32 @!p0 $0x0  }
0x12: {  	s1 =	sld [smem:$0x3F9A];
	s0 =	simm.s32 @p0 $0x1  }
0x13: {  	[smem:$0x3FB5] =	sst s0;
	s0 =	simm.s32 @!p1 $0x0  }
0x14: {  	s2 =	sld [smem:$0x3F99];
	s0 =	simm.s32 @p1 $0x1  }
0x15: {  	[smem:$0x3FB6] =	sst s0;
	s0 =	simm.s32 @!p2 $0x0  }
0x16: {  	s3 =	sld [smem:$0x3FDB];
	s0 =	simm.s32 @p2 $0x1  }
0x17: {  	s4 =	simm.s32 $0x1BF5;
	[smem:$0x3FB8] =	sst s0  }
0x18: {  	s0 =	sld [smem:$0x3F9B];
	_ =	swait.ge [sflag:s4], $0x0  }
0x19: {  	s7 =	sld [smem:$0x3F9C]  }
0x1a: {  	s8 =	sadd.s32 $0xFFFFE003, lr  }
0x1b: {  	s9 =	sadd.s32 $0xFFFFFEF7, lr;
	s5 =	simm.s32 $0xFFFFFFFF;
	p2 =	slt.u32 s8, $0xFFFFF086  }
0x1c: {  	p1 =	slt.u32 s9, $0xF7A;
	s5 =	simm.s32 @!p2 $0x0  }
0x1d: {  	s5 =	simm.s32 @p1 $0x1;
	p0 =	seq.s32 s7, s2  }
0x1e: {  	s7 =	smul.u32 @!p0 $0xF7A, s2;
	p2 =	seq.s32 @!p0 s5, $0x0  }
0x1f: {  	s9 =	smul.u32 $0xF7A, s1;
	s8 =	simm.s32 @!p0 $0x1BF5;
	p2 =	por !p2, p0  }
0x20: {  	[sflag:s8] =	ssyncset.s32 @!p0 $0xFFFFF086;
	s6 =	sadd.s32 @!p0 s3, s7;
	s7 =	simm.s32 @!p0 $0x108  }
0x21: {  	s3 =	sadd.s32 s3, s9;
	s6 =	sadd.s32 @!p0 $0x88, s6;
	s7 =	simm.s32 @p2 $0x1082  }
0x22: {  	[simem:s7], [sflag:s8] =	dma.local @!p0 [hbm:s6], $0xF7A  }
0x23: {  	s9 =	sor.u32 $0xD0000000, s2;
	s6 =	simm.s32 $0x108;
	_ =	swait.ge @!p0 [sflag:s8], $0x0  }
0x24: {  	s3 =	sadd.s32 $0x88, s3;
	s6 =	simm.s32 @!p1 $0x1082;
	[sflag:s4] =	ssyncset.s32 $0xFFFFF086  }
0x25: {  	[simem:s6], [sflag:s4] =	dma.local [hbm:s3], $0xF7A  }
0x26: {  	[smem:$0x3F9C] =	sst s1;
	(tag) =	ssettag s2;
	_ =	strace s9  }
0x27: {  	s1 =	sld [smem:$0x3FAC]  }
0x28: {  	s2 =	sld [smem:$0x3FAD]  }
0x29: {  	s4 =	sld [smem:$0x3FAF]  }
0x2a: {  	p0 =	seq.s32 s5, $0x0;
	s5 =	sld [smem:$0x3FB0]  }
0x2b: {  	s6 =	sld [smem:$0x3FB1]  }
0x2c: {  	s7 =	sld [smem:$0x3FB2]  }
0x2d: {  	s3 =	simm.s32 $0x108;
	s8 =	sld [smem:$0x3FB3]  }
0x2e: {  	s3 =	simm.s32 @!p0 $0x1082;
	s9 =	sld [smem:$0x3FB4]  }
0x2f: {  	lr =	sadd.s32 s0, s3;
	s0 =	sld [smem:$0x3FAB]  }
0x30: {  	s3 =	sld [smem:$0x3FAE]  }
0x31: {  	[smem:$0x3FB7] =	sst s10  }
0x32: {  	s10 =	sld [smem:$0x3FB5];
	_ =	sdelay $0x3  }
0x33: {  	p0 =	seq.s32 s10, $0x1;
	s10 =	sld [smem:$0x3FB7];
	_ =	sdelay $0x3  }
0x34: {  	[smem:$0x3FB7] =	sst s10  }
0x35: {  	s10 =	sld [smem:$0x3FB6];
	_ =	sdelay $0x3  }
0x36: {  	p1 =	seq.s32 s10, $0x1;
	s10 =	sld [smem:$0x3FB7];
	_ =	sdelay $0x3  }
0x37: {  	[smem:$0x3FB7] =	sst s10  }
0x38: {  	s10 =	sld [smem:$0x3FB8]  }
0x39: {  	_ = 	snop;
	(pc) =	sbr.ind lr, $3  }
0x3a: {  	_ = 	snop  }
0x3b: {  	_ = 	snop  }
0x3c: {  	p2 =	seq.s32 s10, $0x1;
	s10 =	sld [smem:$0x3FB7]  }
0x3d: {  	_ =	shalt  }
0x3e: {  	_ =	shalt  }
0x3f: {  	_ =	shalt  }
0x40: {  	_ =	shalt  }
0x41: {  	_ =	shalt  }
0x42: {  	_ =	shalt  }
0x43: {  	_ =	shalt  }
0x44: {  	_ =	shalt  }
0x45: {  	_ =	shalt  }
0x46: {  	_ =	shalt  }
0x47: {  	_ =	shalt  }
0x48: {  	_ =	shalt  }
0x49: {  	_ =	shalt  }
0x4a: {  	_ =	shalt  }
0x4b: {  	_ =	shalt  }
0x4c: {  	_ =	shalt  }
0x4d: {  	_ =	shalt  }
0x4e: {  	_ =	shalt  }
0x4f: {  	_ =	shalt  }
0x50: {  	_ =	shalt  }
0x51: {  	_ =	shalt  }
0x52: {  	_ =	shalt  }
0x53: {  	_ =	shalt  }
0x54: {  	_ =	shalt  }
0x55: {  	_ =	shalt  }
0x56: {  	_ =	shalt  }
0x57: {  	_ =	shalt  }
0x58: {  	_ =	shalt  }
0x59: {  	_ =	shalt  }
0x5a: {  	_ =	shalt  }
0x5b: {  	_ =	shalt  }
0x5c: {  	_ =	shalt  }
0x5d: {  	_ =	shalt  }
0x5e: {  	_ =	shalt  }
0x5f: {  	_ =	shalt  }
0x60: {  	_ =	shalt  }
0x61: {  	_ =	shalt  }
0x62: {  	_ =	shalt  }
0x63: {  	_ =	shalt  }
0x64: {  	_ =	shalt  }
0x65: {  	_ =	shalt  }
0x66: {  	_ =	shalt  }
0x67: {  	_ =	shalt  }
0x68: {  	_ =	shalt  }
0x69: {  	_ =	shalt  }
0x6a: {  	_ =	shalt  }
0x6b: {  	_ =	shalt  }
0x6c: {  	_ =	shalt  }
0x6d: {  	_ =	shalt  }
0x6e: {  	_ =	shalt  }
0x6f: {  	_ =	shalt  }
0x70: {  	_ =	shalt  }
0x71: {  	_ =	shalt  }
0x72: {  	_ =	shalt  }
0x73: {  	_ =	shalt  }
0x74: {  	_ =	shalt  }
0x75: {  	_ =	shalt  }
0x76: {  	_ =	shalt  }
0x77: {  	_ =	shalt  }
0x78: {  	_ =	shalt  }
0x79: {  	_ =	shalt  }
0x7a: {  	_ =	shalt  }
0x7b: {  	_ =	shalt  }
0x7c: {  	_ =	shalt  }
0x7d: {  	_ =	shalt  }
0x7e: {  	_ =	shalt  }
0x7f: {  	_ =	shalt  }
0x80: {  	_ =	shalt  }
0x81: {  	_ =	shalt  }
0x82: {  	_ =	shalt  }
0x83: {  	_ =	shalt  }
0x84: {  	_ =	shalt  }
0x85: {  	_ =	shalt  }
0x86: {  	_ =	shalt  }
0x87: {  	_ =	shalt  }
.Lfunc_end0:
.L_simem_size_0:
called_computation_lowered:
.L_overlay_start_0:
0x88: {  	s2 =	sld [smem:$0x3FD9]  }
0x89: {  	s3 =	sld [smem:$0x3FFE];
	_ =	sdelay $0x1  }
0x8a: {  	s1 =	srdreg.scid  }
0x8b: {  	s0 =	sand.u32 $0x1, s1  }
0x8c: {  	s17 =	sshll.u32 s0, $0xA;
	s2 =	sadd.s32 s3, s2  }
0x8d: {  	s2 =	sadd.s32 s2, s17  }
0x8e: {  	[smem:$0x3FC3] =	sst s2  }
0x8f: {  	_ = 	snop  }
0x90: {  	s2 =	sld [smem:$0x3FC9]  }
0x91: {  	s18 =	sld [smem:$0x3FC8]  }
0x92: {  	s4 =	sld [smem:$0x3FC7]  }
0x93: {  	s5 =	sld [smem:$0x3FC6]  }
0x94: {  	s6 =	sld [smem:$0x3FD0];
	(tm) =	ssettm $0x1  }
0x95: {  	s7 =	sld [smem:$0x3FFB];
	_ =	sdelay $0x3  }
0x96: {  	_ =	strace s7  }
0x97: {  	s7 =	sld [smem:$0x3FFC];
	_ =	sdelay $0x3  }
0x98: {  	_ =	strace s7  }
0x99: {  	s7 =	sld [smem:$0x3FFD];
	_ =	sdelay $0x3  }
0x9a: {  	_ =	strace s7  }
0x9b: {  	_ =	strace $0x8FFFFFFF  }
0x9c: {  	s19 =	sld [smem:$0x3FDB];
	_ =	sdelay $0x1  }
0x9d: {  	s8 =	simm.s32 $_scs_section_size  }
0x9e: {  	s9 =	simm.s32 $_size__tile_overlayer_lowered;
	s10 =	simm.s32 $_tile_overlayer_lowered  }
0x9f: {  	s22 =	simm.s32 $0x1BFF;
	s21 =	sshll.u32 s10, $0x1;
	s7 =	sadd.s32 s8, s19  }
0xa0: {  	s11 =	simm.s32 $0x0;
	s20 =	sshll.u32 s9, $0x1;
	s9 =	sadd.s32 s21, s7  }
0xa1: {  	[timem:s11], [sflag:s22] =	dma.local [hbm:s9], s20  }
0xa2: {  	_ =	swait.ge [sflag:s22], s20  }
0xa3: {  	s8 =	ssub.s32 $0x0, s20;
	[sflag:s22] =	ssyncset.done $0x0  }
0xa4: {  	[sflag:s22] =	ssyncadd.s32 s8;
	_ =	sdelay $0x1  }
0xa5: {  	s23 =	simm.s32 $0x1B8B  }
0xa6: {  	_ =	swait.ge [sflag:s23], $0x1  }
0xa7: {  	[sflag:s23] =	ssyncset.done $0x0  }
0xa8: {  	s25 =	simm.s32 $0x1B8E;
	s24 =	sld [smem:$0x3FFE];
	[sflag:s23] =	ssyncadd.s32 $0xFFFFFFFF  }
0xa9: {  	s26 =	simm.s32 $execute0_lowered;
	[smem:$0x3FD2] =	sst s25  }
0xaa: {  	s9 =	sshll.u32 s26, $0x1;
	_ =	strace $0x80000046;
	[dreg:$0x1] =	wrdreg $0xFFFFFFFF  }
0xab: {  	s28 =	simm.s32 $_size_execute0_lowered;
	s7 =	sadd.s32 s7, s9;
	[dreg:$0x0] =	wrdreg $0x0  }
0xac: {  	s9 =	sshll.u32 s28, $0x1;
	[dreg:$0x2] =	wrdreg s7  }
0xad: {  	[dreg:$0x3] =	wrdreg s9  }
0xae: {  	[dreg:$0x4] =	wrdreg $0xC0  }
0xaf: {  	_ =	task [dreg:s11], $0x5FFFF  }
0xb0: {  	[dreg:$0x1] =	wrdreg $0xFFFFFFFF  }
0xb1: {  	[dreg:$0x0] =	wrdreg $0x60  }
0xb2: {  	[dreg:$0x2] =	wrdreg s2  }
0xb3: {  	[dreg:$0x3] =	wrdreg s18  }
0xb4: {  	[dreg:$0x4] =	wrdreg s4  }
0xb5: {  	[dreg:$0x5] =	wrdreg s5  }
0xb6: {  	[dreg:$0x6] =	wrdreg s24  }
0xb7: {  	[dreg:$0x7] =	wrdreg s6  }
0xb8: {  	[dreg:$0x8] =	wrdreg $0x9  }
0xb9: {  	_ =	task.clear_ibuf [dreg:s11], $0x9FFFF;
	_ =	strace $0x90000046  }
0xba: {  	s29 =	simm.s32 $0x9;
	_ =	strace $0x80000048  }
0xbb: {  	_ =	swait.ge [sflag:s29], $0x1  }
0xbc: {  	[sflag:s29] =	ssyncadd.s32 $0xFFFFFFFF  }
0xbd: {  	_ =	strace $0x90000048  }
0xbe: {  	_ =	sfence  }
0xbf: {  	s30 =	sld [smem:$0x0];
	_ =	sdelay $0x2  }
0xc0: {  	s31 =	sshll.u32 s1, $0xD;
	s1 =	sshrl.u32 s1, $0x2  }
0xc1: {  	s3 =	sand.u32 $0x4000, s31;
	s1 =	sadd.s32 s1, s30  }
0xc2: {  	s0 =	sor.u32 s3, s0;
	s1 =	sshll.u32 s1, $0x11  }
0xc3: {  	s0 =	sor.u32 s1, s0  }
0xc4: {  	s0 =	sadd.s32 $0x8F2B, s0  }
0xc5: {  	[sflag:s0] =	ssyncadd.remote.s32 $0x1  }
0xc6: {  	_ =	sfence.sel $0xFFFF  }
0xc7: {  	[dreg:$0x0] =	wrdreg $0xFFFFFFFF;
	(pc) =	sbr.abs _section_cstart, $3  }
0xc8: {  	[dreg:$0x1] =	wrdreg $0xFFFFFFFF  }
0xc9: {  	_ =	task.clear_ibuf [dreg:s11], $0x2FFFF;
	_ =	strace $0x9FFFFFFF  }
0xca: {  	(tm) =	ssettm $0x7FFFFFFF  }
0xcb: {  	_ =	shalt  }
tec
execute0_lowered:
.L_overlay_start_1:
0x0: {  	(tag) =	ssettag $0x1  }
0x1: {  	s0 =	rddreg [dreg:$0x0]  }
0x2: {  	s3 =	rddreg [dreg:$0x1]  }
0x3: {  	s6 =	rddreg [dreg:$0x2]  }
0x4: {  	s1 =	rddreg [dreg:$0x3]  }
0x5: {  	s4 =	rddreg [dreg:$0x4]  }
0x6: {  	s8 =	rddreg [dreg:$0x5];
	s2 =	simm.s32 $0x0;
	s5 =	srdreg.scid  }
0x7: {  	s10 =	stileid.u32;
	s12 =	simm.s32 $0x4;
	s13 =	simm.s32 $0x40  }
0x8: {  	s14 =	simm.s32 $0x600;
	s15 =	simm.s32 $0x2600;
	s16 =	simm.s32 $0x4600  }
0x9: {  	s17 =	simm.s32 $0x6600;
	s19 =	simm.s32 $0x8600;
	s21 =	simm.s32 $0xA600  }
0xa: {  	s23 =	simm.s32 $0xC600;
	s25 =	simm.s32 $0xE600;
	v0 =	vlaneseq.u32;
	s28 =	simm.s32 $0x10600  }
0xb: {  	s29 =	simm.s32 $0x1;
	s30 =	simm.s32 $0x12600;
	s18 =	simm.s32 $0x2;
	v1 =	vand.u32 $0x7, v0;
	v0 =	vmul.u32 $0x11, v0  }
0xc: {  	s26 =	simm.s32 $0x3;
	s22 =	simm.s32 $0x5;
	s24 =	simm.s32 $0x0;
	v1 =	vmul.u32 $0x3E8, v1  }
0xd: {  	[smem:$0x7FF] =	sst s2;
	s5 =	sand.u32 $0x1, s5;
	s10 =	sshll.u32 s10, $0x7;
	v2 =	vadd.s32 $0x1, v0;
	v3 =	vadd.s32 $0x2, v0;
	v4 =	vadd.s32 $0x3, v0  }
0xe: {  	s4 =	sadd.s32 $0x400, s4;
	s7 =	ssub.s32 $0x2, s5;
	s5 =	sshll.u32 s5, $0x6;
	v5 =	vadd.s32 $0x4, v0;
	v6 =	vadd.s32 $0x5, v0;
	v7 =	vadd.s32 $0x6, v0  }
0xf: {  	_ =	strace $0x80000047;
	s9 =	sshrl.u32 s7, $0x1;
	s10 =	sor.u32 s5, s10;
	v8 =	vadd.s32 $0x7, v0;
	v9 =	vadd.s32 $0x8, v0;
	v10 =	vadd.s32 $0x9, v0  }
0x10: {  	v11 =	vadd.s32 $0xA, v0;
	v12 =	vadd.s32 $0xB, v0;
	v13 =	vadd.s32 $0xC, v0;
	s9 =	ssub.s32 s7, s9;
	s5 =	sadd.s32 s0, s10;
	s6 =	sadd.s32 s6, s10  }
0x11: {  	v14 =	vadd.s32 $0xD, v0;
	v15 =	vadd.s32 $0xE, v0;
	v16 =	vadd.s32 $0xF, v0;
	s7 =	sadd.s32 s3, s10;
	s8 =	sadd.s32 s8, s10;
	[tilespmem:$0x1FFF0] =	vst v1;
	s9 =	smax.u32 s9, $0x1  }
.LBB2_1:
0x12: {  	[tilespmem:s2], [sflag:$0x4] =	stream.linear.gather [hbm4b:s5+s2], $0x200, $0x38;
	[tilespmem:$0x12C80] =	vst v63  }
0x13: {  	s0 =	simm.s32 $0x400  }
0x14: {  	[tilespmem:s0], [sflag:$0x4] =	stream.linear.gather [hbm4b:s6+s2], $0x200, $0x38;
	[tilespmem:$0x12C80] =	vst v63  }
0x15: {  	s3 =	simm.s32 $0x200  }
0x16: {  	[tilespmem:s3], [sflag:$0x4] =	stream.linear.gather [hbm4b:s7+s2], $0x200, $0x38;
	[tilespmem:$0x12C80] =	vst v63  }
0x17: {  	_ =	swait.ge [sflag:s12], $0x200  }
0x18: {  	[sflag:s12] =	ssyncset.done $0x0  }
0x19: {  	[sflag:s12] =	ssyncadd.s32 $0xFFFFFE00  }
0x1a: {  	_ =	swait.ge [sflag:s12], $0x200  }
0x1b: {  	[sflag:s12] =	ssyncset.done $0x0  }
0x1c: {  	[sflag:s12] =	ssyncadd.s32 $0xFFFFFE00  }
0x1d: {  	_ =	swait.ge [sflag:s12], $0x200  }
0x1e: {  	[sflag:s12] =	ssyncset.done $0x0  }
0x1f: {  	v1 =	vld [tilespmem:$0x1FFF0];
	[sflag:s12] =	ssyncadd.s32 $0xFFFFFE00  }
0x20: {  	v17 =	vld [tilespmem:$0x200]  }
0x21: {  	v18 =	vld [tilespmem:$0x210]  }
0x22: {  	v19 =	vld [tilespmem:$0x220]  }
0x23: {  	v20 =	vld [tilespmem:$0x230]  }
0x24: {  	v21 =	vld [tilespmem:$0x240]  }
0x25: {  	v22 =	vld [tilespmem:$0x250];
	v17 =	vadd.s32 v1, v17  }
0x26: {  	[tilespmem:$0x200] =	vst v17;
	v17 =	vadd.s32 v1, v18;
	v18 =	vld [tilespmem:$0x260]  }
0x27: {  	[tilespmem:$0x210] =	vst v17;
	v17 =	vadd.s32 v1, v19;
	v19 =	vld [tilespmem:$0x270]  }
0x28: {  	[tilespmem:$0x220] =	vst v17;
	v17 =	vadd.s32 v1, v20;
	v20 =	vld [tilespmem:$0x280]  }
0x29: {  	[tilespmem:$0x230] =	vst v17;
	v17 =	vadd.s32 v1, v21;
	v21 =	vld [tilespmem:$0x290]  }
0x2a: {  	[tilespmem:$0x240] =	vst v17;
	v17 =	vadd.s32 v1, v22;
	v22 =	vld [tilespmem:$0x2A0]  }
0x2b: {  	[tilespmem:$0x250] =	vst v17;
	v17 =	vadd.s32 v1, v18;
	v18 =	vld [tilespmem:$0x2B0]  }
0x2c: {  	[tilespmem:$0x260] =	vst v17;
	v17 =	vadd.s32 v1, v19;
	v19 =	vld [tilespmem:$0x2C0]  }
0x2d: {  	[tilespmem:$0x270] =	vst v17;
	v17 =	vadd.s32 v1, v20;
	v20 =	vld [tilespmem:$0x2D0]  }
0x2e: {  	[tilespmem:$0x280] =	vst v17;
	v17 =	vadd.s32 v1, v21;
	v21 =	vld [tilespmem:$0x2E0]  }
0x2f: {  	[tilespmem:$0x290] =	vst v17;
	v17 =	vadd.s32 v1, v22;
	v22 =	vld [tilespmem:$0x2F0]  }
0x30: {  	[tilespmem:$0x2A0] =	vst v17;
	v17 =	vadd.s32 v1, v18;
	v18 =	vld [tilespmem:$0x300]  }
0x31: {  	[tilespmem:$0x2B0] =	vst v17;
	v17 =	vadd.s32 v1, v19;
	v19 =	vld [tilespmem:$0x310]  }
0x32: {  	[tilespmem:$0x2C0] =	vst v17;
	v17 =	vadd.s32 v1, v20;
	v20 =	vld [tilespmem:$0x320]  }
0x33: {  	[tilespmem:$0x2D0] =	vst v17;
	v17 =	vadd.s32 v1, v21;
	v21 =	vld [tilespmem:$0x330]  }
0x34: {  	[tilespmem:$0x2E0] =	vst v17;
	v17 =	vadd.s32 v1, v22;
	v22 =	vld [tilespmem:$0x340]  }
0x35: {  	[tilespmem:$0x2F0] =	vst v17;
	v17 =	vadd.s32 v1, v18;
	v18 =	vld [tilespmem:$0x350]  }
0x36: {  	[tilespmem:$0x300] =	vst v17;
	v17 =	vadd.s32 v1, v19;
	v19 =	vld [tilespmem:$0x360]  }
0x37: {  	[tilespmem:$0x310] =	vst v17;
	v17 =	vadd.s32 v1, v20;
	v20 =	vld [tilespmem:$0x370]  }
0x38: {  	[tilespmem:$0x320] =	vst v17;
	v17 =	vadd.s32 v1, v21;
	v21 =	vld [tilespmem:$0x380]  }
0x39: {  	[tilespmem:$0x330] =	vst v17;
	v17 =	vadd.s32 v1, v22;
	v22 =	vld [tilespmem:$0x390]  }
0x3a: {  	[tilespmem:$0x340] =	vst v17;
	v17 =	vadd.s32 v1, v18;
	v18 =	vld [tilespmem:$0x3A0]  }
0x3b: {  	[tilespmem:$0x350] =	vst v17;
	v17 =	vadd.s32 v1, v19;
	v19 =	vld [tilespmem:$0x3B0]  }
0x3c: {  	[tilespmem:$0x360] =	vst v17;
	v17 =	vadd.s32 v1, v20;
	v20 =	vld [tilespmem:$0x3C0]  }
0x3d: {  	[tilespmem:$0x370] =	vst v17;
	v17 =	vadd.s32 v1, v21;
	v21 =	vld [tilespmem:$0x3D0]  }
0x3e: {  	[tilespmem:$0x380] =	vst v17;
	v17 =	vadd.s32 v1, v22;
	v22 =	vld [tilespmem:$0x3E0]  }
0x3f: {  	[tilespmem:$0x390] =	vst v17;
	v17 =	vadd.s32 v1, v18;
	v18 =	vld [tilespmem:$0x3F0]  }
0x40: {  	[tilespmem:$0x3A0] =	vst v17;
	v17 =	vadd.s32 v1, v19  }
0x41: {  	[tilespmem:$0x3B0] =	vst v17;
	v17 =	vadd.s32 v1, v20  }
0x42: {  	[tilespmem:$0x3C0] =	vst v17;
	v17 =	vadd.s32 v1, v21  }
0x43: {  	[tilespmem:$0x3D0] =	vst v17;
	v17 =	vadd.s32 v1, v22  }
0x44: {  	[tilespmem:$0x3E0] =	vst v17;
	v17 =	vadd.s32 v1, v18  }
0x45: {  	[tilespmem:$0x3F0] =	vst v17  }
0x46: {  	[tilespmem:s14], [sflag:$0x1] =	stream.indirect.gather [hbm4b:s1+s13], $0x80, s2, s13, $0xb8;
	[tilespmem:$0x12C80] =	vst v63  }
0x47: {  	_ = 	snop  }
0x48: {  	[tilespmem:s15], [sflag:$0x1] =	stream.indirect.gather [hbm4b:s4+s13], $0x80, s3, s13, $0xb8;
	[tilespmem:$0x12C80] =	vst v63  }
0x49: {  	_ = 	snop  }
0x4a: {  	[tilespmem:s16], [sflag:$0x1] =	stream.indirect.gather [hbm4b:s1+s13], $0x80, s0, s13, $0xb8;
	[tilespmem:$0x12C80] =	vst v63  }
0x4b: {  	_ = 	snop  }
0x4c: {  	[tilespmem:s17], [sflag:$0x2] =	stream.indirect.gather [hbm4b:s1+s13], $0x80, s13, s13, $0xb8;
	[tilespmem:$0x12C80] =	vst v63  }
0x4d: {  	s20 =	simm.s32 $0x240  }
0x4e: {  	[tilespmem:s19], [sflag:$0x2] =	stream.indirect.gather [hbm4b:s4+s13], $0x80, s20, s13, $0xb8;
	[tilespmem:$0x12C80] =	vst v63  }
0x4f: {  	s3 =	simm.s32 $0x440  }
0x50: {  	[tilespmem:s21], [sflag:$0x2] =	stream.indirect.gather [hbm4b:s1+s13], $0x80, s3, s13, $0xb8;
	[tilespmem:$0x12C80] =	vst v63  }
0x51: {  	s10 =	simm.s32 $0x80  }
0x52: {  	[tilespmem:s23], [sflag:$0x3] =	stream.indirect.gather [hbm4b:s1+s13], $0x80, s10, s13, $0xb8;
	[tilespmem:$0x12C80] =	vst v63  }
0x53: {  	s11 =	simm.s32 $0x280  }
0x54: {  	[tilespmem:s25], [sflag:$0x3] =	stream.indirect.gather [hbm4b:s4+s13], $0x80, s11, s13, $0xb8;
	[tilespmem:$0x12C80] =	vst v63  }
0x55: {  	s20 =	simm.s32 $0x480  }
0x56: {  	[tilespmem:s28], [sflag:$0x3] =	stream.indirect.gather [hbm4b:s1+s13], $0x80, s20, s13, $0xb8;
	[tilespmem:$0x12C80] =	vst v63  }
0x57: {  	_ =	swait.ge [sflag:s29], $0x2000  }
0x58: {  	[sflag:s29] =	ssyncset.done $0x0  }
0x59: {  	[sflag:s29] =	ssyncadd.s32 $0xFFFFE000  }
0x5a: {  	_ =	swait.ge [sflag:s29], $0x2000  }
0x5b: {  	[sflag:s29] =	ssyncset.done $0x0  }
0x5c: {  	[sflag:s29] =	ssyncadd.s32 $0xFFFFE000  }
0x5d: {  	_ =	swait.ge [sflag:s29], $0x2000  }
0x5e: {  	[sflag:s29] =	ssyncset.done $0x0  }
0x5f: {  	s11 =	simm.s32 $0x4700;
	[sflag:s29] =	ssyncadd.s32 $0xFFFFE000  }
0x60: {  	v1 =	vld [tilespmem:s11+$0xA0];
	_ =	sdelay $0x3  }
0x61: {  	v22 =	vld [tilespmem:s11+$0x80]  }
0x62: {  	v23 =	vld [tilespmem:s11+$0x90];
	[tilespmem:$0x1FEA0] =	vst v1  }
0x63: {  	s31 =	simm.s32 $0x700;
	v24 =	vld [tilespmem:s11+$0xB0]  }
0x64: {  	s0 =	simm.s32 $0x2700;
	v50 =	vld [tilespmem:s31+$0x80]  }
0x65: {  	v46 =	vld [tilespmem:s0+$0x80]  }
0x66: {  	v44 =	vld [tilespmem:s31+$0x90]  }
0x67: {  	v39 =	vld [tilespmem:s0+$0x90]  }
0x68: {  	v1 =	vld [tilespmem:s31+$0xA0]  }
0x69: {  	v41 =	vld [tilespmem:s0+$0xA0]  }
0x6a: {  	v43 =	vld [tilespmem:s31+$0xB0]  }
0x6b: {  	v28 =	vld [tilespmem:s0+$0xB0]  }
0x6c: {  	v29 =	vld [tilespmem:s31+$0xC0]  }
0x6d: {  	v30 =	vld [tilespmem:s0+$0xC0]  }
0x6e: {  	v20 =	vld [tilespmem:s31+$0xD0]  }
0x6f: {  	v17 =	vld [tilespmem:s11+$0xC0]  }
0x70: {  	v32 =	vld [tilespmem:s0+$0xD0]  }
0x71: {  	v33 =	vld [tilespmem:s31+$0xE0]  }
0x72: {  	v34 =	vld [tilespmem:s0+$0xE0]  }
0x73: {  	v35 =	vld [tilespmem:s31+$0xF0]  }
0x74: {  	v36 =	vld [tilespmem:s0+$0xF0];
	[tilespmem:$0x1FEB0] =	vst v17  }
0x75: {  	v17 =	vld [tilespmem:s11+$0xD0];
	_ =	sdelay $0x4  }
0x76: {  	[tilespmem:$0x1FEC0] =	vst v17  }
0x77: {  	v17 =	vld [tilespmem:s0+$0xFFFFFF00];
	_ =	sdelay $0x3  }
0x78: {  	v25 =	vld [tilespmem:s11+$0xE0]  }
0x79: {  	v26 =	vld [tilespmem:s11+$0xF0];
	[tilespmem:$0x1FF90] =	vst v17  }
0x7a: {  	v17 =	vld [tilespmem:s0+$0xFFFFFF10];
	_ =	sdelay $0x4  }
0x7b: {  	v27 =	vld [tilespmem:s31+$0xFFFFFF10];
	[tilespmem:$0x1FED0] =	vst v17  }
0x7c: {  	v17 =	vld [tilespmem:s31+$0xFFFFFF20];
	_ =	sdelay $0x4  }
0x7d: {  	[tilespmem:$0x1FEE0] =	vst v17  }
0x7e: {  	v17 =	vld [tilespmem:s0+$0xFFFFFF20];
	_ =	sdelay $0x4  }
0x7f: {  	[tilespmem:$0x1FEF0] =	vst v17  }
0x80: {  	v17 =	vld [tilespmem:s31+$0xFFFFFF30];
	_ =	sdelay $0x4  }
0x81: {  	[tilespmem:$0x1FF00] =	vst v17  }
0x82: {  	v17 =	vld [tilespmem:s0+$0xFFFFFF30];
	_ =	sdelay $0x4  }
0x83: {  	[tilespmem:$0x1FF10] =	vst v17  }
0x84: {  	v17 =	vld [tilespmem:s31+$0xFFFFFF40];
	_ =	sdelay $0x4  }
0x85: {  	[tilespmem:$0x1FF20] =	vst v17  }
0x86: {  	v17 =	vld [tilespmem:s0+$0xFFFFFF40];
	_ =	sdelay $0x4  }
0x87: {  	[tilespmem:$0x1FF30] =	vst v17  }
0x88: {  	v17 =	vld [tilespmem:s31+$0xFFFFFF50];
	_ =	sdelay $0x4  }
0x89: {  	[tilespmem:$0x1FF40] =	vst v17  }
0x8a: {  	v17 =	vld [tilespmem:s0+$0xFFFFFF50];
	_ =	sdelay $0x4  }
0x8b: {  	[tilespmem:$0x1FF50] =	vst v17  }
0x8c: {  	v17 =	vld [tilespmem:s31+$0xFFFFFF60];
	_ =	sdelay $0x4  }
0x8d: {  	[tilespmem:$0x1FF60] =	vst v17  }
0x8e: {  	v17 =	vld [tilespmem:s0+$0xFFFFFF60];
	_ =	sdelay $0x4  }
0x8f: {  	[tilespmem:$0x1FF70] =	vst v17  }
0x90: {  	v17 =	vld [tilespmem:s31+$0xFFFFFF70];
	_ =	sdelay $0x4  }
0x91: {  	[tilespmem:$0x1FF80] =	vst v17  }
0x92: {  	v55 =	vld [tilespmem:s0+$0xFFFFFF70]  }
0x93: {  	v56 =	vld [tilespmem:s31+$0xFFFFFF80]  }
0x94: {  	v57 =	vld [tilespmem:s0+$0xFFFFFF80]  }
0x95: {  	v58 =	vld [tilespmem:s31+$0xFFFFFF90]  }
0x96: {  	v59 =	vld [tilespmem:s0+$0xFFFFFF90]  }
0x97: {  	v60 =	vld [tilespmem:s31+$0xFFFFFFA0]  }
0x98: {  	v61 =	vld [tilespmem:s0+$0xFFFFFFA0]  }
0x99: {  	v62 =	vld [tilespmem:s31+$0xFFFFFFB0]  }
0x9a: {  	v63 =	vld [tilespmem:s0+$0xFFFFFFB0]  }
0x9b: {  	v37 =	vld [tilespmem:s31+$0xFFFFFFC0]  }
0x9c: {  	v31 =	vld [tilespmem:s0+$0xFFFFFFC0]  }
0x9d: {  	v51 =	vld [tilespmem:s31+$0xFFFFFFD0]  }
0x9e: {  	v42 =	vld [tilespmem:s0+$0xFFFFFFD0]  }
0x9f: {  	v48 =	vld [tilespmem:s31+$0xFFFFFFE0]  }
0xa0: {  	v17 =	vld [tilespmem:s0+$0xFFFFFFE0]  }
0xa1: {  	v53 =	vld [tilespmem:s31+$0xFFFFFFF0]  }
0xa2: {  	v38 =	vld [tilespmem:s0+$0xFFFFFFF0]  }
0xa3: {  	v40 =	vld [tilespmem:s31+$0x0]  }
0xa4: {  	v18 =	vld [tilespmem:s0+$0x0]  }
0xa5: {  	v52 =	vld [tilespmem:s31+$0x10]  }
0xa6: {  	v21 =	vld [tilespmem:s31+$0x40]  }
0xa7: {  	v45 =	vld [tilespmem:s0+$0x10]  }
0xa8: {  	v47 =	vld [tilespmem:s31+$0x20]  }
0xa9: {  	v19 =	vld [tilespmem:s0+$0x20]  }
0xaa: {  	v54 =	vld [tilespmem:s31+$0x30]  }
0xab: {  	v49 =	vld [tilespmem:s0+$0x30];
	[tilespmem:$0x1FFA0] =	vst v21  }
0xac: {  	v21 =	vld [tilespmem:s0+$0x40];
	_ =	sdelay $0x4  }
0xad: {  	[tilespmem:$0x1FFB0] =	vst v21  }
0xae: {  	v41 =	vmul.f32 v41, v1;
	v1 =	vld [tilespmem:s31+$0x60];
	_ =	sdelay $0x3  }
0xaf: {  	v39 =	vmul.f32 v39, v44;
	v44 =	vld [tilespmem:s31+$0x50]  }
0xb0: {  	v28 =	vmul.f32 v28, v43;
	v43 =	vld [tilespmem:s0+$0x50];
	[tilespmem:$0x1FFC0] =	vst v1  }
0xb1: {  	v1 =	vld [tilespmem:s31+$0x70];
	_ =	sdelay $0x2  }
0xb2: {  	v29 =	vmul.f32 v30, v29  }
0xb3: {  	v30 =	vmul.f32 v32, v20;
	v32 =	vmul.f32 v34, v33;
	v34 =	vld [tilespmem:s0+$0x60]  }
0xb4: {  	[tilespmem:$0x1FFD0] =	vst v1;
	v1 =	vld [tilespmem:$0x1FEA0];
	_ =	sdelay $0x4  }
0xb5: {  	v41 =	vmul.f32 v1, v41;
	v1 =	vld [tilespmem:s0+$0x70];
	_ =	sdelay $0x4  }
0xb6: {  	[tilespmem:$0x1FFE0] =	vst v1;
	v1 =	vld [tilespmem:$0x1FEB0];
	_ =	sdelay $0x4  }
0xb7: {  	v29 =	vmul.f32 v1, v29;
	v1 =	vld [tilespmem:$0x1FEC0];
	_ =	sdelay $0x4  }
0xb8: {  	v30 =	vmul.f32 v1, v30;
	v1 =	vld [tilespmem:$0x1FED0];
	_ =	sdelay $0x2  }
0xb9: {  	v46 =	vmul.f32 v46, v50  }
0xba: {  	v50 =	vmul.f32 v36, v35;
	v20 =	vld [tilespmem:$0x1FEF0]  }
0xbb: {  	v35 =	vmul.f32 v22, v46;
	v22 =	vmul.f32 v1, v27;
	v1 =	vld [tilespmem:$0x1FEE0];
	_ =	sdelay $0x1  }
0xbc: {  	v28 =	vmul.f32 v24, v28;
	v24 =	vld [tilespmem:$0x1FF50]  }
0xbd: {  	v36 =	vmul.f32 v23, v39;
	v39 =	vld [tilespmem:$0x1FF80]  }
0xbe: {  	v40 =	vmul.f32 v18, v40;
	v18 =	vld [tilespmem:$0x1FF90]  }
0xbf: {  	v32 =	vmul.f32 v25, v32;
	v25 =	vmul.f32 v20, v1;
	v1 =	vld [tilespmem:$0x1FF00]  }
0xc0: {  	v20 =	vld [tilespmem:$0x1FF10]  }
0xc1: {  	v46 =	vld [tilespmem:s31+$0xFFFFFF00]  }
0xc2: {  	v33 =	vmul.f32 v26, v50;
	v50 =	vld [tilespmem:s11+$0xFFFFFF00]  }
0xc3: {  	v21 =	vld [tilespmem:s11+$0xFFFFFF10]  }
0xc4: {  	v56 =	vmul.f32 v57, v56;
	v57 =	vld [tilespmem:s11+$0xFFFFFF40]  }
0xc5: {  	v23 =	vmul.f32 v20, v1;
	v1 =	vld [tilespmem:$0x1FF20]  }
0xc6: {  	v20 =	vld [tilespmem:$0x1FF30]  }
0xc7: {  	v58 =	vmul.f32 v59, v58;
	v59 =	vmul.f32 v61, v60;
	v60 =	vld [tilespmem:s11+$0xFFFFFF50]  }
0xc8: {  	v31 =	vmul.f32 v31, v37;
	v37 =	vld [tilespmem:s11+$0xFFFFFF60]  }
0xc9: {  	v61 =	vmul.f32 v63, v62;
	v62 =	vld [tilespmem:s11+$0xFFFFFF70]  }
0xca: {  	v63 =	vld [tilespmem:s11+$0xFFFFFF80]  }
0xcb: {  	v26 =	vmul.f32 v20, v1;
	v1 =	vld [tilespmem:$0x1FF40]  }
0xcc: {  	v55 =	vmul.f32 v55, v39;
	v39 =	vld [tilespmem:s11+$0xFFFFFF90]  }
0xcd: {  	v35 =	vadd.f32 v36, v35;
	v36 =	vmul.f32 v42, v51;
	v42 =	vmul.f32 v17, v48;
	v51 =	vld [tilespmem:s11+$0xFFFFFFA0]  }
0xce: {  	v17 =	vmul.f32 v49, v54;
	v49 =	vmul.f32 v18, v46;
	v18 =	vld [tilespmem:$0x1FFA0]  }
0xcf: {  	v27 =	vld [tilespmem:$0x1FF70]  }
0xd0: {  	v24 =	vmul.f32 v24, v1;
	v1 =	vld [tilespmem:$0x1FF60]  }
0xd1: {  	v29 =	vadd.f32 v30, v29;
	v30 =	vmul.f32 v45, v52;
	v45 =	vmul.f32 v19, v47;
	v19 =	vld [tilespmem:$0x1FFB0]  }
0xd2: {  	v32 =	vadd.f32 v33, v32;
	v28 =	vadd.f32 v28, v41;
	v52 =	vld [tilespmem:s11+$0xFFFFFFB0]  }
0xd3: {  	v54 =	vld [tilespmem:s11+$0xFFFFFFC0]  }
0xd4: {  	v28 =	vadd.f32 v28, v35;
	v29 =	vadd.f32 v32, v29;
	v20 =	vld [tilespmem:s11+$0xFFFFFF20]  }
0xd5: {  	v38 =	vmul.f32 v38, v53;
	v27 =	vmul.f32 v27, v1;
	v1 =	vld [tilespmem:s11+$0xFFFFFF30]  }
0xd6: {  	v53 =	vmul.f32 v50, v49;
	v28 =	vadd.f32 v29, v28;
	v29 =	vmul.f32 v62, v55;
	v55 =	vld [tilespmem:s11+$0xFFFFFFF0]  }
0xd7: {  	v18 =	vmul.f32 v19, v18;
	v35 =	vmul.f32 v52, v61;
	v61 =	vld [tilespmem:$0x1FFE0]  }
0xd8: {  	v21 =	vmul.f32 v21, v22;
	v22 =	vmul.f32 v57, v26;
	v26 =	vld [tilespmem:s11+$0xFFFFFFE0]  }
0xd9: {  	v57 =	vld [tilespmem:s11+$0x0];
	v20 =	vmul.f32 v20, v25;
	v27 =	vmul.f32 v37, v27  }
0xda: {  	v25 =	vld [tilespmem:s11+$0xFFFFFFD0];
	v1 =	vmul.f32 v1, v23;
	v23 =	vmul.f32 v60, v24  }
0xdb: {  	v27 =	vadd.f32 v29, v27;
	v29 =	vmul.f32 v39, v58;
	v58 =	vld [tilespmem:s11+$0x10];
	v24 =	vadd.f32 v21, v53  }
0xdc: {  	v19 =	vmul.f32 v43, v44;
	v21 =	vld [tilespmem:$0x1FFC0];
	v1 =	vadd.f32 v1, v20;
	v20 =	vadd.f32 v23, v22  }
0xdd: {  	v32 =	vmul.f32 v55, v38;
	v60 =	vld [tilespmem:s11+$0x20];
	v23 =	vmul.f32 v63, v56  }
0xde: {  	v22 =	vld [tilespmem:$0x1FFD0];
	v1 =	vadd.f32 v1, v24;
	v24 =	vmul.f32 v51, v59;
	v20 =	vadd.f32 v27, v20  }
0xdf: {  	s3 =	simm.s32 $0x12622;
	v27 =	vadd.f32 v29, v23;
	v23 =	vld [tilespmem:s11+$0x30];
	v29 =	vmul.f32 v54, v31;
	v31 =	vmul.f32 v25, v36  }
0xe0: {  	v63 =	vmul.f32 v26, v42;
	[tilespmem:s3+$0x11] =	vst v28;
	v28 =	vmul.f32 v57, v40;
	v62 =	vadd.f32 v35, v24;
	v24 =	vld [tilespmem:s11+$0x40]  }
0xe1: {  	v25 =	vld [tilespmem:s11+$0x50];
	v21 =	vmul.f32 v34, v21;
	v1 =	vadd.f32 v20, v1;
	v26 =	vadd.f32 v31, v29  }
0xe2: {  	v31 =	vadd.f32 v32, v63;
	v32 =	vmul.f32 v58, v30;
	v20 =	vadd.f32 v62, v27;
	v27 =	vld [tilespmem:s11+$0x60]  }
0xe3: {  	p0 =	por $0x1, $0x1;
	s10 =	simm.s32 $0x0;
	v30 =	vmul.f32 v60, v45;
	v29 =	vld [tilespmem:s11+$0x70];
	v22 =	vmul.f32 v61, v22;
	[tilespmem:s3+$0xFFFFFFDE] =	vst v1;
	s11 =	simm.s32 $0x4900  }
.LBB2_2:
0xe4: {  	v1 =	vld [tilespmem:s11+$0x80];
	v26 =	vadd.f32 v31, v26;
	v17 =	vmul.f32 v23, v17;
	v23 =	vadd.f32 v32, v28  }
0xe5: {  	v28 =	vld [tilespmem:s11+$0x90];
	v18 =	vmul.f32 v24, v18  }
0xe6: {  	v24 =	vld [tilespmem:s11+$0xA0];
	v20 =	vadd.f32 v26, v20;
	v19 =	vmul.f32 v25, v19;
	v17 =	vadd.f32 v17, v30  }
0xe7: {  	s31 =	sadd.s32 $0x200, s31;
	v25 =	vld [tilespmem:s11+$0xB0];
	v21 =	vmul.f32 v27, v21  }
0xe8: {  	s0 =	sadd.s32 $0x200, s0;
	v26 =	vld [tilespmem:s31+$0x80];
	[tilespmem:s3+$0xFFFFFFEF] =	vst v20;
	v20 =	vmul.f32 v29, v22;
	v17 =	vadd.f32 v17, v23;
	v18 =	vadd.f32 v19, v18  }
0xe9: {  	v19 =	vld [tilespmem:s0+$0x80]  }
0xea: {  	v22 =	vld [tilespmem:s31+$0x90];
	v20 =	vadd.f32 v20, v21  }
0xeb: {  	v21 =	vld [tilespmem:s0+$0x90]  }
0xec: {  	v23 =	vld [tilespmem:s31+$0xA0];
	v18 =	vadd.f32 v20, v18  }
0xed: {  	v20 =	vld [tilespmem:s0+$0xA0]  }
0xee: {  	v27 =	vld [tilespmem:s31+$0xB0];
	v17 =	vadd.f32 v18, v17  }
0xef: {  	v18 =	vld [tilespmem:s0+$0xB0]  }
0xf0: {  	v29 =	vld [tilespmem:s31+$0xC0];
	[tilespmem:s3+$0x0] =	vst v17  }
0xf1: {  	v17 =	vld [tilespmem:s0+$0xC0]  }
0xf2: {  	v30 =	vld [tilespmem:s31+$0xD0]  }
0xf3: {  	v31 =	vld [tilespmem:s0+$0xD0]  }
0xf4: {  	v32 =	vld [tilespmem:s31+$0xE0]  }
0xf5: {  	v33 =	vld [tilespmem:s0+$0xE0]  }
0xf6: {  	v34 =	vld [tilespmem:s31+$0xF0]  }
0xf7: {  	v35 =	vld [tilespmem:s0+$0xF0]  }
0xf8: {  	v36 =	vld [tilespmem:s11+$0xC0]  }
0xf9: {  	s10 =	sadd.s32 $0x4, s10;
	v19 =	vmul.f32 v19, v26;
	v21 =	vmul.f32 v21, v22;
	v22 =	vld [tilespmem:s11+$0xD0]  }
0xfa: {  	p1 =	slt.u32 s10, $0x3C;
	v23 =	vmul.f32 v20, v23;
	v18 =	vmul.f32 v18, v27;
	v26 =	vld [tilespmem:s11+$0xE0]  }
0xfb: {  	v17 =	vmul.f32 v17, v29;
	v27 =	vmul.f32 v31, v30;
	v29 =	vld [tilespmem:s11+$0xF0]  }
0xfc: {  	v30 =	vmul.f32 v33, v32;
	v20 =	vld [tilespmem:s0+$0xFFFFFF00];
	v31 =	vmul.f32 v35, v34  }
0xfd: {  	v1 =	vmul.f32 v1, v19;
	v19 =	vmul.f32 v28, v21;
	v32 =	vld [tilespmem:s31+$0xFFFFFF10]  }
0xfe: {  	v23 =	vmul.f32 v24, v23;
	v18 =	vmul.f32 v25, v18;
	v21 =	vld [tilespmem:s0+$0xFFFFFF10]  }
0xff: {  	v17 =	vmul.f32 v36, v17;
	v22 =	vmul.f32 v22, v27;
	v24 =	vld [tilespmem:s31+$0xFFFFFF20]  }
0x100: {  	v26 =	vmul.f32 v26, v30;
	v25 =	vld [tilespmem:s0+$0xFFFFFF20];
	v27 =	vmul.f32 v29, v31  }
0x101: {  	v1 =	vadd.f32 v19, v1;
	v18 =	vadd.f32 v18, v23;
	v28 =	vld [tilespmem:s31+$0xFFFFFF30]  }
0x102: {  	v17 =	vadd.f32 v22, v17;
	v19 =	vld [tilespmem:s0+$0xFFFFFF30];
	v22 =	vadd.f32 v27, v26  }
0x103: {  	v23 =	vmul.f32 v21, v32;
	v21 =	vld [tilespmem:s31+$0xFFFFFF40]  }
0x104: {  	v1 =	vadd.f32 v18, v1;
	v26 =	vld [tilespmem:s0+$0xFFFFFF40];
	v17 =	vadd.f32 v22, v17  }
0x105: {  	v24 =	vmul.f32 v25, v24;
	v18 =	vld [tilespmem:s31+$0xFFFFFF50]  }
0x106: {  	v22 =	vld [tilespmem:s0+$0xFFFFFF50];
	v1 =	vadd.f32 v17, v1  }
0x107: {  	s3 =	sadd.s32 $0x44, s3;
	v25 =	vmul.f32 v19, v28;
	v17 =	vld [tilespmem:s31+$0xFFFFFF60]  }
0x108: {  	s20 =	simm.s32 $0x0;
	v19 =	vld [tilespmem:s0+$0xFFFFFF60];
	[tilespmem:s3+$0x11] =	vst v1  }
0x109: {  	v1 =	vmul.f32 v26, v21;
	v21 =	vld [tilespmem:s31+$0xFFFFFF70]  }
0x10a: {  	v26 =	vld [tilespmem:s0+$0xFFFFFF70]  }
0x10b: {  	v27 =	vmul.f32 v22, v18;
	v18 =	vld [tilespmem:s31+$0xFFFFFF80]  }
0x10c: {  	v22 =	vld [tilespmem:s0+$0xFFFFFF80]  }
0x10d: {  	v28 =	vmul.f32 v19, v17;
	v17 =	vld [tilespmem:s31+$0xFFFFFF90]  }
0x10e: {  	v19 =	vld [tilespmem:s0+$0xFFFFFF90]  }
0x10f: {  	v26 =	vmul.f32 v26, v21;
	v21 =	vld [tilespmem:s31+$0xFFFFFFA0]  }
0x110: {  	v29 =	vld [tilespmem:s0+$0xFFFFFFA0]  }
0x111: {  	v30 =	vmul.f32 v22, v18;
	v18 =	vld [tilespmem:s31+$0xFFFFFFB0]  }
0x112: {  	v22 =	vld [tilespmem:s0+$0xFFFFFFB0]  }
0x113: {  	v31 =	vmul.f32 v19, v17;
	v17 =	vld [tilespmem:s31+$0xFFFFFFC0]  }
0x114: {  	v19 =	vld [tilespmem:s0+$0xFFFFFFC0]  }
0x115: {  	v29 =	vmul.f32 v29, v21;
	v21 =	vld [tilespmem:s31+$0xFFFFFFD0]  }
0x116: {  	v32 =	vld [tilespmem:s0+$0xFFFFFFD0]  }
0x117: {  	v33 =	vmul.f32 v22, v18;
	v18 =	vld [tilespmem:s31+$0xFFFFFFE0]  }
0x118: {  	v22 =	vld [tilespmem:s0+$0xFFFFFFE0]  }
0x119: {  	v34 =	vmul.f32 v19, v17;
	v17 =	vld [tilespmem:s31+$0xFFFFFFF0]  }
0x11a: {  	v19 =	vld [tilespmem:s0+$0xFFFFFFF0]  }
0x11b: {  	v32 =	vmul.f32 v32, v21;
	v21 =	vld [tilespmem:s31+$0x0]  }
0x11c: {  	v35 =	vld [tilespmem:s0+$0x0]  }
0x11d: {  	v36 =	vmul.f32 v22, v18;
	v18 =	vld [tilespmem:s31+$0x10]  }
0x11e: {  	v22 =	vld [tilespmem:s0+$0x10]  }
0x11f: {  	v37 =	vmul.f32 v19, v17;
	v17 =	vld [tilespmem:s31+$0x20]  }
0x120: {  	v19 =	vld [tilespmem:s0+$0x20]  }
0x121: {  	v35 =	vmul.f32 v35, v21;
	v21 =	vld [tilespmem:s31+$0x30]  }
0x122: {  	v38 =	vld [tilespmem:s0+$0x30]  }
0x123: {  	v39 =	vmul.f32 v22, v18;
	v18 =	vld [tilespmem:s31+$0x40]  }
0x124: {  	v22 =	vld [tilespmem:s0+$0x40]  }
0x125: {  	v40 =	vmul.f32 v19, v17;
	v19 =	vld [tilespmem:s31+$0x50]  }
0x126: {  	v41 =	vld [tilespmem:s0+$0x50]  }
0x127: {  	v17 =	vmul.f32 v38, v21;
	v21 =	vld [tilespmem:s31+$0x60]  }
0x128: {  	v38 =	vld [tilespmem:s0+$0x60]  }
0x129: {  	v18 =	vmul.f32 v22, v18;
	v22 =	vld [tilespmem:s31+$0x70]  }
0x12a: {  	v42 =	vld [tilespmem:s0+$0x70]  }
0x12b: {  	v43 =	vld [tilespmem:s31+$0xFFFFFF00];
	v19 =	vmul.f32 v41, v19  }
0x12c: {  	v41 =	vld [tilespmem:s11+$0xFFFFFF00]  }
0x12d: {  	v44 =	vld [tilespmem:s11+$0xFFFFFF10];
	v21 =	vmul.f32 v38, v21  }
0x12e: {  	v38 =	vld [tilespmem:s11+$0xFFFFFF20]  }
0x12f: {  	v45 =	vld [tilespmem:s11+$0xFFFFFF30];
	v22 =	vmul.f32 v42, v22  }
0x130: {  	v20 =	vmul.f32 v20, v43;
	v42 =	vld [tilespmem:s11+$0xFFFFFF40]  }
0x131: {  	v43 =	vld [tilespmem:s11+$0xFFFFFF50]  }
0x132: {  	v20 =	vmul.f32 v41, v20;
	v23 =	vmul.f32 v44, v23;
	v41 =	vld [tilespmem:s11+$0xFFFFFF60]  }
0x133: {  	v24 =	vmul.f32 v38, v24;
	v38 =	vld [tilespmem:s11+$0xFFFFFF70]  }
0x134: {  	v25 =	vmul.f32 v45, v25;
	v20 =	vadd.f32 v23, v20;
	v23 =	vld [tilespmem:s11+$0xFFFFFF80]  }
0x135: {  	v1 =	vmul.f32 v42, v1;
	v42 =	vld [tilespmem:s11+$0xFFFFFF90]  }
0x136: {  	v27 =	vmul.f32 v43, v27;
	v24 =	vadd.f32 v25, v24;
	v25 =	vld [tilespmem:s11+$0xFFFFFFA0]  }
0x137: {  	v28 =	vmul.f32 v41, v28;
	v41 =	vld [tilespmem:s11+$0xFFFFFFB0]  }
0x138: {  	v26 =	vmul.f32 v38, v26;
	v20 =	vadd.f32 v24, v20;
	v1 =	vadd.f32 v27, v1;
	v24 =	vld [tilespmem:s11+$0xFFFFFFC0]  }
0x139: {  	v23 =	vmul.f32 v23, v30;
	v27 =	vld [tilespmem:s11+$0xFFFFFFD0]  }
0x13a: {  	v26 =	vadd.f32 v26, v28;
	v28 =	vmul.f32 v42, v31;
	v30 =	vld [tilespmem:s11+$0xFFFFFFE0]  }
0x13b: {  	v25 =	vmul.f32 v25, v29;
	v29 =	vld [tilespmem:s11+$0xFFFFFFF0]  }
0x13c: {  	v1 =	vadd.f32 v26, v1;
	v26 =	vmul.f32 v41, v33;
	v28 =	vadd.f32 v28, v23;
	v31 =	vld [tilespmem:s11+$0x0]  }
0x13d: {  	v24 =	vmul.f32 v24, v34;
	v33 =	vld [tilespmem:s11+$0x10]  }
0x13e: {  	v1 =	vadd.f32 v1, v20;
	v27 =	vmul.f32 v27, v32;
	v20 =	vadd.f32 v26, v25;
	v34 =	vld [tilespmem:s11+$0x20]  }
.Ltmp0:
0x13f: {  	v30 =	vmul.f32 v30, v36;
	v23 =	vld [tilespmem:s11+$0x30];
	(pc) =	sbr.rel @p1 .LBB2_2-.Ltmp0, $4  }
0x140: {  	[tilespmem:s3+$0xFFFFFFDE] =	vst v1;
	v1 =	vmul.f32 v29, v37;
	v20 =	vadd.f32 v20, v28;
	v26 =	vadd.f32 v27, v24;
	v24 =	vld [tilespmem:s11+$0x40]  }
0x141: {  	v28 =	vmul.f32 v31, v35;
	v25 =	vld [tilespmem:s11+$0x50]  }
0x142: {  	v31 =	vadd.f32 v1, v30;
	v32 =	vmul.f32 v33, v39;
	v27 =	vld [tilespmem:s11+$0x60]  }
0x143: {  	v30 =	vmul.f32 v34, v40;
	v29 =	vld [tilespmem:s11+$0x70];
	s11 =	sadd.s32 $0x200, s11  }
0x144: {  	_ =	sdelay $0x1  }
0x145: {  	v1 =	vmul.f32 v23, v17  }
0x146: {  	v17 =	vmul.f32 v24, v18;
	v18 =	vmul.f32 v25, v19  }
0x147: {  	v19 =	vmul.f32 v27, v21;
	v62 =	vmul.f32 v29, v22  }
0x148: {  	v63 =	vadd.f32 v32, v28;
	v1 =	vadd.f32 v1, v30  }
0x149: {  	v17 =	vadd.f32 v18, v17;
	v18 =	vadd.f32 v62, v19  }
0x14a: {  	v19 =	vadd.f32 v31, v26  }
0x14b: {  	v1 =	vadd.f32 v1, v63;
	v17 =	vadd.f32 v18, v17  }
0x14c: {  	v18 =	vadd.f32 v19, v20  }
0x14d: {  	v1 =	vadd.f32 v17, v1  }
0x14e: {  	[tilespmem:s3+$0xFFFFFFEF] =	vst v18  }
0x14f: {  	[tilespmem:s3+$0x0] =	vst v1  }
.LBB2_4:
0x150: {  	v1 =	vmov s20  }
0x151: {  	v1 =	vmul.u32 $0x11, v1;
	_ =	sdelay $0x1  }
0x152: {  	v1 =	vbroadcast v1, $0x0;
	_ =	sdelay $0x1  }
0x153: {  	v17 =	vadd.s32 v0, v1  }
0x154: {  	v18 =	vadd.s32 v2, v1  }
0x155: {  	v19 =	vadd.s32 v3, v1  }
0x156: {  	v20 =	vadd.s32 v4, v1  }
0x157: {  	v21 =	vadd.s32 v5, v1  }
0x158: {  	v22 =	vadd.s32 v6, v1;
	v17 =	vld.idx.msk [tilespmem:v17+s30+$0x0], $0xffff  }
0x159: {  	v23 =	vadd.s32 v7, v1;
	v18 =	vld.idx.msk [tilespmem:v18+s30+$0x0], $0xffff  }
0x15a: {  	v24 =	vadd.s32 v8, v1;
	v19 =	vld.idx.msk [tilespmem:v19+s30+$0x0], $0xffff  }
0x15b: {  	v25 =	vadd.s32 v9, v1;
	v20 =	vld.idx.msk [tilespmem:v20+s30+$0x0], $0xffff  }
0x15c: {  	v26 =	vadd.s32 v10, v1;
	v21 =	vld.idx.msk [tilespmem:v21+s30+$0x0], $0xffff  }
0x15d: {  	s0 =	sor.u32 $0x10, s20;
	v27 =	vadd.s32 v11, v1;
	v22 =	vld.idx.msk [tilespmem:v22+s30+$0x0], $0xffff  }
0x15e: {  	v29 =	vmov s0;
	v28 =	vadd.s32 v12, v1;
	v23 =	vld.idx.msk [tilespmem:v23+s30+$0x0], $0xffff  }
0x15f: {  	v29 =	vmul.u32 $0x11, v29;
	v30 =	vadd.s32 v13, v1;
	v24 =	vld.idx.msk [tilespmem:v24+s30+$0x0], $0xffff  }
0x160: {  	v31 =	vadd.s32 v14, v1;
	v25 =	vld.idx.msk [tilespmem:v25+s30+$0x0], $0xffff  }
0x161: {  	v29 =	vbroadcast v29, $0x0;
	v32 =	vadd.s32 v15, v1;
	v26 =	vld.idx.msk [tilespmem:v26+s30+$0x0], $0xffff  }
0x162: {  	v1 =	vadd.s32 v16, v1;
	v27 =	vld.idx.msk [tilespmem:v27+s30+$0x0], $0xffff  }
0x163: {  	v33 =	vadd.s32 v0, v29;
	v28 =	vld.idx.msk [tilespmem:v28+s30+$0x0], $0xffff  }
0x164: {  	v34 =	vadd.s32 v2, v29;
	v30 =	vld.idx.msk [tilespmem:v30+s30+$0x0], $0xffff  }
0x165: {  	v35 =	vadd.s32 v3, v29;
	v31 =	vld.idx.msk [tilespmem:v31+s30+$0x0], $0xffff  }
0x166: {  	v36 =	vadd.s32 v4, v29;
	v32 =	vld.idx.msk [tilespmem:v32+s30+$0x0], $0xffff  }
0x167: {  	v37 =	vadd.s32 v5, v29;
	v1 =	vld.idx.msk [tilespmem:v1+s30+$0x0], $0xffff  }
0x168: {  	v38 =	vadd.s32 v6, v29;
	v33 =	vld.idx.msk [tilespmem:v33+s30+$0x0], $0xffff;
	v17 =	vadd.f32 $0.0e+00, v17;
	v18 =	vadd.f32 $0.0e+00, v18  }
0x169: {  	v46 =	vadd.s32 v7, v29;
	v45 =	vld.idx.msk [tilespmem:v34+s30+$0x0], $0xffff;
	v19 =	vadd.f32 $0.0e+00, v19;
	v20 =	vadd.f32 $0.0e+00, v20  }
0x16a: {  	v52 =	vadd.s32 v10, v29;
	v47 =	vld.idx.msk [tilespmem:v35+s30+$0x0], $0xffff;
	v17 =	vadd.f32 v21, v17;
	v18 =	vadd.f32 v22, v18  }
0x16b: {  	v57 =	vadd.s32 v13, v29;
	v49 =	vld.idx.msk [tilespmem:v36+s30+$0x0], $0xffff;
	v19 =	vadd.f32 v23, v19;
	v20 =	vadd.f32 v24, v20  }
0x16c: {  	v48 =	vadd.s32 v8, v29;
	v51 =	vld.idx.msk [tilespmem:v37+s30+$0x0], $0xffff;
	v17 =	vadd.f32 v25, v17;
	v18 =	vadd.f32 v26, v18  }
0x16d: {  	v56 =	vadd.s32 v12, v29;
	v53 =	vld.idx.msk [tilespmem:v38+s30+$0x0], $0xffff;
	v19 =	vadd.f32 v27, v19;
	v20 =	vadd.f32 v28, v20  }
0x16e: {  	v50 =	vadd.s32 v9, v29;
	v55 =	vld.idx.msk [tilespmem:v46+s30+$0x0], $0xffff;
	v17 =	vadd.f32 v30, v17;
	v18 =	vadd.f32 v31, v18  }
0x16f: {  	v54 =	vadd.s32 v11, v29;
	v58 =	vld.idx.msk [tilespmem:v52+s30+$0x0], $0xffff;
	v19 =	vadd.f32 v32, v19;
	v1 =	vadd.f32 v1, v20  }
0x170: {  	v59 =	vadd.s32 v15, v29;
	v60 =	vld.idx.msk [tilespmem:v57+s30+$0x0], $0xffff  }
0x171: {  	v24 =	vld.idx.msk [tilespmem:v48+s30+$0x0], $0xffff;
	v17 =	vadd.f32 v18, v17;
	v1 =	vadd.f32 v1, v19;
	v19 =	vadd.s32 v14, v29  }
0x172: {  	v22 =	vld.idx.msk [tilespmem:v56+s30+$0x0], $0xffff;
	v29 =	vadd.s32 v16, v29  }
0x173: {  	v18 =	vld.idx.msk [tilespmem:v50+s30+$0x0], $0xffff;
	v1 =	vadd.f32 v1, v17  }
0x174: {  	v61 =	vadd.f32 $0.0e+00, v33;
	v17 =	vld.idx.msk [tilespmem:v54+s30+$0x0], $0xffff  }
0x175: {  	v23 =	vadd.f32 $0.0e+00, v47;
	v28 =	vld.idx.msk [tilespmem:v59+s30+$0x0], $0xffff;
	v1 =	vsub.f32 $0.0e+00, v1  }
0x176: {  	v21 =	vadd.f32 $0.0e+00, v45;
	v25 =	vadd.f32 $0.0e+00, v49;
	v19 =	vld.idx.msk [tilespmem:v19+s30+$0x0], $0xffff  }
0x177: {  	v27 =	vadd.f32 v51, v61;
	v20 =	vadd.f32 v55, v23;
	v29 =	vld.idx.msk [tilespmem:v29+s30+$0x0], $0xffff;
	v1 =	vmul.f32 $1.442695020e+00, v1  }
0x178: {  	v21 =	vadd.f32 v53, v21;
	v62 =	vadd.f32 v24, v25  }
0x179: {  	v17 =	vadd.f32 v17, v20;
	(erf) = vpow2.f32 v1;
	v1 =	vadd.f32 v18, v27  }
0x17a: {  	v63 =	vadd.f32 v22, v62;
	v18 =	vadd.f32 v58, v21  }
0x17b: {  	v17 =	vadd.f32 v28, v17;
	v1 =	vadd.f32 v60, v1  }
0x17c: {  	v18 =	vadd.f32 v19, v18;
	v19 =	vadd.f32 v29, v63;
	_ =	sdelay $0x1  }
0x17d: {  	v1 =	vadd.f32 v18, v1;
	v17 =	vadd.f32 v19, v17;
	_ =	sdelay $0x1  }
0x17e: {  	v1 =	vadd.f32 v17, v1;
	_ =	sdelay $0x1  }
0x17f: {  	v1 =	vsub.f32 $0.0e+00, v1;
	v17 =	vpop (erf)  }
0x180: {  	v17 =	vadd.f32 $1.000000000e+00, v17  }
0x181: {  	v1 =	vmul.f32 $1.442695020e+00, v1  }
0x182: {  	(erf) = vrcp.f32 v17  }
0x183: {  	(erf) = vpow2.f32 v1;
	_ =	sdelay $0x7  }
0x184: {  	v1 =	vpop (erf)  }
0x185: {  	v17 =	vpop (erf)  }
0x186: {  	v17 =	vadd.f32 $1.000000000e+00, v17;
	_ =	sdelay $0x1  }
0x187: {  	(erf) = vrcp.f32 v17;
	_ =	sdelay $0x4  }
0x188: {  	p1 =	por p0, p0  }
.Ltmp1:
0x189: {  	_ = 	snop;
	(pc) =	sbr.rel @p1 .LBB2_4-.Ltmp1, $3  }
0x18a: {  	_ =	sdelay $0x1  }
0x18b: {  	[tilespmem:s20+$0x12A80] =	vst v1;
	v1 =	vpop (erf)  }
0x18c: {  	p0 =	por $0x0, $0x0;
	[tilespmem:s20+$0x12A90] =	vst v1;
	s20 =	simm.s32 $0x20  }
0x18d: {  	s0 =	simm.s32 $0xC0  }
0x18e: {  	[tilespmem:s14], [sflag:$0x1] =	stream.indirect.gather [hbm4b:s1+s13], $0x80, s0, s13, $0xb8;
	[tilespmem:$0x12C80] =	vst v63  }
0x18f: {  	s11 =	simm.s32 $0x2C0  }
0x190: {  	[tilespmem:s15], [sflag:$0x1] =	stream.indirect.gather [hbm4b:s4+s13], $0x80, s11, s13, $0xb8;
	[tilespmem:$0x12C80] =	vst v63  }
0x191: {  	s20 =	simm.s32 $0x4C0  }
0x192: {  	[tilespmem:s16], [sflag:$0x1] =	stream.indirect.gather [hbm4b:s1+s13], $0x80, s20, s13, $0xb8;
	[tilespmem:$0x12C80] =	vst v63  }
0x193: {  	_ =	swait.ge [sflag:s18], $0x2000  }
0x194: {  	[sflag:s18] =	ssyncset.done $0x0  }
0x195: {  	[sflag:s18] =	ssyncadd.s32 $0xFFFFE000  }
0x196: {  	_ =	swait.ge [sflag:s18], $0x2000  }
0x197: {  	[sflag:s18] =	ssyncset.done $0x0  }
0x198: {  	[sflag:s18] =	ssyncadd.s32 $0xFFFFE000  }
0x199: {  	_ =	swait.ge [sflag:s18], $0x2000  }
0x19a: {  	[sflag:s18] =	ssyncset.done $0x0  }
0x19b: {  	s11 =	simm.s32 $0xA700;
	[sflag:s18] =	ssyncadd.s32 $0xFFFFE000  }
0x19c: {  	v1 =	vld [tilespmem:s11+$0xA0];
	_ =	sdelay $0x3  }
0x19d: {  	v22 =	vld [tilespmem:s11+$0x80]  }
0x19e: {  	v23 =	vld [tilespmem:s11+$0x90];
	[tilespmem:$0x1FD50] =	vst v1  }
0x19f: {  	s31 =	simm.s32 $0x6700;
	v24 =	vld [tilespmem:s11+$0xB0]  }
0x1a0: {  	s0 =	simm.s32 $0x8700;
	v49 =	vld [tilespmem:s31+$0x80]  }
0x1a1: {  	v45 =	vld [tilespmem:s0+$0x80]  }
0x1a2: {  	v43 =	vld [tilespmem:s31+$0x90]  }
0x1a3: {  	v38 =	vld [tilespmem:s0+$0x90]  }
0x1a4: {  	v1 =	vld [tilespmem:s31+$0xA0]  }
0x1a5: {  	v40 =	vld [tilespmem:s0+$0xA0]  }
0x1a6: {  	v42 =	vld [tilespmem:s31+$0xB0]  }
0x1a7: {  	v27 =	vld [tilespmem:s0+$0xB0]  }
0x1a8: {  	v28 =	vld [tilespmem:s31+$0xC0]  }
0x1a9: {  	v29 =	vld [tilespmem:s0+$0xC0]  }
0x1aa: {  	v20 =	vld [tilespmem:s31+$0xD0]  }
0x1ab: {  	v17 =	vld [tilespmem:s11+$0xC0]  }
0x1ac: {  	v31 =	vld [tilespmem:s0+$0xD0]  }
0x1ad: {  	v32 =	vld [tilespmem:s31+$0xE0]  }
0x1ae: {  	v33 =	vld [tilespmem:s0+$0xE0]  }
0x1af: {  	v34 =	vld [tilespmem:s31+$0xF0]  }
0x1b0: {  	v35 =	vld [tilespmem:s0+$0xF0];
	[tilespmem:$0x1FD60] =	vst v17  }
0x1b1: {  	v17 =	vld [tilespmem:s11+$0xD0];
	_ =	sdelay $0x4  }
0x1b2: {  	[tilespmem:$0x1FD70] =	vst v17  }
0x1b3: {  	v17 =	vld [tilespmem:s0+$0xFFFFFF00];
	_ =	sdelay $0x3  }
0x1b4: {  	v25 =	vld [tilespmem:s11+$0xE0]  }
0x1b5: {  	v26 =	vld [tilespmem:s11+$0xF0];
	[tilespmem:$0x1FE40] =	vst v17  }
0x1b6: {  	v17 =	vld [tilespmem:s0+$0xFFFFFF10];
	_ =	sdelay $0x4  }
0x1b7: {  	v30 =	vld [tilespmem:s31+$0xFFFFFF10];
	[tilespmem:$0x1FD80] =	vst v17  }
0x1b8: {  	v17 =	vld [tilespmem:s31+$0xFFFFFF20];
	_ =	sdelay $0x4  }
0x1b9: {  	[tilespmem:$0x1FD90] =	vst v17  }
0x1ba: {  	v17 =	vld [tilespmem:s0+$0xFFFFFF20];
	_ =	sdelay $0x4  }
0x1bb: {  	[tilespmem:$0x1FDA0] =	vst v17  }
0x1bc: {  	v17 =	vld [tilespmem:s31+$0xFFFFFF30];
	_ =	sdelay $0x4  }
0x1bd: {  	[tilespmem:$0x1FDB0] =	vst v17  }
0x1be: {  	v17 =	vld [tilespmem:s0+$0xFFFFFF30];
	_ =	sdelay $0x4  }
0x1bf: {  	[tilespmem:$0x1FDC0] =	vst v17  }
0x1c0: {  	v17 =	vld [tilespmem:s31+$0xFFFFFF40];
	_ =	sdelay $0x4  }
0x1c1: {  	[tilespmem:$0x1FDD0] =	vst v17  }
0x1c2: {  	v17 =	vld [tilespmem:s0+$0xFFFFFF40];
	_ =	sdelay $0x4  }
0x1c3: {  	[tilespmem:$0x1FDE0] =	vst v17  }
0x1c4: {  	v17 =	vld [tilespmem:s31+$0xFFFFFF50];
	_ =	sdelay $0x4  }
0x1c5: {  	[tilespmem:$0x1FDF0] =	vst v17  }
0x1c6: {  	v17 =	vld [tilespmem:s0+$0xFFFFFF50];
	_ =	sdelay $0x4  }
0x1c7: {  	[tilespmem:$0x1FE00] =	vst v17  }
0x1c8: {  	v17 =	vld [tilespmem:s31+$0xFFFFFF60];
	_ =	sdelay $0x4  }
0x1c9: {  	[tilespmem:$0x1FE10] =	vst v17  }
0x1ca: {  	v17 =	vld [tilespmem:s0+$0xFFFFFF60];
	_ =	sdelay $0x4  }
0x1cb: {  	[tilespmem:$0x1FE20] =	vst v17  }
0x1cc: {  	v17 =	vld [tilespmem:s31+$0xFFFFFF70];
	_ =	sdelay $0x4  }
0x1cd: {  	[tilespmem:$0x1FE30] =	vst v17  }
0x1ce: {  	v54 =	vld [tilespmem:s0+$0xFFFFFF70]  }
0x1cf: {  	v55 =	vld [tilespmem:s31+$0xFFFFFF80]  }
0x1d0: {  	v56 =	vld [tilespmem:s0+$0xFFFFFF80]  }
0x1d1: {  	v57 =	vld [tilespmem:s31+$0xFFFFFF90]  }
0x1d2: {  	v58 =	vld [tilespmem:s0+$0xFFFFFF90]  }
0x1d3: {  	v59 =	vld [tilespmem:s31+$0xFFFFFFA0]  }
0x1d4: {  	v60 =	vld [tilespmem:s0+$0xFFFFFFA0]  }
0x1d5: {  	v61 =	vld [tilespmem:s31+$0xFFFFFFB0]  }
0x1d6: {  	v62 =	vld [tilespmem:s0+$0xFFFFFFB0]  }
0x1d7: {  	v63 =	vld [tilespmem:s31+$0xFFFFFFC0]  }
0x1d8: {  	v36 =	vld [tilespmem:s0+$0xFFFFFFC0]  }
0x1d9: {  	v50 =	vld [tilespmem:s31+$0xFFFFFFD0]  }
0x1da: {  	v46 =	vld [tilespmem:s0+$0xFFFFFFD0]  }
0x1db: {  	v39 =	vld [tilespmem:s31+$0xFFFFFFE0]  }
0x1dc: {  	v17 =	vld [tilespmem:s0+$0xFFFFFFE0]  }
0x1dd: {  	v52 =	vld [tilespmem:s31+$0xFFFFFFF0]  }
0x1de: {  	v48 =	vld [tilespmem:s0+$0xFFFFFFF0]  }
0x1df: {  	v37 =	vld [tilespmem:s31+$0x0]  }
0x1e0: {  	v18 =	vld [tilespmem:s0+$0x0]  }
0x1e1: {  	v51 =	vld [tilespmem:s31+$0x10]  }
0x1e2: {  	v21 =	vld [tilespmem:s31+$0x40]  }
0x1e3: {  	v41 =	vld [tilespmem:s0+$0x10]  }
0x1e4: {  	v44 =	vld [tilespmem:s31+$0x20]  }
0x1e5: {  	v19 =	vld [tilespmem:s0+$0x20]  }
0x1e6: {  	v53 =	vld [tilespmem:s31+$0x30]  }
0x1e7: {  	v47 =	vld [tilespmem:s0+$0x30];
	[tilespmem:$0x1FE50] =	vst v21  }
0x1e8: {  	v21 =	vld [tilespmem:s0+$0x40];
	_ =	sdelay $0x4  }
0x1e9: {  	[tilespmem:$0x1FE60] =	vst v21  }
0x1ea: {  	v40 =	vmul.f32 v40, v1;
	v1 =	vld [tilespmem:s31+$0x60];
	_ =	sdelay $0x3  }
0x1eb: {  	v38 =	vmul.f32 v38, v43;
	v43 =	vld [tilespmem:s31+$0x50]  }
0x1ec: {  	v27 =	vmul.f32 v27, v42;
	v42 =	vld [tilespmem:s0+$0x50];
	[tilespmem:$0x1FE70] =	vst v1  }
0x1ed: {  	v1 =	vld [tilespmem:s31+$0x70];
	_ =	sdelay $0x2  }
0x1ee: {  	v28 =	vmul.f32 v29, v28  }
0x1ef: {  	v29 =	vmul.f32 v31, v20;
	v31 =	vmul.f32 v33, v32;
	v33 =	vld [tilespmem:s0+$0x60]  }
0x1f0: {  	[tilespmem:$0x1FE80] =	vst v1;
	v1 =	vld [tilespmem:$0x1FD50];
	_ =	sdelay $0x4  }
0x1f1: {  	v40 =	vmul.f32 v1, v40;
	v1 =	vld [tilespmem:s0+$0x70];
	_ =	sdelay $0x4  }
0x1f2: {  	[tilespmem:$0x1FE90] =	vst v1;
	v1 =	vld [tilespmem:$0x1FD60];
	_ =	sdelay $0x4  }
0x1f3: {  	v28 =	vmul.f32 v1, v28;
	v1 =	vld [tilespmem:$0x1FD70];
	_ =	sdelay $0x4  }
0x1f4: {  	v29 =	vmul.f32 v1, v29;
	v1 =	vld [tilespmem:$0x1FD80];
	_ =	sdelay $0x2  }
0x1f5: {  	v45 =	vmul.f32 v45, v49  }
0x1f6: {  	v49 =	vmul.f32 v35, v34;
	v20 =	vld [tilespmem:$0x1FDA0]  }
0x1f7: {  	v34 =	vmul.f32 v22, v45;
	v22 =	vmul.f32 v1, v30;
	v1 =	vld [tilespmem:$0x1FD90];
	_ =	sdelay $0x1  }
0x1f8: {  	v27 =	vmul.f32 v24, v27;
	v24 =	vld [tilespmem:$0x1FE00]  }
0x1f9: {  	v35 =	vmul.f32 v23, v38;
	v38 =	vld [tilespmem:$0x1FE30]  }
0x1fa: {  	v37 =	vmul.f32 v18, v37;
	v18 =	vld [tilespmem:$0x1FE40]  }
0x1fb: {  	v31 =	vmul.f32 v25, v31;
	v25 =	vmul.f32 v20, v1;
	v1 =	vld [tilespmem:$0x1FDB0]  }
0x1fc: {  	v20 =	vld [tilespmem:$0x1FDC0]  }
0x1fd: {  	v45 =	vld [tilespmem:s31+$0xFFFFFF00]  }
0x1fe: {  	v32 =	vmul.f32 v26, v49;
	v49 =	vld [tilespmem:s11+$0xFFFFFF00]  }
0x1ff: {  	v21 =	vld [tilespmem:s11+$0xFFFFFF10]  }
0x200: {  	v55 =	vmul.f32 v56, v55;
	v56 =	vld [tilespmem:s11+$0xFFFFFF40]  }
0x201: {  	v23 =	vmul.f32 v20, v1;
	v1 =	vld [tilespmem:$0x1FDD0]  }
0x202: {  	v20 =	vld [tilespmem:$0x1FDE0]  }
0x203: {  	v57 =	vmul.f32 v58, v57;
	v58 =	vmul.f32 v60, v59;
	v59 =	vld [tilespmem:s11+$0xFFFFFF50]  }
0x204: {  	v60 =	vmul.f32 v62, v61;
	v61 =	vld [tilespmem:s11+$0xFFFFFF60]  }
0x205: {  	v62 =	vld [tilespmem:s11+$0xFFFFFF70]  }
0x206: {  	v36 =	vmul.f32 v36, v63;
	v63 =	vld [tilespmem:s11+$0xFFFFFF80]  }
0x207: {  	v26 =	vmul.f32 v20, v1;
	v1 =	vld [tilespmem:$0x1FDF0]  }
0x208: {  	v54 =	vmul.f32 v54, v38;
	v38 =	vld [tilespmem:s11+$0xFFFFFF90]  }
0x209: {  	v27 =	vadd.f32 v27, v40;
	v40 =	vmul.f32 v48, v52;
	v52 =	vld [tilespmem:s11+$0xFFFFFFB0]  }
0x20a: {  	v39 =	vmul.f32 v17, v39;
	v17 =	vmul.f32 v47, v53;
	v53 =	vld [tilespmem:s11+$0xFFFFFFC0]  }
0x20b: {  	v30 =	vld [tilespmem:$0x1FE20]  }
0x20c: {  	v24 =	vmul.f32 v24, v1;
	v1 =	vld [tilespmem:$0x1FE10]  }
0x20d: {  	v34 =	vadd.f32 v35, v34;
	v35 =	vmul.f32 v46, v50;
	v50 =	vmul.f32 v18, v45;
	v18 =	vld [tilespmem:$0x1FE50]  }
0x20e: {  	v20 =	vld [tilespmem:s11+$0xFFFFFF20]  }
0x20f: {  	v27 =	vadd.f32 v27, v34;
	v34 =	vmul.f32 v52, v60;
	v60 =	vld [tilespmem:s11+$0x20]  }
0x210: {  	v28 =	vadd.f32 v29, v28;
	v29 =	vmul.f32 v41, v51;
	v51 =	vld [tilespmem:s11+$0xFFFFFFA0]  }
0x211: {  	v31 =	vadd.f32 v32, v31;
	v30 =	vmul.f32 v30, v1;
	v1 =	vld [tilespmem:s11+$0xFFFFFF30]  }
0x212: {  	v41 =	vmul.f32 v19, v44;
	v19 =	vld [tilespmem:$0x1FE60]  }
0x213: {  	v28 =	vadd.f32 v31, v28;
	v31 =	vmul.f32 v49, v50;
	v20 =	vmul.f32 v20, v25;
	v25 =	vld [tilespmem:s11+$0xFFFFFFD0]  }
0x214: {  	v21 =	vmul.f32 v21, v22;
	v22 =	vmul.f32 v56, v26;
	v26 =	vld [tilespmem:s11+$0xFFFFFFE0]  }
0x215: {  	v27 =	vadd.f32 v28, v27;
	v56 =	vld [tilespmem:s11+$0x0];
	v28 =	vmul.f32 v61, v30;
	v30 =	vmul.f32 v62, v54  }
0x216: {  	v1 =	vmul.f32 v1, v23;
	v23 =	vmul.f32 v59, v24;
	v24 =	vadd.f32 v21, v31;
	v31 =	vld [tilespmem:s11+$0xFFFFFFF0]  }
0x217: {  	v18 =	vmul.f32 v19, v18;
	v19 =	vmul.f32 v42, v43;
	v21 =	vld [tilespmem:$0x1FE70]  }
0x218: {  	v62 =	vmul.f32 v25, v35;
	v28 =	vadd.f32 v30, v28;
	v59 =	vld [tilespmem:s11+$0x10];
	v1 =	vadd.f32 v1, v20  }
0x219: {  	v61 =	vld [tilespmem:$0x1FE90];
	v30 =	vmul.f32 v38, v57;
	v20 =	vadd.f32 v23, v22;
	v23 =	vmul.f32 v63, v55  }
0x21a: {  	v22 =	vld [tilespmem:$0x1FE80];
	v63 =	vmul.f32 v26, v39;
	v1 =	vadd.f32 v1, v24;
	v24 =	vmul.f32 v51, v58  }
0x21b: {  	v20 =	vadd.f32 v28, v20;
	v28 =	vadd.f32 v30, v23;
	v23 =	vld [tilespmem:s11+$0x30];
	v30 =	vmul.f32 v53, v36  }
0x21c: {  	v21 =	vmul.f32 v33, v21;
	v31 =	vmul.f32 v31, v40;
	v34 =	vadd.f32 v34, v24;
	v24 =	vld [tilespmem:s11+$0x40]  }
0x21d: {  	s3 =	simm.s32 $0x12622;
	v25 =	vld [tilespmem:s11+$0x50];
	v32 =	vmul.f32 v59, v29;
	v1 =	vadd.f32 v20, v1;
	v26 =	vadd.f32 v62, v30  }
0x21e: {  	[tilespmem:s3+$0x11] =	vst v27;
	v27 =	vld [tilespmem:s11+$0x60];
	v31 =	vadd.f32 v31, v63;
	v20 =	vadd.f32 v34, v28;
	v28 =	vmul.f32 v56, v37  }
0x21f: {  	s10 =	simm.s32 $0x0;
	v29 =	vld [tilespmem:s11+$0x70];
	v30 =	vmul.f32 v60, v41;
	s11 =	simm.s32 $0xA900;
	v22 =	vmul.f32 v61, v22;
	[tilespmem:s3+$0xFFFFFFDE] =	vst v1  }
.LBB2_6:
0x220: {  	v1 =	vld [tilespmem:s11+$0x80];
	v26 =	vadd.f32 v31, v26;
	v17 =	vmul.f32 v23, v17;
	v23 =	vadd.f32 v32, v28  }
0x221: {  	v28 =	vld [tilespmem:s11+$0x90];
	v18 =	vmul.f32 v24, v18  }
0x222: {  	v24 =	vld [tilespmem:s11+$0xA0];
	v20 =	vadd.f32 v26, v20;
	v19 =	vmul.f32 v25, v19;
	v17 =	vadd.f32 v17, v30  }
0x223: {  	s31 =	sadd.s32 $0x200, s31;
	v25 =	vld [tilespmem:s11+$0xB0];
	v21 =	vmul.f32 v27, v21  }
0x224: {  	s0 =	sadd.s32 $0x200, s0;
	v26 =	vld [tilespmem:s31+$0x80];
	[tilespmem:s3+$0xFFFFFFEF] =	vst v20;
	v20 =	vmul.f32 v29, v22;
	v17 =	vadd.f32 v17, v23;
	v18 =	vadd.f32 v19, v18  }
0x225: {  	v19 =	vld [tilespmem:s0+$0x80]  }
0x226: {  	v22 =	vld [tilespmem:s31+$0x90];
	v20 =	vadd.f32 v20, v21  }
0x227: {  	v21 =	vld [tilespmem:s0+$0x90]  }
0x228: {  	v23 =	vld [tilespmem:s31+$0xA0];
	v18 =	vadd.f32 v20, v18  }
0x229: {  	v20 =	vld [tilespmem:s0+$0xA0]  }
0x22a: {  	v27 =	vld [tilespmem:s31+$0xB0];
	v17 =	vadd.f32 v18, v17  }
0x22b: {  	v18 =	vld [tilespmem:s0+$0xB0]  }
0x22c: {  	v29 =	vld [tilespmem:s31+$0xC0];
	[tilespmem:s3+$0x0] =	vst v17  }
0x22d: {  	v17 =	vld [tilespmem:s0+$0xC0]  }
0x22e: {  	v30 =	vld [tilespmem:s31+$0xD0]  }
0x22f: {  	v31 =	vld [tilespmem:s0+$0xD0]  }
0x230: {  	v32 =	vld [tilespmem:s31+$0xE0]  }
0x231: {  	v33 =	vld [tilespmem:s0+$0xE0]  }
0x232: {  	v34 =	vld [tilespmem:s31+$0xF0]  }
0x233: {  	v35 =	vld [tilespmem:s0+$0xF0]  }
0x234: {  	v36 =	vld [tilespmem:s11+$0xC0]  }
0x235: {  	s10 =	sadd.s32 $0x4, s10;
	v19 =	vmul.f32 v19, v26;
	v21 =	vmul.f32 v21, v22;
	v22 =	vld [tilespmem:s11+$0xD0]  }
0x236: {  	p1 =	slt.u32 s10, $0x3C;
	v23 =	vmul.f32 v20, v23;
	v18 =	vmul.f32 v18, v27;
	v26 =	vld [tilespmem:s11+$0xE0]  }
0x237: {  	v17 =	vmul.f32 v17, v29;
	v27 =	vmul.f32 v31, v30;
	v29 =	vld [tilespmem:s11+$0xF0]  }
0x238: {  	v30 =	vmul.f32 v33, v32;
	v20 =	vld [tilespmem:s0+$0xFFFFFF00];
	v31 =	vmul.f32 v35, v34  }
0x239: {  	v1 =	vmul.f32 v1, v19;
	v19 =	vmul.f32 v28, v21;
	v32 =	vld [tilespmem:s31+$0xFFFFFF10]  }
0x23a: {  	v23 =	vmul.f32 v24, v23;
	v18 =	vmul.f32 v25, v18;
	v21 =	vld [tilespmem:s0+$0xFFFFFF10]  }
0x23b: {  	v17 =	vmul.f32 v36, v17;
	v22 =	vmul.f32 v22, v27;
	v24 =	vld [tilespmem:s31+$0xFFFFFF20]  }
0x23c: {  	v26 =	vmul.f32 v26, v30;
	v25 =	vld [tilespmem:s0+$0xFFFFFF20];
	v27 =	vmul.f32 v29, v31  }
0x23d: {  	v1 =	vadd.f32 v19, v1;
	v18 =	vadd.f32 v18, v23;
	v28 =	vld [tilespmem:s31+$0xFFFFFF30]  }
0x23e: {  	v17 =	vadd.f32 v22, v17;
	v19 =	vld [tilespmem:s0+$0xFFFFFF30];
	v22 =	vadd.f32 v27, v26  }
0x23f: {  	v23 =	vmul.f32 v21, v32;
	v21 =	vld [tilespmem:s31+$0xFFFFFF40]  }
0x240: {  	v1 =	vadd.f32 v18, v1;
	v26 =	vld [tilespmem:s0+$0xFFFFFF40];
	v17 =	vadd.f32 v22, v17  }
0x241: {  	v24 =	vmul.f32 v25, v24;
	v18 =	vld [tilespmem:s31+$0xFFFFFF50]  }
0x242: {  	v22 =	vld [tilespmem:s0+$0xFFFFFF50];
	v1 =	vadd.f32 v17, v1  }
0x243: {  	s3 =	sadd.s32 $0x44, s3;
	v25 =	vmul.f32 v19, v28;
	v17 =	vld [tilespmem:s31+$0xFFFFFF60]  }
0x244: {  	s20 =	simm.s32 $0x0;
	p0 =	por $0x1, $0x1;
	v19 =	vld [tilespmem:s0+$0xFFFFFF60];
	[tilespmem:s3+$0x11] =	vst v1  }
0x245: {  	v1 =	vmul.f32 v26, v21;
	v21 =	vld [tilespmem:s31+$0xFFFFFF70]  }
0x246: {  	v26 =	vld [tilespmem:s0+$0xFFFFFF70]  }
0x247: {  	v27 =	vmul.f32 v22, v18;
	v18 =	vld [tilespmem:s31+$0xFFFFFF80]  }
0x248: {  	v22 =	vld [tilespmem:s0+$0xFFFFFF80]  }
0x249: {  	v28 =	vmul.f32 v19, v17;
	v17 =	vld [tilespmem:s31+$0xFFFFFF90]  }
0x24a: {  	v19 =	vld [tilespmem:s0+$0xFFFFFF90]  }
0x24b: {  	v26 =	vmul.f32 v26, v21;
	v21 =	vld [tilespmem:s31+$0xFFFFFFA0]  }
0x24c: {  	v29 =	vld [tilespmem:s0+$0xFFFFFFA0]  }
0x24d: {  	v30 =	vmul.f32 v22, v18;
	v18 =	vld [tilespmem:s31+$0xFFFFFFB0]  }
0x24e: {  	v22 =	vld [tilespmem:s0+$0xFFFFFFB0]  }
0x24f: {  	v31 =	vmul.f32 v19, v17;
	v17 =	vld [tilespmem:s31+$0xFFFFFFC0]  }
0x250: {  	v19 =	vld [tilespmem:s0+$0xFFFFFFC0]  }
0x251: {  	v29 =	vmul.f32 v29, v21;
	v21 =	vld [tilespmem:s31+$0xFFFFFFD0]  }
0x252: {  	v32 =	vld [tilespmem:s0+$0xFFFFFFD0]  }
0x253: {  	v33 =	vmul.f32 v22, v18;
	v18 =	vld [tilespmem:s31+$0xFFFFFFE0]  }
0x254: {  	v22 =	vld [tilespmem:s0+$0xFFFFFFE0]  }
0x255: {  	v34 =	vmul.f32 v19, v17;
	v17 =	vld [tilespmem:s31+$0xFFFFFFF0]  }
0x256: {  	v19 =	vld [tilespmem:s0+$0xFFFFFFF0]  }
0x257: {  	v32 =	vmul.f32 v32, v21;
	v21 =	vld [tilespmem:s31+$0x0]  }
0x258: {  	v35 =	vld [tilespmem:s0+$0x0]  }
0x259: {  	v36 =	vmul.f32 v22, v18;
	v18 =	vld [tilespmem:s31+$0x10]  }
0x25a: {  	v22 =	vld [tilespmem:s0+$0x10]  }
0x25b: {  	v37 =	vmul.f32 v19, v17;
	v17 =	vld [tilespmem:s31+$0x20]  }
0x25c: {  	v19 =	vld [tilespmem:s0+$0x20]  }
0x25d: {  	v35 =	vmul.f32 v35, v21;
	v21 =	vld [tilespmem:s31+$0x30]  }
0x25e: {  	v38 =	vld [tilespmem:s0+$0x30]  }
0x25f: {  	v39 =	vmul.f32 v22, v18;
	v18 =	vld [tilespmem:s31+$0x40]  }
0x260: {  	v22 =	vld [tilespmem:s0+$0x40]  }
0x261: {  	v40 =	vmul.f32 v19, v17;
	v19 =	vld [tilespmem:s31+$0x50]  }
0x262: {  	v41 =	vld [tilespmem:s0+$0x50]  }
0x263: {  	v17 =	vmul.f32 v38, v21;
	v21 =	vld [tilespmem:s31+$0x60]  }
0x264: {  	v38 =	vld [tilespmem:s0+$0x60]  }
0x265: {  	v18 =	vmul.f32 v22, v18;
	v22 =	vld [tilespmem:s31+$0x70]  }
0x266: {  	v42 =	vld [tilespmem:s0+$0x70]  }
0x267: {  	v43 =	vld [tilespmem:s31+$0xFFFFFF00];
	v19 =	vmul.f32 v41, v19  }
0x268: {  	v41 =	vld [tilespmem:s11+$0xFFFFFF00]  }
0x269: {  	v44 =	vld [tilespmem:s11+$0xFFFFFF10];
	v21 =	vmul.f32 v38, v21  }
0x26a: {  	v38 =	vld [tilespmem:s11+$0xFFFFFF20]  }
0x26b: {  	v45 =	vld [tilespmem:s11+$0xFFFFFF30];
	v22 =	vmul.f32 v42, v22  }
0x26c: {  	v20 =	vmul.f32 v20, v43;
	v42 =	vld [tilespmem:s11+$0xFFFFFF40]  }
0x26d: {  	v43 =	vld [tilespmem:s11+$0xFFFFFF50]  }
0x26e: {  	v20 =	vmul.f32 v41, v20;
	v23 =	vmul.f32 v44, v23;
	v41 =	vld [tilespmem:s11+$0xFFFFFF60]  }
0x26f: {  	v24 =	vmul.f32 v38, v24;
	v38 =	vld [tilespmem:s11+$0xFFFFFF70]  }
0x270: {  	v25 =	vmul.f32 v45, v25;
	v20 =	vadd.f32 v23, v20;
	v23 =	vld [tilespmem:s11+$0xFFFFFF80]  }
0x271: {  	v1 =	vmul.f32 v42, v1;
	v42 =	vld [tilespmem:s11+$0xFFFFFF90]  }
0x272: {  	v27 =	vmul.f32 v43, v27;
	v24 =	vadd.f32 v25, v24;
	v25 =	vld [tilespmem:s11+$0xFFFFFFA0]  }
0x273: {  	v28 =	vmul.f32 v41, v28;
	v41 =	vld [tilespmem:s11+$0xFFFFFFB0]  }
0x274: {  	v26 =	vmul.f32 v38, v26;
	v20 =	vadd.f32 v24, v20;
	v1 =	vadd.f32 v27, v1;
	v24 =	vld [tilespmem:s11+$0xFFFFFFC0]  }
0x275: {  	v23 =	vmul.f32 v23, v30;
	v27 =	vld [tilespmem:s11+$0xFFFFFFD0]  }
0x276: {  	v26 =	vadd.f32 v26, v28;
	v28 =	vmul.f32 v42, v31;
	v30 =	vld [tilespmem:s11+$0xFFFFFFE0]  }
0x277: {  	v25 =	vmul.f32 v25, v29;
	v29 =	vld [tilespmem:s11+$0xFFFFFFF0]  }
0x278: {  	v1 =	vadd.f32 v26, v1;
	v26 =	vmul.f32 v41, v33;
	v28 =	vadd.f32 v28, v23;
	v31 =	vld [tilespmem:s11+$0x0]  }
0x279: {  	v24 =	vmul.f32 v24, v34;
	v33 =	vld [tilespmem:s11+$0x10]  }
0x27a: {  	v1 =	vadd.f32 v1, v20;
	v27 =	vmul.f32 v27, v32;
	v20 =	vadd.f32 v26, v25;
	v34 =	vld [tilespmem:s11+$0x20]  }
.Ltmp2:
0x27b: {  	v30 =	vmul.f32 v30, v36;
	v23 =	vld [tilespmem:s11+$0x30];
	(pc) =	sbr.rel @p1 .LBB2_6-.Ltmp2, $4  }
0x27c: {  	[tilespmem:s3+$0xFFFFFFDE] =	vst v1;
	v1 =	vmul.f32 v29, v37;
	v20 =	vadd.f32 v20, v28;
	v26 =	vadd.f32 v27, v24;
	v24 =	vld [tilespmem:s11+$0x40]  }
0x27d: {  	v28 =	vmul.f32 v31, v35;
	v25 =	vld [tilespmem:s11+$0x50]  }
0x27e: {  	v31 =	vadd.f32 v1, v30;
	v32 =	vmul.f32 v33, v39;
	v27 =	vld [tilespmem:s11+$0x60]  }
0x27f: {  	v30 =	vmul.f32 v34, v40;
	v29 =	vld [tilespmem:s11+$0x70];
	s11 =	sadd.s32 $0x200, s11  }
0x280: {  	_ =	sdelay $0x1  }
0x281: {  	v1 =	vmul.f32 v23, v17  }
0x282: {  	v17 =	vmul.f32 v24, v18;
	v18 =	vmul.f32 v25, v19  }
0x283: {  	v19 =	vmul.f32 v27, v21;
	v62 =	vmul.f32 v29, v22  }
0x284: {  	v63 =	vadd.f32 v32, v28;
	v1 =	vadd.f32 v1, v30  }
0x285: {  	v17 =	vadd.f32 v18, v17;
	v18 =	vadd.f32 v62, v19  }
0x286: {  	v19 =	vadd.f32 v31, v26  }
0x287: {  	v1 =	vadd.f32 v1, v63;
	v17 =	vadd.f32 v18, v17  }
0x288: {  	v18 =	vadd.f32 v19, v20  }
0x289: {  	v1 =	vadd.f32 v17, v1  }
0x28a: {  	[tilespmem:s3+$0xFFFFFFEF] =	vst v18  }
0x28b: {  	[tilespmem:s3+$0x0] =	vst v1  }
.LBB2_8:
0x28c: {  	v1 =	vmov s20  }
0x28d: {  	v1 =	vmul.u32 $0x11, v1;
	_ =	sdelay $0x1  }
0x28e: {  	v1 =	vbroadcast v1, $0x0;
	_ =	sdelay $0x1  }
0x28f: {  	v17 =	vadd.s32 v0, v1  }
0x290: {  	v18 =	vadd.s32 v2, v1  }
0x291: {  	v19 =	vadd.s32 v3, v1  }
0x292: {  	v20 =	vadd.s32 v4, v1  }
0x293: {  	v21 =	vadd.s32 v5, v1  }
0x294: {  	v22 =	vadd.s32 v6, v1;
	v17 =	vld.idx.msk [tilespmem:v17+s30+$0x0], $0xffff  }
0x295: {  	v23 =	vadd.s32 v7, v1;
	v18 =	vld.idx.msk [tilespmem:v18+s30+$0x0], $0xffff  }
0x296: {  	v24 =	vadd.s32 v8, v1;
	v19 =	vld.idx.msk [tilespmem:v19+s30+$0x0], $0xffff  }
0x297: {  	v25 =	vadd.s32 v9, v1;
	v20 =	vld.idx.msk [tilespmem:v20+s30+$0x0], $0xffff  }
0x298: {  	v26 =	vadd.s32 v10, v1;
	v21 =	vld.idx.msk [tilespmem:v21+s30+$0x0], $0xffff  }
0x299: {  	s0 =	sor.u32 $0x10, s20;
	v27 =	vadd.s32 v11, v1;
	v22 =	vld.idx.msk [tilespmem:v22+s30+$0x0], $0xffff  }
0x29a: {  	v29 =	vmov s0;
	v28 =	vadd.s32 v12, v1;
	v23 =	vld.idx.msk [tilespmem:v23+s30+$0x0], $0xffff  }
0x29b: {  	v29 =	vmul.u32 $0x11, v29;
	v30 =	vadd.s32 v13, v1;
	v24 =	vld.idx.msk [tilespmem:v24+s30+$0x0], $0xffff  }
0x29c: {  	v31 =	vadd.s32 v14, v1;
	v25 =	vld.idx.msk [tilespmem:v25+s30+$0x0], $0xffff  }
0x29d: {  	v29 =	vbroadcast v29, $0x0;
	v32 =	vadd.s32 v15, v1;
	v26 =	vld.idx.msk [tilespmem:v26+s30+$0x0], $0xffff  }
0x29e: {  	v1 =	vadd.s32 v16, v1;
	v27 =	vld.idx.msk [tilespmem:v27+s30+$0x0], $0xffff  }
0x29f: {  	v33 =	vadd.s32 v0, v29;
	v28 =	vld.idx.msk [tilespmem:v28+s30+$0x0], $0xffff  }
0x2a0: {  	v34 =	vadd.s32 v2, v29;
	v30 =	vld.idx.msk [tilespmem:v30+s30+$0x0], $0xffff  }
0x2a1: {  	v35 =	vadd.s32 v3, v29;
	v31 =	vld.idx.msk [tilespmem:v31+s30+$0x0], $0xffff  }
0x2a2: {  	v36 =	vadd.s32 v4, v29;
	v32 =	vld.idx.msk [tilespmem:v32+s30+$0x0], $0xffff  }
0x2a3: {  	v37 =	vadd.s32 v5, v29;
	v1 =	vld.idx.msk [tilespmem:v1+s30+$0x0], $0xffff  }
0x2a4: {  	v38 =	vadd.s32 v6, v29;
	v33 =	vld.idx.msk [tilespmem:v33+s30+$0x0], $0xffff;
	v17 =	vadd.f32 $0.0e+00, v17;
	v18 =	vadd.f32 $0.0e+00, v18  }
0x2a5: {  	v46 =	vadd.s32 v7, v29;
	v45 =	vld.idx.msk [tilespmem:v34+s30+$0x0], $0xffff;
	v19 =	vadd.f32 $0.0e+00, v19;
	v20 =	vadd.f32 $0.0e+00, v20  }
0x2a6: {  	v52 =	vadd.s32 v10, v29;
	v47 =	vld.idx.msk [tilespmem:v35+s30+$0x0], $0xffff;
	v17 =	vadd.f32 v21, v17;
	v18 =	vadd.f32 v22, v18  }
0x2a7: {  	v57 =	vadd.s32 v13, v29;
	v49 =	vld.idx.msk [tilespmem:v36+s30+$0x0], $0xffff;
	v19 =	vadd.f32 v23, v19;
	v20 =	vadd.f32 v24, v20  }
0x2a8: {  	v48 =	vadd.s32 v8, v29;
	v51 =	vld.idx.msk [tilespmem:v37+s30+$0x0], $0xffff;
	v17 =	vadd.f32 v25, v17;
	v18 =	vadd.f32 v26, v18  }
0x2a9: {  	v56 =	vadd.s32 v12, v29;
	v53 =	vld.idx.msk [tilespmem:v38+s30+$0x0], $0xffff;
	v19 =	vadd.f32 v27, v19;
	v20 =	vadd.f32 v28, v20  }
0x2aa: {  	v50 =	vadd.s32 v9, v29;
	v55 =	vld.idx.msk [tilespmem:v46+s30+$0x0], $0xffff;
	v17 =	vadd.f32 v30, v17;
	v18 =	vadd.f32 v31, v18  }
0x2ab: {  	v54 =	vadd.s32 v11, v29;
	v58 =	vld.idx.msk [tilespmem:v52+s30+$0x0], $0xffff;
	v19 =	vadd.f32 v32, v19;
	v1 =	vadd.f32 v1, v20  }
0x2ac: {  	v59 =	vadd.s32 v15, v29;
	v60 =	vld.idx.msk [tilespmem:v57+s30+$0x0], $0xffff  }
0x2ad: {  	v24 =	vld.idx.msk [tilespmem:v48+s30+$0x0], $0xffff;
	v17 =	vadd.f32 v18, v17;
	v1 =	vadd.f32 v1, v19;
	v19 =	vadd.s32 v14, v29  }
0x2ae: {  	v22 =	vld.idx.msk [tilespmem:v56+s30+$0x0], $0xffff;
	v29 =	vadd.s32 v16, v29  }
0x2af: {  	v18 =	vld.idx.msk [tilespmem:v50+s30+$0x0], $0xffff;
	v1 =	vadd.f32 v1, v17  }
0x2b0: {  	v61 =	vadd.f32 $0.0e+00, v33;
	v17 =	vld.idx.msk [tilespmem:v54+s30+$0x0], $0xffff  }
0x2b1: {  	v23 =	vadd.f32 $0.0e+00, v47;
	v28 =	vld.idx.msk [tilespmem:v59+s30+$0x0], $0xffff;
	v1 =	vsub.f32 $0.0e+00, v1  }
0x2b2: {  	v21 =	vadd.f32 $0.0e+00, v45;
	v25 =	vadd.f32 $0.0e+00, v49;
	v19 =	vld.idx.msk [tilespmem:v19+s30+$0x0], $0xffff  }
0x2b3: {  	v27 =	vadd.f32 v51, v61;
	v20 =	vadd.f32 v55, v23;
	v29 =	vld.idx.msk [tilespmem:v29+s30+$0x0], $0xffff;
	v1 =	vmul.f32 $1.442695020e+00, v1  }
0x2b4: {  	v21 =	vadd.f32 v53, v21;
	v62 =	vadd.f32 v24, v25  }
0x2b5: {  	v17 =	vadd.f32 v17, v20;
	(erf) = vpow2.f32 v1;
	v1 =	vadd.f32 v18, v27  }
0x2b6: {  	v63 =	vadd.f32 v22, v62;
	v18 =	vadd.f32 v58, v21  }
0x2b7: {  	v17 =	vadd.f32 v28, v17;
	v1 =	vadd.f32 v60, v1  }
0x2b8: {  	v18 =	vadd.f32 v19, v18;
	v19 =	vadd.f32 v29, v63;
	_ =	sdelay $0x1  }
0x2b9: {  	v1 =	vadd.f32 v18, v1;
	v17 =	vadd.f32 v19, v17;
	_ =	sdelay $0x1  }
0x2ba: {  	v1 =	vadd.f32 v17, v1;
	_ =	sdelay $0x1  }
0x2bb: {  	v1 =	vsub.f32 $0.0e+00, v1;
	v17 =	vpop (erf)  }
0x2bc: {  	v17 =	vadd.f32 $1.000000000e+00, v17  }
0x2bd: {  	v1 =	vmul.f32 $1.442695020e+00, v1  }
0x2be: {  	(erf) = vrcp.f32 v17  }
0x2bf: {  	(erf) = vpow2.f32 v1;
	_ =	sdelay $0x7  }
0x2c0: {  	v1 =	vpop (erf)  }
0x2c1: {  	v17 =	vpop (erf)  }
0x2c2: {  	v17 =	vadd.f32 $1.000000000e+00, v17;
	_ =	sdelay $0x1  }
0x2c3: {  	(erf) = vrcp.f32 v17;
	_ =	sdelay $0x4  }
0x2c4: {  	p1 =	por p0, p0  }
.Ltmp3:
0x2c5: {  	_ = 	snop;
	(pc) =	sbr.rel @p1 .LBB2_8-.Ltmp3, $3  }
0x2c6: {  	_ =	sdelay $0x1  }
0x2c7: {  	[tilespmem:s20+$0x12AC0] =	vst v1;
	v1 =	vpop (erf)  }
0x2c8: {  	p0 =	por $0x0, $0x0;
	[tilespmem:s20+$0x12AD0] =	vst v1;
	s20 =	simm.s32 $0x20  }
0x2c9: {  	s0 =	simm.s32 $0x100  }
0x2ca: {  	[tilespmem:s17], [sflag:$0x2] =	stream.indirect.gather [hbm4b:s1+s13], $0x80, s0, s13, $0xb8;
	[tilespmem:$0x12C80] =	vst v63  }
0x2cb: {  	s11 =	simm.s32 $0x300  }
0x2cc: {  	[tilespmem:s19], [sflag:$0x2] =	stream.indirect.gather [hbm4b:s4+s13], $0x80, s11, s13, $0xb8;
	[tilespmem:$0x12C80] =	vst v63  }
0x2cd: {  	s20 =	simm.s32 $0x500  }
0x2ce: {  	[tilespmem:s21], [sflag:$0x2] =	stream.indirect.gather [hbm4b:s1+s13], $0x80, s20, s13, $0xb8;
	[tilespmem:$0x12C80] =	vst v63  }
0x2cf: {  	_ =	swait.ge [sflag:s26], $0x2000  }
0x2d0: {  	[sflag:s26] =	ssyncset.done $0x0  }
0x2d1: {  	[sflag:s26] =	ssyncadd.s32 $0xFFFFE000  }
0x2d2: {  	_ =	swait.ge [sflag:s26], $0x2000  }
0x2d3: {  	[sflag:s26] =	ssyncset.done $0x0  }
0x2d4: {  	[sflag:s26] =	ssyncadd.s32 $0xFFFFE000  }
0x2d5: {  	_ =	swait.ge [sflag:s26], $0x2000  }
0x2d6: {  	[sflag:s26] =	ssyncset.done $0x0  }
0x2d7: {  	s11 =	simm.s32 $0x10700;
	[sflag:s26] =	ssyncadd.s32 $0xFFFFE000  }
0x2d8: {  	v1 =	vld [tilespmem:s11+$0xA0];
	_ =	sdelay $0x3  }
0x2d9: {  	v22 =	vld [tilespmem:s11+$0x80]  }
0x2da: {  	v23 =	vld [tilespmem:s11+$0x90];
	[tilespmem:$0x1FC00] =	vst v1  }
0x2db: {  	s31 =	simm.s32 $0xC700;
	v24 =	vld [tilespmem:s11+$0xB0]  }
0x2dc: {  	s0 =	simm.s32 $0xE700;
	v49 =	vld [tilespmem:s31+$0x80]  }
0x2dd: {  	v45 =	vld [tilespmem:s0+$0x80]  }
0x2de: {  	v43 =	vld [tilespmem:s31+$0x90]  }
0x2df: {  	v38 =	vld [tilespmem:s0+$0x90]  }
0x2e0: {  	v1 =	vld [tilespmem:s31+$0xA0]  }
0x2e1: {  	v40 =	vld [tilespmem:s0+$0xA0]  }
0x2e2: {  	v42 =	vld [tilespmem:s31+$0xB0]  }
0x2e3: {  	v27 =	vld [tilespmem:s0+$0xB0]  }
0x2e4: {  	v28 =	vld [tilespmem:s31+$0xC0]  }
0x2e5: {  	v29 =	vld [tilespmem:s0+$0xC0]  }
0x2e6: {  	v20 =	vld [tilespmem:s31+$0xD0]  }
0x2e7: {  	v17 =	vld [tilespmem:s11+$0xC0]  }
0x2e8: {  	v31 =	vld [tilespmem:s0+$0xD0]  }
0x2e9: {  	v32 =	vld [tilespmem:s31+$0xE0]  }
0x2ea: {  	v33 =	vld [tilespmem:s0+$0xE0]  }
0x2eb: {  	v34 =	vld [tilespmem:s31+$0xF0]  }
0x2ec: {  	v35 =	vld [tilespmem:s0+$0xF0];
	[tilespmem:$0x1FC10] =	vst v17  }
0x2ed: {  	v17 =	vld [tilespmem:s11+$0xD0];
	_ =	sdelay $0x4  }
0x2ee: {  	[tilespmem:$0x1FC20] =	vst v17  }
0x2ef: {  	v17 =	vld [tilespmem:s0+$0xFFFFFF00];
	_ =	sdelay $0x3  }
0x2f0: {  	v25 =	vld [tilespmem:s11+$0xE0]  }
0x2f1: {  	v26 =	vld [tilespmem:s11+$0xF0];
	[tilespmem:$0x1FCF0] =	vst v17  }
0x2f2: {  	v17 =	vld [tilespmem:s0+$0xFFFFFF10];
	_ =	sdelay $0x4  }
0x2f3: {  	v30 =	vld [tilespmem:s31+$0xFFFFFF10];
	[tilespmem:$0x1FC30] =	vst v17  }
0x2f4: {  	v17 =	vld [tilespmem:s31+$0xFFFFFF20];
	_ =	sdelay $0x4  }
0x2f5: {  	[tilespmem:$0x1FC40] =	vst v17  }
0x2f6: {  	v17 =	vld [tilespmem:s0+$0xFFFFFF20];
	_ =	sdelay $0x4  }
0x2f7: {  	[tilespmem:$0x1FC50] =	vst v17  }
0x2f8: {  	v17 =	vld [tilespmem:s31+$0xFFFFFF30];
	_ =	sdelay $0x4  }
0x2f9: {  	[tilespmem:$0x1FC60] =	vst v17  }
0x2fa: {  	v17 =	vld [tilespmem:s0+$0xFFFFFF30];
	_ =	sdelay $0x4  }
0x2fb: {  	[tilespmem:$0x1FC70] =	vst v17  }
0x2fc: {  	v17 =	vld [tilespmem:s31+$0xFFFFFF40];
	_ =	sdelay $0x4  }
0x2fd: {  	[tilespmem:$0x1FC80] =	vst v17  }
0x2fe: {  	v17 =	vld [tilespmem:s0+$0xFFFFFF40];
	_ =	sdelay $0x4  }
0x2ff: {  	[tilespmem:$0x1FC90] =	vst v17  }
0x300: {  	v17 =	vld [tilespmem:s31+$0xFFFFFF50];
	_ =	sdelay $0x4  }
0x301: {  	[tilespmem:$0x1FCA0] =	vst v17  }
0x302: {  	v17 =	vld [tilespmem:s0+$0xFFFFFF50];
	_ =	sdelay $0x4  }
0x303: {  	[tilespmem:$0x1FCB0] =	vst v17  }
0x304: {  	v17 =	vld [tilespmem:s31+$0xFFFFFF60];
	_ =	sdelay $0x4  }
0x305: {  	[tilespmem:$0x1FCC0] =	vst v17  }
0x306: {  	v17 =	vld [tilespmem:s0+$0xFFFFFF60];
	_ =	sdelay $0x4  }
0x307: {  	[tilespmem:$0x1FCD0] =	vst v17  }
0x308: {  	v17 =	vld [tilespmem:s31+$0xFFFFFF70];
	_ =	sdelay $0x4  }
0x309: {  	[tilespmem:$0x1FCE0] =	vst v17  }
0x30a: {  	v54 =	vld [tilespmem:s0+$0xFFFFFF70]  }
0x30b: {  	v55 =	vld [tilespmem:s31+$0xFFFFFF80]  }
0x30c: {  	v56 =	vld [tilespmem:s0+$0xFFFFFF80]  }
0x30d: {  	v57 =	vld [tilespmem:s31+$0xFFFFFF90]  }
0x30e: {  	v58 =	vld [tilespmem:s0+$0xFFFFFF90]  }
0x30f: {  	v59 =	vld [tilespmem:s31+$0xFFFFFFA0]  }
0x310: {  	v60 =	vld [tilespmem:s0+$0xFFFFFFA0]  }
0x311: {  	v61 =	vld [tilespmem:s31+$0xFFFFFFB0]  }
0x312: {  	v62 =	vld [tilespmem:s0+$0xFFFFFFB0]  }
0x313: {  	v63 =	vld [tilespmem:s31+$0xFFFFFFC0]  }
0x314: {  	v36 =	vld [tilespmem:s0+$0xFFFFFFC0]  }
0x315: {  	v50 =	vld [tilespmem:s31+$0xFFFFFFD0]  }
0x316: {  	v46 =	vld [tilespmem:s0+$0xFFFFFFD0]  }
0x317: {  	v39 =	vld [tilespmem:s31+$0xFFFFFFE0]  }
0x318: {  	v17 =	vld [tilespmem:s0+$0xFFFFFFE0]  }
0x319: {  	v52 =	vld [tilespmem:s31+$0xFFFFFFF0]  }
0x31a: {  	v48 =	vld [tilespmem:s0+$0xFFFFFFF0]  }
0x31b: {  	v37 =	vld [tilespmem:s31+$0x0]  }
0x31c: {  	v18 =	vld [tilespmem:s0+$0x0]  }
0x31d: {  	v51 =	vld [tilespmem:s31+$0x10]  }
0x31e: {  	v21 =	vld [tilespmem:s31+$0x40]  }
0x31f: {  	v41 =	vld [tilespmem:s0+$0x10]  }
0x320: {  	v44 =	vld [tilespmem:s31+$0x20]  }
0x321: {  	v19 =	vld [tilespmem:s0+$0x20]  }
0x322: {  	v53 =	vld [tilespmem:s31+$0x30]  }
0x323: {  	v47 =	vld [tilespmem:s0+$0x30];
	[tilespmem:$0x1FD00] =	vst v21  }
0x324: {  	v21 =	vld [tilespmem:s0+$0x40];
	_ =	sdelay $0x4  }
0x325: {  	[tilespmem:$0x1FD10] =	vst v21  }
0x326: {  	v40 =	vmul.f32 v40, v1;
	v1 =	vld [tilespmem:s31+$0x60];
	_ =	sdelay $0x3  }
0x327: {  	v38 =	vmul.f32 v38, v43;
	v43 =	vld [tilespmem:s31+$0x50]  }
0x328: {  	v27 =	vmul.f32 v27, v42;
	v42 =	vld [tilespmem:s0+$0x50];
	[tilespmem:$0x1FD20] =	vst v1  }
0x329: {  	v1 =	vld [tilespmem:s31+$0x70];
	_ =	sdelay $0x2  }
0x32a: {  	v28 =	vmul.f32 v29, v28  }
0x32b: {  	v29 =	vmul.f32 v31, v20;
	v31 =	vmul.f32 v33, v32;
	v33 =	vld [tilespmem:s0+$0x60]  }
0x32c: {  	[tilespmem:$0x1FD30] =	vst v1;
	v1 =	vld [tilespmem:$0x1FC00];
	_ =	sdelay $0x4  }
0x32d: {  	v40 =	vmul.f32 v1, v40;
	v1 =	vld [tilespmem:s0+$0x70];
	_ =	sdelay $0x4  }
0x32e: {  	[tilespmem:$0x1FD40] =	vst v1;
	v1 =	vld [tilespmem:$0x1FC10];
	_ =	sdelay $0x4  }
0x32f: {  	v28 =	vmul.f32 v1, v28;
	v1 =	vld [tilespmem:$0x1FC20];
	_ =	sdelay $0x4  }
0x330: {  	v29 =	vmul.f32 v1, v29;
	v1 =	vld [tilespmem:$0x1FC30];
	_ =	sdelay $0x2  }
0x331: {  	v45 =	vmul.f32 v45, v49  }
0x332: {  	v49 =	vmul.f32 v35, v34;
	v20 =	vld [tilespmem:$0x1FC50]  }
0x333: {  	v34 =	vmul.f32 v22, v45;
	v22 =	vmul.f32 v1, v30;
	v1 =	vld [tilespmem:$0x1FC40];
	_ =	sdelay $0x1  }
0x334: {  	v27 =	vmul.f32 v24, v27;
	v24 =	vld [tilespmem:$0x1FCB0]  }
0x335: {  	v35 =	vmul.f32 v23, v38;
	v38 =	vld [tilespmem:$0x1FCE0]  }
0x336: {  	v37 =	vmul.f32 v18, v37;
	v18 =	vld [tilespmem:$0x1FCF0]  }
0x337: {  	v31 =	vmul.f32 v25, v31;
	v25 =	vmul.f32 v20, v1;
	v1 =	vld [tilespmem:$0x1FC60]  }
0x338: {  	v20 =	vld [tilespmem:$0x1FC70]  }
0x339: {  	v45 =	vld [tilespmem:s31+$0xFFFFFF00]  }
0x33a: {  	v32 =	vmul.f32 v26, v49;
	v49 =	vld [tilespmem:s11+$0xFFFFFF00]  }
0x33b: {  	v21 =	vld [tilespmem:s11+$0xFFFFFF10]  }
0x33c: {  	v55 =	vmul.f32 v56, v55;
	v56 =	vld [tilespmem:s11+$0xFFFFFF40]  }
0x33d: {  	v23 =	vmul.f32 v20, v1;
	v1 =	vld [tilespmem:$0x1FC80]  }
0x33e: {  	v20 =	vld [tilespmem:$0x1FC90]  }
0x33f: {  	v57 =	vmul.f32 v58, v57;
	v58 =	vmul.f32 v60, v59;
	v59 =	vld [tilespmem:s11+$0xFFFFFF50]  }
0x340: {  	v60 =	vmul.f32 v62, v61;
	v61 =	vld [tilespmem:s11+$0xFFFFFF60]  }
0x341: {  	v62 =	vld [tilespmem:s11+$0xFFFFFF70]  }
0x342: {  	v36 =	vmul.f32 v36, v63;
	v63 =	vld [tilespmem:s11+$0xFFFFFF80]  }
0x343: {  	v26 =	vmul.f32 v20, v1;
	v1 =	vld [tilespmem:$0x1FCA0]  }
0x344: {  	v54 =	vmul.f32 v54, v38;
	v38 =	vld [tilespmem:s11+$0xFFFFFF90]  }
0x345: {  	v27 =	vadd.f32 v27, v40;
	v40 =	vmul.f32 v48, v52;
	v52 =	vld [tilespmem:s11+$0xFFFFFFB0]  }
0x346: {  	v39 =	vmul.f32 v17, v39;
	v17 =	vmul.f32 v47, v53;
	v53 =	vld [tilespmem:s11+$0xFFFFFFC0]  }
0x347: {  	v30 =	vld [tilespmem:$0x1FCD0]  }
0x348: {  	v24 =	vmul.f32 v24, v1;
	v1 =	vld [tilespmem:$0x1FCC0]  }
0x349: {  	v34 =	vadd.f32 v35, v34;
	v35 =	vmul.f32 v46, v50;
	v50 =	vmul.f32 v18, v45;
	v18 =	vld [tilespmem:$0x1FD00]  }
0x34a: {  	v20 =	vld [tilespmem:s11+$0xFFFFFF20]  }
0x34b: {  	v27 =	vadd.f32 v27, v34;
	v34 =	vmul.f32 v52, v60;
	v60 =	vld [tilespmem:s11+$0x20]  }
0x34c: {  	v28 =	vadd.f32 v29, v28;
	v29 =	vmul.f32 v41, v51;
	v51 =	vld [tilespmem:s11+$0xFFFFFFA0]  }
0x34d: {  	v31 =	vadd.f32 v32, v31;
	v30 =	vmul.f32 v30, v1;
	v1 =	vld [tilespmem:s11+$0xFFFFFF30]  }
0x34e: {  	v41 =	vmul.f32 v19, v44;
	v19 =	vld [tilespmem:$0x1FD10]  }
0x34f: {  	v28 =	vadd.f32 v31, v28;
	v31 =	vmul.f32 v49, v50;
	v20 =	vmul.f32 v20, v25;
	v25 =	vld [tilespmem:s11+$0xFFFFFFD0]  }
0x350: {  	v21 =	vmul.f32 v21, v22;
	v22 =	vmul.f32 v56, v26;
	v26 =	vld [tilespmem:s11+$0xFFFFFFE0]  }
0x351: {  	v27 =	vadd.f32 v28, v27;
	v56 =	vld [tilespmem:s11+$0x0];
	v28 =	vmul.f32 v61, v30;
	v30 =	vmul.f32 v62, v54  }
0x352: {  	v1 =	vmul.f32 v1, v23;
	v23 =	vmul.f32 v59, v24;
	v24 =	vadd.f32 v21, v31;
	v31 =	vld [tilespmem:s11+$0xFFFFFFF0]  }
0x353: {  	v18 =	vmul.f32 v19, v18;
	v19 =	vmul.f32 v42, v43;
	v21 =	vld [tilespmem:$0x1FD20]  }
0x354: {  	v62 =	vmul.f32 v25, v35;
	v28 =	vadd.f32 v30, v28;
	v59 =	vld [tilespmem:s11+$0x10];
	v1 =	vadd.f32 v1, v20  }
0x355: {  	v61 =	vld [tilespmem:$0x1FD40];
	v30 =	vmul.f32 v38, v57;
	v20 =	vadd.f32 v23, v22;
	v23 =	vmul.f32 v63, v55  }
0x356: {  	v22 =	vld [tilespmem:$0x1FD30];
	v63 =	vmul.f32 v26, v39;
	v1 =	vadd.f32 v1, v24;
	v24 =	vmul.f32 v51, v58  }
0x357: {  	v20 =	vadd.f32 v28, v20;
	v28 =	vadd.f32 v30, v23;
	v23 =	vld [tilespmem:s11+$0x30];
	v30 =	vmul.f32 v53, v36  }
0x358: {  	v21 =	vmul.f32 v33, v21;
	v31 =	vmul.f32 v31, v40;
	v34 =	vadd.f32 v34, v24;
	v24 =	vld [tilespmem:s11+$0x40]  }
0x359: {  	s3 =	simm.s32 $0x12622;
	v25 =	vld [tilespmem:s11+$0x50];
	v32 =	vmul.f32 v59, v29;
	v1 =	vadd.f32 v20, v1;
	v26 =	vadd.f32 v62, v30  }
0x35a: {  	[tilespmem:s3+$0x11] =	vst v27;
	v27 =	vld [tilespmem:s11+$0x60];
	v31 =	vadd.f32 v31, v63;
	v20 =	vadd.f32 v34, v28;
	v28 =	vmul.f32 v56, v37  }
0x35b: {  	s10 =	simm.s32 $0x0;
	v29 =	vld [tilespmem:s11+$0x70];
	v30 =	vmul.f32 v60, v41;
	s11 =	simm.s32 $0x10900;
	v22 =	vmul.f32 v61, v22;
	[tilespmem:s3+$0xFFFFFFDE] =	vst v1  }
.LBB2_10:
0x35c: {  	v1 =	vld [tilespmem:s11+$0x80];
	v26 =	vadd.f32 v31, v26;
	v17 =	vmul.f32 v23, v17;
	v23 =	vadd.f32 v32, v28  }
0x35d: {  	v28 =	vld [tilespmem:s11+$0x90];
	v18 =	vmul.f32 v24, v18  }
0x35e: {  	v24 =	vld [tilespmem:s11+$0xA0];
	v20 =	vadd.f32 v26, v20;
	v19 =	vmul.f32 v25, v19;
	v17 =	vadd.f32 v17, v30  }
0x35f: {  	s31 =	sadd.s32 $0x200, s31;
	v25 =	vld [tilespmem:s11+$0xB0];
	v21 =	vmul.f32 v27, v21  }
0x360: {  	s0 =	sadd.s32 $0x200, s0;
	v26 =	vld [tilespmem:s31+$0x80];
	[tilespmem:s3+$0xFFFFFFEF] =	vst v20;
	v20 =	vmul.f32 v29, v22;
	v17 =	vadd.f32 v17, v23;
	v18 =	vadd.f32 v19, v18  }
0x361: {  	v19 =	vld [tilespmem:s0+$0x80]  }
0x362: {  	v22 =	vld [tilespmem:s31+$0x90];
	v20 =	vadd.f32 v20, v21  }
0x363: {  	v21 =	vld [tilespmem:s0+$0x90]  }
0x364: {  	v23 =	vld [tilespmem:s31+$0xA0];
	v18 =	vadd.f32 v20, v18  }
0x365: {  	v20 =	vld [tilespmem:s0+$0xA0]  }
0x366: {  	v27 =	vld [tilespmem:s31+$0xB0];
	v17 =	vadd.f32 v18, v17  }
0x367: {  	v18 =	vld [tilespmem:s0+$0xB0]  }
0x368: {  	v29 =	vld [tilespmem:s31+$0xC0];
	[tilespmem:s3+$0x0] =	vst v17  }
0x369: {  	v17 =	vld [tilespmem:s0+$0xC0]  }
0x36a: {  	v30 =	vld [tilespmem:s31+$0xD0]  }
0x36b: {  	v31 =	vld [tilespmem:s0+$0xD0]  }
0x36c: {  	v32 =	vld [tilespmem:s31+$0xE0]  }
0x36d: {  	v33 =	vld [tilespmem:s0+$0xE0]  }
0x36e: {  	v34 =	vld [tilespmem:s31+$0xF0]  }
0x36f: {  	v35 =	vld [tilespmem:s0+$0xF0]  }
0x370: {  	v36 =	vld [tilespmem:s11+$0xC0]  }
0x371: {  	s10 =	sadd.s32 $0x4, s10;
	v19 =	vmul.f32 v19, v26;
	v21 =	vmul.f32 v21, v22;
	v22 =	vld [tilespmem:s11+$0xD0]  }
0x372: {  	p1 =	slt.u32 s10, $0x3C;
	v23 =	vmul.f32 v20, v23;
	v18 =	vmul.f32 v18, v27;
	v26 =	vld [tilespmem:s11+$0xE0]  }
0x373: {  	v17 =	vmul.f32 v17, v29;
	v27 =	vmul.f32 v31, v30;
	v29 =	vld [tilespmem:s11+$0xF0]  }
0x374: {  	v30 =	vmul.f32 v33, v32;
	v20 =	vld [tilespmem:s0+$0xFFFFFF00];
	v31 =	vmul.f32 v35, v34  }
0x375: {  	v1 =	vmul.f32 v1, v19;
	v19 =	vmul.f32 v28, v21;
	v32 =	vld [tilespmem:s31+$0xFFFFFF10]  }
0x376: {  	v23 =	vmul.f32 v24, v23;
	v18 =	vmul.f32 v25, v18;
	v21 =	vld [tilespmem:s0+$0xFFFFFF10]  }
0x377: {  	v17 =	vmul.f32 v36, v17;
	v22 =	vmul.f32 v22, v27;
	v24 =	vld [tilespmem:s31+$0xFFFFFF20]  }
0x378: {  	v26 =	vmul.f32 v26, v30;
	v25 =	vld [tilespmem:s0+$0xFFFFFF20];
	v27 =	vmul.f32 v29, v31  }
0x379: {  	v1 =	vadd.f32 v19, v1;
	v18 =	vadd.f32 v18, v23;
	v28 =	vld [tilespmem:s31+$0xFFFFFF30]  }
0x37a: {  	v17 =	vadd.f32 v22, v17;
	v19 =	vld [tilespmem:s0+$0xFFFFFF30];
	v22 =	vadd.f32 v27, v26  }
0x37b: {  	v23 =	vmul.f32 v21, v32;
	v21 =	vld [tilespmem:s31+$0xFFFFFF40]  }
0x37c: {  	v1 =	vadd.f32 v18, v1;
	v26 =	vld [tilespmem:s0+$0xFFFFFF40];
	v17 =	vadd.f32 v22, v17  }
0x37d: {  	v24 =	vmul.f32 v25, v24;
	v18 =	vld [tilespmem:s31+$0xFFFFFF50]  }
0x37e: {  	v22 =	vld [tilespmem:s0+$0xFFFFFF50];
	v1 =	vadd.f32 v17, v1  }
0x37f: {  	s3 =	sadd.s32 $0x44, s3;
	v25 =	vmul.f32 v19, v28;
	v17 =	vld [tilespmem:s31+$0xFFFFFF60]  }
0x380: {  	s20 =	simm.s32 $0x0;
	p0 =	por $0x1, $0x1;
	v19 =	vld [tilespmem:s0+$0xFFFFFF60];
	[tilespmem:s3+$0x11] =	vst v1  }
0x381: {  	v1 =	vmul.f32 v26, v21;
	v21 =	vld [tilespmem:s31+$0xFFFFFF70]  }
0x382: {  	v26 =	vld [tilespmem:s0+$0xFFFFFF70]  }
0x383: {  	v27 =	vmul.f32 v22, v18;
	v18 =	vld [tilespmem:s31+$0xFFFFFF80]  }
0x384: {  	v22 =	vld [tilespmem:s0+$0xFFFFFF80]  }
0x385: {  	v28 =	vmul.f32 v19, v17;
	v17 =	vld [tilespmem:s31+$0xFFFFFF90]  }
0x386: {  	v19 =	vld [tilespmem:s0+$0xFFFFFF90]  }
0x387: {  	v26 =	vmul.f32 v26, v21;
	v21 =	vld [tilespmem:s31+$0xFFFFFFA0]  }
0x388: {  	v29 =	vld [tilespmem:s0+$0xFFFFFFA0]  }
0x389: {  	v30 =	vmul.f32 v22, v18;
	v18 =	vld [tilespmem:s31+$0xFFFFFFB0]  }
0x38a: {  	v22 =	vld [tilespmem:s0+$0xFFFFFFB0]  }
0x38b: {  	v31 =	vmul.f32 v19, v17;
	v17 =	vld [tilespmem:s31+$0xFFFFFFC0]  }
0x38c: {  	v19 =	vld [tilespmem:s0+$0xFFFFFFC0]  }
0x38d: {  	v29 =	vmul.f32 v29, v21;
	v21 =	vld [tilespmem:s31+$0xFFFFFFD0]  }
0x38e: {  	v32 =	vld [tilespmem:s0+$0xFFFFFFD0]  }
0x38f: {  	v33 =	vmul.f32 v22, v18;
	v18 =	vld [tilespmem:s31+$0xFFFFFFE0]  }
0x390: {  	v22 =	vld [tilespmem:s0+$0xFFFFFFE0]  }
0x391: {  	v34 =	vmul.f32 v19, v17;
	v17 =	vld [tilespmem:s31+$0xFFFFFFF0]  }
0x392: {  	v19 =	vld [tilespmem:s0+$0xFFFFFFF0]  }
0x393: {  	v32 =	vmul.f32 v32, v21;
	v21 =	vld [tilespmem:s31+$0x0]  }
0x394: {  	v35 =	vld [tilespmem:s0+$0x0]  }
0x395: {  	v36 =	vmul.f32 v22, v18;
	v18 =	vld [tilespmem:s31+$0x10]  }
0x396: {  	v22 =	vld [tilespmem:s0+$0x10]  }
0x397: {  	v37 =	vmul.f32 v19, v17;
	v17 =	vld [tilespmem:s31+$0x20]  }
0x398: {  	v19 =	vld [tilespmem:s0+$0x20]  }
0x399: {  	v35 =	vmul.f32 v35, v21;
	v21 =	vld [tilespmem:s31+$0x30]  }
0x39a: {  	v38 =	vld [tilespmem:s0+$0x30]  }
0x39b: {  	v39 =	vmul.f32 v22, v18;
	v18 =	vld [tilespmem:s31+$0x40]  }
0x39c: {  	v22 =	vld [tilespmem:s0+$0x40]  }
0x39d: {  	v40 =	vmul.f32 v19, v17;
	v19 =	vld [tilespmem:s31+$0x50]  }
0x39e: {  	v41 =	vld [tilespmem:s0+$0x50]  }
0x39f: {  	v17 =	vmul.f32 v38, v21;
	v21 =	vld [tilespmem:s31+$0x60]  }
0x3a0: {  	v38 =	vld [tilespmem:s0+$0x60]  }
0x3a1: {  	v18 =	vmul.f32 v22, v18;
	v22 =	vld [tilespmem:s31+$0x70]  }
0x3a2: {  	v42 =	vld [tilespmem:s0+$0x70]  }
0x3a3: {  	v43 =	vld [tilespmem:s31+$0xFFFFFF00];
	v19 =	vmul.f32 v41, v19  }
0x3a4: {  	v41 =	vld [tilespmem:s11+$0xFFFFFF00]  }
0x3a5: {  	v44 =	vld [tilespmem:s11+$0xFFFFFF10];
	v21 =	vmul.f32 v38, v21  }
0x3a6: {  	v38 =	vld [tilespmem:s11+$0xFFFFFF20]  }
0x3a7: {  	v45 =	vld [tilespmem:s11+$0xFFFFFF30];
	v22 =	vmul.f32 v42, v22  }
0x3a8: {  	v20 =	vmul.f32 v20, v43;
	v42 =	vld [tilespmem:s11+$0xFFFFFF40]  }
0x3a9: {  	v43 =	vld [tilespmem:s11+$0xFFFFFF50]  }
0x3aa: {  	v20 =	vmul.f32 v41, v20;
	v23 =	vmul.f32 v44, v23;
	v41 =	vld [tilespmem:s11+$0xFFFFFF60]  }
0x3ab: {  	v24 =	vmul.f32 v38, v24;
	v38 =	vld [tilespmem:s11+$0xFFFFFF70]  }
0x3ac: {  	v25 =	vmul.f32 v45, v25;
	v20 =	vadd.f32 v23, v20;
	v23 =	vld [tilespmem:s11+$0xFFFFFF80]  }
0x3ad: {  	v1 =	vmul.f32 v42, v1;
	v42 =	vld [tilespmem:s11+$0xFFFFFF90]  }
0x3ae: {  	v27 =	vmul.f32 v43, v27;
	v24 =	vadd.f32 v25, v24;
	v25 =	vld [tilespmem:s11+$0xFFFFFFA0]  }
0x3af: {  	v28 =	vmul.f32 v41, v28;
	v41 =	vld [tilespmem:s11+$0xFFFFFFB0]  }
0x3b0: {  	v26 =	vmul.f32 v38, v26;
	v20 =	vadd.f32 v24, v20;
	v1 =	vadd.f32 v27, v1;
	v24 =	vld [tilespmem:s11+$0xFFFFFFC0]  }
0x3b1: {  	v23 =	vmul.f32 v23, v30;
	v27 =	vld [tilespmem:s11+$0xFFFFFFD0]  }
0x3b2: {  	v26 =	vadd.f32 v26, v28;
	v28 =	vmul.f32 v42, v31;
	v30 =	vld [tilespmem:s11+$0xFFFFFFE0]  }
0x3b3: {  	v25 =	vmul.f32 v25, v29;
	v29 =	vld [tilespmem:s11+$0xFFFFFFF0]  }
0x3b4: {  	v1 =	vadd.f32 v26, v1;
	v26 =	vmul.f32 v41, v33;
	v28 =	vadd.f32 v28, v23;
	v31 =	vld [tilespmem:s11+$0x0]  }
0x3b5: {  	v24 =	vmul.f32 v24, v34;
	v33 =	vld [tilespmem:s11+$0x10]  }
0x3b6: {  	v1 =	vadd.f32 v1, v20;
	v27 =	vmul.f32 v27, v32;
	v20 =	vadd.f32 v26, v25;
	v34 =	vld [tilespmem:s11+$0x20]  }
.Ltmp4:
0x3b7: {  	v30 =	vmul.f32 v30, v36;
	v23 =	vld [tilespmem:s11+$0x30];
	(pc) =	sbr.rel @p1 .LBB2_10-.Ltmp4, $4  }
0x3b8: {  	[tilespmem:s3+$0xFFFFFFDE] =	vst v1;
	v1 =	vmul.f32 v29, v37;
	v20 =	vadd.f32 v20, v28;
	v26 =	vadd.f32 v27, v24;
	v24 =	vld [tilespmem:s11+$0x40]  }
0x3b9: {  	v28 =	vmul.f32 v31, v35;
	v25 =	vld [tilespmem:s11+$0x50]  }
0x3ba: {  	v31 =	vadd.f32 v1, v30;
	v32 =	vmul.f32 v33, v39;
	v27 =	vld [tilespmem:s11+$0x60]  }
0x3bb: {  	v30 =	vmul.f32 v34, v40;
	v29 =	vld [tilespmem:s11+$0x70];
	s11 =	sadd.s32 $0x200, s11  }
0x3bc: {  	_ =	sdelay $0x1  }
0x3bd: {  	v1 =	vmul.f32 v23, v17  }
0x3be: {  	v17 =	vmul.f32 v24, v18;
	v18 =	vmul.f32 v25, v19  }
0x3bf: {  	v19 =	vmul.f32 v27, v21;
	v62 =	vmul.f32 v29, v22  }
0x3c0: {  	v63 =	vadd.f32 v32, v28;
	v1 =	vadd.f32 v1, v30  }
0x3c1: {  	v17 =	vadd.f32 v18, v17;
	v18 =	vadd.f32 v62, v19  }
0x3c2: {  	v19 =	vadd.f32 v31, v26  }
0x3c3: {  	v1 =	vadd.f32 v1, v63;
	v17 =	vadd.f32 v18, v17  }
0x3c4: {  	v18 =	vadd.f32 v19, v20  }
0x3c5: {  	v1 =	vadd.f32 v17, v1  }
0x3c6: {  	[tilespmem:s3+$0xFFFFFFEF] =	vst v18  }
0x3c7: {  	[tilespmem:s3+$0x0] =	vst v1  }
.LBB2_12:
0x3c8: {  	v1 =	vmov s20  }
0x3c9: {  	v1 =	vmul.u32 $0x11, v1;
	_ =	sdelay $0x1  }
0x3ca: {  	v1 =	vbroadcast v1, $0x0;
	_ =	sdelay $0x1  }
0x3cb: {  	v17 =	vadd.s32 v0, v1  }
0x3cc: {  	v18 =	vadd.s32 v2, v1  }
0x3cd: {  	v19 =	vadd.s32 v3, v1  }
0x3ce: {  	v20 =	vadd.s32 v4, v1  }
0x3cf: {  	v21 =	vadd.s32 v5, v1  }
0x3d0: {  	v22 =	vadd.s32 v6, v1;
	v17 =	vld.idx.msk [tilespmem:v17+s30+$0x0], $0xffff  }
0x3d1: {  	v23 =	vadd.s32 v7, v1;
	v18 =	vld.idx.msk [tilespmem:v18+s30+$0x0], $0xffff  }
0x3d2: {  	v24 =	vadd.s32 v8, v1;
	v19 =	vld.idx.msk [tilespmem:v19+s30+$0x0], $0xffff  }
0x3d3: {  	v25 =	vadd.s32 v9, v1;
	v20 =	vld.idx.msk [tilespmem:v20+s30+$0x0], $0xffff  }
0x3d4: {  	v26 =	vadd.s32 v10, v1;
	v21 =	vld.idx.msk [tilespmem:v21+s30+$0x0], $0xffff  }
0x3d5: {  	s0 =	sor.u32 $0x10, s20;
	v27 =	vadd.s32 v11, v1;
	v22 =	vld.idx.msk [tilespmem:v22+s30+$0x0], $0xffff  }
0x3d6: {  	v29 =	vmov s0;
	v28 =	vadd.s32 v12, v1;
	v23 =	vld.idx.msk [tilespmem:v23+s30+$0x0], $0xffff  }
0x3d7: {  	v29 =	vmul.u32 $0x11, v29;
	v30 =	vadd.s32 v13, v1;
	v24 =	vld.idx.msk [tilespmem:v24+s30+$0x0], $0xffff  }
0x3d8: {  	v31 =	vadd.s32 v14, v1;
	v25 =	vld.idx.msk [tilespmem:v25+s30+$0x0], $0xffff  }
0x3d9: {  	v29 =	vbroadcast v29, $0x0;
	v32 =	vadd.s32 v15, v1;
	v26 =	vld.idx.msk [tilespmem:v26+s30+$0x0], $0xffff  }
0x3da: {  	v1 =	vadd.s32 v16, v1;
	v27 =	vld.idx.msk [tilespmem:v27+s30+$0x0], $0xffff  }
0x3db: {  	v33 =	vadd.s32 v0, v29;
	v28 =	vld.idx.msk [tilespmem:v28+s30+$0x0], $0xffff  }
0x3dc: {  	v34 =	vadd.s32 v2, v29;
	v30 =	vld.idx.msk [tilespmem:v30+s30+$0x0], $0xffff  }
0x3dd: {  	v35 =	vadd.s32 v3, v29;
	v31 =	vld.idx.msk [tilespmem:v31+s30+$0x0], $0xffff  }
0x3de: {  	v36 =	vadd.s32 v4, v29;
	v32 =	vld.idx.msk [tilespmem:v32+s30+$0x0], $0xffff  }
0x3df: {  	v37 =	vadd.s32 v5, v29;
	v1 =	vld.idx.msk [tilespmem:v1+s30+$0x0], $0xffff  }
0x3e0: {  	v38 =	vadd.s32 v6, v29;
	v33 =	vld.idx.msk [tilespmem:v33+s30+$0x0], $0xffff;
	v17 =	vadd.f32 $0.0e+00, v17;
	v18 =	vadd.f32 $0.0e+00, v18  }
0x3e1: {  	v46 =	vadd.s32 v7, v29;
	v45 =	vld.idx.msk [tilespmem:v34+s30+$0x0], $0xffff;
	v19 =	vadd.f32 $0.0e+00, v19;
	v20 =	vadd.f32 $0.0e+00, v20  }
0x3e2: {  	v52 =	vadd.s32 v10, v29;
	v47 =	vld.idx.msk [tilespmem:v35+s30+$0x0], $0xffff;
	v17 =	vadd.f32 v21, v17;
	v18 =	vadd.f32 v22, v18  }
0x3e3: {  	v57 =	vadd.s32 v13, v29;
	v49 =	vld.idx.msk [tilespmem:v36+s30+$0x0], $0xffff;
	v19 =	vadd.f32 v23, v19;
	v20 =	vadd.f32 v24, v20  }
0x3e4: {  	v48 =	vadd.s32 v8, v29;
	v51 =	vld.idx.msk [tilespmem:v37+s30+$0x0], $0xffff;
	v17 =	vadd.f32 v25, v17;
	v18 =	vadd.f32 v26, v18  }
0x3e5: {  	v56 =	vadd.s32 v12, v29;
	v53 =	vld.idx.msk [tilespmem:v38+s30+$0x0], $0xffff;
	v19 =	vadd.f32 v27, v19;
	v20 =	vadd.f32 v28, v20  }
0x3e6: {  	v50 =	vadd.s32 v9, v29;
	v55 =	vld.idx.msk [tilespmem:v46+s30+$0x0], $0xffff;
	v17 =	vadd.f32 v30, v17;
	v18 =	vadd.f32 v31, v18  }
0x3e7: {  	v54 =	vadd.s32 v11, v29;
	v58 =	vld.idx.msk [tilespmem:v52+s30+$0x0], $0xffff;
	v19 =	vadd.f32 v32, v19;
	v1 =	vadd.f32 v1, v20  }
0x3e8: {  	v59 =	vadd.s32 v15, v29;
	v60 =	vld.idx.msk [tilespmem:v57+s30+$0x0], $0xffff  }
0x3e9: {  	v24 =	vld.idx.msk [tilespmem:v48+s30+$0x0], $0xffff;
	v17 =	vadd.f32 v18, v17;
	v1 =	vadd.f32 v1, v19;
	v19 =	vadd.s32 v14, v29  }
0x3ea: {  	v22 =	vld.idx.msk [tilespmem:v56+s30+$0x0], $0xffff;
	v29 =	vadd.s32 v16, v29  }
0x3eb: {  	v18 =	vld.idx.msk [tilespmem:v50+s30+$0x0], $0xffff;
	v1 =	vadd.f32 v1, v17  }
0x3ec: {  	v61 =	vadd.f32 $0.0e+00, v33;
	v17 =	vld.idx.msk [tilespmem:v54+s30+$0x0], $0xffff  }
0x3ed: {  	v23 =	vadd.f32 $0.0e+00, v47;
	v28 =	vld.idx.msk [tilespmem:v59+s30+$0x0], $0xffff;
	v1 =	vsub.f32 $0.0e+00, v1  }
0x3ee: {  	v21 =	vadd.f32 $0.0e+00, v45;
	v25 =	vadd.f32 $0.0e+00, v49;
	v19 =	vld.idx.msk [tilespmem:v19+s30+$0x0], $0xffff  }
0x3ef: {  	v27 =	vadd.f32 v51, v61;
	v20 =	vadd.f32 v55, v23;
	v29 =	vld.idx.msk [tilespmem:v29+s30+$0x0], $0xffff;
	v1 =	vmul.f32 $1.442695020e+00, v1  }
0x3f0: {  	v21 =	vadd.f32 v53, v21;
	v62 =	vadd.f32 v24, v25  }
0x3f1: {  	v17 =	vadd.f32 v17, v20;
	(erf) = vpow2.f32 v1;
	v1 =	vadd.f32 v18, v27  }
0x3f2: {  	v63 =	vadd.f32 v22, v62;
	v18 =	vadd.f32 v58, v21  }
0x3f3: {  	v17 =	vadd.f32 v28, v17;
	v1 =	vadd.f32 v60, v1  }
0x3f4: {  	v18 =	vadd.f32 v19, v18;
	v19 =	vadd.f32 v29, v63;
	_ =	sdelay $0x1  }
0x3f5: {  	v1 =	vadd.f32 v18, v1;
	v17 =	vadd.f32 v19, v17;
	_ =	sdelay $0x1  }
0x3f6: {  	v1 =	vadd.f32 v17, v1;
	_ =	sdelay $0x1  }
0x3f7: {  	v1 =	vsub.f32 $0.0e+00, v1;
	v17 =	vpop (erf)  }
0x3f8: {  	v17 =	vadd.f32 $1.000000000e+00, v17  }
0x3f9: {  	v1 =	vmul.f32 $1.442695020e+00, v1  }
0x3fa: {  	(erf) = vrcp.f32 v17  }
0x3fb: {  	(erf) = vpow2.f32 v1;
	_ =	sdelay $0x7  }
0x3fc: {  	v1 =	vpop (erf)  }
0x3fd: {  	v17 =	vpop (erf)  }
0x3fe: {  	v17 =	vadd.f32 $1.000000000e+00, v17;
	_ =	sdelay $0x1  }
0x3ff: {  	(erf) = vrcp.f32 v17;
	_ =	sdelay $0x4  }
0x400: {  	p1 =	por p0, p0  }
.Ltmp5:
0x401: {  	_ = 	snop;
	(pc) =	sbr.rel @p1 .LBB2_12-.Ltmp5, $3  }
0x402: {  	_ =	sdelay $0x1  }
0x403: {  	[tilespmem:s20+$0x12B00] =	vst v1;
	v1 =	vpop (erf)  }
0x404: {  	p0 =	por $0x0, $0x0;
	[tilespmem:s20+$0x12B10] =	vst v1;
	s20 =	simm.s32 $0x20  }
0x405: {  	s0 =	simm.s32 $0x140  }
0x406: {  	[tilespmem:s23], [sflag:$0x3] =	stream.indirect.gather [hbm4b:s1+s13], $0x80, s0, s13, $0xb8;
	[tilespmem:$0x12C80] =	vst v63  }
0x407: {  	s11 =	simm.s32 $0x340  }
0x408: {  	[tilespmem:s25], [sflag:$0x3] =	stream.indirect.gather [hbm4b:s4+s13], $0x80, s11, s13, $0xb8;
	[tilespmem:$0x12C80] =	vst v63  }
0x409: {  	s20 =	simm.s32 $0x540  }
0x40a: {  	[tilespmem:s28], [sflag:$0x3] =	stream.indirect.gather [hbm4b:s1+s13], $0x80, s20, s13, $0xb8;
	[tilespmem:$0x12C80] =	vst v63  }
0x40b: {  	_ =	swait.ge [sflag:s29], $0x2000  }
0x40c: {  	[sflag:s29] =	ssyncset.done $0x0  }
0x40d: {  	[sflag:s29] =	ssyncadd.s32 $0xFFFFE000  }
0x40e: {  	_ =	swait.ge [sflag:s29], $0x2000  }
0x40f: {  	[sflag:s29] =	ssyncset.done $0x0  }
0x410: {  	[sflag:s29] =	ssyncadd.s32 $0xFFFFE000  }
0x411: {  	_ =	swait.ge [sflag:s29], $0x2000  }
0x412: {  	[sflag:s29] =	ssyncset.done $0x0  }
0x413: {  	s11 =	simm.s32 $0x4700;
	[sflag:s29] =	ssyncadd.s32 $0xFFFFE000  }
0x414: {  	v1 =	vld [tilespmem:s11+$0xA0];
	_ =	sdelay $0x3  }
0x415: {  	v22 =	vld [tilespmem:s11+$0x80]  }
0x416: {  	v23 =	vld [tilespmem:s11+$0x90];
	[tilespmem:$0x1FAB0] =	vst v1  }
0x417: {  	s31 =	simm.s32 $0x700;
	v24 =	vld [tilespmem:s11+$0xB0]  }
0x418: {  	s0 =	simm.s32 $0x2700;
	v49 =	vld [tilespmem:s31+$0x80]  }
0x419: {  	v45 =	vld [tilespmem:s0+$0x80]  }
0x41a: {  	v43 =	vld [tilespmem:s31+$0x90]  }
0x41b: {  	v38 =	vld [tilespmem:s0+$0x90]  }
0x41c: {  	v1 =	vld [tilespmem:s31+$0xA0]  }
0x41d: {  	v40 =	vld [tilespmem:s0+$0xA0]  }
0x41e: {  	v42 =	vld [tilespmem:s31+$0xB0]  }
0x41f: {  	v27 =	vld [tilespmem:s0+$0xB0]  }
0x420: {  	v28 =	vld [tilespmem:s31+$0xC0]  }
0x421: {  	v29 =	vld [tilespmem:s0+$0xC0]  }
0x422: {  	v20 =	vld [tilespmem:s31+$0xD0]  }
0x423: {  	v17 =	vld [tilespmem:s11+$0xC0]  }
0x424: {  	v31 =	vld [tilespmem:s0+$0xD0]  }
0x425: {  	v32 =	vld [tilespmem:s31+$0xE0]  }
0x426: {  	v33 =	vld [tilespmem:s0+$0xE0]  }
0x427: {  	v34 =	vld [tilespmem:s31+$0xF0]  }
0x428: {  	v35 =	vld [tilespmem:s0+$0xF0];
	[tilespmem:$0x1FAC0] =	vst v17  }
0x429: {  	v17 =	vld [tilespmem:s11+$0xD0];
	_ =	sdelay $0x4  }
0x42a: {  	[tilespmem:$0x1FAD0] =	vst v17  }
0x42b: {  	v17 =	vld [tilespmem:s0+$0xFFFFFF00];
	_ =	sdelay $0x3  }
0x42c: {  	v25 =	vld [tilespmem:s11+$0xE0]  }
0x42d: {  	v26 =	vld [tilespmem:s11+$0xF0];
	[tilespmem:$0x1FBA0] =	vst v17  }
0x42e: {  	v17 =	vld [tilespmem:s0+$0xFFFFFF10];
	_ =	sdelay $0x4  }
0x42f: {  	v30 =	vld [tilespmem:s31+$0xFFFFFF10];
	[tilespmem:$0x1FAE0] =	vst v17  }
0x430: {  	v17 =	vld [tilespmem:s31+$0xFFFFFF20];
	_ =	sdelay $0x4  }
0x431: {  	[tilespmem:$0x1FAF0] =	vst v17  }
0x432: {  	v17 =	vld [tilespmem:s0+$0xFFFFFF20];
	_ =	sdelay $0x4  }
0x433: {  	[tilespmem:$0x1FB00] =	vst v17  }
0x434: {  	v17 =	vld [tilespmem:s31+$0xFFFFFF30];
	_ =	sdelay $0x4  }
0x435: {  	[tilespmem:$0x1FB10] =	vst v17  }
0x436: {  	v17 =	vld [tilespmem:s0+$0xFFFFFF30];
	_ =	sdelay $0x4  }
0x437: {  	[tilespmem:$0x1FB20] =	vst v17  }
0x438: {  	v17 =	vld [tilespmem:s31+$0xFFFFFF40];
	_ =	sdelay $0x4  }
0x439: {  	[tilespmem:$0x1FB30] =	vst v17  }
0x43a: {  	v17 =	vld [tilespmem:s0+$0xFFFFFF40];
	_ =	sdelay $0x4  }
0x43b: {  	[tilespmem:$0x1FB40] =	vst v17  }
0x43c: {  	v17 =	vld [tilespmem:s31+$0xFFFFFF50];
	_ =	sdelay $0x4  }
0x43d: {  	[tilespmem:$0x1FB50] =	vst v17  }
0x43e: {  	v17 =	vld [tilespmem:s0+$0xFFFFFF50];
	_ =	sdelay $0x4  }
0x43f: {  	[tilespmem:$0x1FB60] =	vst v17  }
0x440: {  	v17 =	vld [tilespmem:s31+$0xFFFFFF60];
	_ =	sdelay $0x4  }
0x441: {  	[tilespmem:$0x1FB70] =	vst v17  }
0x442: {  	v17 =	vld [tilespmem:s0+$0xFFFFFF60];
	_ =	sdelay $0x4  }
0x443: {  	[tilespmem:$0x1FB80] =	vst v17  }
0x444: {  	v17 =	vld [tilespmem:s31+$0xFFFFFF70];
	_ =	sdelay $0x4  }
0x445: {  	[tilespmem:$0x1FB90] =	vst v17  }
0x446: {  	v54 =	vld [tilespmem:s0+$0xFFFFFF70]  }
0x447: {  	v55 =	vld [tilespmem:s31+$0xFFFFFF80]  }
0x448: {  	v56 =	vld [tilespmem:s0+$0xFFFFFF80]  }
0x449: {  	v57 =	vld [tilespmem:s31+$0xFFFFFF90]  }
0x44a: {  	v58 =	vld [tilespmem:s0+$0xFFFFFF90]  }
0x44b: {  	v59 =	vld [tilespmem:s31+$0xFFFFFFA0]  }
0x44c: {  	v60 =	vld [tilespmem:s0+$0xFFFFFFA0]  }
0x44d: {  	v61 =	vld [tilespmem:s31+$0xFFFFFFB0]  }
0x44e: {  	v62 =	vld [tilespmem:s0+$0xFFFFFFB0]  }
0x44f: {  	v63 =	vld [tilespmem:s31+$0xFFFFFFC0]  }
0x450: {  	v36 =	vld [tilespmem:s0+$0xFFFFFFC0]  }
0x451: {  	v50 =	vld [tilespmem:s31+$0xFFFFFFD0]  }
0x452: {  	v46 =	vld [tilespmem:s0+$0xFFFFFFD0]  }
0x453: {  	v39 =	vld [tilespmem:s31+$0xFFFFFFE0]  }
0x454: {  	v17 =	vld [tilespmem:s0+$0xFFFFFFE0]  }
0x455: {  	v52 =	vld [tilespmem:s31+$0xFFFFFFF0]  }
0x456: {  	v48 =	vld [tilespmem:s0+$0xFFFFFFF0]  }
0x457: {  	v37 =	vld [tilespmem:s31+$0x0]  }
0x458: {  	v18 =	vld [tilespmem:s0+$0x0]  }
0x459: {  	v51 =	vld [tilespmem:s31+$0x10]  }
0x45a: {  	v21 =	vld [tilespmem:s31+$0x40]  }
0x45b: {  	v41 =	vld [tilespmem:s0+$0x10]  }
0x45c: {  	v44 =	vld [tilespmem:s31+$0x20]  }
0x45d: {  	v19 =	vld [tilespmem:s0+$0x20]  }
0x45e: {  	v53 =	vld [tilespmem:s31+$0x30]  }
0x45f: {  	v47 =	vld [tilespmem:s0+$0x30];
	[tilespmem:$0x1FBB0] =	vst v21  }
0x460: {  	v21 =	vld [tilespmem:s0+$0x40];
	_ =	sdelay $0x4  }
0x461: {  	[tilespmem:$0x1FBC0] =	vst v21  }
0x462: {  	v40 =	vmul.f32 v40, v1;
	v1 =	vld [tilespmem:s31+$0x60];
	_ =	sdelay $0x3  }
0x463: {  	v38 =	vmul.f32 v38, v43;
	v43 =	vld [tilespmem:s31+$0x50]  }
0x464: {  	v27 =	vmul.f32 v27, v42;
	v42 =	vld [tilespmem:s0+$0x50];
	[tilespmem:$0x1FBD0] =	vst v1  }
0x465: {  	v1 =	vld [tilespmem:s31+$0x70];
	_ =	sdelay $0x2  }
0x466: {  	v28 =	vmul.f32 v29, v28  }
0x467: {  	v29 =	vmul.f32 v31, v20;
	v31 =	vmul.f32 v33, v32;
	v33 =	vld [tilespmem:s0+$0x60]  }
0x468: {  	[tilespmem:$0x1FBE0] =	vst v1;
	v1 =	vld [tilespmem:$0x1FAB0];
	_ =	sdelay $0x4  }
0x469: {  	v40 =	vmul.f32 v1, v40;
	v1 =	vld [tilespmem:s0+$0x70];
	_ =	sdelay $0x4  }
0x46a: {  	[tilespmem:$0x1FBF0] =	vst v1;
	v1 =	vld [tilespmem:$0x1FAC0];
	_ =	sdelay $0x4  }
0x46b: {  	v28 =	vmul.f32 v1, v28;
	v1 =	vld [tilespmem:$0x1FAD0];
	_ =	sdelay $0x4  }
0x46c: {  	v29 =	vmul.f32 v1, v29;
	v1 =	vld [tilespmem:$0x1FAE0];
	_ =	sdelay $0x2  }
0x46d: {  	v45 =	vmul.f32 v45, v49  }
0x46e: {  	v49 =	vmul.f32 v35, v34;
	v20 =	vld [tilespmem:$0x1FB00]  }
0x46f: {  	v34 =	vmul.f32 v22, v45;
	v22 =	vmul.f32 v1, v30;
	v1 =	vld [tilespmem:$0x1FAF0];
	_ =	sdelay $0x1  }
0x470: {  	v27 =	vmul.f32 v24, v27;
	v24 =	vld [tilespmem:$0x1FB60]  }
0x471: {  	v35 =	vmul.f32 v23, v38;
	v38 =	vld [tilespmem:$0x1FB90]  }
0x472: {  	v37 =	vmul.f32 v18, v37;
	v18 =	vld [tilespmem:$0x1FBA0]  }
0x473: {  	v31 =	vmul.f32 v25, v31;
	v25 =	vmul.f32 v20, v1;
	v1 =	vld [tilespmem:$0x1FB10]  }
0x474: {  	v20 =	vld [tilespmem:$0x1FB20]  }
0x475: {  	v45 =	vld [tilespmem:s31+$0xFFFFFF00]  }
0x476: {  	v32 =	vmul.f32 v26, v49;
	v49 =	vld [tilespmem:s11+$0xFFFFFF00]  }
0x477: {  	v21 =	vld [tilespmem:s11+$0xFFFFFF10]  }
0x478: {  	v55 =	vmul.f32 v56, v55;
	v56 =	vld [tilespmem:s11+$0xFFFFFF40]  }
0x479: {  	v23 =	vmul.f32 v20, v1;
	v1 =	vld [tilespmem:$0x1FB30]  }
0x47a: {  	v20 =	vld [tilespmem:$0x1FB40]  }
0x47b: {  	v57 =	vmul.f32 v58, v57;
	v58 =	vmul.f32 v60, v59;
	v59 =	vld [tilespmem:s11+$0xFFFFFF50]  }
0x47c: {  	v60 =	vmul.f32 v62, v61;
	v61 =	vld [tilespmem:s11+$0xFFFFFF60]  }
0x47d: {  	v62 =	vld [tilespmem:s11+$0xFFFFFF70]  }
0x47e: {  	v36 =	vmul.f32 v36, v63;
	v63 =	vld [tilespmem:s11+$0xFFFFFF80]  }
0x47f: {  	v26 =	vmul.f32 v20, v1;
	v1 =	vld [tilespmem:$0x1FB50]  }
0x480: {  	v54 =	vmul.f32 v54, v38;
	v38 =	vld [tilespmem:s11+$0xFFFFFF90]  }
0x481: {  	v27 =	vadd.f32 v27, v40;
	v40 =	vmul.f32 v48, v52;
	v52 =	vld [tilespmem:s11+$0xFFFFFFB0]  }
0x482: {  	v39 =	vmul.f32 v17, v39;
	v17 =	vmul.f32 v47, v53;
	v53 =	vld [tilespmem:s11+$0xFFFFFFC0]  }
0x483: {  	v30 =	vld [tilespmem:$0x1FB80]  }
0x484: {  	v24 =	vmul.f32 v24, v1;
	v1 =	vld [tilespmem:$0x1FB70]  }
0x485: {  	v34 =	vadd.f32 v35, v34;
	v35 =	vmul.f32 v46, v50;
	v50 =	vmul.f32 v18, v45;
	v18 =	vld [tilespmem:$0x1FBB0]  }
0x486: {  	v20 =	vld [tilespmem:s11+$0xFFFFFF20]  }
0x487: {  	v27 =	vadd.f32 v27, v34;
	v34 =	vmul.f32 v52, v60;
	v60 =	vld [tilespmem:s11+$0x20]  }
0x488: {  	v28 =	vadd.f32 v29, v28;
	v29 =	vmul.f32 v41, v51;
	v51 =	vld [tilespmem:s11+$0xFFFFFFA0]  }
0x489: {  	v31 =	vadd.f32 v32, v31;
	v30 =	vmul.f32 v30, v1;
	v1 =	vld [tilespmem:s11+$0xFFFFFF30]  }
0x48a: {  	v41 =	vmul.f32 v19, v44;
	v19 =	vld [tilespmem:$0x1FBC0]  }
0x48b: {  	v28 =	vadd.f32 v31, v28;
	v31 =	vmul.f32 v49, v50;
	v20 =	vmul.f32 v20, v25;
	v25 =	vld [tilespmem:s11+$0xFFFFFFD0]  }
0x48c: {  	v21 =	vmul.f32 v21, v22;
	v22 =	vmul.f32 v56, v26;
	v26 =	vld [tilespmem:s11+$0xFFFFFFE0]  }
0x48d: {  	v27 =	vadd.f32 v28, v27;
	v56 =	vld [tilespmem:s11+$0x0];
	v28 =	vmul.f32 v61, v30;
	v30 =	vmul.f32 v62, v54  }
0x48e: {  	v1 =	vmul.f32 v1, v23;
	v23 =	vmul.f32 v59, v24;
	v24 =	vadd.f32 v21, v31;
	v31 =	vld [tilespmem:s11+$0xFFFFFFF0]  }
0x48f: {  	v18 =	vmul.f32 v19, v18;
	v19 =	vmul.f32 v42, v43;
	v21 =	vld [tilespmem:$0x1FBD0]  }
0x490: {  	v62 =	vmul.f32 v25, v35;
	v28 =	vadd.f32 v30, v28;
	v59 =	vld [tilespmem:s11+$0x10];
	v1 =	vadd.f32 v1, v20  }
0x491: {  	v61 =	vld [tilespmem:$0x1FBF0];
	v30 =	vmul.f32 v38, v57;
	v20 =	vadd.f32 v23, v22;
	v23 =	vmul.f32 v63, v55  }
0x492: {  	v22 =	vld [tilespmem:$0x1FBE0];
	v63 =	vmul.f32 v26, v39;
	v1 =	vadd.f32 v1, v24;
	v24 =	vmul.f32 v51, v58  }
0x493: {  	v20 =	vadd.f32 v28, v20;
	v28 =	vadd.f32 v30, v23;
	v23 =	vld [tilespmem:s11+$0x30];
	v30 =	vmul.f32 v53, v36  }
0x494: {  	v21 =	vmul.f32 v33, v21;
	v31 =	vmul.f32 v31, v40;
	v34 =	vadd.f32 v34, v24;
	v24 =	vld [tilespmem:s11+$0x40]  }
0x495: {  	s3 =	simm.s32 $0x12622;
	v25 =	vld [tilespmem:s11+$0x50];
	v32 =	vmul.f32 v59, v29;
	v1 =	vadd.f32 v20, v1;
	v26 =	vadd.f32 v62, v30  }
0x496: {  	[tilespmem:s3+$0x11] =	vst v27;
	v27 =	vld [tilespmem:s11+$0x60];
	v31 =	vadd.f32 v31, v63;
	v20 =	vadd.f32 v34, v28;
	v28 =	vmul.f32 v56, v37  }
0x497: {  	s10 =	simm.s32 $0x0;
	v29 =	vld [tilespmem:s11+$0x70];
	v30 =	vmul.f32 v60, v41;
	s11 =	simm.s32 $0x4900;
	v22 =	vmul.f32 v61, v22;
	[tilespmem:s3+$0xFFFFFFDE] =	vst v1  }
.LBB2_14:
0x498: {  	v1 =	vld [tilespmem:s11+$0x80];
	v26 =	vadd.f32 v31, v26;
	v17 =	vmul.f32 v23, v17;
	v23 =	vadd.f32 v32, v28  }
0x499: {  	v28 =	vld [tilespmem:s11+$0x90];
	v18 =	vmul.f32 v24, v18  }
0x49a: {  	v24 =	vld [tilespmem:s11+$0xA0];
	v20 =	vadd.f32 v26, v20;
	v19 =	vmul.f32 v25, v19;
	v17 =	vadd.f32 v17, v30  }
0x49b: {  	s31 =	sadd.s32 $0x200, s31;
	v25 =	vld [tilespmem:s11+$0xB0];
	v21 =	vmul.f32 v27, v21  }
0x49c: {  	s0 =	sadd.s32 $0x200, s0;
	v26 =	vld [tilespmem:s31+$0x80];
	[tilespmem:s3+$0xFFFFFFEF] =	vst v20;
	v20 =	vmul.f32 v29, v22;
	v17 =	vadd.f32 v17, v23;
	v18 =	vadd.f32 v19, v18  }
0x49d: {  	v19 =	vld [tilespmem:s0+$0x80]  }
0x49e: {  	v22 =	vld [tilespmem:s31+$0x90];
	v20 =	vadd.f32 v20, v21  }
0x49f: {  	v21 =	vld [tilespmem:s0+$0x90]  }
0x4a0: {  	v23 =	vld [tilespmem:s31+$0xA0];
	v18 =	vadd.f32 v20, v18  }
0x4a1: {  	v20 =	vld [tilespmem:s0+$0xA0]  }
0x4a2: {  	v27 =	vld [tilespmem:s31+$0xB0];
	v17 =	vadd.f32 v18, v17  }
0x4a3: {  	v18 =	vld [tilespmem:s0+$0xB0]  }
0x4a4: {  	v29 =	vld [tilespmem:s31+$0xC0];
	[tilespmem:s3+$0x0] =	vst v17  }
0x4a5: {  	v17 =	vld [tilespmem:s0+$0xC0]  }
0x4a6: {  	v30 =	vld [tilespmem:s31+$0xD0]  }
0x4a7: {  	v31 =	vld [tilespmem:s0+$0xD0]  }
0x4a8: {  	v32 =	vld [tilespmem:s31+$0xE0]  }
0x4a9: {  	v33 =	vld [tilespmem:s0+$0xE0]  }
0x4aa: {  	v34 =	vld [tilespmem:s31+$0xF0]  }
0x4ab: {  	v35 =	vld [tilespmem:s0+$0xF0]  }
0x4ac: {  	v36 =	vld [tilespmem:s11+$0xC0]  }
0x4ad: {  	s10 =	sadd.s32 $0x4, s10;
	v19 =	vmul.f32 v19, v26;
	v21 =	vmul.f32 v21, v22;
	v22 =	vld [tilespmem:s11+$0xD0]  }
0x4ae: {  	p1 =	slt.u32 s10, $0x3C;
	v23 =	vmul.f32 v20, v23;
	v18 =	vmul.f32 v18, v27;
	v26 =	vld [tilespmem:s11+$0xE0]  }
0x4af: {  	v17 =	vmul.f32 v17, v29;
	v27 =	vmul.f32 v31, v30;
	v29 =	vld [tilespmem:s11+$0xF0]  }
0x4b0: {  	v30 =	vmul.f32 v33, v32;
	v20 =	vld [tilespmem:s0+$0xFFFFFF00];
	v31 =	vmul.f32 v35, v34  }
0x4b1: {  	v1 =	vmul.f32 v1, v19;
	v19 =	vmul.f32 v28, v21;
	v32 =	vld [tilespmem:s31+$0xFFFFFF10]  }
0x4b2: {  	v23 =	vmul.f32 v24, v23;
	v18 =	vmul.f32 v25, v18;
	v21 =	vld [tilespmem:s0+$0xFFFFFF10]  }
0x4b3: {  	v17 =	vmul.f32 v36, v17;
	v22 =	vmul.f32 v22, v27;
	v24 =	vld [tilespmem:s31+$0xFFFFFF20]  }
0x4b4: {  	v26 =	vmul.f32 v26, v30;
	v25 =	vld [tilespmem:s0+$0xFFFFFF20];
	v27 =	vmul.f32 v29, v31  }
0x4b5: {  	v1 =	vadd.f32 v19, v1;
	v18 =	vadd.f32 v18, v23;
	v28 =	vld [tilespmem:s31+$0xFFFFFF30]  }
0x4b6: {  	v17 =	vadd.f32 v22, v17;
	v19 =	vld [tilespmem:s0+$0xFFFFFF30];
	v22 =	vadd.f32 v27, v26  }
0x4b7: {  	v23 =	vmul.f32 v21, v32;
	v21 =	vld [tilespmem:s31+$0xFFFFFF40]  }
0x4b8: {  	v1 =	vadd.f32 v18, v1;
	v26 =	vld [tilespmem:s0+$0xFFFFFF40];
	v17 =	vadd.f32 v22, v17  }
0x4b9: {  	v24 =	vmul.f32 v25, v24;
	v18 =	vld [tilespmem:s31+$0xFFFFFF50]  }
0x4ba: {  	v22 =	vld [tilespmem:s0+$0xFFFFFF50];
	v1 =	vadd.f32 v17, v1  }
0x4bb: {  	s3 =	sadd.s32 $0x44, s3;
	v25 =	vmul.f32 v19, v28;
	v17 =	vld [tilespmem:s31+$0xFFFFFF60]  }
0x4bc: {  	s20 =	simm.s32 $0x0;
	p0 =	por $0x1, $0x1;
	v19 =	vld [tilespmem:s0+$0xFFFFFF60];
	[tilespmem:s3+$0x11] =	vst v1  }
0x4bd: {  	v1 =	vmul.f32 v26, v21;
	v21 =	vld [tilespmem:s31+$0xFFFFFF70]  }
0x4be: {  	v26 =	vld [tilespmem:s0+$0xFFFFFF70]  }
0x4bf: {  	v27 =	vmul.f32 v22, v18;
	v18 =	vld [tilespmem:s31+$0xFFFFFF80]  }
0x4c0: {  	v22 =	vld [tilespmem:s0+$0xFFFFFF80]  }
0x4c1: {  	v28 =	vmul.f32 v19, v17;
	v17 =	vld [tilespmem:s31+$0xFFFFFF90]  }
0x4c2: {  	v19 =	vld [tilespmem:s0+$0xFFFFFF90]  }
0x4c3: {  	v26 =	vmul.f32 v26, v21;
	v21 =	vld [tilespmem:s31+$0xFFFFFFA0]  }
0x4c4: {  	v29 =	vld [tilespmem:s0+$0xFFFFFFA0]  }
0x4c5: {  	v30 =	vmul.f32 v22, v18;
	v18 =	vld [tilespmem:s31+$0xFFFFFFB0]  }
0x4c6: {  	v22 =	vld [tilespmem:s0+$0xFFFFFFB0]  }
0x4c7: {  	v31 =	vmul.f32 v19, v17;
	v17 =	vld [tilespmem:s31+$0xFFFFFFC0]  }
0x4c8: {  	v19 =	vld [tilespmem:s0+$0xFFFFFFC0]  }
0x4c9: {  	v29 =	vmul.f32 v29, v21;
	v21 =	vld [tilespmem:s31+$0xFFFFFFD0]  }
0x4ca: {  	v32 =	vld [tilespmem:s0+$0xFFFFFFD0]  }
0x4cb: {  	v33 =	vmul.f32 v22, v18;
	v18 =	vld [tilespmem:s31+$0xFFFFFFE0]  }
0x4cc: {  	v22 =	vld [tilespmem:s0+$0xFFFFFFE0]  }
0x4cd: {  	v34 =	vmul.f32 v19, v17;
	v17 =	vld [tilespmem:s31+$0xFFFFFFF0]  }
0x4ce: {  	v19 =	vld [tilespmem:s0+$0xFFFFFFF0]  }
0x4cf: {  	v32 =	vmul.f32 v32, v21;
	v21 =	vld [tilespmem:s31+$0x0]  }
0x4d0: {  	v35 =	vld [tilespmem:s0+$0x0]  }
0x4d1: {  	v36 =	vmul.f32 v22, v18;
	v18 =	vld [tilespmem:s31+$0x10]  }
0x4d2: {  	v22 =	vld [tilespmem:s0+$0x10]  }
0x4d3: {  	v37 =	vmul.f32 v19, v17;
	v17 =	vld [tilespmem:s31+$0x20]  }
0x4d4: {  	v19 =	vld [tilespmem:s0+$0x20]  }
0x4d5: {  	v35 =	vmul.f32 v35, v21;
	v21 =	vld [tilespmem:s31+$0x30]  }
0x4d6: {  	v38 =	vld [tilespmem:s0+$0x30]  }
0x4d7: {  	v39 =	vmul.f32 v22, v18;
	v18 =	vld [tilespmem:s31+$0x40]  }
0x4d8: {  	v22 =	vld [tilespmem:s0+$0x40]  }
0x4d9: {  	v40 =	vmul.f32 v19, v17;
	v19 =	vld [tilespmem:s31+$0x50]  }
0x4da: {  	v41 =	vld [tilespmem:s0+$0x50]  }
0x4db: {  	v17 =	vmul.f32 v38, v21;
	v21 =	vld [tilespmem:s31+$0x60]  }
0x4dc: {  	v38 =	vld [tilespmem:s0+$0x60]  }
0x4dd: {  	v18 =	vmul.f32 v22, v18;
	v22 =	vld [tilespmem:s31+$0x70]  }
0x4de: {  	v42 =	vld [tilespmem:s0+$0x70]  }
0x4df: {  	v43 =	vld [tilespmem:s31+$0xFFFFFF00];
	v19 =	vmul.f32 v41, v19  }
0x4e0: {  	v41 =	vld [tilespmem:s11+$0xFFFFFF00]  }
0x4e1: {  	v44 =	vld [tilespmem:s11+$0xFFFFFF10];
	v21 =	vmul.f32 v38, v21  }
0x4e2: {  	v38 =	vld [tilespmem:s11+$0xFFFFFF20]  }
0x4e3: {  	v45 =	vld [tilespmem:s11+$0xFFFFFF30];
	v22 =	vmul.f32 v42, v22  }
0x4e4: {  	v20 =	vmul.f32 v20, v43;
	v42 =	vld [tilespmem:s11+$0xFFFFFF40]  }
0x4e5: {  	v43 =	vld [tilespmem:s11+$0xFFFFFF50]  }
0x4e6: {  	v20 =	vmul.f32 v41, v20;
	v23 =	vmul.f32 v44, v23;
	v41 =	vld [tilespmem:s11+$0xFFFFFF60]  }
0x4e7: {  	v24 =	vmul.f32 v38, v24;
	v38 =	vld [tilespmem:s11+$0xFFFFFF70]  }
0x4e8: {  	v25 =	vmul.f32 v45, v25;
	v20 =	vadd.f32 v23, v20;
	v23 =	vld [tilespmem:s11+$0xFFFFFF80]  }
0x4e9: {  	v1 =	vmul.f32 v42, v1;
	v42 =	vld [tilespmem:s11+$0xFFFFFF90]  }
0x4ea: {  	v27 =	vmul.f32 v43, v27;
	v24 =	vadd.f32 v25, v24;
	v25 =	vld [tilespmem:s11+$0xFFFFFFA0]  }
0x4eb: {  	v28 =	vmul.f32 v41, v28;
	v41 =	vld [tilespmem:s11+$0xFFFFFFB0]  }
0x4ec: {  	v26 =	vmul.f32 v38, v26;
	v20 =	vadd.f32 v24, v20;
	v1 =	vadd.f32 v27, v1;
	v24 =	vld [tilespmem:s11+$0xFFFFFFC0]  }
0x4ed: {  	v23 =	vmul.f32 v23, v30;
	v27 =	vld [tilespmem:s11+$0xFFFFFFD0]  }
0x4ee: {  	v26 =	vadd.f32 v26, v28;
	v28 =	vmul.f32 v42, v31;
	v30 =	vld [tilespmem:s11+$0xFFFFFFE0]  }
0x4ef: {  	v25 =	vmul.f32 v25, v29;
	v29 =	vld [tilespmem:s11+$0xFFFFFFF0]  }
0x4f0: {  	v1 =	vadd.f32 v26, v1;
	v26 =	vmul.f32 v41, v33;
	v28 =	vadd.f32 v28, v23;
	v31 =	vld [tilespmem:s11+$0x0]  }
0x4f1: {  	v24 =	vmul.f32 v24, v34;
	v33 =	vld [tilespmem:s11+$0x10]  }
0x4f2: {  	v1 =	vadd.f32 v1, v20;
	v27 =	vmul.f32 v27, v32;
	v20 =	vadd.f32 v26, v25;
	v34 =	vld [tilespmem:s11+$0x20]  }
.Ltmp6:
0x4f3: {  	v30 =	vmul.f32 v30, v36;
	v23 =	vld [tilespmem:s11+$0x30];
	(pc) =	sbr.rel @p1 .LBB2_14-.Ltmp6, $4  }
0x4f4: {  	[tilespmem:s3+$0xFFFFFFDE] =	vst v1;
	v1 =	vmul.f32 v29, v37;
	v20 =	vadd.f32 v20, v28;
	v26 =	vadd.f32 v27, v24;
	v24 =	vld [tilespmem:s11+$0x40]  }
0x4f5: {  	v28 =	vmul.f32 v31, v35;
	v25 =	vld [tilespmem:s11+$0x50]  }
0x4f6: {  	v31 =	vadd.f32 v1, v30;
	v32 =	vmul.f32 v33, v39;
	v27 =	vld [tilespmem:s11+$0x60]  }
0x4f7: {  	v30 =	vmul.f32 v34, v40;
	v29 =	vld [tilespmem:s11+$0x70];
	s11 =	sadd.s32 $0x200, s11  }
0x4f8: {  	_ =	sdelay $0x1  }
0x4f9: {  	v1 =	vmul.f32 v23, v17  }
0x4fa: {  	v17 =	vmul.f32 v24, v18;
	v18 =	vmul.f32 v25, v19  }
0x4fb: {  	v19 =	vmul.f32 v27, v21;
	v62 =	vmul.f32 v29, v22  }
0x4fc: {  	v63 =	vadd.f32 v32, v28;
	v1 =	vadd.f32 v1, v30  }
0x4fd: {  	v17 =	vadd.f32 v18, v17;
	v18 =	vadd.f32 v62, v19  }
0x4fe: {  	v19 =	vadd.f32 v31, v26  }
0x4ff: {  	v1 =	vadd.f32 v1, v63;
	v17 =	vadd.f32 v18, v17  }
0x500: {  	v18 =	vadd.f32 v19, v20  }
0x501: {  	v1 =	vadd.f32 v17, v1  }
0x502: {  	[tilespmem:s3+$0xFFFFFFEF] =	vst v18  }
0x503: {  	[tilespmem:s3+$0x0] =	vst v1  }
.LBB2_16:
0x504: {  	v1 =	vmov s20  }
0x505: {  	v1 =	vmul.u32 $0x11, v1;
	_ =	sdelay $0x1  }
0x506: {  	v1 =	vbroadcast v1, $0x0;
	_ =	sdelay $0x1  }
0x507: {  	v17 =	vadd.s32 v0, v1  }
0x508: {  	v18 =	vadd.s32 v2, v1  }
0x509: {  	v19 =	vadd.s32 v3, v1  }
0x50a: {  	v20 =	vadd.s32 v4, v1  }
0x50b: {  	v21 =	vadd.s32 v5, v1  }
0x50c: {  	v22 =	vadd.s32 v6, v1;
	v17 =	vld.idx.msk [tilespmem:v17+s30+$0x0], $0xffff  }
0x50d: {  	v23 =	vadd.s32 v7, v1;
	v18 =	vld.idx.msk [tilespmem:v18+s30+$0x0], $0xffff  }
0x50e: {  	v24 =	vadd.s32 v8, v1;
	v19 =	vld.idx.msk [tilespmem:v19+s30+$0x0], $0xffff  }
0x50f: {  	v25 =	vadd.s32 v9, v1;
	v20 =	vld.idx.msk [tilespmem:v20+s30+$0x0], $0xffff  }
0x510: {  	v26 =	vadd.s32 v10, v1;
	v21 =	vld.idx.msk [tilespmem:v21+s30+$0x0], $0xffff  }
0x511: {  	s0 =	sor.u32 $0x10, s20;
	v27 =	vadd.s32 v11, v1;
	v22 =	vld.idx.msk [tilespmem:v22+s30+$0x0], $0xffff  }
0x512: {  	v29 =	vmov s0;
	v28 =	vadd.s32 v12, v1;
	v23 =	vld.idx.msk [tilespmem:v23+s30+$0x0], $0xffff  }
0x513: {  	v29 =	vmul.u32 $0x11, v29;
	v30 =	vadd.s32 v13, v1;
	v24 =	vld.idx.msk [tilespmem:v24+s30+$0x0], $0xffff  }
0x514: {  	v31 =	vadd.s32 v14, v1;
	v25 =	vld.idx.msk [tilespmem:v25+s30+$0x0], $0xffff  }
0x515: {  	v29 =	vbroadcast v29, $0x0;
	v32 =	vadd.s32 v15, v1;
	v26 =	vld.idx.msk [tilespmem:v26+s30+$0x0], $0xffff  }
0x516: {  	v1 =	vadd.s32 v16, v1;
	v27 =	vld.idx.msk [tilespmem:v27+s30+$0x0], $0xffff  }
0x517: {  	v33 =	vadd.s32 v0, v29;
	v28 =	vld.idx.msk [tilespmem:v28+s30+$0x0], $0xffff  }
0x518: {  	v34 =	vadd.s32 v2, v29;
	v30 =	vld.idx.msk [tilespmem:v30+s30+$0x0], $0xffff  }
0x519: {  	v35 =	vadd.s32 v3, v29;
	v31 =	vld.idx.msk [tilespmem:v31+s30+$0x0], $0xffff  }
0x51a: {  	v36 =	vadd.s32 v4, v29;
	v32 =	vld.idx.msk [tilespmem:v32+s30+$0x0], $0xffff  }
0x51b: {  	v37 =	vadd.s32 v5, v29;
	v1 =	vld.idx.msk [tilespmem:v1+s30+$0x0], $0xffff  }
0x51c: {  	v38 =	vadd.s32 v6, v29;
	v33 =	vld.idx.msk [tilespmem:v33+s30+$0x0], $0xffff;
	v17 =	vadd.f32 $0.0e+00, v17;
	v18 =	vadd.f32 $0.0e+00, v18  }
0x51d: {  	v46 =	vadd.s32 v7, v29;
	v45 =	vld.idx.msk [tilespmem:v34+s30+$0x0], $0xffff;
	v19 =	vadd.f32 $0.0e+00, v19;
	v20 =	vadd.f32 $0.0e+00, v20  }
0x51e: {  	v52 =	vadd.s32 v10, v29;
	v47 =	vld.idx.msk [tilespmem:v35+s30+$0x0], $0xffff;
	v17 =	vadd.f32 v21, v17;
	v18 =	vadd.f32 v22, v18  }
0x51f: {  	v57 =	vadd.s32 v13, v29;
	v49 =	vld.idx.msk [tilespmem:v36+s30+$0x0], $0xffff;
	v19 =	vadd.f32 v23, v19;
	v20 =	vadd.f32 v24, v20  }
0x520: {  	v48 =	vadd.s32 v8, v29;
	v51 =	vld.idx.msk [tilespmem:v37+s30+$0x0], $0xffff;
	v17 =	vadd.f32 v25, v17;
	v18 =	vadd.f32 v26, v18  }
0x521: {  	v56 =	vadd.s32 v12, v29;
	v53 =	vld.idx.msk [tilespmem:v38+s30+$0x0], $0xffff;
	v19 =	vadd.f32 v27, v19;
	v20 =	vadd.f32 v28, v20  }
0x522: {  	v50 =	vadd.s32 v9, v29;
	v55 =	vld.idx.msk [tilespmem:v46+s30+$0x0], $0xffff;
	v17 =	vadd.f32 v30, v17;
	v18 =	vadd.f32 v31, v18  }
0x523: {  	v54 =	vadd.s32 v11, v29;
	v58 =	vld.idx.msk [tilespmem:v52+s30+$0x0], $0xffff;
	v19 =	vadd.f32 v32, v19;
	v1 =	vadd.f32 v1, v20  }
0x524: {  	v59 =	vadd.s32 v15, v29;
	v60 =	vld.idx.msk [tilespmem:v57+s30+$0x0], $0xffff  }
0x525: {  	v24 =	vld.idx.msk [tilespmem:v48+s30+$0x0], $0xffff;
	v17 =	vadd.f32 v18, v17;
	v1 =	vadd.f32 v1, v19;
	v19 =	vadd.s32 v14, v29  }
0x526: {  	v22 =	vld.idx.msk [tilespmem:v56+s30+$0x0], $0xffff;
	v29 =	vadd.s32 v16, v29  }
0x527: {  	v18 =	vld.idx.msk [tilespmem:v50+s30+$0x0], $0xffff;
	v1 =	vadd.f32 v1, v17  }
0x528: {  	v61 =	vadd.f32 $0.0e+00, v33;
	v17 =	vld.idx.msk [tilespmem:v54+s30+$0x0], $0xffff  }
0x529: {  	v23 =	vadd.f32 $0.0e+00, v47;
	v28 =	vld.idx.msk [tilespmem:v59+s30+$0x0], $0xffff;
	v1 =	vsub.f32 $0.0e+00, v1  }
0x52a: {  	v21 =	vadd.f32 $0.0e+00, v45;
	v25 =	vadd.f32 $0.0e+00, v49;
	v19 =	vld.idx.msk [tilespmem:v19+s30+$0x0], $0xffff  }
0x52b: {  	v27 =	vadd.f32 v51, v61;
	v20 =	vadd.f32 v55, v23;
	v29 =	vld.idx.msk [tilespmem:v29+s30+$0x0], $0xffff;
	v1 =	vmul.f32 $1.442695020e+00, v1  }
0x52c: {  	v21 =	vadd.f32 v53, v21;
	v62 =	vadd.f32 v24, v25  }
0x52d: {  	v17 =	vadd.f32 v17, v20;
	(erf) = vpow2.f32 v1;
	v1 =	vadd.f32 v18, v27  }
0x52e: {  	v63 =	vadd.f32 v22, v62;
	v18 =	vadd.f32 v58, v21  }
0x52f: {  	v17 =	vadd.f32 v28, v17;
	v1 =	vadd.f32 v60, v1  }
0x530: {  	v18 =	vadd.f32 v19, v18;
	v19 =	vadd.f32 v29, v63;
	_ =	sdelay $0x1  }
0x531: {  	v1 =	vadd.f32 v18, v1;
	v17 =	vadd.f32 v19, v17;
	_ =	sdelay $0x1  }
0x532: {  	v1 =	vadd.f32 v17, v1;
	_ =	sdelay $0x1  }
0x533: {  	v1 =	vsub.f32 $0.0e+00, v1;
	v17 =	vpop (erf)  }
0x534: {  	v17 =	vadd.f32 $1.000000000e+00, v17  }
0x535: {  	v1 =	vmul.f32 $1.442695020e+00, v1  }
0x536: {  	(erf) = vrcp.f32 v17  }
0x537: {  	(erf) = vpow2.f32 v1;
	_ =	sdelay $0x7  }
0x538: {  	v1 =	vpop (erf)  }
0x539: {  	v17 =	vpop (erf)  }
0x53a: {  	v17 =	vadd.f32 $1.000000000e+00, v17;
	_ =	sdelay $0x1  }
0x53b: {  	(erf) = vrcp.f32 v17;
	_ =	sdelay $0x4  }
0x53c: {  	p1 =	por p0, p0  }
.Ltmp7:
0x53d: {  	_ = 	snop;
	(pc) =	sbr.rel @p1 .LBB2_16-.Ltmp7, $3  }
0x53e: {  	_ =	sdelay $0x1  }
0x53f: {  	[tilespmem:s20+$0x12B40] =	vst v1;
	v1 =	vpop (erf)  }
0x540: {  	p0 =	por $0x0, $0x0;
	[tilespmem:s20+$0x12B50] =	vst v1;
	s20 =	simm.s32 $0x20  }
0x541: {  	s0 =	simm.s32 $0x180  }
0x542: {  	[tilespmem:s14], [sflag:$0x1] =	stream.indirect.gather [hbm4b:s1+s13], $0x80, s0, s13, $0xb8;
	[tilespmem:$0x12C80] =	vst v63  }
0x543: {  	s11 =	simm.s32 $0x380  }
0x544: {  	[tilespmem:s15], [sflag:$0x1] =	stream.indirect.gather [hbm4b:s4+s13], $0x80, s11, s13, $0xb8;
	[tilespmem:$0x12C80] =	vst v63  }
0x545: {  	s20 =	simm.s32 $0x580  }
0x546: {  	[tilespmem:s16], [sflag:$0x1] =	stream.indirect.gather [hbm4b:s1+s13], $0x80, s20, s13, $0xb8;
	[tilespmem:$0x12C80] =	vst v63  }
0x547: {  	_ =	swait.ge [sflag:s18], $0x2000  }
0x548: {  	[sflag:s18] =	ssyncset.done $0x0  }
0x549: {  	[sflag:s18] =	ssyncadd.s32 $0xFFFFE000  }
0x54a: {  	_ =	swait.ge [sflag:s18], $0x2000  }
0x54b: {  	[sflag:s18] =	ssyncset.done $0x0  }
0x54c: {  	[sflag:s18] =	ssyncadd.s32 $0xFFFFE000  }
0x54d: {  	_ =	swait.ge [sflag:s18], $0x2000  }
0x54e: {  	[sflag:s18] =	ssyncset.done $0x0  }
0x54f: {  	s11 =	simm.s32 $0xA700;
	[sflag:s18] =	ssyncadd.s32 $0xFFFFE000  }
0x550: {  	v1 =	vld [tilespmem:s11+$0xA0];
	_ =	sdelay $0x3  }
0x551: {  	v22 =	vld [tilespmem:s11+$0x80]  }
0x552: {  	v23 =	vld [tilespmem:s11+$0x90];
	[tilespmem:$0x1F960] =	vst v1  }
0x553: {  	s31 =	simm.s32 $0x6700;
	v24 =	vld [tilespmem:s11+$0xB0]  }
0x554: {  	s0 =	simm.s32 $0x8700;
	v49 =	vld [tilespmem:s31+$0x80]  }
0x555: {  	v45 =	vld [tilespmem:s0+$0x80]  }
0x556: {  	v43 =	vld [tilespmem:s31+$0x90]  }
0x557: {  	v38 =	vld [tilespmem:s0+$0x90]  }
0x558: {  	v1 =	vld [tilespmem:s31+$0xA0]  }
0x559: {  	v40 =	vld [tilespmem:s0+$0xA0]  }
0x55a: {  	v42 =	vld [tilespmem:s31+$0xB0]  }
0x55b: {  	v27 =	vld [tilespmem:s0+$0xB0]  }
0x55c: {  	v28 =	vld [tilespmem:s31+$0xC0]  }
0x55d: {  	v29 =	vld [tilespmem:s0+$0xC0]  }
0x55e: {  	v20 =	vld [tilespmem:s31+$0xD0]  }
0x55f: {  	v17 =	vld [tilespmem:s11+$0xC0]  }
0x560: {  	v31 =	vld [tilespmem:s0+$0xD0]  }
0x561: {  	v32 =	vld [tilespmem:s31+$0xE0]  }
0x562: {  	v33 =	vld [tilespmem:s0+$0xE0]  }
0x563: {  	v34 =	vld [tilespmem:s31+$0xF0]  }
0x564: {  	v35 =	vld [tilespmem:s0+$0xF0];
	[tilespmem:$0x1F970] =	vst v17  }
0x565: {  	v17 =	vld [tilespmem:s11+$0xD0];
	_ =	sdelay $0x4  }
0x566: {  	[tilespmem:$0x1F980] =	vst v17  }
0x567: {  	v17 =	vld [tilespmem:s0+$0xFFFFFF00];
	_ =	sdelay $0x3  }
0x568: {  	v25 =	vld [tilespmem:s11+$0xE0]  }
0x569: {  	v26 =	vld [tilespmem:s11+$0xF0];
	[tilespmem:$0x1FA50] =	vst v17  }
0x56a: {  	v17 =	vld [tilespmem:s0+$0xFFFFFF10];
	_ =	sdelay $0x4  }
0x56b: {  	v30 =	vld [tilespmem:s31+$0xFFFFFF10];
	[tilespmem:$0x1F990] =	vst v17  }
0x56c: {  	v17 =	vld [tilespmem:s31+$0xFFFFFF20];
	_ =	sdelay $0x4  }
0x56d: {  	[tilespmem:$0x1F9A0] =	vst v17  }
0x56e: {  	v17 =	vld [tilespmem:s0+$0xFFFFFF20];
	_ =	sdelay $0x4  }
0x56f: {  	[tilespmem:$0x1F9B0] =	vst v17  }
0x570: {  	v17 =	vld [tilespmem:s31+$0xFFFFFF30];
	_ =	sdelay $0x4  }
0x571: {  	[tilespmem:$0x1F9C0] =	vst v17  }
0x572: {  	v17 =	vld [tilespmem:s0+$0xFFFFFF30];
	_ =	sdelay $0x4  }
0x573: {  	[tilespmem:$0x1F9D0] =	vst v17  }
0x574: {  	v17 =	vld [tilespmem:s31+$0xFFFFFF40];
	_ =	sdelay $0x4  }
0x575: {  	[tilespmem:$0x1F9E0] =	vst v17  }
0x576: {  	v17 =	vld [tilespmem:s0+$0xFFFFFF40];
	_ =	sdelay $0x4  }
0x577: {  	[tilespmem:$0x1F9F0] =	vst v17  }
0x578: {  	v17 =	vld [tilespmem:s31+$0xFFFFFF50];
	_ =	sdelay $0x4  }
0x579: {  	[tilespmem:$0x1FA00] =	vst v17  }
0x57a: {  	v17 =	vld [tilespmem:s0+$0xFFFFFF50];
	_ =	sdelay $0x4  }
0x57b: {  	[tilespmem:$0x1FA10] =	vst v17  }
0x57c: {  	v17 =	vld [tilespmem:s31+$0xFFFFFF60];
	_ =	sdelay $0x4  }
0x57d: {  	[tilespmem:$0x1FA20] =	vst v17  }
0x57e: {  	v17 =	vld [tilespmem:s0+$0xFFFFFF60];
	_ =	sdelay $0x4  }
0x57f: {  	[tilespmem:$0x1FA30] =	vst v17  }
0x580: {  	v17 =	vld [tilespmem:s31+$0xFFFFFF70];
	_ =	sdelay $0x4  }
0x581: {  	[tilespmem:$0x1FA40] =	vst v17  }
0x582: {  	v54 =	vld [tilespmem:s0+$0xFFFFFF70]  }
0x583: {  	v55 =	vld [tilespmem:s31+$0xFFFFFF80]  }
0x584: {  	v56 =	vld [tilespmem:s0+$0xFFFFFF80]  }
0x585: {  	v57 =	vld [tilespmem:s31+$0xFFFFFF90]  }
0x586: {  	v58 =	vld [tilespmem:s0+$0xFFFFFF90]  }
0x587: {  	v59 =	vld [tilespmem:s31+$0xFFFFFFA0]  }
0x588: {  	v60 =	vld [tilespmem:s0+$0xFFFFFFA0]  }
0x589: {  	v61 =	vld [tilespmem:s31+$0xFFFFFFB0]  }
0x58a: {  	v62 =	vld [tilespmem:s0+$0xFFFFFFB0]  }
0x58b: {  	v63 =	vld [tilespmem:s31+$0xFFFFFFC0]  }
0x58c: {  	v36 =	vld [tilespmem:s0+$0xFFFFFFC0]  }
0x58d: {  	v50 =	vld [tilespmem:s31+$0xFFFFFFD0]  }
0x58e: {  	v46 =	vld [tilespmem:s0+$0xFFFFFFD0]  }
0x58f: {  	v39 =	vld [tilespmem:s31+$0xFFFFFFE0]  }
0x590: {  	v17 =	vld [tilespmem:s0+$0xFFFFFFE0]  }
0x591: {  	v52 =	vld [tilespmem:s31+$0xFFFFFFF0]  }
0x592: {  	v48 =	vld [tilespmem:s0+$0xFFFFFFF0]  }
0x593: {  	v37 =	vld [tilespmem:s31+$0x0]  }
0x594: {  	v18 =	vld [tilespmem:s0+$0x0]  }
0x595: {  	v51 =	vld [tilespmem:s31+$0x10]  }
0x596: {  	v21 =	vld [tilespmem:s31+$0x40]  }
0x597: {  	v41 =	vld [tilespmem:s0+$0x10]  }
0x598: {  	v44 =	vld [tilespmem:s31+$0x20]  }
0x599: {  	v19 =	vld [tilespmem:s0+$0x20]  }
0x59a: {  	v53 =	vld [tilespmem:s31+$0x30]  }
0x59b: {  	v47 =	vld [tilespmem:s0+$0x30];
	[tilespmem:$0x1FA60] =	vst v21  }
0x59c: {  	v21 =	vld [tilespmem:s0+$0x40];
	_ =	sdelay $0x4  }
0x59d: {  	[tilespmem:$0x1FA70] =	vst v21  }
0x59e: {  	v40 =	vmul.f32 v40, v1;
	v1 =	vld [tilespmem:s31+$0x60];
	_ =	sdelay $0x3  }
0x59f: {  	v38 =	vmul.f32 v38, v43;
	v43 =	vld [tilespmem:s31+$0x50]  }
0x5a0: {  	v27 =	vmul.f32 v27, v42;
	v42 =	vld [tilespmem:s0+$0x50];
	[tilespmem:$0x1FA80] =	vst v1  }
0x5a1: {  	v1 =	vld [tilespmem:s31+$0x70];
	_ =	sdelay $0x2  }
0x5a2: {  	v28 =	vmul.f32 v29, v28  }
0x5a3: {  	v29 =	vmul.f32 v31, v20;
	v31 =	vmul.f32 v33, v32;
	v33 =	vld [tilespmem:s0+$0x60]  }
0x5a4: {  	[tilespmem:$0x1FA90] =	vst v1;
	v1 =	vld [tilespmem:$0x1F960];
	_ =	sdelay $0x4  }
0x5a5: {  	v40 =	vmul.f32 v1, v40;
	v1 =	vld [tilespmem:s0+$0x70];
	_ =	sdelay $0x4  }
0x5a6: {  	[tilespmem:$0x1FAA0] =	vst v1;
	v1 =	vld [tilespmem:$0x1F970];
	_ =	sdelay $0x4  }
0x5a7: {  	v28 =	vmul.f32 v1, v28;
	v1 =	vld [tilespmem:$0x1F980];
	_ =	sdelay $0x4  }
0x5a8: {  	v29 =	vmul.f32 v1, v29;
	v1 =	vld [tilespmem:$0x1F990];
	_ =	sdelay $0x2  }
0x5a9: {  	v45 =	vmul.f32 v45, v49  }
0x5aa: {  	v49 =	vmul.f32 v35, v34;
	v20 =	vld [tilespmem:$0x1F9B0]  }
0x5ab: {  	v34 =	vmul.f32 v22, v45;
	v22 =	vmul.f32 v1, v30;
	v1 =	vld [tilespmem:$0x1F9A0];
	_ =	sdelay $0x1  }
0x5ac: {  	v27 =	vmul.f32 v24, v27;
	v24 =	vld [tilespmem:$0x1FA10]  }
0x5ad: {  	v35 =	vmul.f32 v23, v38;
	v38 =	vld [tilespmem:$0x1FA40]  }
0x5ae: {  	v37 =	vmul.f32 v18, v37;
	v18 =	vld [tilespmem:$0x1FA50]  }
0x5af: {  	v31 =	vmul.f32 v25, v31;
	v25 =	vmul.f32 v20, v1;
	v1 =	vld [tilespmem:$0x1F9C0]  }
0x5b0: {  	v20 =	vld [tilespmem:$0x1F9D0]  }
0x5b1: {  	v45 =	vld [tilespmem:s31+$0xFFFFFF00]  }
0x5b2: {  	v32 =	vmul.f32 v26, v49;
	v49 =	vld [tilespmem:s11+$0xFFFFFF00]  }
0x5b3: {  	v21 =	vld [tilespmem:s11+$0xFFFFFF10]  }
0x5b4: {  	v55 =	vmul.f32 v56, v55;
	v56 =	vld [tilespmem:s11+$0xFFFFFF40]  }
0x5b5: {  	v23 =	vmul.f32 v20, v1;
	v1 =	vld [tilespmem:$0x1F9E0]  }
0x5b6: {  	v20 =	vld [tilespmem:$0x1F9F0]  }
0x5b7: {  	v57 =	vmul.f32 v58, v57;
	v58 =	vmul.f32 v60, v59;
	v59 =	vld [tilespmem:s11+$0xFFFFFF50]  }
0x5b8: {  	v60 =	vmul.f32 v62, v61;
	v61 =	vld [tilespmem:s11+$0xFFFFFF60]  }
0x5b9: {  	v62 =	vld [tilespmem:s11+$0xFFFFFF70]  }
0x5ba: {  	v36 =	vmul.f32 v36, v63;
	v63 =	vld [tilespmem:s11+$0xFFFFFF80]  }
0x5bb: {  	v26 =	vmul.f32 v20, v1;
	v1 =	vld [tilespmem:$0x1FA00]  }
0x5bc: {  	v54 =	vmul.f32 v54, v38;
	v38 =	vld [tilespmem:s11+$0xFFFFFF90]  }
0x5bd: {  	v27 =	vadd.f32 v27, v40;
	v40 =	vmul.f32 v48, v52;
	v52 =	vld [tilespmem:s11+$0xFFFFFFB0]  }
0x5be: {  	v39 =	vmul.f32 v17, v39;
	v17 =	vmul.f32 v47, v53;
	v53 =	vld [tilespmem:s11+$0xFFFFFFC0]  }
0x5bf: {  	v30 =	vld [tilespmem:$0x1FA30]  }
0x5c0: {  	v24 =	vmul.f32 v24, v1;
	v1 =	vld [tilespmem:$0x1FA20]  }
0x5c1: {  	v34 =	vadd.f32 v35, v34;
	v35 =	vmul.f32 v46, v50;
	v50 =	vmul.f32 v18, v45;
	v18 =	vld [tilespmem:$0x1FA60]  }
0x5c2: {  	v20 =	vld [tilespmem:s11+$0xFFFFFF20]  }
0x5c3: {  	v27 =	vadd.f32 v27, v34;
	v34 =	vmul.f32 v52, v60;
	v60 =	vld [tilespmem:s11+$0x20]  }
0x5c4: {  	v28 =	vadd.f32 v29, v28;
	v29 =	vmul.f32 v41, v51;
	v51 =	vld [tilespmem:s11+$0xFFFFFFA0]  }
0x5c5: {  	v31 =	vadd.f32 v32, v31;
	v30 =	vmul.f32 v30, v1;
	v1 =	vld [tilespmem:s11+$0xFFFFFF30]  }
0x5c6: {  	v41 =	vmul.f32 v19, v44;
	v19 =	vld [tilespmem:$0x1FA70]  }
0x5c7: {  	v28 =	vadd.f32 v31, v28;
	v31 =	vmul.f32 v49, v50;
	v20 =	vmul.f32 v20, v25;
	v25 =	vld [tilespmem:s11+$0xFFFFFFD0]  }
0x5c8: {  	v21 =	vmul.f32 v21, v22;
	v22 =	vmul.f32 v56, v26;
	v26 =	vld [tilespmem:s11+$0xFFFFFFE0]  }
0x5c9: {  	v27 =	vadd.f32 v28, v27;
	v56 =	vld [tilespmem:s11+$0x0];
	v28 =	vmul.f32 v61, v30;
	v30 =	vmul.f32 v62, v54  }
0x5ca: {  	v1 =	vmul.f32 v1, v23;
	v23 =	vmul.f32 v59, v24;
	v24 =	vadd.f32 v21, v31;
	v31 =	vld [tilespmem:s11+$0xFFFFFFF0]  }
0x5cb: {  	v18 =	vmul.f32 v19, v18;
	v19 =	vmul.f32 v42, v43;
	v21 =	vld [tilespmem:$0x1FA80]  }
0x5cc: {  	v62 =	vmul.f32 v25, v35;
	v28 =	vadd.f32 v30, v28;
	v59 =	vld [tilespmem:s11+$0x10];
	v1 =	vadd.f32 v1, v20  }
0x5cd: {  	v61 =	vld [tilespmem:$0x1FAA0];
	v30 =	vmul.f32 v38, v57;
	v20 =	vadd.f32 v23, v22;
	v23 =	vmul.f32 v63, v55  }
0x5ce: {  	v22 =	vld [tilespmem:$0x1FA90];
	v63 =	vmul.f32 v26, v39;
	v1 =	vadd.f32 v1, v24;
	v24 =	vmul.f32 v51, v58  }
0x5cf: {  	v20 =	vadd.f32 v28, v20;
	v28 =	vadd.f32 v30, v23;
	v23 =	vld [tilespmem:s11+$0x30];
	v30 =	vmul.f32 v53, v36  }
0x5d0: {  	v21 =	vmul.f32 v33, v21;
	v31 =	vmul.f32 v31, v40;
	v34 =	vadd.f32 v34, v24;
	v24 =	vld [tilespmem:s11+$0x40]  }
0x5d1: {  	s3 =	simm.s32 $0x12622;
	v25 =	vld [tilespmem:s11+$0x50];
	v32 =	vmul.f32 v59, v29;
	v1 =	vadd.f32 v20, v1;
	v26 =	vadd.f32 v62, v30  }
0x5d2: {  	[tilespmem:s3+$0x11] =	vst v27;
	v27 =	vld [tilespmem:s11+$0x60];
	v31 =	vadd.f32 v31, v63;
	v20 =	vadd.f32 v34, v28;
	v28 =	vmul.f32 v56, v37  }
0x5d3: {  	s10 =	simm.s32 $0x0;
	v29 =	vld [tilespmem:s11+$0x70];
	v30 =	vmul.f32 v60, v41;
	s11 =	simm.s32 $0xA900;
	v22 =	vmul.f32 v61, v22;
	[tilespmem:s3+$0xFFFFFFDE] =	vst v1  }
.LBB2_18:
0x5d4: {  	v1 =	vld [tilespmem:s11+$0x80];
	v26 =	vadd.f32 v31, v26;
	v17 =	vmul.f32 v23, v17;
	v23 =	vadd.f32 v32, v28  }
0x5d5: {  	v28 =	vld [tilespmem:s11+$0x90];
	v18 =	vmul.f32 v24, v18  }
0x5d6: {  	v24 =	vld [tilespmem:s11+$0xA0];
	v20 =	vadd.f32 v26, v20;
	v19 =	vmul.f32 v25, v19;
	v17 =	vadd.f32 v17, v30  }
0x5d7: {  	s31 =	sadd.s32 $0x200, s31;
	v25 =	vld [tilespmem:s11+$0xB0];
	v21 =	vmul.f32 v27, v21  }
0x5d8: {  	s0 =	sadd.s32 $0x200, s0;
	v26 =	vld [tilespmem:s31+$0x80];
	[tilespmem:s3+$0xFFFFFFEF] =	vst v20;
	v20 =	vmul.f32 v29, v22;
	v17 =	vadd.f32 v17, v23;
	v18 =	vadd.f32 v19, v18  }
0x5d9: {  	v19 =	vld [tilespmem:s0+$0x80]  }
0x5da: {  	v22 =	vld [tilespmem:s31+$0x90];
	v20 =	vadd.f32 v20, v21  }
0x5db: {  	v21 =	vld [tilespmem:s0+$0x90]  }
0x5dc: {  	v23 =	vld [tilespmem:s31+$0xA0];
	v18 =	vadd.f32 v20, v18  }
0x5dd: {  	v20 =	vld [tilespmem:s0+$0xA0]  }
0x5de: {  	v27 =	vld [tilespmem:s31+$0xB0];
	v17 =	vadd.f32 v18, v17  }
0x5df: {  	v18 =	vld [tilespmem:s0+$0xB0]  }
0x5e0: {  	v29 =	vld [tilespmem:s31+$0xC0];
	[tilespmem:s3+$0x0] =	vst v17  }
0x5e1: {  	v17 =	vld [tilespmem:s0+$0xC0]  }
0x5e2: {  	v30 =	vld [tilespmem:s31+$0xD0]  }
0x5e3: {  	v31 =	vld [tilespmem:s0+$0xD0]  }
0x5e4: {  	v32 =	vld [tilespmem:s31+$0xE0]  }
0x5e5: {  	v33 =	vld [tilespmem:s0+$0xE0]  }
0x5e6: {  	v34 =	vld [tilespmem:s31+$0xF0]  }
0x5e7: {  	v35 =	vld [tilespmem:s0+$0xF0]  }
0x5e8: {  	v36 =	vld [tilespmem:s11+$0xC0]  }
0x5e9: {  	s10 =	sadd.s32 $0x4, s10;
	v19 =	vmul.f32 v19, v26;
	v21 =	vmul.f32 v21, v22;
	v22 =	vld [tilespmem:s11+$0xD0]  }
0x5ea: {  	p1 =	slt.u32 s10, $0x3C;
	v23 =	vmul.f32 v20, v23;
	v18 =	vmul.f32 v18, v27;
	v26 =	vld [tilespmem:s11+$0xE0]  }
0x5eb: {  	v17 =	vmul.f32 v17, v29;
	v27 =	vmul.f32 v31, v30;
	v29 =	vld [tilespmem:s11+$0xF0]  }
0x5ec: {  	v30 =	vmul.f32 v33, v32;
	v20 =	vld [tilespmem:s0+$0xFFFFFF00];
	v31 =	vmul.f32 v35, v34  }
0x5ed: {  	v1 =	vmul.f32 v1, v19;
	v19 =	vmul.f32 v28, v21;
	v32 =	vld [tilespmem:s31+$0xFFFFFF10]  }
0x5ee: {  	v23 =	vmul.f32 v24, v23;
	v18 =	vmul.f32 v25, v18;
	v21 =	vld [tilespmem:s0+$0xFFFFFF10]  }
0x5ef: {  	v17 =	vmul.f32 v36, v17;
	v22 =	vmul.f32 v22, v27;
	v24 =	vld [tilespmem:s31+$0xFFFFFF20]  }
0x5f0: {  	v26 =	vmul.f32 v26, v30;
	v25 =	vld [tilespmem:s0+$0xFFFFFF20];
	v27 =	vmul.f32 v29, v31  }
0x5f1: {  	v1 =	vadd.f32 v19, v1;
	v18 =	vadd.f32 v18, v23;
	v28 =	vld [tilespmem:s31+$0xFFFFFF30]  }
0x5f2: {  	v17 =	vadd.f32 v22, v17;
	v19 =	vld [tilespmem:s0+$0xFFFFFF30];
	v22 =	vadd.f32 v27, v26  }
0x5f3: {  	v23 =	vmul.f32 v21, v32;
	v21 =	vld [tilespmem:s31+$0xFFFFFF40]  }
0x5f4: {  	v1 =	vadd.f32 v18, v1;
	v26 =	vld [tilespmem:s0+$0xFFFFFF40];
	v17 =	vadd.f32 v22, v17  }
0x5f5: {  	v24 =	vmul.f32 v25, v24;
	v18 =	vld [tilespmem:s31+$0xFFFFFF50]  }
0x5f6: {  	v22 =	vld [tilespmem:s0+$0xFFFFFF50];
	v1 =	vadd.f32 v17, v1  }
0x5f7: {  	s3 =	sadd.s32 $0x44, s3;
	v25 =	vmul.f32 v19, v28;
	v17 =	vld [tilespmem:s31+$0xFFFFFF60]  }
0x5f8: {  	s20 =	simm.s32 $0x0;
	p0 =	por $0x1, $0x1;
	v19 =	vld [tilespmem:s0+$0xFFFFFF60];
	[tilespmem:s3+$0x11] =	vst v1  }
0x5f9: {  	v1 =	vmul.f32 v26, v21;
	v21 =	vld [tilespmem:s31+$0xFFFFFF70]  }
0x5fa: {  	v26 =	vld [tilespmem:s0+$0xFFFFFF70]  }
0x5fb: {  	v27 =	vmul.f32 v22, v18;
	v18 =	vld [tilespmem:s31+$0xFFFFFF80]  }
0x5fc: {  	v22 =	vld [tilespmem:s0+$0xFFFFFF80]  }
0x5fd: {  	v28 =	vmul.f32 v19, v17;
	v17 =	vld [tilespmem:s31+$0xFFFFFF90]  }
0x5fe: {  	v19 =	vld [tilespmem:s0+$0xFFFFFF90]  }
0x5ff: {  	v26 =	vmul.f32 v26, v21;
	v21 =	vld [tilespmem:s31+$0xFFFFFFA0]  }
0x600: {  	v29 =	vld [tilespmem:s0+$0xFFFFFFA0]  }
0x601: {  	v30 =	vmul.f32 v22, v18;
	v18 =	vld [tilespmem:s31+$0xFFFFFFB0]  }
0x602: {  	v22 =	vld [tilespmem:s0+$0xFFFFFFB0]  }
0x603: {  	v31 =	vmul.f32 v19, v17;
	v17 =	vld [tilespmem:s31+$0xFFFFFFC0]  }
0x604: {  	v19 =	vld [tilespmem:s0+$0xFFFFFFC0]  }
0x605: {  	v29 =	vmul.f32 v29, v21;
	v21 =	vld [tilespmem:s31+$0xFFFFFFD0]  }
0x606: {  	v32 =	vld [tilespmem:s0+$0xFFFFFFD0]  }
0x607: {  	v33 =	vmul.f32 v22, v18;
	v18 =	vld [tilespmem:s31+$0xFFFFFFE0]  }
0x608: {  	v22 =	vld [tilespmem:s0+$0xFFFFFFE0]  }
0x609: {  	v34 =	vmul.f32 v19, v17;
	v17 =	vld [tilespmem:s31+$0xFFFFFFF0]  }
0x60a: {  	v19 =	vld [tilespmem:s0+$0xFFFFFFF0]  }
0x60b: {  	v32 =	vmul.f32 v32, v21;
	v21 =	vld [tilespmem:s31+$0x0]  }
0x60c: {  	v35 =	vld [tilespmem:s0+$0x0]  }
0x60d: {  	v36 =	vmul.f32 v22, v18;
	v18 =	vld [tilespmem:s31+$0x10]  }
0x60e: {  	v22 =	vld [tilespmem:s0+$0x10]  }
0x60f: {  	v37 =	vmul.f32 v19, v17;
	v17 =	vld [tilespmem:s31+$0x20]  }
0x610: {  	v19 =	vld [tilespmem:s0+$0x20]  }
0x611: {  	v35 =	vmul.f32 v35, v21;
	v21 =	vld [tilespmem:s31+$0x30]  }
0x612: {  	v38 =	vld [tilespmem:s0+$0x30]  }
0x613: {  	v39 =	vmul.f32 v22, v18;
	v18 =	vld [tilespmem:s31+$0x40]  }
0x614: {  	v22 =	vld [tilespmem:s0+$0x40]  }
0x615: {  	v40 =	vmul.f32 v19, v17;
	v19 =	vld [tilespmem:s31+$0x50]  }
0x616: {  	v41 =	vld [tilespmem:s0+$0x50]  }
0x617: {  	v17 =	vmul.f32 v38, v21;
	v21 =	vld [tilespmem:s31+$0x60]  }
0x618: {  	v38 =	vld [tilespmem:s0+$0x60]  }
0x619: {  	v18 =	vmul.f32 v22, v18;
	v22 =	vld [tilespmem:s31+$0x70]  }
0x61a: {  	v42 =	vld [tilespmem:s0+$0x70]  }
0x61b: {  	v43 =	vld [tilespmem:s31+$0xFFFFFF00];
	v19 =	vmul.f32 v41, v19  }
0x61c: {  	v41 =	vld [tilespmem:s11+$0xFFFFFF00]  }
0x61d: {  	v44 =	vld [tilespmem:s11+$0xFFFFFF10];
	v21 =	vmul.f32 v38, v21  }
0x61e: {  	v38 =	vld [tilespmem:s11+$0xFFFFFF20]  }
0x61f: {  	v45 =	vld [tilespmem:s11+$0xFFFFFF30];
	v22 =	vmul.f32 v42, v22  }
0x620: {  	v20 =	vmul.f32 v20, v43;
	v42 =	vld [tilespmem:s11+$0xFFFFFF40]  }
0x621: {  	v43 =	vld [tilespmem:s11+$0xFFFFFF50]  }
0x622: {  	v20 =	vmul.f32 v41, v20;
	v23 =	vmul.f32 v44, v23;
	v41 =	vld [tilespmem:s11+$0xFFFFFF60]  }
0x623: {  	v24 =	vmul.f32 v38, v24;
	v38 =	vld [tilespmem:s11+$0xFFFFFF70]  }
0x624: {  	v25 =	vmul.f32 v45, v25;
	v20 =	vadd.f32 v23, v20;
	v23 =	vld [tilespmem:s11+$0xFFFFFF80]  }
0x625: {  	v1 =	vmul.f32 v42, v1;
	v42 =	vld [tilespmem:s11+$0xFFFFFF90]  }
0x626: {  	v27 =	vmul.f32 v43, v27;
	v24 =	vadd.f32 v25, v24;
	v25 =	vld [tilespmem:s11+$0xFFFFFFA0]  }
0x627: {  	v28 =	vmul.f32 v41, v28;
	v41 =	vld [tilespmem:s11+$0xFFFFFFB0]  }
0x628: {  	v26 =	vmul.f32 v38, v26;
	v20 =	vadd.f32 v24, v20;
	v1 =	vadd.f32 v27, v1;
	v24 =	vld [tilespmem:s11+$0xFFFFFFC0]  }
0x629: {  	v23 =	vmul.f32 v23, v30;
	v27 =	vld [tilespmem:s11+$0xFFFFFFD0]  }
0x62a: {  	v26 =	vadd.f32 v26, v28;
	v28 =	vmul.f32 v42, v31;
	v30 =	vld [tilespmem:s11+$0xFFFFFFE0]  }
0x62b: {  	v25 =	vmul.f32 v25, v29;
	v29 =	vld [tilespmem:s11+$0xFFFFFFF0]  }
0x62c: {  	v1 =	vadd.f32 v26, v1;
	v26 =	vmul.f32 v41, v33;
	v28 =	vadd.f32 v28, v23;
	v31 =	vld [tilespmem:s11+$0x0]  }
0x62d: {  	v24 =	vmul.f32 v24, v34;
	v33 =	vld [tilespmem:s11+$0x10]  }
0x62e: {  	v1 =	vadd.f32 v1, v20;
	v27 =	vmul.f32 v27, v32;
	v20 =	vadd.f32 v26, v25;
	v34 =	vld [tilespmem:s11+$0x20]  }
.Ltmp8:
0x62f: {  	v30 =	vmul.f32 v30, v36;
	v23 =	vld [tilespmem:s11+$0x30];
	(pc) =	sbr.rel @p1 .LBB2_18-.Ltmp8, $4  }
0x630: {  	[tilespmem:s3+$0xFFFFFFDE] =	vst v1;
	v1 =	vmul.f32 v29, v37;
	v20 =	vadd.f32 v20, v28;
	v26 =	vadd.f32 v27, v24;
	v24 =	vld [tilespmem:s11+$0x40]  }
0x631: {  	v28 =	vmul.f32 v31, v35;
	v25 =	vld [tilespmem:s11+$0x50]  }
0x632: {  	v31 =	vadd.f32 v1, v30;
	v32 =	vmul.f32 v33, v39;
	v27 =	vld [tilespmem:s11+$0x60]  }
0x633: {  	v30 =	vmul.f32 v34, v40;
	v29 =	vld [tilespmem:s11+$0x70];
	s11 =	sadd.s32 $0x200, s11  }
0x634: {  	_ =	sdelay $0x1  }
0x635: {  	v1 =	vmul.f32 v23, v17  }
0x636: {  	v17 =	vmul.f32 v24, v18;
	v18 =	vmul.f32 v25, v19  }
0x637: {  	v19 =	vmul.f32 v27, v21;
	v62 =	vmul.f32 v29, v22  }
0x638: {  	v63 =	vadd.f32 v32, v28;
	v1 =	vadd.f32 v1, v30  }
0x639: {  	v17 =	vadd.f32 v18, v17;
	v18 =	vadd.f32 v62, v19  }
0x63a: {  	v19 =	vadd.f32 v31, v26  }
0x63b: {  	v1 =	vadd.f32 v1, v63;
	v17 =	vadd.f32 v18, v17  }
0x63c: {  	v18 =	vadd.f32 v19, v20  }
0x63d: {  	v1 =	vadd.f32 v17, v1  }
0x63e: {  	[tilespmem:s3+$0xFFFFFFEF] =	vst v18  }
0x63f: {  	[tilespmem:s3+$0x0] =	vst v1  }
.LBB2_20:
0x640: {  	v1 =	vmov s20  }
0x641: {  	v1 =	vmul.u32 $0x11, v1;
	_ =	sdelay $0x1  }
0x642: {  	v1 =	vbroadcast v1, $0x0;
	_ =	sdelay $0x1  }
0x643: {  	v17 =	vadd.s32 v0, v1  }
0x644: {  	v18 =	vadd.s32 v2, v1  }
0x645: {  	v19 =	vadd.s32 v3, v1  }
0x646: {  	v20 =	vadd.s32 v4, v1  }
0x647: {  	v21 =	vadd.s32 v5, v1  }
0x648: {  	v22 =	vadd.s32 v6, v1;
	v17 =	vld.idx.msk [tilespmem:v17+s30+$0x0], $0xffff  }
0x649: {  	v23 =	vadd.s32 v7, v1;
	v18 =	vld.idx.msk [tilespmem:v18+s30+$0x0], $0xffff  }
0x64a: {  	v24 =	vadd.s32 v8, v1;
	v19 =	vld.idx.msk [tilespmem:v19+s30+$0x0], $0xffff  }
0x64b: {  	v25 =	vadd.s32 v9, v1;
	v20 =	vld.idx.msk [tilespmem:v20+s30+$0x0], $0xffff  }
0x64c: {  	v26 =	vadd.s32 v10, v1;
	v21 =	vld.idx.msk [tilespmem:v21+s30+$0x0], $0xffff  }
0x64d: {  	s0 =	sor.u32 $0x10, s20;
	v27 =	vadd.s32 v11, v1;
	v22 =	vld.idx.msk [tilespmem:v22+s30+$0x0], $0xffff  }
0x64e: {  	v29 =	vmov s0;
	v28 =	vadd.s32 v12, v1;
	v23 =	vld.idx.msk [tilespmem:v23+s30+$0x0], $0xffff  }
0x64f: {  	v29 =	vmul.u32 $0x11, v29;
	v30 =	vadd.s32 v13, v1;
	v24 =	vld.idx.msk [tilespmem:v24+s30+$0x0], $0xffff  }
0x650: {  	v31 =	vadd.s32 v14, v1;
	v25 =	vld.idx.msk [tilespmem:v25+s30+$0x0], $0xffff  }
0x651: {  	v29 =	vbroadcast v29, $0x0;
	v32 =	vadd.s32 v15, v1;
	v26 =	vld.idx.msk [tilespmem:v26+s30+$0x0], $0xffff  }
0x652: {  	v1 =	vadd.s32 v16, v1;
	v27 =	vld.idx.msk [tilespmem:v27+s30+$0x0], $0xffff  }
0x653: {  	v33 =	vadd.s32 v0, v29;
	v28 =	vld.idx.msk [tilespmem:v28+s30+$0x0], $0xffff  }
0x654: {  	v34 =	vadd.s32 v2, v29;
	v30 =	vld.idx.msk [tilespmem:v30+s30+$0x0], $0xffff  }
0x655: {  	v35 =	vadd.s32 v3, v29;
	v31 =	vld.idx.msk [tilespmem:v31+s30+$0x0], $0xffff  }
0x656: {  	v36 =	vadd.s32 v4, v29;
	v32 =	vld.idx.msk [tilespmem:v32+s30+$0x0], $0xffff  }
0x657: {  	v37 =	vadd.s32 v5, v29;
	v1 =	vld.idx.msk [tilespmem:v1+s30+$0x0], $0xffff  }
0x658: {  	v38 =	vadd.s32 v6, v29;
	v33 =	vld.idx.msk [tilespmem:v33+s30+$0x0], $0xffff;
	v17 =	vadd.f32 $0.0e+00, v17;
	v18 =	vadd.f32 $0.0e+00, v18  }
0x659: {  	v46 =	vadd.s32 v7, v29;
	v45 =	vld.idx.msk [tilespmem:v34+s30+$0x0], $0xffff;
	v19 =	vadd.f32 $0.0e+00, v19;
	v20 =	vadd.f32 $0.0e+00, v20  }
0x65a: {  	v52 =	vadd.s32 v10, v29;
	v47 =	vld.idx.msk [tilespmem:v35+s30+$0x0], $0xffff;
	v17 =	vadd.f32 v21, v17;
	v18 =	vadd.f32 v22, v18  }
0x65b: {  	v57 =	vadd.s32 v13, v29;
	v49 =	vld.idx.msk [tilespmem:v36+s30+$0x0], $0xffff;
	v19 =	vadd.f32 v23, v19;
	v20 =	vadd.f32 v24, v20  }
0x65c: {  	v48 =	vadd.s32 v8, v29;
	v51 =	vld.idx.msk [tilespmem:v37+s30+$0x0], $0xffff;
	v17 =	vadd.f32 v25, v17;
	v18 =	vadd.f32 v26, v18  }
0x65d: {  	v56 =	vadd.s32 v12, v29;
	v53 =	vld.idx.msk [tilespmem:v38+s30+$0x0], $0xffff;
	v19 =	vadd.f32 v27, v19;
	v20 =	vadd.f32 v28, v20  }
0x65e: {  	v50 =	vadd.s32 v9, v29;
	v55 =	vld.idx.msk [tilespmem:v46+s30+$0x0], $0xffff;
	v17 =	vadd.f32 v30, v17;
	v18 =	vadd.f32 v31, v18  }
0x65f: {  	v54 =	vadd.s32 v11, v29;
	v58 =	vld.idx.msk [tilespmem:v52+s30+$0x0], $0xffff;
	v19 =	vadd.f32 v32, v19;
	v1 =	vadd.f32 v1, v20  }
0x660: {  	v59 =	vadd.s32 v15, v29;
	v60 =	vld.idx.msk [tilespmem:v57+s30+$0x0], $0xffff  }
0x661: {  	v24 =	vld.idx.msk [tilespmem:v48+s30+$0x0], $0xffff;
	v17 =	vadd.f32 v18, v17;
	v1 =	vadd.f32 v1, v19;
	v19 =	vadd.s32 v14, v29  }
0x662: {  	v22 =	vld.idx.msk [tilespmem:v56+s30+$0x0], $0xffff;
	v29 =	vadd.s32 v16, v29  }
0x663: {  	v18 =	vld.idx.msk [tilespmem:v50+s30+$0x0], $0xffff;
	v1 =	vadd.f32 v1, v17  }
0x664: {  	v61 =	vadd.f32 $0.0e+00, v33;
	v17 =	vld.idx.msk [tilespmem:v54+s30+$0x0], $0xffff  }
0x665: {  	v23 =	vadd.f32 $0.0e+00, v47;
	v28 =	vld.idx.msk [tilespmem:v59+s30+$0x0], $0xffff;
	v1 =	vsub.f32 $0.0e+00, v1  }
0x666: {  	v21 =	vadd.f32 $0.0e+00, v45;
	v25 =	vadd.f32 $0.0e+00, v49;
	v19 =	vld.idx.msk [tilespmem:v19+s30+$0x0], $0xffff  }
0x667: {  	v27 =	vadd.f32 v51, v61;
	v20 =	vadd.f32 v55, v23;
	v29 =	vld.idx.msk [tilespmem:v29+s30+$0x0], $0xffff;
	v1 =	vmul.f32 $1.442695020e+00, v1  }
0x668: {  	v21 =	vadd.f32 v53, v21;
	v62 =	vadd.f32 v24, v25  }
0x669: {  	v17 =	vadd.f32 v17, v20;
	(erf) = vpow2.f32 v1;
	v1 =	vadd.f32 v18, v27  }
0x66a: {  	v63 =	vadd.f32 v22, v62;
	v18 =	vadd.f32 v58, v21  }
0x66b: {  	v17 =	vadd.f32 v28, v17;
	v1 =	vadd.f32 v60, v1  }
0x66c: {  	v18 =	vadd.f32 v19, v18;
	v19 =	vadd.f32 v29, v63;
	_ =	sdelay $0x1  }
0x66d: {  	v1 =	vadd.f32 v18, v1;
	v17 =	vadd.f32 v19, v17;
	_ =	sdelay $0x1  }
0x66e: {  	v1 =	vadd.f32 v17, v1;
	_ =	sdelay $0x1  }
0x66f: {  	v1 =	vsub.f32 $0.0e+00, v1;
	v17 =	vpop (erf)  }
0x670: {  	v17 =	vadd.f32 $1.000000000e+00, v17  }
0x671: {  	v1 =	vmul.f32 $1.442695020e+00, v1  }
0x672: {  	(erf) = vrcp.f32 v17  }
0x673: {  	(erf) = vpow2.f32 v1;
	_ =	sdelay $0x7  }
0x674: {  	v1 =	vpop (erf)  }
0x675: {  	v17 =	vpop (erf)  }
0x676: {  	v17 =	vadd.f32 $1.000000000e+00, v17;
	_ =	sdelay $0x1  }
0x677: {  	(erf) = vrcp.f32 v17;
	_ =	sdelay $0x4  }
0x678: {  	p1 =	por p0, p0  }
.Ltmp9:
0x679: {  	_ = 	snop;
	(pc) =	sbr.rel @p1 .LBB2_20-.Ltmp9, $3  }
0x67a: {  	_ =	sdelay $0x1  }
0x67b: {  	[tilespmem:s20+$0x12B80] =	vst v1;
	v1 =	vpop (erf)  }
0x67c: {  	p0 =	por $0x0, $0x0;
	[tilespmem:s20+$0x12B90] =	vst v1;
	s20 =	simm.s32 $0x20  }
0x67d: {  	s0 =	simm.s32 $0x1C0  }
0x67e: {  	[tilespmem:s17], [sflag:$0x2] =	stream.indirect.gather [hbm4b:s1+s13], $0x80, s0, s13, $0xb8;
	[tilespmem:$0x12C80] =	vst v63  }
0x67f: {  	s11 =	simm.s32 $0x3C0  }
0x680: {  	[tilespmem:s19], [sflag:$0x2] =	stream.indirect.gather [hbm4b:s4+s13], $0x80, s11, s13, $0xb8;
	[tilespmem:$0x12C80] =	vst v63  }
0x681: {  	s20 =	simm.s32 $0x5C0  }
0x682: {  	[tilespmem:s21], [sflag:$0x2] =	stream.indirect.gather [hbm4b:s1+s13], $0x80, s20, s13, $0xb8;
	[tilespmem:$0x12C80] =	vst v63  }
0x683: {  	_ =	swait.ge [sflag:s26], $0x2000  }
0x684: {  	[sflag:s26] =	ssyncset.done $0x0  }
0x685: {  	[sflag:s26] =	ssyncadd.s32 $0xFFFFE000  }
0x686: {  	_ =	swait.ge [sflag:s26], $0x2000  }
0x687: {  	[sflag:s26] =	ssyncset.done $0x0  }
0x688: {  	[sflag:s26] =	ssyncadd.s32 $0xFFFFE000  }
0x689: {  	_ =	swait.ge [sflag:s26], $0x2000  }
0x68a: {  	[sflag:s26] =	ssyncset.done $0x0  }
0x68b: {  	s11 =	simm.s32 $0x10700;
	[sflag:s26] =	ssyncadd.s32 $0xFFFFE000  }
0x68c: {  	v1 =	vld [tilespmem:s11+$0xA0];
	_ =	sdelay $0x3  }
0x68d: {  	v22 =	vld [tilespmem:s11+$0x80]  }
0x68e: {  	v23 =	vld [tilespmem:s11+$0x90];
	[tilespmem:$0x1F810] =	vst v1  }
0x68f: {  	s31 =	simm.s32 $0xC700;
	v24 =	vld [tilespmem:s11+$0xB0]  }
0x690: {  	s0 =	simm.s32 $0xE700;
	v49 =	vld [tilespmem:s31+$0x80]  }
0x691: {  	v45 =	vld [tilespmem:s0+$0x80]  }
0x692: {  	v43 =	vld [tilespmem:s31+$0x90]  }
0x693: {  	v38 =	vld [tilespmem:s0+$0x90]  }
0x694: {  	v1 =	vld [tilespmem:s31+$0xA0]  }
0x695: {  	v40 =	vld [tilespmem:s0+$0xA0]  }
0x696: {  	v42 =	vld [tilespmem:s31+$0xB0]  }
0x697: {  	v27 =	vld [tilespmem:s0+$0xB0]  }
0x698: {  	v28 =	vld [tilespmem:s31+$0xC0]  }
0x699: {  	v29 =	vld [tilespmem:s0+$0xC0]  }
0x69a: {  	v20 =	vld [tilespmem:s31+$0xD0]  }
0x69b: {  	v17 =	vld [tilespmem:s11+$0xC0]  }
0x69c: {  	v31 =	vld [tilespmem:s0+$0xD0]  }
0x69d: {  	v32 =	vld [tilespmem:s31+$0xE0]  }
0x69e: {  	v33 =	vld [tilespmem:s0+$0xE0]  }
0x69f: {  	v34 =	vld [tilespmem:s31+$0xF0]  }
0x6a0: {  	v35 =	vld [tilespmem:s0+$0xF0];
	[tilespmem:$0x1F820] =	vst v17  }
0x6a1: {  	v17 =	vld [tilespmem:s11+$0xD0];
	_ =	sdelay $0x4  }
0x6a2: {  	[tilespmem:$0x1F830] =	vst v17  }
0x6a3: {  	v17 =	vld [tilespmem:s0+$0xFFFFFF00];
	_ =	sdelay $0x3  }
0x6a4: {  	v25 =	vld [tilespmem:s11+$0xE0]  }
0x6a5: {  	v26 =	vld [tilespmem:s11+$0xF0];
	[tilespmem:$0x1F900] =	vst v17  }
0x6a6: {  	v17 =	vld [tilespmem:s0+$0xFFFFFF10];
	_ =	sdelay $0x4  }
0x6a7: {  	v30 =	vld [tilespmem:s31+$0xFFFFFF10];
	[tilespmem:$0x1F840] =	vst v17  }
0x6a8: {  	v17 =	vld [tilespmem:s31+$0xFFFFFF20];
	_ =	sdelay $0x4  }
0x6a9: {  	[tilespmem:$0x1F850] =	vst v17  }
0x6aa: {  	v17 =	vld [tilespmem:s0+$0xFFFFFF20];
	_ =	sdelay $0x4  }
0x6ab: {  	[tilespmem:$0x1F860] =	vst v17  }
0x6ac: {  	v17 =	vld [tilespmem:s31+$0xFFFFFF30];
	_ =	sdelay $0x4  }
0x6ad: {  	[tilespmem:$0x1F870] =	vst v17  }
0x6ae: {  	v17 =	vld [tilespmem:s0+$0xFFFFFF30];
	_ =	sdelay $0x4  }
0x6af: {  	[tilespmem:$0x1F880] =	vst v17  }
0x6b0: {  	v17 =	vld [tilespmem:s31+$0xFFFFFF40];
	_ =	sdelay $0x4  }
0x6b1: {  	[tilespmem:$0x1F890] =	vst v17  }
0x6b2: {  	v17 =	vld [tilespmem:s0+$0xFFFFFF40];
	_ =	sdelay $0x4  }
0x6b3: {  	[tilespmem:$0x1F8A0] =	vst v17  }
0x6b4: {  	v17 =	vld [tilespmem:s31+$0xFFFFFF50];
	_ =	sdelay $0x4  }
0x6b5: {  	[tilespmem:$0x1F8B0] =	vst v17  }
0x6b6: {  	v17 =	vld [tilespmem:s0+$0xFFFFFF50];
	_ =	sdelay $0x4  }
0x6b7: {  	[tilespmem:$0x1F8C0] =	vst v17  }
0x6b8: {  	v17 =	vld [tilespmem:s31+$0xFFFFFF60];
	_ =	sdelay $0x4  }
0x6b9: {  	[tilespmem:$0x1F8D0] =	vst v17  }
0x6ba: {  	v17 =	vld [tilespmem:s0+$0xFFFFFF60];
	_ =	sdelay $0x4  }
0x6bb: {  	[tilespmem:$0x1F8E0] =	vst v17  }
0x6bc: {  	v17 =	vld [tilespmem:s31+$0xFFFFFF70];
	_ =	sdelay $0x4  }
0x6bd: {  	[tilespmem:$0x1F8F0] =	vst v17  }
0x6be: {  	v54 =	vld [tilespmem:s0+$0xFFFFFF70]  }
0x6bf: {  	v55 =	vld [tilespmem:s31+$0xFFFFFF80]  }
0x6c0: {  	v56 =	vld [tilespmem:s0+$0xFFFFFF80]  }
0x6c1: {  	v57 =	vld [tilespmem:s31+$0xFFFFFF90]  }
0x6c2: {  	v58 =	vld [tilespmem:s0+$0xFFFFFF90]  }
0x6c3: {  	v59 =	vld [tilespmem:s31+$0xFFFFFFA0]  }
0x6c4: {  	v60 =	vld [tilespmem:s0+$0xFFFFFFA0]  }
0x6c5: {  	v61 =	vld [tilespmem:s31+$0xFFFFFFB0]  }
0x6c6: {  	v62 =	vld [tilespmem:s0+$0xFFFFFFB0]  }
0x6c7: {  	v63 =	vld [tilespmem:s31+$0xFFFFFFC0]  }
0x6c8: {  	v36 =	vld [tilespmem:s0+$0xFFFFFFC0]  }
0x6c9: {  	v50 =	vld [tilespmem:s31+$0xFFFFFFD0]  }
0x6ca: {  	v46 =	vld [tilespmem:s0+$0xFFFFFFD0]  }
0x6cb: {  	v39 =	vld [tilespmem:s31+$0xFFFFFFE0]  }
0x6cc: {  	v17 =	vld [tilespmem:s0+$0xFFFFFFE0]  }
0x6cd: {  	v52 =	vld [tilespmem:s31+$0xFFFFFFF0]  }
0x6ce: {  	v48 =	vld [tilespmem:s0+$0xFFFFFFF0]  }
0x6cf: {  	v37 =	vld [tilespmem:s31+$0x0]  }
0x6d0: {  	v18 =	vld [tilespmem:s0+$0x0]  }
0x6d1: {  	v51 =	vld [tilespmem:s31+$0x10]  }
0x6d2: {  	v21 =	vld [tilespmem:s31+$0x40]  }
0x6d3: {  	v41 =	vld [tilespmem:s0+$0x10]  }
0x6d4: {  	v44 =	vld [tilespmem:s31+$0x20]  }
0x6d5: {  	v19 =	vld [tilespmem:s0+$0x20]  }
0x6d6: {  	v53 =	vld [tilespmem:s31+$0x30]  }
0x6d7: {  	v47 =	vld [tilespmem:s0+$0x30];
	[tilespmem:$0x1F910] =	vst v21  }
0x6d8: {  	v21 =	vld [tilespmem:s0+$0x40];
	_ =	sdelay $0x4  }
0x6d9: {  	[tilespmem:$0x1F920] =	vst v21  }
0x6da: {  	v40 =	vmul.f32 v40, v1;
	v1 =	vld [tilespmem:s31+$0x60];
	_ =	sdelay $0x3  }
0x6db: {  	v38 =	vmul.f32 v38, v43;
	v43 =	vld [tilespmem:s31+$0x50]  }
0x6dc: {  	v27 =	vmul.f32 v27, v42;
	v42 =	vld [tilespmem:s0+$0x50];
	[tilespmem:$0x1F930] =	vst v1  }
0x6dd: {  	v1 =	vld [tilespmem:s31+$0x70];
	_ =	sdelay $0x2  }
0x6de: {  	v28 =	vmul.f32 v29, v28  }
0x6df: {  	v29 =	vmul.f32 v31, v20;
	v31 =	vmul.f32 v33, v32;
	v33 =	vld [tilespmem:s0+$0x60]  }
0x6e0: {  	[tilespmem:$0x1F940] =	vst v1;
	v1 =	vld [tilespmem:$0x1F810];
	_ =	sdelay $0x4  }
0x6e1: {  	v40 =	vmul.f32 v1, v40;
	v1 =	vld [tilespmem:s0+$0x70];
	_ =	sdelay $0x4  }
0x6e2: {  	[tilespmem:$0x1F950] =	vst v1;
	v1 =	vld [tilespmem:$0x1F820];
	_ =	sdelay $0x4  }
0x6e3: {  	v28 =	vmul.f32 v1, v28;
	v1 =	vld [tilespmem:$0x1F830];
	_ =	sdelay $0x4  }
0x6e4: {  	v29 =	vmul.f32 v1, v29;
	v1 =	vld [tilespmem:$0x1F840];
	_ =	sdelay $0x2  }
0x6e5: {  	v45 =	vmul.f32 v45, v49  }
0x6e6: {  	v49 =	vmul.f32 v35, v34;
	v20 =	vld [tilespmem:$0x1F860]  }
0x6e7: {  	v34 =	vmul.f32 v22, v45;
	v22 =	vmul.f32 v1, v30;
	v1 =	vld [tilespmem:$0x1F850];
	_ =	sdelay $0x1  }
0x6e8: {  	v27 =	vmul.f32 v24, v27;
	v24 =	vld [tilespmem:$0x1F8C0]  }
0x6e9: {  	v35 =	vmul.f32 v23, v38;
	v38 =	vld [tilespmem:$0x1F8F0]  }
0x6ea: {  	v37 =	vmul.f32 v18, v37;
	v18 =	vld [tilespmem:$0x1F900]  }
0x6eb: {  	v31 =	vmul.f32 v25, v31;
	v25 =	vmul.f32 v20, v1;
	v1 =	vld [tilespmem:$0x1F870]  }
0x6ec: {  	v20 =	vld [tilespmem:$0x1F880]  }
0x6ed: {  	v45 =	vld [tilespmem:s31+$0xFFFFFF00]  }
0x6ee: {  	v32 =	vmul.f32 v26, v49;
	v49 =	vld [tilespmem:s11+$0xFFFFFF00]  }
0x6ef: {  	v21 =	vld [tilespmem:s11+$0xFFFFFF10]  }
0x6f0: {  	v55 =	vmul.f32 v56, v55;
	v56 =	vld [tilespmem:s11+$0xFFFFFF40]  }
0x6f1: {  	v23 =	vmul.f32 v20, v1;
	v1 =	vld [tilespmem:$0x1F890]  }
0x6f2: {  	v20 =	vld [tilespmem:$0x1F8A0]  }
0x6f3: {  	v57 =	vmul.f32 v58, v57;
	v58 =	vmul.f32 v60, v59;
	v59 =	vld [tilespmem:s11+$0xFFFFFF50]  }
0x6f4: {  	v60 =	vmul.f32 v62, v61;
	v61 =	vld [tilespmem:s11+$0xFFFFFF60]  }
0x6f5: {  	v62 =	vld [tilespmem:s11+$0xFFFFFF70]  }
0x6f6: {  	v36 =	vmul.f32 v36, v63;
	v63 =	vld [tilespmem:s11+$0xFFFFFF80]  }
0x6f7: {  	v26 =	vmul.f32 v20, v1;
	v1 =	vld [tilespmem:$0x1F8B0]  }
0x6f8: {  	v54 =	vmul.f32 v54, v38;
	v38 =	vld [tilespmem:s11+$0xFFFFFF90]  }
0x6f9: {  	v27 =	vadd.f32 v27, v40;
	v40 =	vmul.f32 v48, v52;
	v52 =	vld [tilespmem:s11+$0xFFFFFFB0]  }
0x6fa: {  	v39 =	vmul.f32 v17, v39;
	v17 =	vmul.f32 v47, v53;
	v53 =	vld [tilespmem:s11+$0xFFFFFFC0]  }
0x6fb: {  	v30 =	vld [tilespmem:$0x1F8E0]  }
0x6fc: {  	v24 =	vmul.f32 v24, v1;
	v1 =	vld [tilespmem:$0x1F8D0]  }
0x6fd: {  	v34 =	vadd.f32 v35, v34;
	v35 =	vmul.f32 v46, v50;
	v50 =	vmul.f32 v18, v45;
	v18 =	vld [tilespmem:$0x1F910]  }
0x6fe: {  	v20 =	vld [tilespmem:s11+$0xFFFFFF20]  }
0x6ff: {  	v27 =	vadd.f32 v27, v34;
	v34 =	vmul.f32 v52, v60;
	v60 =	vld [tilespmem:s11+$0x20]  }
0x700: {  	v28 =	vadd.f32 v29, v28;
	v29 =	vmul.f32 v41, v51;
	v51 =	vld [tilespmem:s11+$0xFFFFFFA0]  }
0x701: {  	v31 =	vadd.f32 v32, v31;
	v30 =	vmul.f32 v30, v1;
	v1 =	vld [tilespmem:s11+$0xFFFFFF30]  }
0x702: {  	v41 =	vmul.f32 v19, v44;
	v19 =	vld [tilespmem:$0x1F920]  }
0x703: {  	v28 =	vadd.f32 v31, v28;
	v31 =	vmul.f32 v49, v50;
	v20 =	vmul.f32 v20, v25;
	v25 =	vld [tilespmem:s11+$0xFFFFFFD0]  }
0x704: {  	v21 =	vmul.f32 v21, v22;
	v22 =	vmul.f32 v56, v26;
	v26 =	vld [tilespmem:s11+$0xFFFFFFE0]  }
0x705: {  	v27 =	vadd.f32 v28, v27;
	v56 =	vld [tilespmem:s11+$0x0];
	v28 =	vmul.f32 v61, v30;
	v30 =	vmul.f32 v62, v54  }
0x706: {  	v1 =	vmul.f32 v1, v23;
	v23 =	vmul.f32 v59, v24;
	v24 =	vadd.f32 v21, v31;
	v31 =	vld [tilespmem:s11+$0xFFFFFFF0]  }
0x707: {  	v18 =	vmul.f32 v19, v18;
	v19 =	vmul.f32 v42, v43;
	v21 =	vld [tilespmem:$0x1F930]  }
0x708: {  	v62 =	vmul.f32 v25, v35;
	v28 =	vadd.f32 v30, v28;
	v59 =	vld [tilespmem:s11+$0x10];
	v1 =	vadd.f32 v1, v20  }
0x709: {  	v61 =	vld [tilespmem:$0x1F950];
	v30 =	vmul.f32 v38, v57;
	v20 =	vadd.f32 v23, v22;
	v23 =	vmul.f32 v63, v55  }
0x70a: {  	v22 =	vld [tilespmem:$0x1F940];
	v63 =	vmul.f32 v26, v39;
	v1 =	vadd.f32 v1, v24;
	v24 =	vmul.f32 v51, v58  }
0x70b: {  	v20 =	vadd.f32 v28, v20;
	v28 =	vadd.f32 v30, v23;
	v23 =	vld [tilespmem:s11+$0x30];
	v30 =	vmul.f32 v53, v36  }
0x70c: {  	v21 =	vmul.f32 v33, v21;
	v31 =	vmul.f32 v31, v40;
	v34 =	vadd.f32 v34, v24;
	v24 =	vld [tilespmem:s11+$0x40]  }
0x70d: {  	s3 =	simm.s32 $0x12622;
	v25 =	vld [tilespmem:s11+$0x50];
	v32 =	vmul.f32 v59, v29;
	v1 =	vadd.f32 v20, v1;
	v26 =	vadd.f32 v62, v30  }
0x70e: {  	[tilespmem:s3+$0x11] =	vst v27;
	v27 =	vld [tilespmem:s11+$0x60];
	v31 =	vadd.f32 v31, v63;
	v20 =	vadd.f32 v34, v28;
	v28 =	vmul.f32 v56, v37  }
0x70f: {  	s10 =	simm.s32 $0x0;
	v29 =	vld [tilespmem:s11+$0x70];
	v30 =	vmul.f32 v60, v41;
	s11 =	simm.s32 $0x10900;
	v22 =	vmul.f32 v61, v22;
	[tilespmem:s3+$0xFFFFFFDE] =	vst v1  }
.LBB2_22:
0x710: {  	v1 =	vld [tilespmem:s11+$0x80];
	v26 =	vadd.f32 v31, v26;
	v17 =	vmul.f32 v23, v17;
	v23 =	vadd.f32 v32, v28  }
0x711: {  	v28 =	vld [tilespmem:s11+$0x90];
	v18 =	vmul.f32 v24, v18  }
0x712: {  	v24 =	vld [tilespmem:s11+$0xA0];
	v20 =	vadd.f32 v26, v20;
	v19 =	vmul.f32 v25, v19;
	v17 =	vadd.f32 v17, v30  }
0x713: {  	s31 =	sadd.s32 $0x200, s31;
	v25 =	vld [tilespmem:s11+$0xB0];
	v21 =	vmul.f32 v27, v21  }
0x714: {  	s0 =	sadd.s32 $0x200, s0;
	v26 =	vld [tilespmem:s31+$0x80];
	[tilespmem:s3+$0xFFFFFFEF] =	vst v20;
	v20 =	vmul.f32 v29, v22;
	v17 =	vadd.f32 v17, v23;
	v18 =	vadd.f32 v19, v18  }
0x715: {  	v19 =	vld [tilespmem:s0+$0x80]  }
0x716: {  	v22 =	vld [tilespmem:s31+$0x90];
	v20 =	vadd.f32 v20, v21  }
0x717: {  	v21 =	vld [tilespmem:s0+$0x90]  }
0x718: {  	v23 =	vld [tilespmem:s31+$0xA0];
	v18 =	vadd.f32 v20, v18  }
0x719: {  	v20 =	vld [tilespmem:s0+$0xA0]  }
0x71a: {  	v27 =	vld [tilespmem:s31+$0xB0];
	v17 =	vadd.f32 v18, v17  }
0x71b: {  	v18 =	vld [tilespmem:s0+$0xB0]  }
0x71c: {  	v29 =	vld [tilespmem:s31+$0xC0];
	[tilespmem:s3+$0x0] =	vst v17  }
0x71d: {  	v17 =	vld [tilespmem:s0+$0xC0]  }
0x71e: {  	v30 =	vld [tilespmem:s31+$0xD0]  }
0x71f: {  	v31 =	vld [tilespmem:s0+$0xD0]  }
0x720: {  	v32 =	vld [tilespmem:s31+$0xE0]  }
0x721: {  	v33 =	vld [tilespmem:s0+$0xE0]  }
0x722: {  	v34 =	vld [tilespmem:s31+$0xF0]  }
0x723: {  	v35 =	vld [tilespmem:s0+$0xF0]  }
0x724: {  	v36 =	vld [tilespmem:s11+$0xC0]  }
0x725: {  	s10 =	sadd.s32 $0x4, s10;
	v19 =	vmul.f32 v19, v26;
	v21 =	vmul.f32 v21, v22;
	v22 =	vld [tilespmem:s11+$0xD0]  }
0x726: {  	p1 =	slt.u32 s10, $0x3C;
	v23 =	vmul.f32 v20, v23;
	v18 =	vmul.f32 v18, v27;
	v26 =	vld [tilespmem:s11+$0xE0]  }
0x727: {  	v17 =	vmul.f32 v17, v29;
	v27 =	vmul.f32 v31, v30;
	v29 =	vld [tilespmem:s11+$0xF0]  }
0x728: {  	v30 =	vmul.f32 v33, v32;
	v20 =	vld [tilespmem:s0+$0xFFFFFF00];
	v31 =	vmul.f32 v35, v34  }
0x729: {  	v1 =	vmul.f32 v1, v19;
	v19 =	vmul.f32 v28, v21;
	v32 =	vld [tilespmem:s31+$0xFFFFFF10]  }
0x72a: {  	v23 =	vmul.f32 v24, v23;
	v18 =	vmul.f32 v25, v18;
	v21 =	vld [tilespmem:s0+$0xFFFFFF10]  }
0x72b: {  	v17 =	vmul.f32 v36, v17;
	v22 =	vmul.f32 v22, v27;
	v24 =	vld [tilespmem:s31+$0xFFFFFF20]  }
0x72c: {  	v26 =	vmul.f32 v26, v30;
	v25 =	vld [tilespmem:s0+$0xFFFFFF20];
	v27 =	vmul.f32 v29, v31  }
0x72d: {  	v1 =	vadd.f32 v19, v1;
	v18 =	vadd.f32 v18, v23;
	v28 =	vld [tilespmem:s31+$0xFFFFFF30]  }
0x72e: {  	v17 =	vadd.f32 v22, v17;
	v19 =	vld [tilespmem:s0+$0xFFFFFF30];
	v22 =	vadd.f32 v27, v26  }
0x72f: {  	v23 =	vmul.f32 v21, v32;
	v21 =	vld [tilespmem:s31+$0xFFFFFF40]  }
0x730: {  	v1 =	vadd.f32 v18, v1;
	v26 =	vld [tilespmem:s0+$0xFFFFFF40];
	v17 =	vadd.f32 v22, v17  }
0x731: {  	v24 =	vmul.f32 v25, v24;
	v18 =	vld [tilespmem:s31+$0xFFFFFF50]  }
0x732: {  	v22 =	vld [tilespmem:s0+$0xFFFFFF50];
	v1 =	vadd.f32 v17, v1  }
0x733: {  	s3 =	sadd.s32 $0x44, s3;
	v25 =	vmul.f32 v19, v28;
	v17 =	vld [tilespmem:s31+$0xFFFFFF60]  }
0x734: {  	s20 =	simm.s32 $0x0;
	p0 =	por $0x1, $0x1;
	v19 =	vld [tilespmem:s0+$0xFFFFFF60];
	[tilespmem:s3+$0x11] =	vst v1  }
0x735: {  	v1 =	vmul.f32 v26, v21;
	v21 =	vld [tilespmem:s31+$0xFFFFFF70]  }
0x736: {  	v26 =	vld [tilespmem:s0+$0xFFFFFF70]  }
0x737: {  	v27 =	vmul.f32 v22, v18;
	v18 =	vld [tilespmem:s31+$0xFFFFFF80]  }
0x738: {  	v22 =	vld [tilespmem:s0+$0xFFFFFF80]  }
0x739: {  	v28 =	vmul.f32 v19, v17;
	v17 =	vld [tilespmem:s31+$0xFFFFFF90]  }
0x73a: {  	v19 =	vld [tilespmem:s0+$0xFFFFFF90]  }
0x73b: {  	v26 =	vmul.f32 v26, v21;
	v21 =	vld [tilespmem:s31+$0xFFFFFFA0]  }
0x73c: {  	v29 =	vld [tilespmem:s0+$0xFFFFFFA0]  }
0x73d: {  	v30 =	vmul.f32 v22, v18;
	v18 =	vld [tilespmem:s31+$0xFFFFFFB0]  }
0x73e: {  	v22 =	vld [tilespmem:s0+$0xFFFFFFB0]  }
0x73f: {  	v31 =	vmul.f32 v19, v17;
	v17 =	vld [tilespmem:s31+$0xFFFFFFC0]  }
0x740: {  	v19 =	vld [tilespmem:s0+$0xFFFFFFC0]  }
0x741: {  	v29 =	vmul.f32 v29, v21;
	v21 =	vld [tilespmem:s31+$0xFFFFFFD0]  }
0x742: {  	v32 =	vld [tilespmem:s0+$0xFFFFFFD0]  }
0x743: {  	v33 =	vmul.f32 v22, v18;
	v18 =	vld [tilespmem:s31+$0xFFFFFFE0]  }
0x744: {  	v22 =	vld [tilespmem:s0+$0xFFFFFFE0]  }
0x745: {  	v34 =	vmul.f32 v19, v17;
	v17 =	vld [tilespmem:s31+$0xFFFFFFF0]  }
0x746: {  	v19 =	vld [tilespmem:s0+$0xFFFFFFF0]  }
0x747: {  	v32 =	vmul.f32 v32, v21;
	v21 =	vld [tilespmem:s31+$0x0]  }
0x748: {  	v35 =	vld [tilespmem:s0+$0x0]  }
0x749: {  	v36 =	vmul.f32 v22, v18;
	v18 =	vld [tilespmem:s31+$0x10]  }
0x74a: {  	v22 =	vld [tilespmem:s0+$0x10]  }
0x74b: {  	v37 =	vmul.f32 v19, v17;
	v17 =	vld [tilespmem:s31+$0x20]  }
0x74c: {  	v19 =	vld [tilespmem:s0+$0x20]  }
0x74d: {  	v35 =	vmul.f32 v35, v21;
	v21 =	vld [tilespmem:s31+$0x30]  }
0x74e: {  	v38 =	vld [tilespmem:s0+$0x30]  }
0x74f: {  	v39 =	vmul.f32 v22, v18;
	v18 =	vld [tilespmem:s31+$0x40]  }
0x750: {  	v22 =	vld [tilespmem:s0+$0x40]  }
0x751: {  	v40 =	vmul.f32 v19, v17;
	v19 =	vld [tilespmem:s31+$0x50]  }
0x752: {  	v41 =	vld [tilespmem:s0+$0x50]  }
0x753: {  	v17 =	vmul.f32 v38, v21;
	v21 =	vld [tilespmem:s31+$0x60]  }
0x754: {  	v38 =	vld [tilespmem:s0+$0x60]  }
0x755: {  	v18 =	vmul.f32 v22, v18;
	v22 =	vld [tilespmem:s31+$0x70]  }
0x756: {  	v42 =	vld [tilespmem:s0+$0x70]  }
0x757: {  	v43 =	vld [tilespmem:s31+$0xFFFFFF00];
	v19 =	vmul.f32 v41, v19  }
0x758: {  	v41 =	vld [tilespmem:s11+$0xFFFFFF00]  }
0x759: {  	v44 =	vld [tilespmem:s11+$0xFFFFFF10];
	v21 =	vmul.f32 v38, v21  }
0x75a: {  	v38 =	vld [tilespmem:s11+$0xFFFFFF20]  }
0x75b: {  	v45 =	vld [tilespmem:s11+$0xFFFFFF30];
	v22 =	vmul.f32 v42, v22  }
0x75c: {  	v20 =	vmul.f32 v20, v43;
	v42 =	vld [tilespmem:s11+$0xFFFFFF40]  }
0x75d: {  	v43 =	vld [tilespmem:s11+$0xFFFFFF50]  }
0x75e: {  	v20 =	vmul.f32 v41, v20;
	v23 =	vmul.f32 v44, v23;
	v41 =	vld [tilespmem:s11+$0xFFFFFF60]  }
0x75f: {  	v24 =	vmul.f32 v38, v24;
	v38 =	vld [tilespmem:s11+$0xFFFFFF70]  }
0x760: {  	v25 =	vmul.f32 v45, v25;
	v20 =	vadd.f32 v23, v20;
	v23 =	vld [tilespmem:s11+$0xFFFFFF80]  }
0x761: {  	v1 =	vmul.f32 v42, v1;
	v42 =	vld [tilespmem:s11+$0xFFFFFF90]  }
0x762: {  	v27 =	vmul.f32 v43, v27;
	v24 =	vadd.f32 v25, v24;
	v25 =	vld [tilespmem:s11+$0xFFFFFFA0]  }
0x763: {  	v28 =	vmul.f32 v41, v28;
	v41 =	vld [tilespmem:s11+$0xFFFFFFB0]  }
0x764: {  	v26 =	vmul.f32 v38, v26;
	v20 =	vadd.f32 v24, v20;
	v1 =	vadd.f32 v27, v1;
	v24 =	vld [tilespmem:s11+$0xFFFFFFC0]  }
0x765: {  	v23 =	vmul.f32 v23, v30;
	v27 =	vld [tilespmem:s11+$0xFFFFFFD0]  }
0x766: {  	v26 =	vadd.f32 v26, v28;
	v28 =	vmul.f32 v42, v31;
	v30 =	vld [tilespmem:s11+$0xFFFFFFE0]  }
0x767: {  	v25 =	vmul.f32 v25, v29;
	v29 =	vld [tilespmem:s11+$0xFFFFFFF0]  }
0x768: {  	v1 =	vadd.f32 v26, v1;
	v26 =	vmul.f32 v41, v33;
	v28 =	vadd.f32 v28, v23;
	v31 =	vld [tilespmem:s11+$0x0]  }
0x769: {  	v24 =	vmul.f32 v24, v34;
	v33 =	vld [tilespmem:s11+$0x10]  }
0x76a: {  	v1 =	vadd.f32 v1, v20;
	v27 =	vmul.f32 v27, v32;
	v20 =	vadd.f32 v26, v25;
	v34 =	vld [tilespmem:s11+$0x20]  }
.Ltmp10:
0x76b: {  	v30 =	vmul.f32 v30, v36;
	v23 =	vld [tilespmem:s11+$0x30];
	(pc) =	sbr.rel @p1 .LBB2_22-.Ltmp10, $4  }
0x76c: {  	[tilespmem:s3+$0xFFFFFFDE] =	vst v1;
	v1 =	vmul.f32 v29, v37;
	v20 =	vadd.f32 v20, v28;
	v26 =	vadd.f32 v27, v24;
	v24 =	vld [tilespmem:s11+$0x40]  }
0x76d: {  	v28 =	vmul.f32 v31, v35;
	v25 =	vld [tilespmem:s11+$0x50]  }
0x76e: {  	v31 =	vadd.f32 v1, v30;
	v32 =	vmul.f32 v33, v39;
	v27 =	vld [tilespmem:s11+$0x60]  }
0x76f: {  	v30 =	vmul.f32 v34, v40;
	v29 =	vld [tilespmem:s11+$0x70];
	s11 =	sadd.s32 $0x200, s11  }
0x770: {  	_ =	sdelay $0x1  }
0x771: {  	v1 =	vmul.f32 v23, v17  }
0x772: {  	v17 =	vmul.f32 v24, v18;
	v18 =	vmul.f32 v25, v19  }
0x773: {  	v19 =	vmul.f32 v27, v21;
	v62 =	vmul.f32 v29, v22  }
0x774: {  	v63 =	vadd.f32 v32, v28;
	v1 =	vadd.f32 v1, v30  }
0x775: {  	v17 =	vadd.f32 v18, v17;
	v18 =	vadd.f32 v62, v19  }
0x776: {  	v19 =	vadd.f32 v31, v26  }
0x777: {  	v1 =	vadd.f32 v1, v63;
	v17 =	vadd.f32 v18, v17  }
0x778: {  	v18 =	vadd.f32 v19, v20  }
0x779: {  	v1 =	vadd.f32 v17, v1  }
0x77a: {  	[tilespmem:s3+$0xFFFFFFEF] =	vst v18  }
0x77b: {  	[tilespmem:s3+$0x0] =	vst v1  }
.LBB2_24:
0x77c: {  	v1 =	vmov s20  }
0x77d: {  	v1 =	vmul.u32 $0x11, v1;
	_ =	sdelay $0x1  }
0x77e: {  	v1 =	vbroadcast v1, $0x0;
	_ =	sdelay $0x1  }
0x77f: {  	v17 =	vadd.s32 v0, v1  }
0x780: {  	v18 =	vadd.s32 v2, v1  }
0x781: {  	v19 =	vadd.s32 v3, v1  }
0x782: {  	v20 =	vadd.s32 v4, v1  }
0x783: {  	v21 =	vadd.s32 v5, v1  }
0x784: {  	v22 =	vadd.s32 v6, v1;
	v17 =	vld.idx.msk [tilespmem:v17+s30+$0x0], $0xffff  }
0x785: {  	v23 =	vadd.s32 v7, v1;
	v18 =	vld.idx.msk [tilespmem:v18+s30+$0x0], $0xffff  }
0x786: {  	v24 =	vadd.s32 v8, v1;
	v19 =	vld.idx.msk [tilespmem:v19+s30+$0x0], $0xffff  }
0x787: {  	v25 =	vadd.s32 v9, v1;
	v20 =	vld.idx.msk [tilespmem:v20+s30+$0x0], $0xffff  }
0x788: {  	v26 =	vadd.s32 v10, v1;
	v21 =	vld.idx.msk [tilespmem:v21+s30+$0x0], $0xffff  }
0x789: {  	s0 =	sor.u32 $0x10, s20;
	v27 =	vadd.s32 v11, v1;
	v22 =	vld.idx.msk [tilespmem:v22+s30+$0x0], $0xffff  }
0x78a: {  	v29 =	vmov s0;
	v28 =	vadd.s32 v12, v1;
	v23 =	vld.idx.msk [tilespmem:v23+s30+$0x0], $0xffff  }
0x78b: {  	v29 =	vmul.u32 $0x11, v29;
	v30 =	vadd.s32 v13, v1;
	v24 =	vld.idx.msk [tilespmem:v24+s30+$0x0], $0xffff  }
0x78c: {  	v31 =	vadd.s32 v14, v1;
	v25 =	vld.idx.msk [tilespmem:v25+s30+$0x0], $0xffff  }
0x78d: {  	v29 =	vbroadcast v29, $0x0;
	v32 =	vadd.s32 v15, v1;
	v26 =	vld.idx.msk [tilespmem:v26+s30+$0x0], $0xffff  }
0x78e: {  	v1 =	vadd.s32 v16, v1;
	v27 =	vld.idx.msk [tilespmem:v27+s30+$0x0], $0xffff  }
0x78f: {  	v33 =	vadd.s32 v0, v29;
	v28 =	vld.idx.msk [tilespmem:v28+s30+$0x0], $0xffff  }
0x790: {  	v34 =	vadd.s32 v2, v29;
	v30 =	vld.idx.msk [tilespmem:v30+s30+$0x0], $0xffff  }
0x791: {  	v35 =	vadd.s32 v3, v29;
	v31 =	vld.idx.msk [tilespmem:v31+s30+$0x0], $0xffff  }
0x792: {  	v36 =	vadd.s32 v4, v29;
	v32 =	vld.idx.msk [tilespmem:v32+s30+$0x0], $0xffff  }
0x793: {  	v37 =	vadd.s32 v5, v29;
	v1 =	vld.idx.msk [tilespmem:v1+s30+$0x0], $0xffff  }
0x794: {  	v38 =	vadd.s32 v6, v29;
	v33 =	vld.idx.msk [tilespmem:v33+s30+$0x0], $0xffff;
	v17 =	vadd.f32 $0.0e+00, v17;
	v18 =	vadd.f32 $0.0e+00, v18  }
0x795: {  	v46 =	vadd.s32 v7, v29;
	v45 =	vld.idx.msk [tilespmem:v34+s30+$0x0], $0xffff;
	v19 =	vadd.f32 $0.0e+00, v19;
	v20 =	vadd.f32 $0.0e+00, v20  }
0x796: {  	v52 =	vadd.s32 v10, v29;
	v47 =	vld.idx.msk [tilespmem:v35+s30+$0x0], $0xffff;
	v17 =	vadd.f32 v21, v17;
	v18 =	vadd.f32 v22, v18  }
0x797: {  	v57 =	vadd.s32 v13, v29;
	v49 =	vld.idx.msk [tilespmem:v36+s30+$0x0], $0xffff;
	v19 =	vadd.f32 v23, v19;
	v20 =	vadd.f32 v24, v20  }
0x798: {  	v48 =	vadd.s32 v8, v29;
	v51 =	vld.idx.msk [tilespmem:v37+s30+$0x0], $0xffff;
	v17 =	vadd.f32 v25, v17;
	v18 =	vadd.f32 v26, v18  }
0x799: {  	v56 =	vadd.s32 v12, v29;
	v53 =	vld.idx.msk [tilespmem:v38+s30+$0x0], $0xffff;
	v19 =	vadd.f32 v27, v19;
	v20 =	vadd.f32 v28, v20  }
0x79a: {  	v50 =	vadd.s32 v9, v29;
	v55 =	vld.idx.msk [tilespmem:v46+s30+$0x0], $0xffff;
	v17 =	vadd.f32 v30, v17;
	v18 =	vadd.f32 v31, v18  }
0x79b: {  	v54 =	vadd.s32 v11, v29;
	v58 =	vld.idx.msk [tilespmem:v52+s30+$0x0], $0xffff;
	v19 =	vadd.f32 v32, v19;
	v1 =	vadd.f32 v1, v20  }
0x79c: {  	v59 =	vadd.s32 v15, v29;
	v60 =	vld.idx.msk [tilespmem:v57+s30+$0x0], $0xffff  }
0x79d: {  	v24 =	vld.idx.msk [tilespmem:v48+s30+$0x0], $0xffff;
	v17 =	vadd.f32 v18, v17;
	v1 =	vadd.f32 v1, v19;
	v19 =	vadd.s32 v14, v29  }
0x79e: {  	v22 =	vld.idx.msk [tilespmem:v56+s30+$0x0], $0xffff;
	v29 =	vadd.s32 v16, v29  }
0x79f: {  	v18 =	vld.idx.msk [tilespmem:v50+s30+$0x0], $0xffff;
	v1 =	vadd.f32 v1, v17  }
0x7a0: {  	v61 =	vadd.f32 $0.0e+00, v33;
	v17 =	vld.idx.msk [tilespmem:v54+s30+$0x0], $0xffff  }
0x7a1: {  	v23 =	vadd.f32 $0.0e+00, v47;
	v28 =	vld.idx.msk [tilespmem:v59+s30+$0x0], $0xffff;
	v1 =	vsub.f32 $0.0e+00, v1  }
0x7a2: {  	v21 =	vadd.f32 $0.0e+00, v45;
	v25 =	vadd.f32 $0.0e+00, v49;
	v19 =	vld.idx.msk [tilespmem:v19+s30+$0x0], $0xffff  }
0x7a3: {  	v27 =	vadd.f32 v51, v61;
	v20 =	vadd.f32 v55, v23;
	v29 =	vld.idx.msk [tilespmem:v29+s30+$0x0], $0xffff;
	v1 =	vmul.f32 $1.442695020e+00, v1  }
0x7a4: {  	v21 =	vadd.f32 v53, v21;
	v62 =	vadd.f32 v24, v25  }
0x7a5: {  	v17 =	vadd.f32 v17, v20;
	(erf) = vpow2.f32 v1;
	v1 =	vadd.f32 v18, v27  }
0x7a6: {  	v63 =	vadd.f32 v22, v62;
	v18 =	vadd.f32 v58, v21  }
0x7a7: {  	v17 =	vadd.f32 v28, v17;
	v1 =	vadd.f32 v60, v1  }
0x7a8: {  	v18 =	vadd.f32 v19, v18;
	v19 =	vadd.f32 v29, v63;
	_ =	sdelay $0x1  }
0x7a9: {  	v1 =	vadd.f32 v18, v1;
	v17 =	vadd.f32 v19, v17;
	_ =	sdelay $0x1  }
0x7aa: {  	v1 =	vadd.f32 v17, v1;
	_ =	sdelay $0x1  }
0x7ab: {  	v1 =	vsub.f32 $0.0e+00, v1;
	v17 =	vpop (erf)  }
0x7ac: {  	v17 =	vadd.f32 $1.000000000e+00, v17  }
0x7ad: {  	v1 =	vmul.f32 $1.442695020e+00, v1  }
0x7ae: {  	(erf) = vrcp.f32 v17  }
0x7af: {  	(erf) = vpow2.f32 v1;
	_ =	sdelay $0x7  }
0x7b0: {  	v1 =	vpop (erf)  }
0x7b1: {  	v17 =	vpop (erf)  }
0x7b2: {  	v17 =	vadd.f32 $1.000000000e+00, v17;
	_ =	sdelay $0x1  }
0x7b3: {  	(erf) = vrcp.f32 v17;
	_ =	sdelay $0x4  }
0x7b4: {  	p1 =	por p0, p0  }
.Ltmp11:
0x7b5: {  	_ = 	snop;
	(pc) =	sbr.rel @p1 .LBB2_24-.Ltmp11, $3  }
0x7b6: {  	_ =	sdelay $0x1  }
0x7b7: {  	[tilespmem:s20+$0x12BC0] =	vst v1;
	v1 =	vpop (erf)  }
0x7b8: {  	p0 =	por $0x0, $0x0;
	[tilespmem:s20+$0x12BD0] =	vst v1;
	s20 =	simm.s32 $0x20  }
0x7b9: {  	_ =	swait.ge [sflag:s29], $0x2000  }
0x7ba: {  	[sflag:s29] =	ssyncset.done $0x0  }
0x7bb: {  	[sflag:s29] =	ssyncadd.s32 $0xFFFFE000  }
0x7bc: {  	_ =	swait.ge [sflag:s29], $0x2000  }
0x7bd: {  	[sflag:s29] =	ssyncset.done $0x0  }
0x7be: {  	[sflag:s29] =	ssyncadd.s32 $0xFFFFE000  }
0x7bf: {  	_ =	swait.ge [sflag:s29], $0x2000  }
0x7c0: {  	[sflag:s29] =	ssyncset.done $0x0  }
0x7c1: {  	s11 =	simm.s32 $0x4700;
	[sflag:s29] =	ssyncadd.s32 $0xFFFFE000  }
0x7c2: {  	v1 =	vld [tilespmem:s11+$0xA0];
	_ =	sdelay $0x3  }
0x7c3: {  	v22 =	vld [tilespmem:s11+$0x80]  }
0x7c4: {  	v23 =	vld [tilespmem:s11+$0x90];
	[tilespmem:$0x1F6C0] =	vst v1  }
0x7c5: {  	s31 =	simm.s32 $0x700;
	v24 =	vld [tilespmem:s11+$0xB0]  }
0x7c6: {  	s0 =	simm.s32 $0x2700;
	v49 =	vld [tilespmem:s31+$0x80]  }
0x7c7: {  	v45 =	vld [tilespmem:s0+$0x80]  }
0x7c8: {  	v43 =	vld [tilespmem:s31+$0x90]  }
0x7c9: {  	v38 =	vld [tilespmem:s0+$0x90]  }
0x7ca: {  	v1 =	vld [tilespmem:s31+$0xA0]  }
0x7cb: {  	v40 =	vld [tilespmem:s0+$0xA0]  }
0x7cc: {  	v42 =	vld [tilespmem:s31+$0xB0]  }
0x7cd: {  	v27 =	vld [tilespmem:s0+$0xB0]  }
0x7ce: {  	v28 =	vld [tilespmem:s31+$0xC0]  }
0x7cf: {  	v29 =	vld [tilespmem:s0+$0xC0]  }
0x7d0: {  	v20 =	vld [tilespmem:s31+$0xD0]  }
0x7d1: {  	v17 =	vld [tilespmem:s11+$0xC0]  }
0x7d2: {  	v31 =	vld [tilespmem:s0+$0xD0]  }
0x7d3: {  	v32 =	vld [tilespmem:s31+$0xE0]  }
0x7d4: {  	v33 =	vld [tilespmem:s0+$0xE0]  }
0x7d5: {  	v34 =	vld [tilespmem:s31+$0xF0]  }
0x7d6: {  	v35 =	vld [tilespmem:s0+$0xF0];
	[tilespmem:$0x1F6D0] =	vst v17  }
0x7d7: {  	v17 =	vld [tilespmem:s11+$0xD0];
	_ =	sdelay $0x4  }
0x7d8: {  	[tilespmem:$0x1F6E0] =	vst v17  }
0x7d9: {  	v17 =	vld [tilespmem:s0+$0xFFFFFF00];
	_ =	sdelay $0x3  }
0x7da: {  	v25 =	vld [tilespmem:s11+$0xE0]  }
0x7db: {  	v26 =	vld [tilespmem:s11+$0xF0];
	[tilespmem:$0x1F7B0] =	vst v17  }
0x7dc: {  	v17 =	vld [tilespmem:s0+$0xFFFFFF10];
	_ =	sdelay $0x4  }
0x7dd: {  	v30 =	vld [tilespmem:s31+$0xFFFFFF10];
	[tilespmem:$0x1F6F0] =	vst v17  }
0x7de: {  	v17 =	vld [tilespmem:s31+$0xFFFFFF20];
	_ =	sdelay $0x4  }
0x7df: {  	[tilespmem:$0x1F700] =	vst v17  }
0x7e0: {  	v17 =	vld [tilespmem:s0+$0xFFFFFF20];
	_ =	sdelay $0x4  }
0x7e1: {  	[tilespmem:$0x1F710] =	vst v17  }
0x7e2: {  	v17 =	vld [tilespmem:s31+$0xFFFFFF30];
	_ =	sdelay $0x4  }
0x7e3: {  	[tilespmem:$0x1F720] =	vst v17  }
0x7e4: {  	v17 =	vld [tilespmem:s0+$0xFFFFFF30];
	_ =	sdelay $0x4  }
0x7e5: {  	[tilespmem:$0x1F730] =	vst v17  }
0x7e6: {  	v17 =	vld [tilespmem:s31+$0xFFFFFF40];
	_ =	sdelay $0x4  }
0x7e7: {  	[tilespmem:$0x1F740] =	vst v17  }
0x7e8: {  	v17 =	vld [tilespmem:s0+$0xFFFFFF40];
	_ =	sdelay $0x4  }
0x7e9: {  	[tilespmem:$0x1F750] =	vst v17  }
0x7ea: {  	v17 =	vld [tilespmem:s31+$0xFFFFFF50];
	_ =	sdelay $0x4  }
0x7eb: {  	[tilespmem:$0x1F760] =	vst v17  }
0x7ec: {  	v17 =	vld [tilespmem:s0+$0xFFFFFF50];
	_ =	sdelay $0x4  }
0x7ed: {  	[tilespmem:$0x1F770] =	vst v17  }
0x7ee: {  	v17 =	vld [tilespmem:s31+$0xFFFFFF60];
	_ =	sdelay $0x4  }
0x7ef: {  	[tilespmem:$0x1F780] =	vst v17  }
0x7f0: {  	v17 =	vld [tilespmem:s0+$0xFFFFFF60];
	_ =	sdelay $0x4  }
0x7f1: {  	[tilespmem:$0x1F790] =	vst v17  }
0x7f2: {  	v17 =	vld [tilespmem:s31+$0xFFFFFF70];
	_ =	sdelay $0x4  }
0x7f3: {  	[tilespmem:$0x1F7A0] =	vst v17  }
0x7f4: {  	v54 =	vld [tilespmem:s0+$0xFFFFFF70]  }
0x7f5: {  	v55 =	vld [tilespmem:s31+$0xFFFFFF80]  }
0x7f6: {  	v56 =	vld [tilespmem:s0+$0xFFFFFF80]  }
0x7f7: {  	v57 =	vld [tilespmem:s31+$0xFFFFFF90]  }
0x7f8: {  	v58 =	vld [tilespmem:s0+$0xFFFFFF90]  }
0x7f9: {  	v59 =	vld [tilespmem:s31+$0xFFFFFFA0]  }
0x7fa: {  	v60 =	vld [tilespmem:s0+$0xFFFFFFA0]  }
0x7fb: {  	v61 =	vld [tilespmem:s31+$0xFFFFFFB0]  }
0x7fc: {  	v62 =	vld [tilespmem:s0+$0xFFFFFFB0]  }
0x7fd: {  	v63 =	vld [tilespmem:s31+$0xFFFFFFC0]  }
0x7fe: {  	v36 =	vld [tilespmem:s0+$0xFFFFFFC0]  }
0x7ff: {  	v50 =	vld [tilespmem:s31+$0xFFFFFFD0]  }
0x800: {  	v46 =	vld [tilespmem:s0+$0xFFFFFFD0]  }
0x801: {  	v39 =	vld [tilespmem:s31+$0xFFFFFFE0]  }
0x802: {  	v17 =	vld [tilespmem:s0+$0xFFFFFFE0]  }
0x803: {  	v52 =	vld [tilespmem:s31+$0xFFFFFFF0]  }
0x804: {  	v48 =	vld [tilespmem:s0+$0xFFFFFFF0]  }
0x805: {  	v37 =	vld [tilespmem:s31+$0x0]  }
0x806: {  	v18 =	vld [tilespmem:s0+$0x0]  }
0x807: {  	v51 =	vld [tilespmem:s31+$0x10]  }
0x808: {  	v21 =	vld [tilespmem:s31+$0x40]  }
0x809: {  	v41 =	vld [tilespmem:s0+$0x10]  }
0x80a: {  	v44 =	vld [tilespmem:s31+$0x20]  }
0x80b: {  	v19 =	vld [tilespmem:s0+$0x20]  }
0x80c: {  	v53 =	vld [tilespmem:s31+$0x30]  }
0x80d: {  	v47 =	vld [tilespmem:s0+$0x30];
	[tilespmem:$0x1F7C0] =	vst v21  }
0x80e: {  	v21 =	vld [tilespmem:s0+$0x40];
	_ =	sdelay $0x4  }
0x80f: {  	[tilespmem:$0x1F7D0] =	vst v21  }
0x810: {  	v40 =	vmul.f32 v40, v1;
	v1 =	vld [tilespmem:s31+$0x60];
	_ =	sdelay $0x3  }
0x811: {  	v38 =	vmul.f32 v38, v43;
	v43 =	vld [tilespmem:s31+$0x50]  }
0x812: {  	v27 =	vmul.f32 v27, v42;
	v42 =	vld [tilespmem:s0+$0x50];
	[tilespmem:$0x1F7E0] =	vst v1  }
0x813: {  	v1 =	vld [tilespmem:s31+$0x70];
	_ =	sdelay $0x2  }
0x814: {  	v28 =	vmul.f32 v29, v28  }
0x815: {  	v29 =	vmul.f32 v31, v20;
	v31 =	vmul.f32 v33, v32;
	v33 =	vld [tilespmem:s0+$0x60]  }
0x816: {  	[tilespmem:$0x1F7F0] =	vst v1;
	v1 =	vld [tilespmem:$0x1F6C0];
	_ =	sdelay $0x4  }
0x817: {  	v40 =	vmul.f32 v1, v40;
	v1 =	vld [tilespmem:s0+$0x70];
	_ =	sdelay $0x4  }
0x818: {  	[tilespmem:$0x1F800] =	vst v1;
	v1 =	vld [tilespmem:$0x1F6D0];
	_ =	sdelay $0x4  }
0x819: {  	v28 =	vmul.f32 v1, v28;
	v1 =	vld [tilespmem:$0x1F6E0];
	_ =	sdelay $0x4  }
0x81a: {  	v29 =	vmul.f32 v1, v29;
	v1 =	vld [tilespmem:$0x1F6F0];
	_ =	sdelay $0x2  }
0x81b: {  	v45 =	vmul.f32 v45, v49  }
0x81c: {  	v49 =	vmul.f32 v35, v34;
	v20 =	vld [tilespmem:$0x1F710]  }
0x81d: {  	v34 =	vmul.f32 v22, v45;
	v22 =	vmul.f32 v1, v30;
	v1 =	vld [tilespmem:$0x1F700];
	_ =	sdelay $0x1  }
0x81e: {  	v27 =	vmul.f32 v24, v27;
	v24 =	vld [tilespmem:$0x1F770]  }
0x81f: {  	v35 =	vmul.f32 v23, v38;
	v38 =	vld [tilespmem:$0x1F7A0]  }
0x820: {  	v37 =	vmul.f32 v18, v37;
	v18 =	vld [tilespmem:$0x1F7B0]  }
0x821: {  	v31 =	vmul.f32 v25, v31;
	v25 =	vmul.f32 v20, v1;
	v1 =	vld [tilespmem:$0x1F720]  }
0x822: {  	v20 =	vld [tilespmem:$0x1F730]  }
0x823: {  	v45 =	vld [tilespmem:s31+$0xFFFFFF00]  }
0x824: {  	v32 =	vmul.f32 v26, v49;
	v49 =	vld [tilespmem:s11+$0xFFFFFF00]  }
0x825: {  	v21 =	vld [tilespmem:s11+$0xFFFFFF10]  }
0x826: {  	v55 =	vmul.f32 v56, v55;
	v56 =	vld [tilespmem:s11+$0xFFFFFF40]  }
0x827: {  	v23 =	vmul.f32 v20, v1;
	v1 =	vld [tilespmem:$0x1F740]  }
0x828: {  	v20 =	vld [tilespmem:$0x1F750]  }
0x829: {  	v57 =	vmul.f32 v58, v57;
	v58 =	vmul.f32 v60, v59;
	v59 =	vld [tilespmem:s11+$0xFFFFFF50]  }
0x82a: {  	v60 =	vmul.f32 v62, v61;
	v61 =	vld [tilespmem:s11+$0xFFFFFF60]  }
0x82b: {  	v62 =	vld [tilespmem:s11+$0xFFFFFF70]  }
0x82c: {  	v36 =	vmul.f32 v36, v63;
	v63 =	vld [tilespmem:s11+$0xFFFFFF80]  }
0x82d: {  	v26 =	vmul.f32 v20, v1;
	v1 =	vld [tilespmem:$0x1F760]  }
0x82e: {  	v54 =	vmul.f32 v54, v38;
	v38 =	vld [tilespmem:s11+$0xFFFFFF90]  }
0x82f: {  	v27 =	vadd.f32 v27, v40;
	v40 =	vmul.f32 v48, v52;
	v52 =	vld [tilespmem:s11+$0xFFFFFFB0]  }
0x830: {  	v39 =	vmul.f32 v17, v39;
	v17 =	vmul.f32 v47, v53;
	v53 =	vld [tilespmem:s11+$0xFFFFFFC0]  }
0x831: {  	v30 =	vld [tilespmem:$0x1F790]  }
0x832: {  	v24 =	vmul.f32 v24, v1;
	v1 =	vld [tilespmem:$0x1F780]  }
0x833: {  	v34 =	vadd.f32 v35, v34;
	v35 =	vmul.f32 v46, v50;
	v50 =	vmul.f32 v18, v45;
	v18 =	vld [tilespmem:$0x1F7C0]  }
0x834: {  	v20 =	vld [tilespmem:s11+$0xFFFFFF20]  }
0x835: {  	v27 =	vadd.f32 v27, v34;
	v34 =	vmul.f32 v52, v60;
	v60 =	vld [tilespmem:s11+$0x20]  }
0x836: {  	v28 =	vadd.f32 v29, v28;
	v29 =	vmul.f32 v41, v51;
	v51 =	vld [tilespmem:s11+$0xFFFFFFA0]  }
0x837: {  	v31 =	vadd.f32 v32, v31;
	v30 =	vmul.f32 v30, v1;
	v1 =	vld [tilespmem:s11+$0xFFFFFF30]  }
0x838: {  	v41 =	vmul.f32 v19, v44;
	v19 =	vld [tilespmem:$0x1F7D0]  }
0x839: {  	v28 =	vadd.f32 v31, v28;
	v31 =	vmul.f32 v49, v50;
	v20 =	vmul.f32 v20, v25;
	v25 =	vld [tilespmem:s11+$0xFFFFFFD0]  }
0x83a: {  	v21 =	vmul.f32 v21, v22;
	v22 =	vmul.f32 v56, v26;
	v26 =	vld [tilespmem:s11+$0xFFFFFFE0]  }
0x83b: {  	v27 =	vadd.f32 v28, v27;
	v56 =	vld [tilespmem:s11+$0x0];
	v28 =	vmul.f32 v61, v30;
	v30 =	vmul.f32 v62, v54  }
0x83c: {  	v1 =	vmul.f32 v1, v23;
	v23 =	vmul.f32 v59, v24;
	v24 =	vadd.f32 v21, v31;
	v31 =	vld [tilespmem:s11+$0xFFFFFFF0]  }
0x83d: {  	v18 =	vmul.f32 v19, v18;
	v19 =	vmul.f32 v42, v43;
	v21 =	vld [tilespmem:$0x1F7E0]  }
0x83e: {  	v62 =	vmul.f32 v25, v35;
	v28 =	vadd.f32 v30, v28;
	v59 =	vld [tilespmem:s11+$0x10];
	v1 =	vadd.f32 v1, v20  }
0x83f: {  	v61 =	vld [tilespmem:$0x1F800];
	v30 =	vmul.f32 v38, v57;
	v20 =	vadd.f32 v23, v22;
	v23 =	vmul.f32 v63, v55  }
0x840: {  	v22 =	vld [tilespmem:$0x1F7F0];
	v63 =	vmul.f32 v26, v39;
	v1 =	vadd.f32 v1, v24;
	v24 =	vmul.f32 v51, v58  }
0x841: {  	v20 =	vadd.f32 v28, v20;
	v28 =	vadd.f32 v30, v23;
	v23 =	vld [tilespmem:s11+$0x30];
	v30 =	vmul.f32 v53, v36  }
0x842: {  	v21 =	vmul.f32 v33, v21;
	v31 =	vmul.f32 v31, v40;
	v34 =	vadd.f32 v34, v24;
	v24 =	vld [tilespmem:s11+$0x40]  }
0x843: {  	s3 =	simm.s32 $0x12622;
	v25 =	vld [tilespmem:s11+$0x50];
	v32 =	vmul.f32 v59, v29;
	v1 =	vadd.f32 v20, v1;
	v26 =	vadd.f32 v62, v30  }
0x844: {  	[tilespmem:s3+$0x11] =	vst v27;
	v27 =	vld [tilespmem:s11+$0x60];
	v31 =	vadd.f32 v31, v63;
	v20 =	vadd.f32 v34, v28;
	v28 =	vmul.f32 v56, v37  }
0x845: {  	s10 =	simm.s32 $0x0;
	v29 =	vld [tilespmem:s11+$0x70];
	v30 =	vmul.f32 v60, v41;
	s11 =	simm.s32 $0x4900;
	v22 =	vmul.f32 v61, v22;
	[tilespmem:s3+$0xFFFFFFDE] =	vst v1  }
.LBB2_26:
0x846: {  	v1 =	vld [tilespmem:s11+$0x80];
	v26 =	vadd.f32 v31, v26;
	v17 =	vmul.f32 v23, v17;
	v23 =	vadd.f32 v32, v28  }
0x847: {  	v28 =	vld [tilespmem:s11+$0x90];
	v18 =	vmul.f32 v24, v18  }
0x848: {  	v24 =	vld [tilespmem:s11+$0xA0];
	v20 =	vadd.f32 v26, v20;
	v19 =	vmul.f32 v25, v19;
	v17 =	vadd.f32 v17, v30  }
0x849: {  	s31 =	sadd.s32 $0x200, s31;
	v25 =	vld [tilespmem:s11+$0xB0];
	v21 =	vmul.f32 v27, v21  }
0x84a: {  	s0 =	sadd.s32 $0x200, s0;
	v26 =	vld [tilespmem:s31+$0x80];
	[tilespmem:s3+$0xFFFFFFEF] =	vst v20;
	v20 =	vmul.f32 v29, v22;
	v17 =	vadd.f32 v17, v23;
	v18 =	vadd.f32 v19, v18  }
0x84b: {  	v19 =	vld [tilespmem:s0+$0x80]  }
0x84c: {  	v22 =	vld [tilespmem:s31+$0x90];
	v20 =	vadd.f32 v20, v21  }
0x84d: {  	v21 =	vld [tilespmem:s0+$0x90]  }
0x84e: {  	v23 =	vld [tilespmem:s31+$0xA0];
	v18 =	vadd.f32 v20, v18  }
0x84f: {  	v20 =	vld [tilespmem:s0+$0xA0]  }
0x850: {  	v27 =	vld [tilespmem:s31+$0xB0];
	v17 =	vadd.f32 v18, v17  }
0x851: {  	v18 =	vld [tilespmem:s0+$0xB0]  }
0x852: {  	v29 =	vld [tilespmem:s31+$0xC0];
	[tilespmem:s3+$0x0] =	vst v17  }
0x853: {  	v17 =	vld [tilespmem:s0+$0xC0]  }
0x854: {  	v30 =	vld [tilespmem:s31+$0xD0]  }
0x855: {  	v31 =	vld [tilespmem:s0+$0xD0]  }
0x856: {  	v32 =	vld [tilespmem:s31+$0xE0]  }
0x857: {  	v33 =	vld [tilespmem:s0+$0xE0]  }
0x858: {  	v34 =	vld [tilespmem:s31+$0xF0]  }
0x859: {  	v35 =	vld [tilespmem:s0+$0xF0]  }
0x85a: {  	v36 =	vld [tilespmem:s11+$0xC0]  }
0x85b: {  	s10 =	sadd.s32 $0x4, s10;
	v19 =	vmul.f32 v19, v26;
	v21 =	vmul.f32 v21, v22;
	v22 =	vld [tilespmem:s11+$0xD0]  }
0x85c: {  	p1 =	slt.u32 s10, $0x3C;
	v23 =	vmul.f32 v20, v23;
	v18 =	vmul.f32 v18, v27;
	v26 =	vld [tilespmem:s11+$0xE0]  }
0x85d: {  	v17 =	vmul.f32 v17, v29;
	v27 =	vmul.f32 v31, v30;
	v29 =	vld [tilespmem:s11+$0xF0]  }
0x85e: {  	v30 =	vmul.f32 v33, v32;
	v20 =	vld [tilespmem:s0+$0xFFFFFF00];
	v31 =	vmul.f32 v35, v34  }
0x85f: {  	v1 =	vmul.f32 v1, v19;
	v19 =	vmul.f32 v28, v21;
	v32 =	vld [tilespmem:s31+$0xFFFFFF10]  }
0x860: {  	v23 =	vmul.f32 v24, v23;
	v18 =	vmul.f32 v25, v18;
	v21 =	vld [tilespmem:s0+$0xFFFFFF10]  }
0x861: {  	v17 =	vmul.f32 v36, v17;
	v22 =	vmul.f32 v22, v27;
	v24 =	vld [tilespmem:s31+$0xFFFFFF20]  }
0x862: {  	v26 =	vmul.f32 v26, v30;
	v25 =	vld [tilespmem:s0+$0xFFFFFF20];
	v27 =	vmul.f32 v29, v31  }
0x863: {  	v1 =	vadd.f32 v19, v1;
	v18 =	vadd.f32 v18, v23;
	v28 =	vld [tilespmem:s31+$0xFFFFFF30]  }
0x864: {  	v17 =	vadd.f32 v22, v17;
	v19 =	vld [tilespmem:s0+$0xFFFFFF30];
	v22 =	vadd.f32 v27, v26  }
0x865: {  	v23 =	vmul.f32 v21, v32;
	v21 =	vld [tilespmem:s31+$0xFFFFFF40]  }
0x866: {  	v1 =	vadd.f32 v18, v1;
	v26 =	vld [tilespmem:s0+$0xFFFFFF40];
	v17 =	vadd.f32 v22, v17  }
0x867: {  	v24 =	vmul.f32 v25, v24;
	v18 =	vld [tilespmem:s31+$0xFFFFFF50]  }
0x868: {  	v22 =	vld [tilespmem:s0+$0xFFFFFF50];
	v1 =	vadd.f32 v17, v1  }
0x869: {  	s3 =	sadd.s32 $0x44, s3;
	v25 =	vmul.f32 v19, v28;
	v17 =	vld [tilespmem:s31+$0xFFFFFF60]  }
0x86a: {  	s20 =	simm.s32 $0x0;
	p0 =	por $0x1, $0x1;
	v19 =	vld [tilespmem:s0+$0xFFFFFF60];
	[tilespmem:s3+$0x11] =	vst v1  }
0x86b: {  	v1 =	vmul.f32 v26, v21;
	v21 =	vld [tilespmem:s31+$0xFFFFFF70]  }
0x86c: {  	v26 =	vld [tilespmem:s0+$0xFFFFFF70]  }
0x86d: {  	v27 =	vmul.f32 v22, v18;
	v18 =	vld [tilespmem:s31+$0xFFFFFF80]  }
0x86e: {  	v22 =	vld [tilespmem:s0+$0xFFFFFF80]  }
0x86f: {  	v28 =	vmul.f32 v19, v17;
	v17 =	vld [tilespmem:s31+$0xFFFFFF90]  }
0x870: {  	v19 =	vld [tilespmem:s0+$0xFFFFFF90]  }
0x871: {  	v26 =	vmul.f32 v26, v21;
	v21 =	vld [tilespmem:s31+$0xFFFFFFA0]  }
0x872: {  	v29 =	vld [tilespmem:s0+$0xFFFFFFA0]  }
0x873: {  	v30 =	vmul.f32 v22, v18;
	v18 =	vld [tilespmem:s31+$0xFFFFFFB0]  }
0x874: {  	v22 =	vld [tilespmem:s0+$0xFFFFFFB0]  }
0x875: {  	v31 =	vmul.f32 v19, v17;
	v17 =	vld [tilespmem:s31+$0xFFFFFFC0]  }
0x876: {  	v19 =	vld [tilespmem:s0+$0xFFFFFFC0]  }
0x877: {  	v29 =	vmul.f32 v29, v21;
	v21 =	vld [tilespmem:s31+$0xFFFFFFD0]  }
0x878: {  	v32 =	vld [tilespmem:s0+$0xFFFFFFD0]  }
0x879: {  	v33 =	vmul.f32 v22, v18;
	v18 =	vld [tilespmem:s31+$0xFFFFFFE0]  }
0x87a: {  	v22 =	vld [tilespmem:s0+$0xFFFFFFE0]  }
0x87b: {  	v34 =	vmul.f32 v19, v17;
	v17 =	vld [tilespmem:s31+$0xFFFFFFF0]  }
0x87c: {  	v19 =	vld [tilespmem:s0+$0xFFFFFFF0]  }
0x87d: {  	v32 =	vmul.f32 v32, v21;
	v21 =	vld [tilespmem:s31+$0x0]  }
0x87e: {  	v35 =	vld [tilespmem:s0+$0x0]  }
0x87f: {  	v36 =	vmul.f32 v22, v18;
	v18 =	vld [tilespmem:s31+$0x10]  }
0x880: {  	v22 =	vld [tilespmem:s0+$0x10]  }
0x881: {  	v37 =	vmul.f32 v19, v17;
	v17 =	vld [tilespmem:s31+$0x20]  }
0x882: {  	v19 =	vld [tilespmem:s0+$0x20]  }
0x883: {  	v35 =	vmul.f32 v35, v21;
	v21 =	vld [tilespmem:s31+$0x30]  }
0x884: {  	v38 =	vld [tilespmem:s0+$0x30]  }
0x885: {  	v39 =	vmul.f32 v22, v18;
	v18 =	vld [tilespmem:s31+$0x40]  }
0x886: {  	v22 =	vld [tilespmem:s0+$0x40]  }
0x887: {  	v40 =	vmul.f32 v19, v17;
	v19 =	vld [tilespmem:s31+$0x50]  }
0x888: {  	v41 =	vld [tilespmem:s0+$0x50]  }
0x889: {  	v17 =	vmul.f32 v38, v21;
	v21 =	vld [tilespmem:s31+$0x60]  }
0x88a: {  	v38 =	vld [tilespmem:s0+$0x60]  }
0x88b: {  	v18 =	vmul.f32 v22, v18;
	v22 =	vld [tilespmem:s31+$0x70]  }
0x88c: {  	v42 =	vld [tilespmem:s0+$0x70]  }
0x88d: {  	v43 =	vld [tilespmem:s31+$0xFFFFFF00];
	v19 =	vmul.f32 v41, v19  }
0x88e: {  	v41 =	vld [tilespmem:s11+$0xFFFFFF00]  }
0x88f: {  	v44 =	vld [tilespmem:s11+$0xFFFFFF10];
	v21 =	vmul.f32 v38, v21  }
0x890: {  	v38 =	vld [tilespmem:s11+$0xFFFFFF20]  }
0x891: {  	v45 =	vld [tilespmem:s11+$0xFFFFFF30];
	v22 =	vmul.f32 v42, v22  }
0x892: {  	v20 =	vmul.f32 v20, v43;
	v42 =	vld [tilespmem:s11+$0xFFFFFF40]  }
0x893: {  	v43 =	vld [tilespmem:s11+$0xFFFFFF50]  }
0x894: {  	v20 =	vmul.f32 v41, v20;
	v23 =	vmul.f32 v44, v23;
	v41 =	vld [tilespmem:s11+$0xFFFFFF60]  }
0x895: {  	v24 =	vmul.f32 v38, v24;
	v38 =	vld [tilespmem:s11+$0xFFFFFF70]  }
0x896: {  	v25 =	vmul.f32 v45, v25;
	v20 =	vadd.f32 v23, v20;
	v23 =	vld [tilespmem:s11+$0xFFFFFF80]  }
0x897: {  	v1 =	vmul.f32 v42, v1;
	v42 =	vld [tilespmem:s11+$0xFFFFFF90]  }
0x898: {  	v27 =	vmul.f32 v43, v27;
	v24 =	vadd.f32 v25, v24;
	v25 =	vld [tilespmem:s11+$0xFFFFFFA0]  }
0x899: {  	v28 =	vmul.f32 v41, v28;
	v41 =	vld [tilespmem:s11+$0xFFFFFFB0]  }
0x89a: {  	v26 =	vmul.f32 v38, v26;
	v20 =	vadd.f32 v24, v20;
	v1 =	vadd.f32 v27, v1;
	v24 =	vld [tilespmem:s11+$0xFFFFFFC0]  }
0x89b: {  	v23 =	vmul.f32 v23, v30;
	v27 =	vld [tilespmem:s11+$0xFFFFFFD0]  }
0x89c: {  	v26 =	vadd.f32 v26, v28;
	v28 =	vmul.f32 v42, v31;
	v30 =	vld [tilespmem:s11+$0xFFFFFFE0]  }
0x89d: {  	v25 =	vmul.f32 v25, v29;
	v29 =	vld [tilespmem:s11+$0xFFFFFFF0]  }
0x89e: {  	v1 =	vadd.f32 v26, v1;
	v26 =	vmul.f32 v41, v33;
	v28 =	vadd.f32 v28, v23;
	v31 =	vld [tilespmem:s11+$0x0]  }
0x89f: {  	v24 =	vmul.f32 v24, v34;
	v33 =	vld [tilespmem:s11+$0x10]  }
0x8a0: {  	v1 =	vadd.f32 v1, v20;
	v27 =	vmul.f32 v27, v32;
	v20 =	vadd.f32 v26, v25;
	v34 =	vld [tilespmem:s11+$0x20]  }
.Ltmp12:
0x8a1: {  	v30 =	vmul.f32 v30, v36;
	v23 =	vld [tilespmem:s11+$0x30];
	(pc) =	sbr.rel @p1 .LBB2_26-.Ltmp12, $4  }
0x8a2: {  	[tilespmem:s3+$0xFFFFFFDE] =	vst v1;
	v1 =	vmul.f32 v29, v37;
	v20 =	vadd.f32 v20, v28;
	v26 =	vadd.f32 v27, v24;
	v24 =	vld [tilespmem:s11+$0x40]  }
0x8a3: {  	v28 =	vmul.f32 v31, v35;
	v25 =	vld [tilespmem:s11+$0x50]  }
0x8a4: {  	v31 =	vadd.f32 v1, v30;
	v32 =	vmul.f32 v33, v39;
	v27 =	vld [tilespmem:s11+$0x60]  }
0x8a5: {  	v30 =	vmul.f32 v34, v40;
	v29 =	vld [tilespmem:s11+$0x70];
	s11 =	sadd.s32 $0x200, s11  }
0x8a6: {  	_ =	sdelay $0x1  }
0x8a7: {  	v1 =	vmul.f32 v23, v17  }
0x8a8: {  	v17 =	vmul.f32 v24, v18;
	v18 =	vmul.f32 v25, v19  }
0x8a9: {  	v19 =	vmul.f32 v27, v21;
	v62 =	vmul.f32 v29, v22  }
0x8aa: {  	v63 =	vadd.f32 v32, v28;
	v1 =	vadd.f32 v1, v30  }
0x8ab: {  	v17 =	vadd.f32 v18, v17;
	v18 =	vadd.f32 v62, v19  }
0x8ac: {  	v19 =	vadd.f32 v31, v26  }
0x8ad: {  	v1 =	vadd.f32 v1, v63;
	v17 =	vadd.f32 v18, v17  }
0x8ae: {  	v18 =	vadd.f32 v19, v20  }
0x8af: {  	v1 =	vadd.f32 v17, v1  }
0x8b0: {  	[tilespmem:s3+$0xFFFFFFEF] =	vst v18  }
0x8b1: {  	[tilespmem:s3+$0x0] =	vst v1  }
.LBB2_28:
0x8b2: {  	v1 =	vmov s20  }
0x8b3: {  	v1 =	vmul.u32 $0x11, v1;
	_ =	sdelay $0x1  }
0x8b4: {  	v1 =	vbroadcast v1, $0x0;
	_ =	sdelay $0x1  }
0x8b5: {  	v17 =	vadd.s32 v0, v1  }
0x8b6: {  	v18 =	vadd.s32 v2, v1  }
0x8b7: {  	v19 =	vadd.s32 v3, v1  }
0x8b8: {  	v20 =	vadd.s32 v4, v1  }
0x8b9: {  	v21 =	vadd.s32 v5, v1  }
0x8ba: {  	v22 =	vadd.s32 v6, v1;
	v17 =	vld.idx.msk [tilespmem:v17+s30+$0x0], $0xffff  }
0x8bb: {  	v23 =	vadd.s32 v7, v1;
	v18 =	vld.idx.msk [tilespmem:v18+s30+$0x0], $0xffff  }
0x8bc: {  	v24 =	vadd.s32 v8, v1;
	v19 =	vld.idx.msk [tilespmem:v19+s30+$0x0], $0xffff  }
0x8bd: {  	v25 =	vadd.s32 v9, v1;
	v20 =	vld.idx.msk [tilespmem:v20+s30+$0x0], $0xffff  }
0x8be: {  	v26 =	vadd.s32 v10, v1;
	v21 =	vld.idx.msk [tilespmem:v21+s30+$0x0], $0xffff  }
0x8bf: {  	s0 =	sor.u32 $0x10, s20;
	v27 =	vadd.s32 v11, v1;
	v22 =	vld.idx.msk [tilespmem:v22+s30+$0x0], $0xffff  }
0x8c0: {  	v29 =	vmov s0;
	v28 =	vadd.s32 v12, v1;
	v23 =	vld.idx.msk [tilespmem:v23+s30+$0x0], $0xffff  }
0x8c1: {  	v29 =	vmul.u32 $0x11, v29;
	v30 =	vadd.s32 v13, v1;
	v24 =	vld.idx.msk [tilespmem:v24+s30+$0x0], $0xffff  }
0x8c2: {  	v31 =	vadd.s32 v14, v1;
	v25 =	vld.idx.msk [tilespmem:v25+s30+$0x0], $0xffff  }
0x8c3: {  	v29 =	vbroadcast v29, $0x0;
	v32 =	vadd.s32 v15, v1;
	v26 =	vld.idx.msk [tilespmem:v26+s30+$0x0], $0xffff  }
0x8c4: {  	v1 =	vadd.s32 v16, v1;
	v27 =	vld.idx.msk [tilespmem:v27+s30+$0x0], $0xffff  }
0x8c5: {  	v33 =	vadd.s32 v0, v29;
	v28 =	vld.idx.msk [tilespmem:v28+s30+$0x0], $0xffff  }
0x8c6: {  	v34 =	vadd.s32 v2, v29;
	v30 =	vld.idx.msk [tilespmem:v30+s30+$0x0], $0xffff  }
0x8c7: {  	v35 =	vadd.s32 v3, v29;
	v31 =	vld.idx.msk [tilespmem:v31+s30+$0x0], $0xffff  }
0x8c8: {  	v36 =	vadd.s32 v4, v29;
	v32 =	vld.idx.msk [tilespmem:v32+s30+$0x0], $0xffff  }
0x8c9: {  	v37 =	vadd.s32 v5, v29;
	v1 =	vld.idx.msk [tilespmem:v1+s30+$0x0], $0xffff  }
0x8ca: {  	v38 =	vadd.s32 v6, v29;
	v33 =	vld.idx.msk [tilespmem:v33+s30+$0x0], $0xffff;
	v17 =	vadd.f32 $0.0e+00, v17;
	v18 =	vadd.f32 $0.0e+00, v18  }
0x8cb: {  	v46 =	vadd.s32 v7, v29;
	v45 =	vld.idx.msk [tilespmem:v34+s30+$0x0], $0xffff;
	v19 =	vadd.f32 $0.0e+00, v19;
	v20 =	vadd.f32 $0.0e+00, v20  }
0x8cc: {  	v52 =	vadd.s32 v10, v29;
	v47 =	vld.idx.msk [tilespmem:v35+s30+$0x0], $0xffff;
	v17 =	vadd.f32 v21, v17;
	v18 =	vadd.f32 v22, v18  }
0x8cd: {  	v57 =	vadd.s32 v13, v29;
	v49 =	vld.idx.msk [tilespmem:v36+s30+$0x0], $0xffff;
	v19 =	vadd.f32 v23, v19;
	v20 =	vadd.f32 v24, v20  }
0x8ce: {  	v48 =	vadd.s32 v8, v29;
	v51 =	vld.idx.msk [tilespmem:v37+s30+$0x0], $0xffff;
	v17 =	vadd.f32 v25, v17;
	v18 =	vadd.f32 v26, v18  }
0x8cf: {  	v56 =	vadd.s32 v12, v29;
	v53 =	vld.idx.msk [tilespmem:v38+s30+$0x0], $0xffff;
	v19 =	vadd.f32 v27, v19;
	v20 =	vadd.f32 v28, v20  }
0x8d0: {  	v50 =	vadd.s32 v9, v29;
	v55 =	vld.idx.msk [tilespmem:v46+s30+$0x0], $0xffff;
	v17 =	vadd.f32 v30, v17;
	v18 =	vadd.f32 v31, v18  }
0x8d1: {  	v54 =	vadd.s32 v11, v29;
	v58 =	vld.idx.msk [tilespmem:v52+s30+$0x0], $0xffff;
	v19 =	vadd.f32 v32, v19;
	v1 =	vadd.f32 v1, v20  }
0x8d2: {  	v59 =	vadd.s32 v15, v29;
	v60 =	vld.idx.msk [tilespmem:v57+s30+$0x0], $0xffff  }
0x8d3: {  	v24 =	vld.idx.msk [tilespmem:v48+s30+$0x0], $0xffff;
	v17 =	vadd.f32 v18, v17;
	v1 =	vadd.f32 v1, v19;
	v19 =	vadd.s32 v14, v29  }
0x8d4: {  	v22 =	vld.idx.msk [tilespmem:v56+s30+$0x0], $0xffff;
	v29 =	vadd.s32 v16, v29  }
0x8d5: {  	v18 =	vld.idx.msk [tilespmem:v50+s30+$0x0], $0xffff;
	v1 =	vadd.f32 v1, v17  }
0x8d6: {  	v61 =	vadd.f32 $0.0e+00, v33;
	v17 =	vld.idx.msk [tilespmem:v54+s30+$0x0], $0xffff  }
0x8d7: {  	v23 =	vadd.f32 $0.0e+00, v47;
	v28 =	vld.idx.msk [tilespmem:v59+s30+$0x0], $0xffff;
	v1 =	vsub.f32 $0.0e+00, v1  }
0x8d8: {  	v21 =	vadd.f32 $0.0e+00, v45;
	v25 =	vadd.f32 $0.0e+00, v49;
	v19 =	vld.idx.msk [tilespmem:v19+s30+$0x0], $0xffff  }
0x8d9: {  	v27 =	vadd.f32 v51, v61;
	v20 =	vadd.f32 v55, v23;
	v29 =	vld.idx.msk [tilespmem:v29+s30+$0x0], $0xffff;
	v1 =	vmul.f32 $1.442695020e+00, v1  }
0x8da: {  	v21 =	vadd.f32 v53, v21;
	v62 =	vadd.f32 v24, v25  }
0x8db: {  	v17 =	vadd.f32 v17, v20;
	(erf) = vpow2.f32 v1;
	v1 =	vadd.f32 v18, v27  }
0x8dc: {  	v63 =	vadd.f32 v22, v62;
	v18 =	vadd.f32 v58, v21  }
0x8dd: {  	v17 =	vadd.f32 v28, v17;
	v1 =	vadd.f32 v60, v1  }
0x8de: {  	v18 =	vadd.f32 v19, v18;
	v19 =	vadd.f32 v29, v63;
	_ =	sdelay $0x1  }
0x8df: {  	v1 =	vadd.f32 v18, v1;
	v17 =	vadd.f32 v19, v17;
	_ =	sdelay $0x1  }
0x8e0: {  	v1 =	vadd.f32 v17, v1;
	_ =	sdelay $0x1  }
0x8e1: {  	v1 =	vsub.f32 $0.0e+00, v1;
	v17 =	vpop (erf)  }
0x8e2: {  	v17 =	vadd.f32 $1.000000000e+00, v17  }
0x8e3: {  	v1 =	vmul.f32 $1.442695020e+00, v1  }
0x8e4: {  	(erf) = vrcp.f32 v17  }
0x8e5: {  	(erf) = vpow2.f32 v1;
	_ =	sdelay $0x7  }
0x8e6: {  	v1 =	vpop (erf)  }
0x8e7: {  	v17 =	vpop (erf)  }
0x8e8: {  	v17 =	vadd.f32 $1.000000000e+00, v17;
	_ =	sdelay $0x1  }
0x8e9: {  	(erf) = vrcp.f32 v17;
	_ =	sdelay $0x4  }
0x8ea: {  	p1 =	por p0, p0  }
.Ltmp13:
0x8eb: {  	_ = 	snop;
	(pc) =	sbr.rel @p1 .LBB2_28-.Ltmp13, $3  }
0x8ec: {  	_ =	sdelay $0x1  }
0x8ed: {  	[tilespmem:s20+$0x12C00] =	vst v1;
	v1 =	vpop (erf)  }
0x8ee: {  	p0 =	por $0x0, $0x0;
	[tilespmem:s20+$0x12C10] =	vst v1;
	s20 =	simm.s32 $0x20  }
0x8ef: {  	_ =	swait.ge [sflag:s18], $0x2000  }
0x8f0: {  	[sflag:s18] =	ssyncset.done $0x0  }
0x8f1: {  	[sflag:s18] =	ssyncadd.s32 $0xFFFFE000  }
0x8f2: {  	_ =	swait.ge [sflag:s18], $0x2000  }
0x8f3: {  	[sflag:s18] =	ssyncset.done $0x0  }
0x8f4: {  	[sflag:s18] =	ssyncadd.s32 $0xFFFFE000  }
0x8f5: {  	_ =	swait.ge [sflag:s18], $0x2000  }
0x8f6: {  	[sflag:s18] =	ssyncset.done $0x0  }
0x8f7: {  	s11 =	simm.s32 $0xA700;
	[sflag:s18] =	ssyncadd.s32 $0xFFFFE000  }
0x8f8: {  	v1 =	vld [tilespmem:s11+$0xA0];
	_ =	sdelay $0x3  }
0x8f9: {  	v22 =	vld [tilespmem:s11+$0x80]  }
0x8fa: {  	v23 =	vld [tilespmem:s11+$0x90];
	[tilespmem:$0x1F570] =	vst v1  }
0x8fb: {  	s31 =	simm.s32 $0x6700;
	v24 =	vld [tilespmem:s11+$0xB0]  }
0x8fc: {  	s0 =	simm.s32 $0x8700;
	v49 =	vld [tilespmem:s31+$0x80]  }
0x8fd: {  	v45 =	vld [tilespmem:s0+$0x80]  }
0x8fe: {  	v43 =	vld [tilespmem:s31+$0x90]  }
0x8ff: {  	v38 =	vld [tilespmem:s0+$0x90]  }
0x900: {  	v1 =	vld [tilespmem:s31+$0xA0]  }
0x901: {  	v40 =	vld [tilespmem:s0+$0xA0]  }
0x902: {  	v42 =	vld [tilespmem:s31+$0xB0]  }
0x903: {  	v27 =	vld [tilespmem:s0+$0xB0]  }
0x904: {  	v28 =	vld [tilespmem:s31+$0xC0]  }
0x905: {  	v29 =	vld [tilespmem:s0+$0xC0]  }
0x906: {  	v20 =	vld [tilespmem:s31+$0xD0]  }
0x907: {  	v17 =	vld [tilespmem:s11+$0xC0]  }
0x908: {  	v31 =	vld [tilespmem:s0+$0xD0]  }
0x909: {  	v32 =	vld [tilespmem:s31+$0xE0]  }
0x90a: {  	v33 =	vld [tilespmem:s0+$0xE0]  }
0x90b: {  	v34 =	vld [tilespmem:s31+$0xF0]  }
0x90c: {  	v35 =	vld [tilespmem:s0+$0xF0];
	[tilespmem:$0x1F580] =	vst v17  }
0x90d: {  	v17 =	vld [tilespmem:s11+$0xD0];
	_ =	sdelay $0x4  }
0x90e: {  	[tilespmem:$0x1F590] =	vst v17  }
0x90f: {  	v17 =	vld [tilespmem:s0+$0xFFFFFF00];
	_ =	sdelay $0x3  }
0x910: {  	v25 =	vld [tilespmem:s11+$0xE0]  }
0x911: {  	v26 =	vld [tilespmem:s11+$0xF0];
	[tilespmem:$0x1F660] =	vst v17  }
0x912: {  	v17 =	vld [tilespmem:s0+$0xFFFFFF10];
	_ =	sdelay $0x4  }
0x913: {  	v30 =	vld [tilespmem:s31+$0xFFFFFF10];
	[tilespmem:$0x1F5A0] =	vst v17  }
0x914: {  	v17 =	vld [tilespmem:s31+$0xFFFFFF20];
	_ =	sdelay $0x4  }
0x915: {  	[tilespmem:$0x1F5B0] =	vst v17  }
0x916: {  	v17 =	vld [tilespmem:s0+$0xFFFFFF20];
	_ =	sdelay $0x4  }
0x917: {  	[tilespmem:$0x1F5C0] =	vst v17  }
0x918: {  	v17 =	vld [tilespmem:s31+$0xFFFFFF30];
	_ =	sdelay $0x4  }
0x919: {  	[tilespmem:$0x1F5D0] =	vst v17  }
0x91a: {  	v17 =	vld [tilespmem:s0+$0xFFFFFF30];
	_ =	sdelay $0x4  }
0x91b: {  	[tilespmem:$0x1F5E0] =	vst v17  }
0x91c: {  	v17 =	vld [tilespmem:s31+$0xFFFFFF40];
	_ =	sdelay $0x4  }
0x91d: {  	[tilespmem:$0x1F5F0] =	vst v17  }
0x91e: {  	v17 =	vld [tilespmem:s0+$0xFFFFFF40];
	_ =	sdelay $0x4  }
0x91f: {  	[tilespmem:$0x1F600] =	vst v17  }
0x920: {  	v17 =	vld [tilespmem:s31+$0xFFFFFF50];
	_ =	sdelay $0x4  }
0x921: {  	[tilespmem:$0x1F610] =	vst v17  }
0x922: {  	v17 =	vld [tilespmem:s0+$0xFFFFFF50];
	_ =	sdelay $0x4  }
0x923: {  	[tilespmem:$0x1F620] =	vst v17  }
0x924: {  	v17 =	vld [tilespmem:s31+$0xFFFFFF60];
	_ =	sdelay $0x4  }
0x925: {  	[tilespmem:$0x1F630] =	vst v17  }
0x926: {  	v17 =	vld [tilespmem:s0+$0xFFFFFF60];
	_ =	sdelay $0x4  }
0x927: {  	[tilespmem:$0x1F640] =	vst v17  }
0x928: {  	v17 =	vld [tilespmem:s31+$0xFFFFFF70];
	_ =	sdelay $0x4  }
0x929: {  	[tilespmem:$0x1F650] =	vst v17  }
0x92a: {  	v54 =	vld [tilespmem:s0+$0xFFFFFF70]  }
0x92b: {  	v55 =	vld [tilespmem:s31+$0xFFFFFF80]  }
0x92c: {  	v56 =	vld [tilespmem:s0+$0xFFFFFF80]  }
0x92d: {  	v57 =	vld [tilespmem:s31+$0xFFFFFF90]  }
0x92e: {  	v58 =	vld [tilespmem:s0+$0xFFFFFF90]  }
0x92f: {  	v59 =	vld [tilespmem:s31+$0xFFFFFFA0]  }
0x930: {  	v60 =	vld [tilespmem:s0+$0xFFFFFFA0]  }
0x931: {  	v61 =	vld [tilespmem:s31+$0xFFFFFFB0]  }
0x932: {  	v62 =	vld [tilespmem:s0+$0xFFFFFFB0]  }
0x933: {  	v63 =	vld [tilespmem:s31+$0xFFFFFFC0]  }
0x934: {  	v36 =	vld [tilespmem:s0+$0xFFFFFFC0]  }
0x935: {  	v50 =	vld [tilespmem:s31+$0xFFFFFFD0]  }
0x936: {  	v46 =	vld [tilespmem:s0+$0xFFFFFFD0]  }
0x937: {  	v39 =	vld [tilespmem:s31+$0xFFFFFFE0]  }
0x938: {  	v17 =	vld [tilespmem:s0+$0xFFFFFFE0]  }
0x939: {  	v52 =	vld [tilespmem:s31+$0xFFFFFFF0]  }
0x93a: {  	v48 =	vld [tilespmem:s0+$0xFFFFFFF0]  }
0x93b: {  	v37 =	vld [tilespmem:s31+$0x0]  }
0x93c: {  	v18 =	vld [tilespmem:s0+$0x0]  }
0x93d: {  	v51 =	vld [tilespmem:s31+$0x10]  }
0x93e: {  	v21 =	vld [tilespmem:s31+$0x40]  }
0x93f: {  	v41 =	vld [tilespmem:s0+$0x10]  }
0x940: {  	v44 =	vld [tilespmem:s31+$0x20]  }
0x941: {  	v19 =	vld [tilespmem:s0+$0x20]  }
0x942: {  	v53 =	vld [tilespmem:s31+$0x30]  }
0x943: {  	v47 =	vld [tilespmem:s0+$0x30];
	[tilespmem:$0x1F670] =	vst v21  }
0x944: {  	v21 =	vld [tilespmem:s0+$0x40];
	_ =	sdelay $0x4  }
0x945: {  	[tilespmem:$0x1F680] =	vst v21  }
0x946: {  	v40 =	vmul.f32 v40, v1;
	v1 =	vld [tilespmem:s31+$0x60];
	_ =	sdelay $0x3  }
0x947: {  	v38 =	vmul.f32 v38, v43;
	v43 =	vld [tilespmem:s31+$0x50]  }
0x948: {  	v27 =	vmul.f32 v27, v42;
	v42 =	vld [tilespmem:s0+$0x50];
	[tilespmem:$0x1F690] =	vst v1  }
0x949: {  	v1 =	vld [tilespmem:s31+$0x70];
	_ =	sdelay $0x2  }
0x94a: {  	v28 =	vmul.f32 v29, v28  }
0x94b: {  	v29 =	vmul.f32 v31, v20;
	v31 =	vmul.f32 v33, v32;
	v33 =	vld [tilespmem:s0+$0x60]  }
0x94c: {  	[tilespmem:$0x1F6A0] =	vst v1;
	v1 =	vld [tilespmem:$0x1F570];
	_ =	sdelay $0x4  }
0x94d: {  	v40 =	vmul.f32 v1, v40;
	v1 =	vld [tilespmem:s0+$0x70];
	_ =	sdelay $0x4  }
0x94e: {  	[tilespmem:$0x1F6B0] =	vst v1;
	v1 =	vld [tilespmem:$0x1F580];
	_ =	sdelay $0x4  }
0x94f: {  	v28 =	vmul.f32 v1, v28;
	v1 =	vld [tilespmem:$0x1F590];
	_ =	sdelay $0x4  }
0x950: {  	v29 =	vmul.f32 v1, v29;
	v1 =	vld [tilespmem:$0x1F5A0];
	_ =	sdelay $0x2  }
0x951: {  	v45 =	vmul.f32 v45, v49  }
0x952: {  	v49 =	vmul.f32 v35, v34;
	v20 =	vld [tilespmem:$0x1F5C0]  }
0x953: {  	v34 =	vmul.f32 v22, v45;
	v22 =	vmul.f32 v1, v30;
	v1 =	vld [tilespmem:$0x1F5B0];
	_ =	sdelay $0x1  }
0x954: {  	v27 =	vmul.f32 v24, v27;
	v24 =	vld [tilespmem:$0x1F620]  }
0x955: {  	v35 =	vmul.f32 v23, v38;
	v38 =	vld [tilespmem:$0x1F650]  }
0x956: {  	v37 =	vmul.f32 v18, v37;
	v18 =	vld [tilespmem:$0x1F660]  }
0x957: {  	v31 =	vmul.f32 v25, v31;
	v25 =	vmul.f32 v20, v1;
	v1 =	vld [tilespmem:$0x1F5D0]  }
0x958: {  	v20 =	vld [tilespmem:$0x1F5E0]  }
0x959: {  	v45 =	vld [tilespmem:s31+$0xFFFFFF00]  }
0x95a: {  	v32 =	vmul.f32 v26, v49;
	v49 =	vld [tilespmem:s11+$0xFFFFFF00]  }
0x95b: {  	v21 =	vld [tilespmem:s11+$0xFFFFFF10]  }
0x95c: {  	v55 =	vmul.f32 v56, v55;
	v56 =	vld [tilespmem:s11+$0xFFFFFF40]  }
0x95d: {  	v23 =	vmul.f32 v20, v1;
	v1 =	vld [tilespmem:$0x1F5F0]  }
0x95e: {  	v20 =	vld [tilespmem:$0x1F600]  }
0x95f: {  	v57 =	vmul.f32 v58, v57;
	v58 =	vmul.f32 v60, v59;
	v59 =	vld [tilespmem:s11+$0xFFFFFF50]  }
0x960: {  	v60 =	vmul.f32 v62, v61;
	v61 =	vld [tilespmem:s11+$0xFFFFFF60]  }
0x961: {  	v62 =	vld [tilespmem:s11+$0xFFFFFF70]  }
0x962: {  	v36 =	vmul.f32 v36, v63;
	v63 =	vld [tilespmem:s11+$0xFFFFFF80]  }
0x963: {  	v26 =	vmul.f32 v20, v1;
	v1 =	vld [tilespmem:$0x1F610]  }
0x964: {  	v54 =	vmul.f32 v54, v38;
	v38 =	vld [tilespmem:s11+$0xFFFFFF90]  }
0x965: {  	v27 =	vadd.f32 v27, v40;
	v40 =	vmul.f32 v48, v52;
	v52 =	vld [tilespmem:s11+$0xFFFFFFB0]  }
0x966: {  	v39 =	vmul.f32 v17, v39;
	v17 =	vmul.f32 v47, v53;
	v53 =	vld [tilespmem:s11+$0xFFFFFFC0]  }
0x967: {  	v30 =	vld [tilespmem:$0x1F640]  }
0x968: {  	v24 =	vmul.f32 v24, v1;
	v1 =	vld [tilespmem:$0x1F630]  }
0x969: {  	v34 =	vadd.f32 v35, v34;
	v35 =	vmul.f32 v46, v50;
	v50 =	vmul.f32 v18, v45;
	v18 =	vld [tilespmem:$0x1F670]  }
0x96a: {  	v20 =	vld [tilespmem:s11+$0xFFFFFF20]  }
0x96b: {  	v27 =	vadd.f32 v27, v34;
	v34 =	vmul.f32 v52, v60;
	v60 =	vld [tilespmem:s11+$0x20]  }
0x96c: {  	v28 =	vadd.f32 v29, v28;
	v29 =	vmul.f32 v41, v51;
	v51 =	vld [tilespmem:s11+$0xFFFFFFA0]  }
0x96d: {  	v31 =	vadd.f32 v32, v31;
	v30 =	vmul.f32 v30, v1;
	v1 =	vld [tilespmem:s11+$0xFFFFFF30]  }
0x96e: {  	v41 =	vmul.f32 v19, v44;
	v19 =	vld [tilespmem:$0x1F680]  }
0x96f: {  	v28 =	vadd.f32 v31, v28;
	v31 =	vmul.f32 v49, v50;
	v20 =	vmul.f32 v20, v25;
	v25 =	vld [tilespmem:s11+$0xFFFFFFD0]  }
0x970: {  	v21 =	vmul.f32 v21, v22;
	v22 =	vmul.f32 v56, v26;
	v26 =	vld [tilespmem:s11+$0xFFFFFFE0]  }
0x971: {  	v27 =	vadd.f32 v28, v27;
	v56 =	vld [tilespmem:s11+$0x0];
	v28 =	vmul.f32 v61, v30;
	v30 =	vmul.f32 v62, v54  }
0x972: {  	v1 =	vmul.f32 v1, v23;
	v23 =	vmul.f32 v59, v24;
	v24 =	vadd.f32 v21, v31;
	v31 =	vld [tilespmem:s11+$0xFFFFFFF0]  }
0x973: {  	v18 =	vmul.f32 v19, v18;
	v19 =	vmul.f32 v42, v43;
	v21 =	vld [tilespmem:$0x1F690]  }
0x974: {  	v62 =	vmul.f32 v25, v35;
	v28 =	vadd.f32 v30, v28;
	v59 =	vld [tilespmem:s11+$0x10];
	v1 =	vadd.f32 v1, v20  }
0x975: {  	v61 =	vld [tilespmem:$0x1F6B0];
	v30 =	vmul.f32 v38, v57;
	v20 =	vadd.f32 v23, v22;
	v23 =	vmul.f32 v63, v55  }
0x976: {  	v22 =	vld [tilespmem:$0x1F6A0];
	v63 =	vmul.f32 v26, v39;
	v1 =	vadd.f32 v1, v24;
	v24 =	vmul.f32 v51, v58  }
0x977: {  	v20 =	vadd.f32 v28, v20;
	v28 =	vadd.f32 v30, v23;
	v23 =	vld [tilespmem:s11+$0x30];
	v30 =	vmul.f32 v53, v36  }
0x978: {  	v21 =	vmul.f32 v33, v21;
	v31 =	vmul.f32 v31, v40;
	v34 =	vadd.f32 v34, v24;
	v24 =	vld [tilespmem:s11+$0x40]  }
0x979: {  	s3 =	simm.s32 $0x12622;
	v25 =	vld [tilespmem:s11+$0x50];
	v32 =	vmul.f32 v59, v29;
	v1 =	vadd.f32 v20, v1;
	v26 =	vadd.f32 v62, v30  }
0x97a: {  	[tilespmem:s3+$0x11] =	vst v27;
	v27 =	vld [tilespmem:s11+$0x60];
	v31 =	vadd.f32 v31, v63;
	v20 =	vadd.f32 v34, v28;
	v28 =	vmul.f32 v56, v37  }
0x97b: {  	s10 =	simm.s32 $0x0;
	v29 =	vld [tilespmem:s11+$0x70];
	v30 =	vmul.f32 v60, v41;
	s11 =	simm.s32 $0xA900;
	v22 =	vmul.f32 v61, v22;
	[tilespmem:s3+$0xFFFFFFDE] =	vst v1  }
.LBB2_30:
0x97c: {  	v1 =	vld [tilespmem:s11+$0x80];
	v26 =	vadd.f32 v31, v26;
	v17 =	vmul.f32 v23, v17;
	v23 =	vadd.f32 v32, v28  }
0x97d: {  	v28 =	vld [tilespmem:s11+$0x90];
	v18 =	vmul.f32 v24, v18  }
0x97e: {  	v24 =	vld [tilespmem:s11+$0xA0];
	v20 =	vadd.f32 v26, v20;
	v19 =	vmul.f32 v25, v19;
	v17 =	vadd.f32 v17, v30  }
0x97f: {  	s31 =	sadd.s32 $0x200, s31;
	v25 =	vld [tilespmem:s11+$0xB0];
	v21 =	vmul.f32 v27, v21  }
0x980: {  	s0 =	sadd.s32 $0x200, s0;
	v26 =	vld [tilespmem:s31+$0x80];
	[tilespmem:s3+$0xFFFFFFEF] =	vst v20;
	v20 =	vmul.f32 v29, v22;
	v17 =	vadd.f32 v17, v23;
	v18 =	vadd.f32 v19, v18  }
0x981: {  	v19 =	vld [tilespmem:s0+$0x80]  }
0x982: {  	v22 =	vld [tilespmem:s31+$0x90];
	v20 =	vadd.f32 v20, v21  }
0x983: {  	v21 =	vld [tilespmem:s0+$0x90]  }
0x984: {  	v23 =	vld [tilespmem:s31+$0xA0];
	v18 =	vadd.f32 v20, v18  }
0x985: {  	v20 =	vld [tilespmem:s0+$0xA0]  }
0x986: {  	v27 =	vld [tilespmem:s31+$0xB0];
	v17 =	vadd.f32 v18, v17  }
0x987: {  	v18 =	vld [tilespmem:s0+$0xB0]  }
0x988: {  	v29 =	vld [tilespmem:s31+$0xC0];
	[tilespmem:s3+$0x0] =	vst v17  }
0x989: {  	v17 =	vld [tilespmem:s0+$0xC0]  }
0x98a: {  	v30 =	vld [tilespmem:s31+$0xD0]  }
0x98b: {  	v31 =	vld [tilespmem:s0+$0xD0]  }
0x98c: {  	v32 =	vld [tilespmem:s31+$0xE0]  }
0x98d: {  	v33 =	vld [tilespmem:s0+$0xE0]  }
0x98e: {  	v34 =	vld [tilespmem:s31+$0xF0]  }
0x98f: {  	v35 =	vld [tilespmem:s0+$0xF0]  }
0x990: {  	v36 =	vld [tilespmem:s11+$0xC0]  }
0x991: {  	s10 =	sadd.s32 $0x4, s10;
	v19 =	vmul.f32 v19, v26;
	v21 =	vmul.f32 v21, v22;
	v22 =	vld [tilespmem:s11+$0xD0]  }
0x992: {  	p1 =	slt.u32 s10, $0x3C;
	v23 =	vmul.f32 v20, v23;
	v18 =	vmul.f32 v18, v27;
	v26 =	vld [tilespmem:s11+$0xE0]  }
0x993: {  	v17 =	vmul.f32 v17, v29;
	v27 =	vmul.f32 v31, v30;
	v29 =	vld [tilespmem:s11+$0xF0]  }
0x994: {  	v30 =	vmul.f32 v33, v32;
	v20 =	vld [tilespmem:s0+$0xFFFFFF00];
	v31 =	vmul.f32 v35, v34  }
0x995: {  	v1 =	vmul.f32 v1, v19;
	v19 =	vmul.f32 v28, v21;
	v32 =	vld [tilespmem:s31+$0xFFFFFF10]  }
0x996: {  	v23 =	vmul.f32 v24, v23;
	v18 =	vmul.f32 v25, v18;
	v21 =	vld [tilespmem:s0+$0xFFFFFF10]  }
0x997: {  	v17 =	vmul.f32 v36, v17;
	v22 =	vmul.f32 v22, v27;
	v24 =	vld [tilespmem:s31+$0xFFFFFF20]  }
0x998: {  	v26 =	vmul.f32 v26, v30;
	v25 =	vld [tilespmem:s0+$0xFFFFFF20];
	v27 =	vmul.f32 v29, v31  }
0x999: {  	v1 =	vadd.f32 v19, v1;
	v18 =	vadd.f32 v18, v23;
	v28 =	vld [tilespmem:s31+$0xFFFFFF30]  }
0x99a: {  	v17 =	vadd.f32 v22, v17;
	v19 =	vld [tilespmem:s0+$0xFFFFFF30];
	v22 =	vadd.f32 v27, v26  }
0x99b: {  	v23 =	vmul.f32 v21, v32;
	v21 =	vld [tilespmem:s31+$0xFFFFFF40]  }
0x99c: {  	v1 =	vadd.f32 v18, v1;
	v26 =	vld [tilespmem:s0+$0xFFFFFF40];
	v17 =	vadd.f32 v22, v17  }
0x99d: {  	v24 =	vmul.f32 v25, v24;
	v18 =	vld [tilespmem:s31+$0xFFFFFF50]  }
0x99e: {  	v22 =	vld [tilespmem:s0+$0xFFFFFF50];
	v1 =	vadd.f32 v17, v1  }
0x99f: {  	s3 =	sadd.s32 $0x44, s3;
	v25 =	vmul.f32 v19, v28;
	v17 =	vld [tilespmem:s31+$0xFFFFFF60]  }
0x9a0: {  	s20 =	simm.s32 $0x0;
	p0 =	por $0x1, $0x1;
	v19 =	vld [tilespmem:s0+$0xFFFFFF60];
	[tilespmem:s3+$0x11] =	vst v1  }
0x9a1: {  	v1 =	vmul.f32 v26, v21;
	v21 =	vld [tilespmem:s31+$0xFFFFFF70]  }
0x9a2: {  	v26 =	vld [tilespmem:s0+$0xFFFFFF70]  }
0x9a3: {  	v27 =	vmul.f32 v22, v18;
	v18 =	vld [tilespmem:s31+$0xFFFFFF80]  }
0x9a4: {  	v22 =	vld [tilespmem:s0+$0xFFFFFF80]  }
0x9a5: {  	v28 =	vmul.f32 v19, v17;
	v17 =	vld [tilespmem:s31+$0xFFFFFF90]  }
0x9a6: {  	v19 =	vld [tilespmem:s0+$0xFFFFFF90]  }
0x9a7: {  	v26 =	vmul.f32 v26, v21;
	v21 =	vld [tilespmem:s31+$0xFFFFFFA0]  }
0x9a8: {  	v29 =	vld [tilespmem:s0+$0xFFFFFFA0]  }
0x9a9: {  	v30 =	vmul.f32 v22, v18;
	v18 =	vld [tilespmem:s31+$0xFFFFFFB0]  }
0x9aa: {  	v22 =	vld [tilespmem:s0+$0xFFFFFFB0]  }
0x9ab: {  	v31 =	vmul.f32 v19, v17;
	v17 =	vld [tilespmem:s31+$0xFFFFFFC0]  }
0x9ac: {  	v19 =	vld [tilespmem:s0+$0xFFFFFFC0]  }
0x9ad: {  	v29 =	vmul.f32 v29, v21;
	v21 =	vld [tilespmem:s31+$0xFFFFFFD0]  }
0x9ae: {  	v32 =	vld [tilespmem:s0+$0xFFFFFFD0]  }
0x9af: {  	v33 =	vmul.f32 v22, v18;
	v18 =	vld [tilespmem:s31+$0xFFFFFFE0]  }
0x9b0: {  	v22 =	vld [tilespmem:s0+$0xFFFFFFE0]  }
0x9b1: {  	v34 =	vmul.f32 v19, v17;
	v17 =	vld [tilespmem:s31+$0xFFFFFFF0]  }
0x9b2: {  	v19 =	vld [tilespmem:s0+$0xFFFFFFF0]  }
0x9b3: {  	v32 =	vmul.f32 v32, v21;
	v21 =	vld [tilespmem:s31+$0x0]  }
0x9b4: {  	v35 =	vld [tilespmem:s0+$0x0]  }
0x9b5: {  	v36 =	vmul.f32 v22, v18;
	v18 =	vld [tilespmem:s31+$0x10]  }
0x9b6: {  	v22 =	vld [tilespmem:s0+$0x10]  }
0x9b7: {  	v37 =	vmul.f32 v19, v17;
	v17 =	vld [tilespmem:s31+$0x20]  }
0x9b8: {  	v19 =	vld [tilespmem:s0+$0x20]  }
0x9b9: {  	v35 =	vmul.f32 v35, v21;
	v21 =	vld [tilespmem:s31+$0x30]  }
0x9ba: {  	v38 =	vld [tilespmem:s0+$0x30]  }
0x9bb: {  	v39 =	vmul.f32 v22, v18;
	v18 =	vld [tilespmem:s31+$0x40]  }
0x9bc: {  	v22 =	vld [tilespmem:s0+$0x40]  }
0x9bd: {  	v40 =	vmul.f32 v19, v17;
	v19 =	vld [tilespmem:s31+$0x50]  }
0x9be: {  	v41 =	vld [tilespmem:s0+$0x50]  }
0x9bf: {  	v17 =	vmul.f32 v38, v21;
	v21 =	vld [tilespmem:s31+$0x60]  }
0x9c0: {  	v38 =	vld [tilespmem:s0+$0x60]  }
0x9c1: {  	v18 =	vmul.f32 v22, v18;
	v22 =	vld [tilespmem:s31+$0x70]  }
0x9c2: {  	v42 =	vld [tilespmem:s0+$0x70]  }
0x9c3: {  	v43 =	vld [tilespmem:s31+$0xFFFFFF00];
	v19 =	vmul.f32 v41, v19  }
0x9c4: {  	v41 =	vld [tilespmem:s11+$0xFFFFFF00]  }
0x9c5: {  	v44 =	vld [tilespmem:s11+$0xFFFFFF10];
	v21 =	vmul.f32 v38, v21  }
0x9c6: {  	v38 =	vld [tilespmem:s11+$0xFFFFFF20]  }
0x9c7: {  	v45 =	vld [tilespmem:s11+$0xFFFFFF30];
	v22 =	vmul.f32 v42, v22  }
0x9c8: {  	v20 =	vmul.f32 v20, v43;
	v42 =	vld [tilespmem:s11+$0xFFFFFF40]  }
0x9c9: {  	v43 =	vld [tilespmem:s11+$0xFFFFFF50]  }
0x9ca: {  	v20 =	vmul.f32 v41, v20;
	v23 =	vmul.f32 v44, v23;
	v41 =	vld [tilespmem:s11+$0xFFFFFF60]  }
0x9cb: {  	v24 =	vmul.f32 v38, v24;
	v38 =	vld [tilespmem:s11+$0xFFFFFF70]  }
0x9cc: {  	v25 =	vmul.f32 v45, v25;
	v20 =	vadd.f32 v23, v20;
	v23 =	vld [tilespmem:s11+$0xFFFFFF80]  }
0x9cd: {  	v1 =	vmul.f32 v42, v1;
	v42 =	vld [tilespmem:s11+$0xFFFFFF90]  }
0x9ce: {  	v27 =	vmul.f32 v43, v27;
	v24 =	vadd.f32 v25, v24;
	v25 =	vld [tilespmem:s11+$0xFFFFFFA0]  }
0x9cf: {  	v28 =	vmul.f32 v41, v28;
	v41 =	vld [tilespmem:s11+$0xFFFFFFB0]  }
0x9d0: {  	v26 =	vmul.f32 v38, v26;
	v20 =	vadd.f32 v24, v20;
	v1 =	vadd.f32 v27, v1;
	v24 =	vld [tilespmem:s11+$0xFFFFFFC0]  }
0x9d1: {  	v23 =	vmul.f32 v23, v30;
	v27 =	vld [tilespmem:s11+$0xFFFFFFD0]  }
0x9d2: {  	v26 =	vadd.f32 v26, v28;
	v28 =	vmul.f32 v42, v31;
	v30 =	vld [tilespmem:s11+$0xFFFFFFE0]  }
0x9d3: {  	v25 =	vmul.f32 v25, v29;
	v29 =	vld [tilespmem:s11+$0xFFFFFFF0]  }
0x9d4: {  	v1 =	vadd.f32 v26, v1;
	v26 =	vmul.f32 v41, v33;
	v28 =	vadd.f32 v28, v23;
	v31 =	vld [tilespmem:s11+$0x0]  }
0x9d5: {  	v24 =	vmul.f32 v24, v34;
	v33 =	vld [tilespmem:s11+$0x10]  }
0x9d6: {  	v1 =	vadd.f32 v1, v20;
	v27 =	vmul.f32 v27, v32;
	v20 =	vadd.f32 v26, v25;
	v34 =	vld [tilespmem:s11+$0x20]  }
.Ltmp14:
0x9d7: {  	v30 =	vmul.f32 v30, v36;
	v23 =	vld [tilespmem:s11+$0x30];
	(pc) =	sbr.rel @p1 .LBB2_30-.Ltmp14, $4  }
0x9d8: {  	[tilespmem:s3+$0xFFFFFFDE] =	vst v1;
	v1 =	vmul.f32 v29, v37;
	v20 =	vadd.f32 v20, v28;
	v26 =	vadd.f32 v27, v24;
	v24 =	vld [tilespmem:s11+$0x40]  }
0x9d9: {  	v28 =	vmul.f32 v31, v35;
	v25 =	vld [tilespmem:s11+$0x50]  }
0x9da: {  	v31 =	vadd.f32 v1, v30;
	v32 =	vmul.f32 v33, v39;
	v27 =	vld [tilespmem:s11+$0x60]  }
0x9db: {  	v30 =	vmul.f32 v34, v40;
	v29 =	vld [tilespmem:s11+$0x70];
	s11 =	sadd.s32 $0x200, s11  }
0x9dc: {  	_ =	sdelay $0x1  }
0x9dd: {  	v1 =	vmul.f32 v23, v17  }
0x9de: {  	v17 =	vmul.f32 v24, v18;
	v18 =	vmul.f32 v25, v19  }
0x9df: {  	v19 =	vmul.f32 v27, v21;
	v62 =	vmul.f32 v29, v22  }
0x9e0: {  	v63 =	vadd.f32 v32, v28;
	v1 =	vadd.f32 v1, v30  }
0x9e1: {  	v17 =	vadd.f32 v18, v17;
	v18 =	vadd.f32 v62, v19  }
0x9e2: {  	v19 =	vadd.f32 v31, v26  }
0x9e3: {  	v1 =	vadd.f32 v1, v63;
	v17 =	vadd.f32 v18, v17  }
0x9e4: {  	v18 =	vadd.f32 v19, v20  }
0x9e5: {  	v1 =	vadd.f32 v17, v1  }
0x9e6: {  	[tilespmem:s3+$0xFFFFFFEF] =	vst v18  }
0x9e7: {  	[tilespmem:s3+$0x0] =	vst v1  }
.LBB2_32:
0x9e8: {  	v1 =	vmov s20  }
0x9e9: {  	v1 =	vmul.u32 $0x11, v1;
	_ =	sdelay $0x1  }
0x9ea: {  	v1 =	vbroadcast v1, $0x0;
	_ =	sdelay $0x1  }
0x9eb: {  	v17 =	vadd.s32 v0, v1  }
0x9ec: {  	v18 =	vadd.s32 v2, v1  }
0x9ed: {  	v19 =	vadd.s32 v3, v1  }
0x9ee: {  	v20 =	vadd.s32 v4, v1  }
0x9ef: {  	v21 =	vadd.s32 v5, v1  }
0x9f0: {  	v22 =	vadd.s32 v6, v1;
	v17 =	vld.idx.msk [tilespmem:v17+s30+$0x0], $0xffff  }
0x9f1: {  	v23 =	vadd.s32 v7, v1;
	v18 =	vld.idx.msk [tilespmem:v18+s30+$0x0], $0xffff  }
0x9f2: {  	v24 =	vadd.s32 v8, v1;
	v19 =	vld.idx.msk [tilespmem:v19+s30+$0x0], $0xffff  }
0x9f3: {  	v25 =	vadd.s32 v9, v1;
	v20 =	vld.idx.msk [tilespmem:v20+s30+$0x0], $0xffff  }
0x9f4: {  	v26 =	vadd.s32 v10, v1;
	v21 =	vld.idx.msk [tilespmem:v21+s30+$0x0], $0xffff  }
0x9f5: {  	s0 =	sor.u32 $0x10, s20;
	v27 =	vadd.s32 v11, v1;
	v22 =	vld.idx.msk [tilespmem:v22+s30+$0x0], $0xffff  }
0x9f6: {  	v29 =	vmov s0;
	v28 =	vadd.s32 v12, v1;
	v23 =	vld.idx.msk [tilespmem:v23+s30+$0x0], $0xffff  }
0x9f7: {  	v29 =	vmul.u32 $0x11, v29;
	v30 =	vadd.s32 v13, v1;
	v24 =	vld.idx.msk [tilespmem:v24+s30+$0x0], $0xffff  }
0x9f8: {  	v31 =	vadd.s32 v14, v1;
	v25 =	vld.idx.msk [tilespmem:v25+s30+$0x0], $0xffff  }
0x9f9: {  	v29 =	vbroadcast v29, $0x0;
	v32 =	vadd.s32 v15, v1;
	v26 =	vld.idx.msk [tilespmem:v26+s30+$0x0], $0xffff  }
0x9fa: {  	v1 =	vadd.s32 v16, v1;
	v27 =	vld.idx.msk [tilespmem:v27+s30+$0x0], $0xffff  }
0x9fb: {  	v33 =	vadd.s32 v0, v29;
	v28 =	vld.idx.msk [tilespmem:v28+s30+$0x0], $0xffff  }
0x9fc: {  	v34 =	vadd.s32 v2, v29;
	v30 =	vld.idx.msk [tilespmem:v30+s30+$0x0], $0xffff  }
0x9fd: {  	v35 =	vadd.s32 v3, v29;
	v31 =	vld.idx.msk [tilespmem:v31+s30+$0x0], $0xffff  }
0x9fe: {  	v36 =	vadd.s32 v4, v29;
	v32 =	vld.idx.msk [tilespmem:v32+s30+$0x0], $0xffff  }
0x9ff: {  	v37 =	vadd.s32 v5, v29;
	v1 =	vld.idx.msk [tilespmem:v1+s30+$0x0], $0xffff  }
0xa00: {  	v38 =	vadd.s32 v6, v29;
	v33 =	vld.idx.msk [tilespmem:v33+s30+$0x0], $0xffff;
	v17 =	vadd.f32 $0.0e+00, v17;
	v18 =	vadd.f32 $0.0e+00, v18  }
0xa01: {  	v46 =	vadd.s32 v7, v29;
	v45 =	vld.idx.msk [tilespmem:v34+s30+$0x0], $0xffff;
	v19 =	vadd.f32 $0.0e+00, v19;
	v20 =	vadd.f32 $0.0e+00, v20  }
0xa02: {  	v52 =	vadd.s32 v10, v29;
	v47 =	vld.idx.msk [tilespmem:v35+s30+$0x0], $0xffff;
	v17 =	vadd.f32 v21, v17;
	v18 =	vadd.f32 v22, v18  }
0xa03: {  	v57 =	vadd.s32 v13, v29;
	v49 =	vld.idx.msk [tilespmem:v36+s30+$0x0], $0xffff;
	v19 =	vadd.f32 v23, v19;
	v20 =	vadd.f32 v24, v20  }
0xa04: {  	v48 =	vadd.s32 v8, v29;
	v51 =	vld.idx.msk [tilespmem:v37+s30+$0x0], $0xffff;
	v17 =	vadd.f32 v25, v17;
	v18 =	vadd.f32 v26, v18  }
0xa05: {  	v56 =	vadd.s32 v12, v29;
	v53 =	vld.idx.msk [tilespmem:v38+s30+$0x0], $0xffff;
	v19 =	vadd.f32 v27, v19;
	v20 =	vadd.f32 v28, v20  }
0xa06: {  	v50 =	vadd.s32 v9, v29;
	v55 =	vld.idx.msk [tilespmem:v46+s30+$0x0], $0xffff;
	v17 =	vadd.f32 v30, v17;
	v18 =	vadd.f32 v31, v18  }
0xa07: {  	v54 =	vadd.s32 v11, v29;
	v58 =	vld.idx.msk [tilespmem:v52+s30+$0x0], $0xffff;
	v19 =	vadd.f32 v32, v19;
	v1 =	vadd.f32 v1, v20  }
0xa08: {  	v59 =	vadd.s32 v15, v29;
	v60 =	vld.idx.msk [tilespmem:v57+s30+$0x0], $0xffff  }
0xa09: {  	v24 =	vld.idx.msk [tilespmem:v48+s30+$0x0], $0xffff;
	v17 =	vadd.f32 v18, v17;
	v1 =	vadd.f32 v1, v19;
	v19 =	vadd.s32 v14, v29  }
0xa0a: {  	v22 =	vld.idx.msk [tilespmem:v56+s30+$0x0], $0xffff;
	v29 =	vadd.s32 v16, v29  }
0xa0b: {  	v18 =	vld.idx.msk [tilespmem:v50+s30+$0x0], $0xffff;
	v1 =	vadd.f32 v1, v17  }
0xa0c: {  	v61 =	vadd.f32 $0.0e+00, v33;
	v17 =	vld.idx.msk [tilespmem:v54+s30+$0x0], $0xffff  }
0xa0d: {  	v23 =	vadd.f32 $0.0e+00, v47;
	v28 =	vld.idx.msk [tilespmem:v59+s30+$0x0], $0xffff;
	v1 =	vsub.f32 $0.0e+00, v1  }
0xa0e: {  	v21 =	vadd.f32 $0.0e+00, v45;
	v25 =	vadd.f32 $0.0e+00, v49;
	v19 =	vld.idx.msk [tilespmem:v19+s30+$0x0], $0xffff  }
0xa0f: {  	v27 =	vadd.f32 v51, v61;
	v20 =	vadd.f32 v55, v23;
	v29 =	vld.idx.msk [tilespmem:v29+s30+$0x0], $0xffff;
	v1 =	vmul.f32 $1.442695020e+00, v1  }
0xa10: {  	v21 =	vadd.f32 v53, v21;
	v62 =	vadd.f32 v24, v25  }
0xa11: {  	v17 =	vadd.f32 v17, v20;
	(erf) = vpow2.f32 v1;
	v1 =	vadd.f32 v18, v27  }
0xa12: {  	v63 =	vadd.f32 v22, v62;
	v18 =	vadd.f32 v58, v21  }
0xa13: {  	v17 =	vadd.f32 v28, v17;
	v1 =	vadd.f32 v60, v1  }
0xa14: {  	v18 =	vadd.f32 v19, v18;
	v19 =	vadd.f32 v29, v63;
	_ =	sdelay $0x1  }
0xa15: {  	v1 =	vadd.f32 v18, v1;
	v17 =	vadd.f32 v19, v17;
	_ =	sdelay $0x1  }
0xa16: {  	v1 =	vadd.f32 v17, v1;
	_ =	sdelay $0x1  }
0xa17: {  	v1 =	vsub.f32 $0.0e+00, v1;
	v17 =	vpop (erf)  }
0xa18: {  	v17 =	vadd.f32 $1.000000000e+00, v17  }
0xa19: {  	v1 =	vmul.f32 $1.442695020e+00, v1  }
0xa1a: {  	(erf) = vrcp.f32 v17  }
0xa1b: {  	(erf) = vpow2.f32 v1;
	_ =	sdelay $0x7  }
0xa1c: {  	v1 =	vpop (erf)  }
0xa1d: {  	v17 =	vpop (erf)  }
0xa1e: {  	v17 =	vadd.f32 $1.000000000e+00, v17;
	_ =	sdelay $0x1  }
0xa1f: {  	(erf) = vrcp.f32 v17;
	_ =	sdelay $0x4  }
0xa20: {  	p1 =	por p0, p0  }
.Ltmp15:
0xa21: {  	_ = 	snop;
	(pc) =	sbr.rel @p1 .LBB2_32-.Ltmp15, $3  }
0xa22: {  	_ =	sdelay $0x1  }
0xa23: {  	[tilespmem:s20+$0x12C40] =	vst v1;
	v1 =	vpop (erf)  }
0xa24: {  	p0 =	por $0x0, $0x0;
	[tilespmem:s20+$0x12C50] =	vst v1;
	s20 =	simm.s32 $0x20  }
0xa25: {  	s24 =	sadd.s32 $0x1, s24  }
0xa26: {  	p0 =	sne.s32 s24, s9  }
.Ltmp16:
0xa27: {  	s0 =	simm.s32 $0x12A80;
	(pc) =	sbr.rel @p0 .LBB2_1-.Ltmp16, $4  }
0xa28: {  	[hbm4b:s8+s2] =	stream.linear.scatter [tilespmem:s0], [sflag:$0x5], $0x200, $0x38;
	[tilespmem:$0x12C80] =	vst v63  }
0xa29: {  	_ =	swait.ge [sflag:s22], $0x200  }
0xa2a: {  	[sflag:s22] =	ssyncset.done $0x0  }
0xa2b: {  	[sflag:s22] =	ssyncadd.s32 $0xFFFFFE00  }
0xa2c: {  	_ =	sfence.sel $0x180000  }
0xa2d: {  	[bflag:$0x0] =	sbarrier.arrive $0xFFFF  }
0xa2e: {  	_ =	strace $0x90000047  }
0xa2f: {  	s0 =	stileid.u32;
	[bflag:$0x2] =	sbarrier.arrive $0xFFFF  }
0xa30: {  	p0 =	sne.s32 s0, $0x0;
	s0 =	rddreg [dreg:$0x6]  }
0xa31: {  	s0 =	sadd.s32 @!p0 $0x100000, s0  }
0xa32: {  	[sflag:s0] =	ssyncadd.tile.s32 @!p0 $0x1;
	_ =	shalt  }
.Lfunc_end2:
_tile_overlayer_lowered:
.L_overlay_start_2:
0xa33: {  	(tag) =	ssettag $0x2  }
0xa34: {  	s0 =	rddreg [dreg:$0x0];
	s2 =	stileid.u32  }
0xa35: {  	s1 =	rddreg [dreg:$0x1];
	p0 =	sne.s32 s2, $0x0  }
0xa36: {  	s3 =	rddreg [dreg:$0x2];
	[bflag:$0x3] =	sbarrier.arrive $0xFFFF;
	s2 =	simm.s32 @!p0 $0x1C05  }
0xa37: {  	[timem:s3], [sflag:s2] =	dma.local @!p0 [hbm:s0], s1  }
0xa38: {  	s0 =	simm.s32 @!p0 $0x5  }
0xa39: {  	_ =	swait.ge @!p0 [sflag:s0], s1  }
0xa3a: {  	s1 =	ssub.s32 @!p0 $0x0, s1;
	[sflag:s0] =	ssyncset.done @!p0 $0x0  }
0xa3b: {  	[sflag:s0] =	ssyncadd.s32 @!p0 s1  }
0xa3c: {  	[bflag:$0x3] =	sbarrier.arrive $0xFFFF  }
0xa3d: {  	_ =	shalt  }

</sc_bundles>
